<compile_context>
chip_gen: v7x
topology: tpu7x:2x2x1
jax: 0.10.2.dev20260603
libtpu: 0.0.44.dev20260713+nightly
codegen_flags: <defaults>
</compile_context>

<pallas_src>
import functools

import jax
import jax.numpy as jnp
from jax import lax
from jax.experimental import pallas as pl
from jax.experimental.pallas import tpu as pltpu
from jax.experimental.pallas import tpu_sc as plsc

N = 10000
E = 160000
C = 256
H = 128
NC = 2
NS = 16
CHUNK = 128
ROWS_PER_TILE = 80
NROWS = NS * ROWS_PER_TILE
E_PAD = NROWS * CHUNK
IB = 16
NB = ROWS_PER_TILE // IB
ACC_ROWS = N + 8
SLAB = 624
TAIL_OFF = SLAB * NS
TAIL = N - TAIL_OFF

def _sc_agg_body(do_gather, hp_hbm, src_hbm, dst_hbm, out_hbm,
                 src_i, dst_i, rows_a, rows_b, acc_sh,
                 sem_ga, sem_gb, sem_si, sem_di):
    c = lax.axis_index("c")
    s = lax.axis_index("s")
    pltpu.sync_copy(hp_hbm.at[pl.ds(c * N + s * SLAB, SLAB)],
                    acc_sh.at[pl.ds(s * SLAB, SLAB)])

    @pl.when(s == 0)
    def _():
        pltpu.sync_copy(hp_hbm.at[pl.ds(c * N + TAIL_OFF, TAIL)],
                        acc_sh.at[pl.ds(TAIL_OFF, TAIL)])

    base = s * ROWS_PER_TILE
    if do_gather:
        pltpu.sync_copy(src_hbm.at[c, pl.ds(base, IB)], src_i.at[0])
    pltpu.sync_copy(dst_hbm.at[pl.ds(base, IB)], dst_i.at[0])
    if not do_gather:
        pltpu.sync_copy(hp_hbm.at[pl.ds(0, CHUNK)], rows_a)
        pltpu.sync_copy(hp_hbm.at[pl.ds(0, CHUNK)], rows_b)
    plsc.subcore_barrier()

    if do_gather:
        pltpu.async_copy(hp_hbm.at[src_i.at[0, 0]], rows_a, sem_ga)

    def block(b, _):
        bb = b % 2

        @pl.when(b < NB - 1)
        def _():
            if do_gather:
                pltpu.async_copy(src_hbm.at[c, pl.ds(base + (b + 1) * IB, IB)],
                                 src_i.at[1 - bb], sem_si)
            pltpu.async_copy(dst_hbm.at[pl.ds(base + (b + 1) * IB, IB)],
                             dst_i.at[1 - bb], sem_di)

        def pair(i2, _):
            ia = 2 * i2
            if do_gather:
                pltpu.async_copy(hp_hbm.at[src_i.at[bb, ia + 1]], rows_b, sem_gb)
                pltpu.make_async_copy(hp_hbm.at[src_i.at[bb, ia]], rows_a,
                                      sem_ga).wait()
            pltpu.sync_copy(rows_a, acc_sh.at[dst_i.at[bb, ia]], add=True)
            ib_ = ia + 1
            if do_gather:
                @pl.when(i2 < IB // 2 - 1)
                def _():
                    pltpu.async_copy(hp_hbm.at[src_i.at[bb, ib_ + 1]], rows_a,
                                     sem_ga)

                @pl.when(jnp.logical_and(i2 == IB // 2 - 1, b < NB - 1))
                def _():
                    pltpu.make_async_copy(
                        src_hbm.at[c, pl.ds(base + (b + 1) * IB, IB)],
                        src_i.at[1 - bb], sem_si).wait()
                    pltpu.make_async_copy(
                        dst_hbm.at[pl.ds(base + (b + 1) * IB, IB)],
                        dst_i.at[1 - bb], sem_di).wait()
                    pltpu.async_copy(hp_hbm.at[src_i.at[1 - bb, 0]], rows_a,
                                     sem_ga)

                pltpu.make_async_copy(hp_hbm.at[src_i.at[bb, ib_]], rows_b,
                                      sem_gb).wait()
            pltpu.sync_copy(rows_b, acc_sh.at[dst_i.at[bb, ib_]], add=True)
            return 0

        lax.fori_loop(0, IB // 2, pair, 0)
        if not do_gather:
            @pl.when(b < NB - 1)
            def _():
                pltpu.make_async_copy(dst_hbm.at[pl.ds(base + (b + 1) * IB, IB)],
                                      dst_i.at[1 - bb], sem_di).wait()
        return 0

    lax.fori_loop(0, NB, block, 0)
    plsc.subcore_barrier()
    pltpu.sync_copy(acc_sh.at[pl.ds(s * SLAB, SLAB)],
                    out_hbm.at[pl.ds(c * N + s * SLAB, SLAB)])

    @pl.when(s == 0)
    def _():
        pltpu.sync_copy(acc_sh.at[pl.ds(TAIL_OFF, TAIL)],
                        out_hbm.at[pl.ds(c * N + TAIL_OFF, TAIL)])


@functools.lru_cache(maxsize=None)
def _sc_kernels():
    mesh = plsc.VectorSubcoreMesh(core_axis_name="c", subcore_axis_name="s",
                                  num_cores=NC, num_subcores=NS)
    scratch = [
        pltpu.VMEM((2, IB, CHUNK), jnp.int32),
        pltpu.VMEM((2, IB, CHUNK), jnp.int32),
        pltpu.VMEM((CHUNK, H), jnp.float32),
        pltpu.VMEM((CHUNK, H), jnp.float32),
        pltpu.VMEM_SHARED((ACC_ROWS, H), jnp.float32),
        pltpu.SemaphoreType.DMA,
        pltpu.SemaphoreType.DMA,
        pltpu.SemaphoreType.DMA,
        pltpu.SemaphoreType.DMA,
    ]
    out_type = jax.ShapeDtypeStruct((NC * N, H), jnp.float32)
    sc_agg = pl.kernel(
        functools.partial(_sc_agg_body, True),
        out_type=out_type, mesh=mesh, scratch_types=scratch,
    )
    sc_deg = pl.kernel(
        functools.partial(_sc_agg_body, False),
        out_type=out_type, mesh=mesh, scratch_types=scratch,
    )
    return sc_agg, sc_deg


_HIGH = lax.Precision.HIGHEST
RB = 1000
GRID = N // RB


def _tc_h1_body(x_ref, w_ref, deg_ref, out_ref):
    dinv = lax.rsqrt(deg_ref[...])
    h = jnp.dot(x_ref[...], w_ref[...], precision=_HIGH) * dinv
    out_ref[0] = h[:, :H]
    out_ref[1] = h[:, H:]


def _tc_h1(x, w, deg):
    return pl.pallas_call(
        _tc_h1_body,
        grid=(GRID,),
        in_specs=[
            pl.BlockSpec((RB, C), lambda i: (i, 0)),
            pl.BlockSpec((C, C), lambda i: (0, 0)),
            pl.BlockSpec((RB, 1), lambda i: (i, 0)),
        ],
        out_specs=pl.BlockSpec((NC, RB, H), lambda i: (0, i, 0)),
        out_shape=jax.ShapeDtypeStruct((NC, N, H), jnp.float32),
    )(x, w, deg)


def _tc_stats_body(acc_ref, deg_ref, b_ref, out_ref):
    dinv = lax.rsqrt(deg_ref[...])
    conv = (jnp.concatenate([acc_ref[0], acc_ref[1]], axis=1)
            * dinv + b_ref[...])
    s1 = jnp.sum(conv, axis=0, keepdims=True)
    s2 = jnp.sum(conv * conv, axis=0, keepdims=True)
    out_ref[...] = jnp.concatenate(
        [s1, s2, jnp.zeros((6, C), jnp.float32)], axis=0)


def _tc_stats(acc, deg, b):
    return pl.pallas_call(
        _tc_stats_body,
        out_shape=jax.ShapeDtypeStruct((8, C), jnp.float32),
    )(acc, deg, b)


def _tc_apply_body(acc_ref, deg_ref, b_ref, st_ref, g_ref, be_ref, w_ref,
                   y_ref, hp_ref, *, res_ref=None):
    dinv = lax.rsqrt(deg_ref[...])
    conv = (jnp.concatenate([acc_ref[0], acc_ref[1]], axis=1)
            * dinv + b_ref[...])
    mu = st_ref[0:1] * (1.0 / N)
    var = st_ref[1:2] * (1.0 / N) - mu * mu
    t = g_ref[...] * (conv - mu) * lax.rsqrt(var + 1e-5) + be_ref[...]
    if res_ref is not None:
        t = t + res_ref[...]
    y = jnp.maximum(t, 0.0)
    y_ref[...] = y
    h = jnp.dot(y, w_ref[...], precision=_HIGH) * dinv
    hp_ref[0] = h[:, :H]
    hp_ref[1] = h[:, H:]


def _tc_apply(acc, deg, b, st, g, be, w, res=None):
    in_specs = [
        pl.BlockSpec((NC, RB, H), lambda i: (0, i, 0)),
        pl.BlockSpec((RB, 1), lambda i: (i, 0)),
        pl.BlockSpec((1, C), lambda i: (0, 0)),
        pl.BlockSpec((8, C), lambda i: (0, 0)),
        pl.BlockSpec((1, C), lambda i: (0, 0)),
        pl.BlockSpec((1, C), lambda i: (0, 0)),
        pl.BlockSpec((C, C), lambda i: (0, 0)),
    ]
    args = [acc, deg, b, st, g, be, w]
    if res is None:
        body = functools.partial(_tc_apply_body)
    else:
        in_specs.append(pl.BlockSpec((RB, C), lambda i: (i, 0)))
        args.append(res)

        def body(a, d, bb, s, gg, bee, ww, r, y_ref, hp_ref):
            _tc_apply_body(a, d, bb, s, gg, bee, ww, y_ref, hp_ref, res_ref=r)

    return pl.pallas_call(
        body,
        grid=(GRID,),
        in_specs=in_specs,
        out_specs=[
            pl.BlockSpec((RB, C), lambda i: (i, 0)),
            pl.BlockSpec((NC, RB, H), lambda i: (0, i, 0)),
        ],
        out_shape=[
            jax.ShapeDtypeStruct((N, C), jnp.float32),
            jax.ShapeDtypeStruct((NC, N, H), jnp.float32),
        ],
    )(*args)


def _tc_final_body(acc_ref, deg_ref, b_ref, out_ref):
    dinv = lax.rsqrt(deg_ref[...])
    out_ref[...] = (jnp.concatenate([acc_ref[0], acc_ref[1]], axis=1)
                    * dinv + b_ref[...])


def _tc_final(acc, deg, b):
    return pl.pallas_call(
        _tc_final_body,
        grid=(GRID,),
        in_specs=[
            pl.BlockSpec((NC, RB, H), lambda i: (0, i, 0)),
            pl.BlockSpec((RB, 1), lambda i: (i, 0)),
            pl.BlockSpec((1, C), lambda i: (0, 0)),
        ],
        out_specs=pl.BlockSpec((RB, C), lambda i: (i, 0)),
        out_shape=jax.ShapeDtypeStruct((N, C), jnp.float32),
    )(acc, deg, b)


def kernel(x, edge_index, W1, b1, g1, be1, W2, b2, g2, be2, W3, b3, g3, be3,
           W4, b4):
    ei = edge_index.astype(jnp.int32)
    src, dst = ei[0], ei[1]
    pad = E_PAD - E
    src_p = jnp.concatenate([src, jnp.zeros((pad,), jnp.int32)]).reshape(NROWS, CHUNK)
    src2 = jnp.stack([src_p, src_p + N])
    dst_p = jnp.concatenate([dst, jnp.full((pad,), N, jnp.int32)]).reshape(NROWS, CHUNK)

    _sc_agg, _sc_deg = _sc_kernels()
    ones_flat = jnp.ones((NC * N, H), jnp.float32)
    deg = lax.slice(_sc_deg(ones_flat, src2, dst_p), (0, 0), (N, 1))

    b1r, b2r, b3r, b4r = (b.reshape(1, C) for b in (b1, b2, b3, b4))
    g1r, g2r, g3r = (g.reshape(1, C) for g in (g1, g2, g3))
    be1r, be2r, be3r = (b.reshape(1, C) for b in (be1, be2, be3))

    hp1 = _tc_h1(x, W1, deg)
    acc1 = _sc_agg(hp1.reshape(NC * N, H), src2, dst_p).reshape(NC, N, H)
    st1 = _tc_stats(acc1, deg, b1r)
    y1, hp2 = _tc_apply(acc1, deg, b1r, st1, g1r, be1r, W2)

    acc2 = _sc_agg(hp2.reshape(NC * N, H), src2, dst_p).reshape(NC, N, H)
    st2 = _tc_stats(acc2, deg, b2r)
    y2, hp3 = _tc_apply(acc2, deg, b2r, st2, g2r, be2r, W3, res=y1)

    acc3 = _sc_agg(hp3.reshape(NC * N, H), src2, dst_p).reshape(NC, N, H)
    st3 = _tc_stats(acc3, deg, b3r)
    _, hp4 = _tc_apply(acc3, deg, b3r, st3, g3r, be3r, W4, res=y2)

    acc4 = _sc_agg(hp4.reshape(NC * N, H), src2, dst_p).reshape(NC, N, H)
    return _tc_final(acc4, deg, b4r)

# --- scband reference (transcript-rebuilt; emitter-appended) ---
"""Pipeline reference for scband-gcn-18202071400538 (READ-ONLY COPY).

The authoritative reference and input builder live on the scoring server;
editing this copy changes nothing except your own understanding.
"""

import jax, jax.numpy as jnp
import numpy as np

N_NODES = 10000
N_EDGES = 160000
IN_CH = 256
HID_CH = 256
OUT_CH = 256


def setup_inputs(seed: int = 0) -> dict:
    key = jax.random.key(seed)
    ks = jax.random.split(key, 20)
    x = jax.random.normal(ks[0], (N_NODES, IN_CH), dtype=jnp.float32)
    edge_index = jax.random.randint(ks[1], (2, N_EDGES), 0, N_NODES, dtype=jnp.int64)

    def glorot(k, fan_in, fan_out):
        lim = (6.0 / (fan_in + fan_out)) ** 0.5
        return jax.random.uniform(k, (fan_in, fan_out), dtype=jnp.float32, minval=-lim, maxval=lim)

    W1 = glorot(ks[2], IN_CH, HID_CH); b1 = jnp.zeros((HID_CH,), jnp.float32)
    g1 = jnp.ones((HID_CH,), jnp.float32); be1 = jnp.zeros((HID_CH,), jnp.float32)
    W2 = glorot(ks[3], HID_CH, HID_CH); b2 = jnp.zeros((HID_CH,), jnp.float32)
    g2 = jnp.ones((HID_CH,), jnp.float32); be2 = jnp.zeros((HID_CH,), jnp.float32)
    W3 = glorot(ks[4], HID_CH, HID_CH); b3 = jnp.zeros((HID_CH,), jnp.float32)
    g3 = jnp.ones((HID_CH,), jnp.float32); be3 = jnp.zeros((HID_CH,), jnp.float32)
    W4 = glorot(ks[5], HID_CH, OUT_CH); b4 = jnp.zeros((OUT_CH,), jnp.float32)
    return {"x": x, "edge_index": edge_index,
            "W1": W1, "b1": b1, "g1": g1, "be1": be1,
            "W2": W2, "b2": b2, "g2": g2, "be2": be2,
            "W3": W3, "b3": b3, "g3": g3, "be3": be3,
            "W4": W4, "b4": b4}


def _prep_graph(edge_index, n_nodes):
    loop = jnp.arange(n_nodes, dtype=edge_index.dtype)
    src = jnp.concatenate([edge_index[0], loop])
    dst = jnp.concatenate([edge_index[1], loop])
    ones = jnp.ones_like(dst, dtype=jnp.float32)
    deg = jax.ops.segment_sum(ones, dst, num_segments=n_nodes)
    dinv = jnp.where(deg > 0, deg ** -0.5, 0.0)
    norm = dinv[src] * dinv[dst]
    return src, dst, norm


def _gcn_conv(x, src, dst, norm, W, b):
    h = x @ W
    m = h[src] * norm[:, None]
    out = jax.ops.segment_sum(m, dst, num_segments=x.shape[0])
    return out + b


def _batch_norm(x, gamma, beta, eps=1e-5):
    mu = jnp.mean(x, axis=0)
    var = jnp.var(x, axis=0)
    return gamma * (x - mu) * jax.lax.rsqrt(var + eps) + beta


def reference(x, edge_index, W1, b1, g1, be1, W2, b2, g2, be2, W3, b3, g3, be3, W4, b4):
    src, dst, norm = _prep_graph(edge_index, x.shape[0])
    x1 = jax.nn.relu(_batch_norm(_gcn_conv(x, src, dst, norm, W1, b1), g1, be1))
    x2 = jax.nn.relu(_batch_norm(_gcn_conv(x1, src, dst, norm, W2, b2), g2, be2) + x1)
    x3 = jax.nn.relu(_batch_norm(_gcn_conv(x2, src, dst, norm, W3, b3), g3, be3) + x2)
    x4 = _gcn_conv(x3, src, dst, norm, W4, b4)
    return x4

if __name__ == "__main__":
    import jax
    _d = setup_inputs()
    print(jax.jit(kernel)(*tuple(_d.values())))

</pallas_src>

<mosaic_0001>
#map = affine_map<(d0, d1) -> (0, 0)>
#map1 = affine_map<(d0, d1) -> (0, 0, 0)>
module attributes {stable_mosaic.version = 14 : i64} {
  func.func @_sc_agg_body(%arg0: i32, %arg1: i32, %arg2: memref<20000x128xf32, #tpu.memory_space<hbm>>, %arg3: memref<2x1280x128xi32, #tpu.memory_space<hbm>>, %arg4: memref<1280x128xi32, #tpu.memory_space<hbm>>, %arg5: memref<20000x128xf32, #tpu.memory_space<hbm>>, %arg6: memref<2x16x128xi32, #tpu.memory_space<vmem>>, %arg7: memref<2x16x128xi32, #tpu.memory_space<vmem>>, %arg8: memref<128x128xf32, #tpu.memory_space<vmem>>, %arg9: memref<128x128xf32, #tpu.memory_space<vmem>>, %arg10: memref<10008x128xf32, #tpu.memory_space<vmem_shared>>, %arg11: memref<!tpu.dma_semaphore, #tpu.memory_space<semaphore_mem>>, %arg12: memref<!tpu.dma_semaphore, #tpu.memory_space<semaphore_mem>>, %arg13: memref<!tpu.dma_semaphore, #tpu.memory_space<semaphore_mem>>, %arg14: memref<!tpu.dma_semaphore, #tpu.memory_space<semaphore_mem>>) attributes {dimension_semantics = [#tpu.dimension_semantics<core_parallel>, #tpu.dimension_semantics<subcore_parallel>], iteration_bounds = array<i64: 2, 16>, scalar_prefetch = 0 : i64, scratch_operands = 9 : i64, tpu.core_type = #tpu.core_type<sc_vector_subcore>, window_params = [{transform_indices = #map}, {transform_indices = #map1}, {transform_indices = #map}, {transform_indices = #map}]} {
    %mul3A = arith.constant 10000 : i32
    %mul3A_0 = arith.muli %arg0, %mul3A : i32
    %mul3A_1 = arith.constant 624 : i32
    %mul3A_2 = arith.muli %arg1, %mul3A_1 : i32
    %add3A = arith.addi %mul3A_0, %mul3A_2 : i32
    %mul3A_3 = arith.constant 624 : i32
    %mul3A_4 = arith.muli %arg1, %mul3A_3 : i32
    "tpu.region"() ({
      %run_scoped3A_36 = tpu.sem_alloc : memref<!tpu.dma_semaphore, #tpu.memory_space<semaphore_mem>>
      %dma_start3A_37 = arith.constant 0 : i32
      %dma_start3A_38 = tpu.memref_slice %arg10[%mul3A_4, %dma_start3A_37] : memref<10008x128xf32, #tpu.memory_space<vmem_shared>> -> memref<624x128xf32, #tpu.memory_space<vmem_shared>>
      %dma_start3A_39 = arith.constant 0 : i32
      %dma_start3A_40 = tpu.memref_slice %arg2[%add3A, %dma_start3A_39] : memref<20000x128xf32, #tpu.memory_space<hbm>> -> memref<624x128xf32, #tpu.memory_space<hbm>>
      tpu.enqueue_dma source(%dma_start3A_40 : memref<624x128xf32, #tpu.memory_space<hbm>>) target(%dma_start3A_38 : memref<624x128xf32, #tpu.memory_space<vmem_shared>>) target_semaphore(%run_scoped3A_36 : memref<!tpu.dma_semaphore, #tpu.memory_space<semaphore_mem>>)
      %dma_wait3A = arith.constant 0 : i32
      %dma_wait3A_41 = tpu.memref_slice %arg10[%mul3A_4, %dma_wait3A] : memref<10008x128xf32, #tpu.memory_space<vmem_shared>> -> memref<624x128xf32, #tpu.memory_space<vmem_shared>>
      %dma_wait3A_42 = arith.constant 0 : i32
      %dma_wait3A_43 = tpu.memref_slice %arg2[%add3A, %dma_wait3A_42] : memref<20000x128xf32, #tpu.memory_space<hbm>> -> memref<624x128xf32, #tpu.memory_space<hbm>>
      tpu.wait_dma2 semaphore(%run_scoped3A_36 : memref<!tpu.dma_semaphore, #tpu.memory_space<semaphore_mem>>) src(%dma_wait3A_43 : memref<624x128xf32, #tpu.memory_space<hbm>>) dst(%dma_wait3A_41 : memref<624x128xf32, #tpu.memory_space<vmem_shared>>)
      tpu.yield
    }) : () -> ()
    %eq3A = arith.constant 0 : i32
    %eq3A_5 = arith.cmpi eq, %arg1, %eq3A : i32
    %convert_element_type3A = arith.extui %eq3A_5 : i1 to i32
    %cond3A = arith.constant 0 : i32
    %cond3A_6 = arith.cmpi ne, %convert_element_type3A, %cond3A : i32
    scf.if %cond3A_6 {
      %mul3A_36 = arith.constant 10000 : i32
      %mul3A_37 = arith.muli %arg0, %mul3A_36 : i32
      %add3A_38 = arith.constant 9984 : i32
      %add3A_39 = arith.addi %mul3A_37, %add3A_38 : i32
      "tpu.region"() ({
        %run_scoped3A_40 = tpu.sem_alloc : memref<!tpu.dma_semaphore, #tpu.memory_space<semaphore_mem>>
        %dma_start3A_41 = arith.constant 9984 : i32
        %dma_start3A_42 = arith.constant 0 : i32
        %dma_start3A_43 = tpu.memref_slice %arg10[%dma_start3A_41, %dma_start3A_42] : memref<10008x128xf32, #tpu.memory_space<vmem_shared>> -> memref<16x128xf32, #tpu.memory_space<vmem_shared>>
        %dma_start3A_44 = arith.constant 0 : i32
        %dma_start3A_45 = tpu.memref_slice %arg2[%add3A_39, %dma_start3A_44] : memref<20000x128xf32, #tpu.memory_space<hbm>> -> memref<16x128xf32, #tpu.memory_space<hbm>>
        tpu.enqueue_dma source(%dma_start3A_45 : memref<16x128xf32, #tpu.memory_space<hbm>>) target(%dma_start3A_43 : memref<16x128xf32, #tpu.memory_space<vmem_shared>>) target_semaphore(%run_scoped3A_40 : memref<!tpu.dma_semaphore, #tpu.memory_space<semaphore_mem>>)
        %dma_wait3A = arith.constant 9984 : i32
        %dma_wait3A_46 = arith.constant 0 : i32
        %dma_wait3A_47 = tpu.memref_slice %arg10[%dma_wait3A, %dma_wait3A_46] : memref<10008x128xf32, #tpu.memory_space<vmem_shared>> -> memref<16x128xf32, #tpu.memory_space<vmem_shared>>
        %dma_wait3A_48 = arith.constant 0 : i32
        %dma_wait3A_49 = tpu.memref_slice %arg2[%add3A_39, %dma_wait3A_48] : memref<20000x128xf32, #tpu.memory_space<hbm>> -> memref<16x128xf32, #tpu.memory_space<hbm>>
        tpu.wait_dma2 semaphore(%run_scoped3A_40 : memref<!tpu.dma_semaphore, #tpu.memory_space<semaphore_mem>>) src(%dma_wait3A_49 : memref<16x128xf32, #tpu.memory_space<hbm>>) dst(%dma_wait3A_47 : memref<16x128xf32, #tpu.memory_space<vmem_shared>>)
        tpu.yield
      }) : () -> ()
    } else {
    }
    %mul3A_7 = arith.constant 80 : i32
    %mul3A_8 = arith.muli %arg1, %mul3A_7 : i32
    %run_scoped3A = arith.constant 0 : i32
    "tpu.region"() ({
      %run_scoped3A_36 = tpu.sem_alloc : memref<!tpu.dma_semaphore, #tpu.memory_space<semaphore_mem>>
      %dma_start3A_37 = arith.constant 0 : i32
      %dma_start3A_38 = arith.constant 0 : i32
      %dma_start3A_39 = tpu.memref_slice %arg6[%run_scoped3A, %dma_start3A_37, %dma_start3A_38] : memref<2x16x128xi32, #tpu.memory_space<vmem>> -> memref<1x16x128xi32, #tpu.memory_space<vmem>>
      %dma_start3A_40 = tpu.memref_squeeze %dma_start3A_39 : memref<1x16x128xi32, #tpu.memory_space<vmem>> -> memref<16x128xi32, #tpu.memory_space<vmem>>
      %dma_start3A_41 = arith.constant 0 : i32
      %dma_start3A_42 = tpu.memref_slice %arg3[%arg0, %mul3A_8, %dma_start3A_41] : memref<2x1280x128xi32, #tpu.memory_space<hbm>> -> memref<1x16x128xi32, #tpu.memory_space<hbm>>
      %dma_start3A_43 = tpu.memref_squeeze %dma_start3A_42 : memref<1x16x128xi32, #tpu.memory_space<hbm>> -> memref<16x128xi32, #tpu.memory_space<hbm>>
      %dma_start3A_44 = arith.constant 0 : i32
      %dma_start3A_45 = arith.constant 0 : i32
      %dma_start3A_46 = tpu.memref_slice %arg6[%run_scoped3A, %dma_start3A_44, %dma_start3A_45] : memref<2x16x128xi32, #tpu.memory_space<vmem>> -> memref<1x16x128xi32, #tpu.memory_space<vmem>>
      %dma_start3A_47 = tpu.memref_squeeze %dma_start3A_46 : memref<1x16x128xi32, #tpu.memory_space<vmem>> -> memref<16x128xi32, #tpu.memory_space<vmem>>
      %dma_start3A_48 = arith.constant 0 : i32
      %dma_start3A_49 = tpu.memref_slice %arg3[%arg0, %mul3A_8, %dma_start3A_48] : memref<2x1280x128xi32, #tpu.memory_space<hbm>> -> memref<1x16x128xi32, #tpu.memory_space<hbm>>
      %dma_start3A_50 = tpu.memref_squeeze %dma_start3A_49 : memref<1x16x128xi32, #tpu.memory_space<hbm>> -> memref<16x128xi32, #tpu.memory_space<hbm>>
      tpu.enqueue_dma source(%dma_start3A_50 : memref<16x128xi32, #tpu.memory_space<hbm>>) target(%dma_start3A_47 : memref<16x128xi32, #tpu.memory_space<vmem>>) target_semaphore(%run_scoped3A_36 : memref<!tpu.dma_semaphore, #tpu.memory_space<semaphore_mem>>)
      %dma_wait3A = arith.constant 0 : i32
      %dma_wait3A_51 = arith.constant 0 : i32
      %dma_wait3A_52 = tpu.memref_slice %arg6[%run_scoped3A, %dma_wait3A, %dma_wait3A_51] : memref<2x16x128xi32, #tpu.memory_space<vmem>> -> memref<1x16x128xi32, #tpu.memory_space<vmem>>
      %dma_wait3A_53 = tpu.memref_squeeze %dma_wait3A_52 : memref<1x16x128xi32, #tpu.memory_space<vmem>> -> memref<16x128xi32, #tpu.memory_space<vmem>>
      %dma_wait3A_54 = arith.constant 0 : i32
      %dma_wait3A_55 = tpu.memref_slice %arg3[%arg0, %mul3A_8, %dma_wait3A_54] : memref<2x1280x128xi32, #tpu.memory_space<hbm>> -> memref<1x16x128xi32, #tpu.memory_space<hbm>>
      %dma_wait3A_56 = tpu.memref_squeeze %dma_wait3A_55 : memref<1x16x128xi32, #tpu.memory_space<hbm>> -> memref<16x128xi32, #tpu.memory_space<hbm>>
      %dma_wait3A_57 = arith.constant 0 : i32
      %dma_wait3A_58 = arith.constant 0 : i32
      %dma_wait3A_59 = tpu.memref_slice %arg6[%run_scoped3A, %dma_wait3A_57, %dma_wait3A_58] : memref<2x16x128xi32, #tpu.memory_space<vmem>> -> memref<1x16x128xi32, #tpu.memory_space<vmem>>
      %dma_wait3A_60 = tpu.memref_squeeze %dma_wait3A_59 : memref<1x16x128xi32, #tpu.memory_space<vmem>> -> memref<16x128xi32, #tpu.memory_space<vmem>>
      %dma_wait3A_61 = arith.constant 0 : i32
      %dma_wait3A_62 = tpu.memref_slice %arg3[%arg0, %mul3A_8, %dma_wait3A_61] : memref<2x1280x128xi32, #tpu.memory_space<hbm>> -> memref<1x16x128xi32, #tpu.memory_space<hbm>>
      %dma_wait3A_63 = tpu.memref_squeeze %dma_wait3A_62 : memref<1x16x128xi32, #tpu.memory_space<hbm>> -> memref<16x128xi32, #tpu.memory_space<hbm>>
      tpu.wait_dma2 semaphore(%run_scoped3A_36 : memref<!tpu.dma_semaphore, #tpu.memory_space<semaphore_mem>>) src(%dma_wait3A_63 : memref<16x128xi32, #tpu.memory_space<hbm>>) dst(%dma_wait3A_60 : memref<16x128xi32, #tpu.memory_space<vmem>>)
      tpu.yield
    }) : () -> ()
    %run_scoped3A_9 = arith.constant 0 : i32
    "tpu.region"() ({
      %run_scoped3A_36 = tpu.sem_alloc : memref<!tpu.dma_semaphore, #tpu.memory_space<semaphore_mem>>
      %dma_start3A_37 = arith.constant 0 : i32
      %dma_start3A_38 = arith.constant 0 : i32
      %dma_start3A_39 = tpu.memref_slice %arg7[%run_scoped3A_9, %dma_start3A_37, %dma_start3A_38] : memref<2x16x128xi32, #tpu.memory_space<vmem>> -> memref<1x16x128xi32, #tpu.memory_space<vmem>>
      %dma_start3A_40 = tpu.memref_squeeze %dma_start3A_39 : memref<1x16x128xi32, #tpu.memory_space<vmem>> -> memref<16x128xi32, #tpu.memory_space<vmem>>
      %dma_start3A_41 = arith.constant 0 : i32
      %dma_start3A_42 = tpu.memref_slice %arg4[%mul3A_8, %dma_start3A_41] : memref<1280x128xi32, #tpu.memory_space<hbm>> -> memref<16x128xi32, #tpu.memory_space<hbm>>
      %dma_start3A_43 = arith.constant 0 : i32
      %dma_start3A_44 = arith.constant 0 : i32
      %dma_start3A_45 = tpu.memref_slice %arg7[%run_scoped3A_9, %dma_start3A_43, %dma_start3A_44] : memref<2x16x128xi32, #tpu.memory_space<vmem>> -> memref<1x16x128xi32, #tpu.memory_space<vmem>>
      %dma_start3A_46 = tpu.memref_squeeze %dma_start3A_45 : memref<1x16x128xi32, #tpu.memory_space<vmem>> -> memref<16x128xi32, #tpu.memory_space<vmem>>
      %dma_start3A_47 = arith.constant 0 : i32
      %dma_start3A_48 = tpu.memref_slice %arg4[%mul3A_8, %dma_start3A_47] : memref<1280x128xi32, #tpu.memory_space<hbm>> -> memref<16x128xi32, #tpu.memory_space<hbm>>
      tpu.enqueue_dma source(%dma_start3A_48 : memref<16x128xi32, #tpu.memory_space<hbm>>) target(%dma_start3A_46 : memref<16x128xi32, #tpu.memory_space<vmem>>) target_semaphore(%run_scoped3A_36 : memref<!tpu.dma_semaphore, #tpu.memory_space<semaphore_mem>>)
      %dma_wait3A = arith.constant 0 : i32
      %dma_wait3A_49 = arith.constant 0 : i32
      %dma_wait3A_50 = tpu.memref_slice %arg7[%run_scoped3A_9, %dma_wait3A, %dma_wait3A_49] : memref<2x16x128xi32, #tpu.memory_space<vmem>> -> memref<1x16x128xi32, #tpu.memory_space<vmem>>
      %dma_wait3A_51 = tpu.memref_squeeze %dma_wait3A_50 : memref<1x16x128xi32, #tpu.memory_space<vmem>> -> memref<16x128xi32, #tpu.memory_space<vmem>>
      %dma_wait3A_52 = arith.constant 0 : i32
      %dma_wait3A_53 = tpu.memref_slice %arg4[%mul3A_8, %dma_wait3A_52] : memref<1280x128xi32, #tpu.memory_space<hbm>> -> memref<16x128xi32, #tpu.memory_space<hbm>>
      %dma_wait3A_54 = arith.constant 0 : i32
      %dma_wait3A_55 = arith.constant 0 : i32
      %dma_wait3A_56 = tpu.memref_slice %arg7[%run_scoped3A_9, %dma_wait3A_54, %dma_wait3A_55] : memref<2x16x128xi32, #tpu.memory_space<vmem>> -> memref<1x16x128xi32, #tpu.memory_space<vmem>>
      %dma_wait3A_57 = tpu.memref_squeeze %dma_wait3A_56 : memref<1x16x128xi32, #tpu.memory_space<vmem>> -> memref<16x128xi32, #tpu.memory_space<vmem>>
      %dma_wait3A_58 = arith.constant 0 : i32
      %dma_wait3A_59 = tpu.memref_slice %arg4[%mul3A_8, %dma_wait3A_58] : memref<1280x128xi32, #tpu.memory_space<hbm>> -> memref<16x128xi32, #tpu.memory_space<hbm>>
      tpu.wait_dma2 semaphore(%run_scoped3A_36 : memref<!tpu.dma_semaphore, #tpu.memory_space<semaphore_mem>>) src(%dma_wait3A_59 : memref<16x128xi32, #tpu.memory_space<hbm>>) dst(%dma_wait3A_57 : memref<16x128xi32, #tpu.memory_space<vmem>>)
      tpu.yield
    }) : () -> ()
    %barrier3A = arith.constant 0 : index
    tpu.barrier barrier_id(%barrier3A)
    %dma_start3A = arith.constant 0 : i32
    %dma_start3A_10 = arith.constant 0 : i32
    %dma_start3A_11 = arith.constant 0 : i32
    %dma_start3A_12 = tpu.memref_slice %arg6[%dma_start3A, %dma_start3A_10, %dma_start3A_11] : memref<2x16x128xi32, #tpu.memory_space<vmem>> -> memref<1x1x128xi32, #tpu.memory_space<vmem>>
    %dma_start3A_13 = tpu.memref_squeeze %dma_start3A_12 : memref<1x1x128xi32, #tpu.memory_space<vmem>> -> memref<128xi32, #tpu.memory_space<vmem>>
    %dma_start3A_14 = arith.constant 0 : i32
    %dma_start3A_15 = arith.constant 0 : i32
    %dma_start3A_16 = tpu.memref_slice %arg2[%dma_start3A_14, %dma_start3A_15] : memref<20000x128xf32, #tpu.memory_space<hbm>> -> memref<20000x128xf32, #tpu.memory_space<hbm>>
    tpu.enqueue_indirect_dma source(%dma_start3A_16 : memref<20000x128xf32, #tpu.memory_space<hbm>>) target(%arg8 : memref<128x128xf32, #tpu.memory_space<vmem>>) offsets(%dma_start3A_13 : memref<128xi32, #tpu.memory_space<vmem>>) semaphore(%arg11 : memref<!tpu.dma_semaphore, #tpu.memory_space<semaphore_mem>>)
    %scan3A = arith.constant 0 : i32
    %scan3A_17 = arith.constant 0 : i32
    %scan3A_18 = arith.constant 5 : i32
    %scan3A_19 = arith.addi %scan3A_17, %scan3A_18 : i32
    %scan3A_20 = arith.constant 1 : i32
    %scan3A_21 = scf.for %scan3A_36 = %scan3A_17 to %scan3A_19 step %scan3A_20 iter_args(%scan3A_37 = %scan3A) -> (i32)  : i32 {
      %jit3A = arith.constant 2 : i32
      %eq3A_38 = arith.constant 0 : i32
      %eq3A_39 = arith.cmpi eq, %jit3A, %eq3A_38 : i32
      %jit3A_40 = arith.constant 1 : i32
      %select_n3A = arith.select %eq3A_39, %jit3A_40, %jit3A : i32
      %rem3A = arith.remsi %scan3A_36, %select_n3A : i32
      %ne3A = arith.constant 0 : i32
      %ne3A_41 = arith.cmpi ne, %rem3A, %ne3A : i32
      %lt3A = arith.constant 0 : i32
      %lt3A_42 = arith.cmpi slt, %rem3A, %lt3A : i32
      %lt3A_43 = arith.constant 0 : i32
      %lt3A_44 = arith.cmpi slt, %select_n3A, %lt3A_43 : i32
      %ne3A_45 = arith.xori %lt3A_42, %lt3A_44 : i1
      %and3A = arith.andi %ne3A_45, %ne3A_41 : i1
      %add3A_46 = arith.addi %rem3A, %select_n3A : i32
      %select_n3A_47 = arith.select %and3A, %add3A_46, %rem3A : i32
      %lt3A_48 = arith.constant 4 : i32
      %lt3A_49 = arith.cmpi slt, %scan3A_36, %lt3A_48 : i32
      %convert_element_type3A_50 = arith.extui %lt3A_49 : i1 to i32
      %cond3A_51 = arith.constant 0 : i32
      %cond3A_52 = arith.cmpi ne, %convert_element_type3A_50, %cond3A_51 : i32
      scf.if %cond3A_52 {
        %add3A_61 = arith.constant 1 : i32
        %add3A_62 = arith.addi %scan3A_36, %add3A_61 : i32
        %mul3A_63 = arith.constant 16 : i32
        %mul3A_64 = arith.muli %add3A_62, %mul3A_63 : i32
        %add3A_65 = arith.addi %mul3A_8, %mul3A_64 : i32
        %sub3A = arith.constant 1 : i32
        %sub3A_66 = arith.subi %sub3A, %select_n3A_47 : i32
        %dma_start3A_67 = arith.constant 0 : i32
        %dma_start3A_68 = arith.constant 0 : i32
        %dma_start3A_69 = tpu.memref_slice %arg6[%sub3A_66, %dma_start3A_67, %dma_start3A_68] : memref<2x16x128xi32, #tpu.memory_space<vmem>> -> memref<1x16x128xi32, #tpu.memory_space<vmem>>
        %dma_start3A_70 = tpu.memref_squeeze %dma_start3A_69 : memref<1x16x128xi32, #tpu.memory_space<vmem>> -> memref<16x128xi32, #tpu.memory_space<vmem>>
        %dma_start3A_71 = arith.constant 0 : i32
        %dma_start3A_72 = tpu.memref_slice %arg3[%arg0, %add3A_65, %dma_start3A_71] : memref<2x1280x128xi32, #tpu.memory_space<hbm>> -> memref<1x16x128xi32, #tpu.memory_space<hbm>>
        %dma_start3A_73 = tpu.memref_squeeze %dma_start3A_72 : memref<1x16x128xi32, #tpu.memory_space<hbm>> -> memref<16x128xi32, #tpu.memory_space<hbm>>
        %dma_start3A_74 = arith.constant 0 : i32
        %dma_start3A_75 = arith.constant 0 : i32
        %dma_start3A_76 = tpu.memref_slice %arg6[%sub3A_66, %dma_start3A_74, %dma_start3A_75] : memref<2x16x128xi32, #tpu.memory_space<vmem>> -> memref<1x16x128xi32, #tpu.memory_space<vmem>>
        %dma_start3A_77 = tpu.memref_squeeze %dma_start3A_76 : memref<1x16x128xi32, #tpu.memory_space<vmem>> -> memref<16x128xi32, #tpu.memory_space<vmem>>
        %dma_start3A_78 = arith.constant 0 : i32
        %dma_start3A_79 = tpu.memref_slice %arg3[%arg0, %add3A_65, %dma_start3A_78] : memref<2x1280x128xi32, #tpu.memory_space<hbm>> -> memref<1x16x128xi32, #tpu.memory_space<hbm>>
        %dma_start3A_80 = tpu.memref_squeeze %dma_start3A_79 : memref<1x16x128xi32, #tpu.memory_space<hbm>> -> memref<16x128xi32, #tpu.memory_space<hbm>>
        tpu.enqueue_dma source(%dma_start3A_80 : memref<16x128xi32, #tpu.memory_space<hbm>>) target(%dma_start3A_77 : memref<16x128xi32, #tpu.memory_space<vmem>>) target_semaphore(%arg13 : memref<!tpu.dma_semaphore, #tpu.memory_space<semaphore_mem>>)
        %add3A_81 = arith.constant 1 : i32
        %add3A_82 = arith.addi %scan3A_36, %add3A_81 : i32
        %mul3A_83 = arith.constant 16 : i32
        %mul3A_84 = arith.muli %add3A_82, %mul3A_83 : i32
        %add3A_85 = arith.addi %mul3A_8, %mul3A_84 : i32
        %sub3A_86 = arith.constant 1 : i32
        %sub3A_87 = arith.subi %sub3A_86, %select_n3A_47 : i32
        %dma_start3A_88 = arith.constant 0 : i32
        %dma_start3A_89 = arith.constant 0 : i32
        %dma_start3A_90 = tpu.memref_slice %arg7[%sub3A_87, %dma_start3A_88, %dma_start3A_89] : memref<2x16x128xi32, #tpu.memory_space<vmem>> -> memref<1x16x128xi32, #tpu.memory_space<vmem>>
        %dma_start3A_91 = tpu.memref_squeeze %dma_start3A_90 : memref<1x16x128xi32, #tpu.memory_space<vmem>> -> memref<16x128xi32, #tpu.memory_space<vmem>>
        %dma_start3A_92 = arith.constant 0 : i32
        %dma_start3A_93 = tpu.memref_slice %arg4[%add3A_85, %dma_start3A_92] : memref<1280x128xi32, #tpu.memory_space<hbm>> -> memref<16x128xi32, #tpu.memory_space<hbm>>
        %dma_start3A_94 = arith.constant 0 : i32
        %dma_start3A_95 = arith.constant 0 : i32
        %dma_start3A_96 = tpu.memref_slice %arg7[%sub3A_87, %dma_start3A_94, %dma_start3A_95] : memref<2x16x128xi32, #tpu.memory_space<vmem>> -> memref<1x16x128xi32, #tpu.memory_space<vmem>>
        %dma_start3A_97 = tpu.memref_squeeze %dma_start3A_96 : memref<1x16x128xi32, #tpu.memory_space<vmem>> -> memref<16x128xi32, #tpu.memory_space<vmem>>
        %dma_start3A_98 = arith.constant 0 : i32
        %dma_start3A_99 = tpu.memref_slice %arg4[%add3A_85, %dma_start3A_98] : memref<1280x128xi32, #tpu.memory_space<hbm>> -> memref<16x128xi32, #tpu.memory_space<hbm>>
        tpu.enqueue_dma source(%dma_start3A_99 : memref<16x128xi32, #tpu.memory_space<hbm>>) target(%dma_start3A_97 : memref<16x128xi32, #tpu.memory_space<vmem>>) target_semaphore(%arg14 : memref<!tpu.dma_semaphore, #tpu.memory_space<semaphore_mem>>)
      } else {
      }
      %scan3A_53 = arith.constant 0 : i32
      %scan3A_54 = arith.constant 0 : i32
      %scan3A_55 = arith.constant 8 : i32
      %scan3A_56 = arith.addi %scan3A_54, %scan3A_55 : i32
      %scan3A_57 = arith.constant 1 : i32
      %scan3A_58 = scf.for %scan3A_61 = %scan3A_54 to %scan3A_56 step %scan3A_57 iter_args(%scan3A_62 = %scan3A_53) -> (i32)  : i32 {
        %mul3A_63 = arith.constant 2 : i32
        %mul3A_64 = arith.muli %mul3A_63, %scan3A_61 : i32
        %add3A_65 = arith.constant 1 : i32
        %add3A_66 = arith.addi %mul3A_64, %add3A_65 : i32
        %dma_start3A_67 = arith.constant 0 : i32
        %dma_start3A_68 = tpu.memref_slice %arg6[%select_n3A_47, %add3A_66, %dma_start3A_67] : memref<2x16x128xi32, #tpu.memory_space<vmem>> -> memref<1x1x128xi32, #tpu.memory_space<vmem>>
        %dma_start3A_69 = tpu.memref_squeeze %dma_start3A_68 : memref<1x1x128xi32, #tpu.memory_space<vmem>> -> memref<128xi32, #tpu.memory_space<vmem>>
        %dma_start3A_70 = arith.constant 0 : i32
        %dma_start3A_71 = arith.constant 0 : i32
        %dma_start3A_72 = tpu.memref_slice %arg2[%dma_start3A_70, %dma_start3A_71] : memref<20000x128xf32, #tpu.memory_space<hbm>> -> memref<20000x128xf32, #tpu.memory_space<hbm>>
        tpu.enqueue_indirect_dma source(%dma_start3A_72 : memref<20000x128xf32, #tpu.memory_space<hbm>>) target(%arg9 : memref<128x128xf32, #tpu.memory_space<vmem>>) offsets(%dma_start3A_69 : memref<128xi32, #tpu.memory_space<vmem>>) semaphore(%arg12 : memref<!tpu.dma_semaphore, #tpu.memory_space<semaphore_mem>>)
        %dma_wait3A = arith.constant 0 : i32
        %dma_wait3A_73 = tpu.memref_slice %arg6[%select_n3A_47, %mul3A_64, %dma_wait3A] : memref<2x16x128xi32, #tpu.memory_space<vmem>> -> memref<1x1x128xi32, #tpu.memory_space<vmem>>
        %dma_wait3A_74 = tpu.memref_squeeze %dma_wait3A_73 : memref<1x1x128xi32, #tpu.memory_space<vmem>> -> memref<128xi32, #tpu.memory_space<vmem>>
        %dma_wait3A_75 = arith.constant 0 : i32
        %dma_wait3A_76 = arith.constant 0 : i32
        %dma_wait3A_77 = tpu.memref_slice %arg2[%dma_wait3A_75, %dma_wait3A_76] : memref<20000x128xf32, #tpu.memory_space<hbm>> -> memref<20000x128xf32, #tpu.memory_space<hbm>>
        tpu.wait_indirect_dma semaphore(%arg11 : memref<!tpu.dma_semaphore, #tpu.memory_space<semaphore_mem>>) src(%dma_wait3A_77 : memref<20000x128xf32, #tpu.memory_space<hbm>>) dst(%arg8 : memref<128x128xf32, #tpu.memory_space<vmem>>)
        "tpu.region"() ({
          %run_scoped3A_100 = tpu.sem_alloc : memref<!tpu.dma_semaphore, #tpu.memory_space<semaphore_mem>>
          %dma_start3A_101 = arith.constant 0 : i32
          %dma_start3A_102 = tpu.memref_slice %arg7[%select_n3A_47, %mul3A_64, %dma_start3A_101] : memref<2x16x128xi32, #tpu.memory_space<vmem>> -> memref<1x1x128xi32, #tpu.memory_space<vmem>>
          %dma_start3A_103 = tpu.memref_squeeze %dma_start3A_102 : memref<1x1x128xi32, #tpu.memory_space<vmem>> -> memref<128xi32, #tpu.memory_space<vmem>>
          %dma_start3A_104 = arith.constant 0 : i32
          %dma_start3A_105 = arith.constant 0 : i32
          %dma_start3A_106 = tpu.memref_slice %arg10[%dma_start3A_104, %dma_start3A_105] : memref<10008x128xf32, #tpu.memory_space<vmem_shared>> -> memref<10008x128xf32, #tpu.memory_space<vmem_shared>>
          tpu.enqueue_indirect_dma source(%arg8 : memref<128x128xf32, #tpu.memory_space<vmem>>) target(%dma_start3A_106 : memref<10008x128xf32, #tpu.memory_space<vmem_shared>>) offsets(%dma_start3A_103 : memref<128xi32, #tpu.memory_space<vmem>>) semaphore(%run_scoped3A_100 : memref<!tpu.dma_semaphore, #tpu.memory_space<semaphore_mem>>) {add = true}
          %dma_wait3A_107 = arith.constant 0 : i32
          %dma_wait3A_108 = tpu.memref_slice %arg7[%select_n3A_47, %mul3A_64, %dma_wait3A_107] : memref<2x16x128xi32, #tpu.memory_space<vmem>> -> memref<1x1x128xi32, #tpu.memory_space<vmem>>
          %dma_wait3A_109 = tpu.memref_squeeze %dma_wait3A_108 : memref<1x1x128xi32, #tpu.memory_space<vmem>> -> memref<128xi32, #tpu.memory_space<vmem>>
          %dma_wait3A_110 = arith.constant 0 : i32
          %dma_wait3A_111 = arith.constant 0 : i32
          %dma_wait3A_112 = tpu.memref_slice %arg10[%dma_wait3A_110, %dma_wait3A_111] : memref<10008x128xf32, #tpu.memory_space<vmem_shared>> -> memref<10008x128xf32, #tpu.memory_space<vmem_shared>>
          tpu.wait_indirect_dma semaphore(%run_scoped3A_100 : memref<!tpu.dma_semaphore, #tpu.memory_space<semaphore_mem>>) src(%arg8 : memref<128x128xf32, #tpu.memory_space<vmem>>) dst(%dma_wait3A_112 : memref<10008x128xf32, #tpu.memory_space<vmem_shared>>)
          tpu.yield
        }) : () -> ()
        %add3A_78 = arith.constant 1 : i32
        %add3A_79 = arith.addi %mul3A_64, %add3A_78 : i32
        %lt3A_80 = arith.constant 7 : i32
        %lt3A_81 = arith.cmpi slt, %scan3A_61, %lt3A_80 : i32
        %convert_element_type3A_82 = arith.extui %lt3A_81 : i1 to i32
        %cond3A_83 = arith.constant 0 : i32
        %cond3A_84 = arith.cmpi ne, %convert_element_type3A_82, %cond3A_83 : i32
        scf.if %cond3A_84 {
          %add3A_100 = arith.constant 1 : i32
          %add3A_101 = arith.addi %add3A_79, %add3A_100 : i32
          %dma_start3A_102 = arith.constant 0 : i32
          %dma_start3A_103 = tpu.memref_slice %arg6[%select_n3A_47, %add3A_101, %dma_start3A_102] : memref<2x16x128xi32, #tpu.memory_space<vmem>> -> memref<1x1x128xi32, #tpu.memory_space<vmem>>
          %dma_start3A_104 = tpu.memref_squeeze %dma_start3A_103 : memref<1x1x128xi32, #tpu.memory_space<vmem>> -> memref<128xi32, #tpu.memory_space<vmem>>
          %dma_start3A_105 = arith.constant 0 : i32
          %dma_start3A_106 = arith.constant 0 : i32
          %dma_start3A_107 = tpu.memref_slice %arg2[%dma_start3A_105, %dma_start3A_106] : memref<20000x128xf32, #tpu.memory_space<hbm>> -> memref<20000x128xf32, #tpu.memory_space<hbm>>
          tpu.enqueue_indirect_dma source(%dma_start3A_107 : memref<20000x128xf32, #tpu.memory_space<hbm>>) target(%arg8 : memref<128x128xf32, #tpu.memory_space<vmem>>) offsets(%dma_start3A_104 : memref<128xi32, #tpu.memory_space<vmem>>) semaphore(%arg11 : memref<!tpu.dma_semaphore, #tpu.memory_space<semaphore_mem>>)
        } else {
        }
        %eq3A_85 = arith.constant 7 : i32
        %eq3A_86 = arith.cmpi eq, %scan3A_61, %eq3A_85 : i32
        %lt3A_87 = arith.constant 4 : i32
        %lt3A_88 = arith.cmpi slt, %scan3A_36, %lt3A_87 : i32
        %and3A_89 = arith.andi %eq3A_86, %lt3A_88 : i1
        %convert_element_type3A_90 = arith.extui %and3A_89 : i1 to i32
        %cond3A_91 = arith.constant 0 : i32
        %cond3A_92 = arith.cmpi ne, %convert_element_type3A_90, %cond3A_91 : i32
        scf.if %cond3A_92 {
          %add3A_100 = arith.constant 1 : i32
          %add3A_101 = arith.addi %scan3A_36, %add3A_100 : i32
          %mul3A_102 = arith.constant 16 : i32
          %mul3A_103 = arith.muli %add3A_101, %mul3A_102 : i32
          %add3A_104 = arith.addi %mul3A_8, %mul3A_103 : i32
          %sub3A = arith.constant 1 : i32
          %sub3A_105 = arith.subi %sub3A, %select_n3A_47 : i32
          %dma_wait3A_106 = arith.constant 0 : i32
          %dma_wait3A_107 = arith.constant 0 : i32
          %dma_wait3A_108 = tpu.memref_slice %arg6[%sub3A_105, %dma_wait3A_106, %dma_wait3A_107] : memref<2x16x128xi32, #tpu.memory_space<vmem>> -> memref<1x16x128xi32, #tpu.memory_space<vmem>>
          %dma_wait3A_109 = tpu.memref_squeeze %dma_wait3A_108 : memref<1x16x128xi32, #tpu.memory_space<vmem>> -> memref<16x128xi32, #tpu.memory_space<vmem>>
          %dma_wait3A_110 = arith.constant 0 : i32
          %dma_wait3A_111 = tpu.memref_slice %arg3[%arg0, %add3A_104, %dma_wait3A_110] : memref<2x1280x128xi32, #tpu.memory_space<hbm>> -> memref<1x16x128xi32, #tpu.memory_space<hbm>>
          %dma_wait3A_112 = tpu.memref_squeeze %dma_wait3A_111 : memref<1x16x128xi32, #tpu.memory_space<hbm>> -> memref<16x128xi32, #tpu.memory_space<hbm>>
          %dma_wait3A_113 = arith.constant 0 : i32
          %dma_wait3A_114 = arith.constant 0 : i32
          %dma_wait3A_115 = tpu.memref_slice %arg6[%sub3A_105, %dma_wait3A_113, %dma_wait3A_114] : memref<2x16x128xi32, #tpu.memory_space<vmem>> -> memref<1x16x128xi32, #tpu.memory_space<vmem>>
          %dma_wait3A_116 = tpu.memref_squeeze %dma_wait3A_115 : memref<1x16x128xi32, #tpu.memory_space<vmem>> -> memref<16x128xi32, #tpu.memory_space<vmem>>
          %dma_wait3A_117 = arith.constant 0 : i32
          %dma_wait3A_118 = tpu.memref_slice %arg3[%arg0, %add3A_104, %dma_wait3A_117] : memref<2x1280x128xi32, #tpu.memory_space<hbm>> -> memref<1x16x128xi32, #tpu.memory_space<hbm>>
          %dma_wait3A_119 = tpu.memref_squeeze %dma_wait3A_118 : memref<1x16x128xi32, #tpu.memory_space<hbm>> -> memref<16x128xi32, #tpu.memory_space<hbm>>
          tpu.wait_dma2 semaphore(%arg13 : memref<!tpu.dma_semaphore, #tpu.memory_space<semaphore_mem>>) src(%dma_wait3A_119 : memref<16x128xi32, #tpu.memory_space<hbm>>) dst(%dma_wait3A_116 : memref<16x128xi32, #tpu.memory_space<vmem>>)
          %add3A_120 = arith.constant 1 : i32
          %add3A_121 = arith.addi %scan3A_36, %add3A_120 : i32
          %mul3A_122 = arith.constant 16 : i32
          %mul3A_123 = arith.muli %add3A_121, %mul3A_122 : i32
          %add3A_124 = arith.addi %mul3A_8, %mul3A_123 : i32
          %sub3A_125 = arith.constant 1 : i32
          %sub3A_126 = arith.subi %sub3A_125, %select_n3A_47 : i32
          %dma_wait3A_127 = arith.constant 0 : i32
          %dma_wait3A_128 = arith.constant 0 : i32
          %dma_wait3A_129 = tpu.memref_slice %arg7[%sub3A_126, %dma_wait3A_127, %dma_wait3A_128] : memref<2x16x128xi32, #tpu.memory_space<vmem>> -> memref<1x16x128xi32, #tpu.memory_space<vmem>>
          %dma_wait3A_130 = tpu.memref_squeeze %dma_wait3A_129 : memref<1x16x128xi32, #tpu.memory_space<vmem>> -> memref<16x128xi32, #tpu.memory_space<vmem>>
          %dma_wait3A_131 = arith.constant 0 : i32
          %dma_wait3A_132 = tpu.memref_slice %arg4[%add3A_124, %dma_wait3A_131] : memref<1280x128xi32, #tpu.memory_space<hbm>> -> memref<16x128xi32, #tpu.memory_space<hbm>>
          %dma_wait3A_133 = arith.constant 0 : i32
          %dma_wait3A_134 = arith.constant 0 : i32
          %dma_wait3A_135 = tpu.memref_slice %arg7[%sub3A_126, %dma_wait3A_133, %dma_wait3A_134] : memref<2x16x128xi32, #tpu.memory_space<vmem>> -> memref<1x16x128xi32, #tpu.memory_space<vmem>>
          %dma_wait3A_136 = tpu.memref_squeeze %dma_wait3A_135 : memref<1x16x128xi32, #tpu.memory_space<vmem>> -> memref<16x128xi32, #tpu.memory_space<vmem>>
          %dma_wait3A_137 = arith.constant 0 : i32
          %dma_wait3A_138 = tpu.memref_slice %arg4[%add3A_124, %dma_wait3A_137] : memref<1280x128xi32, #tpu.memory_space<hbm>> -> memref<16x128xi32, #tpu.memory_space<hbm>>
          tpu.wait_dma2 semaphore(%arg14 : memref<!tpu.dma_semaphore, #tpu.memory_space<semaphore_mem>>) src(%dma_wait3A_138 : memref<16x128xi32, #tpu.memory_space<hbm>>) dst(%dma_wait3A_136 : memref<16x128xi32, #tpu.memory_space<vmem>>)
          %sub3A_139 = arith.constant 1 : i32
          %sub3A_140 = arith.subi %sub3A_139, %select_n3A_47 : i32
          %dma_start3A_141 = arith.constant 0 : i32
          %dma_start3A_142 = arith.constant 0 : i32
          %dma_start3A_143 = tpu.memref_slice %arg6[%sub3A_140, %dma_start3A_141, %dma_start3A_142] : memref<2x16x128xi32, #tpu.memory_space<vmem>> -> memref<1x1x128xi32, #tpu.memory_space<vmem>>
          %dma_start3A_144 = tpu.memref_squeeze %dma_start3A_143 : memref<1x1x128xi32, #tpu.memory_space<vmem>> -> memref<128xi32, #tpu.memory_space<vmem>>
          %dma_start3A_145 = arith.constant 0 : i32
          %dma_start3A_146 = arith.constant 0 : i32
          %dma_start3A_147 = tpu.memref_slice %arg2[%dma_start3A_145, %dma_start3A_146] : memref<20000x128xf32, #tpu.memory_space<hbm>> -> memref<20000x128xf32, #tpu.memory_space<hbm>>
          tpu.enqueue_indirect_dma source(%dma_start3A_147 : memref<20000x128xf32, #tpu.memory_space<hbm>>) target(%arg8 : memref<128x128xf32, #tpu.memory_space<vmem>>) offsets(%dma_start3A_144 : memref<128xi32, #tpu.memory_space<vmem>>) semaphore(%arg11 : memref<!tpu.dma_semaphore, #tpu.memory_space<semaphore_mem>>)
        } else {
        }
        %dma_wait3A_93 = arith.constant 0 : i32
        %dma_wait3A_94 = tpu.memref_slice %arg6[%select_n3A_47, %add3A_79, %dma_wait3A_93] : memref<2x16x128xi32, #tpu.memory_space<vmem>> -> memref<1x1x128xi32, #tpu.memory_space<vmem>>
        %dma_wait3A_95 = tpu.memref_squeeze %dma_wait3A_94 : memref<1x1x128xi32, #tpu.memory_space<vmem>> -> memref<128xi32, #tpu.memory_space<vmem>>
        %dma_wait3A_96 = arith.constant 0 : i32
        %dma_wait3A_97 = arith.constant 0 : i32
        %dma_wait3A_98 = tpu.memref_slice %arg2[%dma_wait3A_96, %dma_wait3A_97] : memref<20000x128xf32, #tpu.memory_space<hbm>> -> memref<20000x128xf32, #tpu.memory_space<hbm>>
        tpu.wait_indirect_dma semaphore(%arg12 : memref<!tpu.dma_semaphore, #tpu.memory_space<semaphore_mem>>) src(%dma_wait3A_98 : memref<20000x128xf32, #tpu.memory_space<hbm>>) dst(%arg9 : memref<128x128xf32, #tpu.memory_space<vmem>>)
        "tpu.region"() ({
          %run_scoped3A_100 = tpu.sem_alloc : memref<!tpu.dma_semaphore, #tpu.memory_space<semaphore_mem>>
          %dma_start3A_101 = arith.constant 0 : i32
          %dma_start3A_102 = tpu.memref_slice %arg7[%select_n3A_47, %add3A_79, %dma_start3A_101] : memref<2x16x128xi32, #tpu.memory_space<vmem>> -> memref<1x1x128xi32, #tpu.memory_space<vmem>>
          %dma_start3A_103 = tpu.memref_squeeze %dma_start3A_102 : memref<1x1x128xi32, #tpu.memory_space<vmem>> -> memref<128xi32, #tpu.memory_space<vmem>>
          %dma_start3A_104 = arith.constant 0 : i32
          %dma_start3A_105 = arith.constant 0 : i32
          %dma_start3A_106 = tpu.memref_slice %arg10[%dma_start3A_104, %dma_start3A_105] : memref<10008x128xf32, #tpu.memory_space<vmem_shared>> -> memref<10008x128xf32, #tpu.memory_space<vmem_shared>>
          tpu.enqueue_indirect_dma source(%arg9 : memref<128x128xf32, #tpu.memory_space<vmem>>) target(%dma_start3A_106 : memref<10008x128xf32, #tpu.memory_space<vmem_shared>>) offsets(%dma_start3A_103 : memref<128xi32, #tpu.memory_space<vmem>>) semaphore(%run_scoped3A_100 : memref<!tpu.dma_semaphore, #tpu.memory_space<semaphore_mem>>) {add = true}
          %dma_wait3A_107 = arith.constant 0 : i32
          %dma_wait3A_108 = tpu.memref_slice %arg7[%select_n3A_47, %add3A_79, %dma_wait3A_107] : memref<2x16x128xi32, #tpu.memory_space<vmem>> -> memref<1x1x128xi32, #tpu.memory_space<vmem>>
          %dma_wait3A_109 = tpu.memref_squeeze %dma_wait3A_108 : memref<1x1x128xi32, #tpu.memory_space<vmem>> -> memref<128xi32, #tpu.memory_space<vmem>>
          %dma_wait3A_110 = arith.constant 0 : i32
          %dma_wait3A_111 = arith.constant 0 : i32
          %dma_wait3A_112 = tpu.memref_slice %arg10[%dma_wait3A_110, %dma_wait3A_111] : memref<10008x128xf32, #tpu.memory_space<vmem_shared>> -> memref<10008x128xf32, #tpu.memory_space<vmem_shared>>
          tpu.wait_indirect_dma semaphore(%run_scoped3A_100 : memref<!tpu.dma_semaphore, #tpu.memory_space<semaphore_mem>>) src(%arg9 : memref<128x128xf32, #tpu.memory_space<vmem>>) dst(%dma_wait3A_112 : memref<10008x128xf32, #tpu.memory_space<vmem_shared>>)
          tpu.yield
        }) : () -> ()
        %scan3A_99 = arith.constant 0 : i32
        scf.yield %scan3A_99 : i32
      }
      %scan3A_59 = arith.constant 8 : i32
      %scan3A_60 = arith.constant 0 : i32
      scf.yield %scan3A_60 : i32
    }
    %scan3A_22 = arith.constant 5 : i32
    %barrier3A_23 = arith.constant 0 : index
    tpu.barrier barrier_id(%barrier3A_23)
    %mul3A_24 = arith.constant 624 : i32
    %mul3A_25 = arith.muli %arg1, %mul3A_24 : i32
    %mul3A_26 = arith.constant 10000 : i32
    %mul3A_27 = arith.muli %arg0, %mul3A_26 : i32
    %mul3A_28 = arith.constant 624 : i32
    %mul3A_29 = arith.muli %arg1, %mul3A_28 : i32
    %add3A_30 = arith.addi %mul3A_27, %mul3A_29 : i32
    "tpu.region"() ({
      %run_scoped3A_36 = tpu.sem_alloc : memref<!tpu.dma_semaphore, #tpu.memory_space<semaphore_mem>>
      %dma_start3A_37 = arith.constant 0 : i32
      %dma_start3A_38 = tpu.memref_slice %arg5[%add3A_30, %dma_start3A_37] : memref<20000x128xf32, #tpu.memory_space<hbm>> -> memref<624x128xf32, #tpu.memory_space<hbm>>
      %dma_start3A_39 = arith.constant 0 : i32
      %dma_start3A_40 = tpu.memref_slice %arg10[%mul3A_25, %dma_start3A_39] : memref<10008x128xf32, #tpu.memory_space<vmem_shared>> -> memref<624x128xf32, #tpu.memory_space<vmem_shared>>
      tpu.enqueue_dma source(%dma_start3A_40 : memref<624x128xf32, #tpu.memory_space<vmem_shared>>) target(%dma_start3A_38 : memref<624x128xf32, #tpu.memory_space<hbm>>) target_semaphore(%run_scoped3A_36 : memref<!tpu.dma_semaphore, #tpu.memory_space<semaphore_mem>>)
      %dma_wait3A = arith.constant 0 : i32
      %dma_wait3A_41 = tpu.memref_slice %arg5[%add3A_30, %dma_wait3A] : memref<20000x128xf32, #tpu.memory_space<hbm>> -> memref<624x128xf32, #tpu.memory_space<hbm>>
      %dma_wait3A_42 = arith.constant 0 : i32
      %dma_wait3A_43 = tpu.memref_slice %arg10[%mul3A_25, %dma_wait3A_42] : memref<10008x128xf32, #tpu.memory_space<vmem_shared>> -> memref<624x128xf32, #tpu.memory_space<vmem_shared>>
      tpu.wait_dma2 semaphore(%run_scoped3A_36 : memref<!tpu.dma_semaphore, #tpu.memory_space<semaphore_mem>>) src(%dma_wait3A_43 : memref<624x128xf32, #tpu.memory_space<vmem_shared>>) dst(%dma_wait3A_41 : memref<624x128xf32, #tpu.memory_space<hbm>>)
      tpu.yield
    }) : () -> ()
    %eq3A_31 = arith.constant 0 : i32
    %eq3A_32 = arith.cmpi eq, %arg1, %eq3A_31 : i32
    %convert_element_type3A_33 = arith.extui %eq3A_32 : i1 to i32
    %cond3A_34 = arith.constant 0 : i32
    %cond3A_35 = arith.cmpi ne, %convert_element_type3A_33, %cond3A_34 : i32
    scf.if %cond3A_35 {
      %mul3A_36 = arith.constant 10000 : i32
      %mul3A_37 = arith.muli %arg0, %mul3A_36 : i32
      %add3A_38 = arith.constant 9984 : i32
      %add3A_39 = arith.addi %mul3A_37, %add3A_38 : i32
      "tpu.region"() ({
        %run_scoped3A_40 = tpu.sem_alloc : memref<!tpu.dma_semaphore, #tpu.memory_space<semaphore_mem>>
        %dma_start3A_41 = arith.constant 0 : i32
        %dma_start3A_42 = tpu.memref_slice %arg5[%add3A_39, %dma_start3A_41] : memref<20000x128xf32, #tpu.memory_space<hbm>> -> memref<16x128xf32, #tpu.memory_space<hbm>>
        %dma_start3A_43 = arith.constant 9984 : i32
        %dma_start3A_44 = arith.constant 0 : i32
        %dma_start3A_45 = tpu.memref_slice %arg10[%dma_start3A_43, %dma_start3A_44] : memref<10008x128xf32, #tpu.memory_space<vmem_shared>> -> memref<16x128xf32, #tpu.memory_space<vmem_shared>>
        tpu.enqueue_dma source(%dma_start3A_45 : memref<16x128xf32, #tpu.memory_space<vmem_shared>>) target(%dma_start3A_42 : memref<16x128xf32, #tpu.memory_space<hbm>>) target_semaphore(%run_scoped3A_40 : memref<!tpu.dma_semaphore, #tpu.memory_space<semaphore_mem>>)
        %dma_wait3A = arith.constant 0 : i32
        %dma_wait3A_46 = tpu.memref_slice %arg5[%add3A_39, %dma_wait3A] : memref<20000x128xf32, #tpu.memory_space<hbm>> -> memref<16x128xf32, #tpu.memory_space<hbm>>
        %dma_wait3A_47 = arith.constant 9984 : i32
        %dma_wait3A_48 = arith.constant 0 : i32
        %dma_wait3A_49 = tpu.memref_slice %arg10[%dma_wait3A_47, %dma_wait3A_48] : memref<10008x128xf32, #tpu.memory_space<vmem_shared>> -> memref<16x128xf32, #tpu.memory_space<vmem_shared>>
        tpu.wait_dma2 semaphore(%run_scoped3A_40 : memref<!tpu.dma_semaphore, #tpu.memory_space<semaphore_mem>>) src(%dma_wait3A_49 : memref<16x128xf32, #tpu.memory_space<vmem_shared>>) dst(%dma_wait3A_46 : memref<16x128xf32, #tpu.memory_space<hbm>>)
        tpu.yield
      }) : () -> ()
    } else {
    }
    return
  }
}

#map = affine_map<(d0, d1) -> (0, 0)>
#map1 = affine_map<(d0, d1) -> (0, 0, 0)>
module attributes {stable_mosaic.version = 14 : i64} {
  func.func @_sc_agg_body(%arg0: i32, %arg1: i32, %arg2: memref<20000x128xf32, #tpu.memory_space<hbm>>, %arg3: memref<2x1280x128xi32, #tpu.memory_space<hbm>>, %arg4: memref<1280x128xi32, #tpu.memory_space<hbm>>, %arg5: memref<20000x128xf32, #tpu.memory_space<hbm>>, %arg6: memref<2x16x128xi32, #tpu.memory_space<vmem>>, %arg7: memref<2x16x128xi32, #tpu.memory_space<vmem>>, %arg8: memref<128x128xf32, #tpu.memory_space<vmem>>, %arg9: memref<128x128xf32, #tpu.memory_space<vmem>>, %arg10: memref<10008x128xf32, #tpu.memory_space<vmem_shared>>, %arg11: memref<!tpu.dma_semaphore, #tpu.memory_space<semaphore_mem>>, %arg12: memref<!tpu.dma_semaphore, #tpu.memory_space<semaphore_mem>>, %arg13: memref<!tpu.dma_semaphore, #tpu.memory_space<semaphore_mem>>, %arg14: memref<!tpu.dma_semaphore, #tpu.memory_space<semaphore_mem>>) attributes {dimension_semantics = [#tpu.dimension_semantics<core_parallel>, #tpu.dimension_semantics<subcore_parallel>], iteration_bounds = array<i64: 2, 16>, scalar_prefetch = 0 : i64, scratch_operands = 9 : i64, tpu.core_type = #tpu.core_type<sc_vector_subcore>, window_params = [{transform_indices = #map}, {transform_indices = #map1}, {transform_indices = #map}, {transform_indices = #map}]} {
    %mul3A = arith.constant 10000 : i32
    %mul3A_0 = arith.muli %arg0, %mul3A : i32
    %mul3A_1 = arith.constant 624 : i32
    %mul3A_2 = arith.muli %arg1, %mul3A_1 : i32
    %add3A = arith.addi %mul3A_0, %mul3A_2 : i32
    %mul3A_3 = arith.constant 624 : i32
    %mul3A_4 = arith.muli %arg1, %mul3A_3 : i32
    "tpu.region"() ({
      %run_scoped3A_36 = tpu.sem_alloc : memref<!tpu.dma_semaphore, #tpu.memory_space<semaphore_mem>>
      %dma_start3A_37 = arith.constant 0 : i32
      %dma_start3A_38 = tpu.memref_slice %arg10[%mul3A_4, %dma_start3A_37] : memref<10008x128xf32, #tpu.memory_space<vmem_shared>> -> memref<624x128xf32, #tpu.memory_space<vmem_shared>>
      %dma_start3A_39 = arith.constant 0 : i32
      %dma_start3A_40 = tpu.memref_slice %arg2[%add3A, %dma_start3A_39] : memref<20000x128xf32, #tpu.memory_space<hbm>> -> memref<624x128xf32, #tpu.memory_space<hbm>>
      tpu.enqueue_dma source(%dma_start3A_40 : memref<624x128xf32, #tpu.memory_space<hbm>>) target(%dma_start3A_38 : memref<624x128xf32, #tpu.memory_space<vmem_shared>>) target_semaphore(%run_scoped3A_36 : memref<!tpu.dma_semaphore, #tpu.memory_space<semaphore_mem>>)
      %dma_wait3A = arith.constant 0 : i32
      %dma_wait3A_41 = tpu.memref_slice %arg10[%mul3A_4, %dma_wait3A] : memref<10008x128xf32, #tpu.memory_space<vmem_shared>> -> memref<624x128xf32, #tpu.memory_space<vmem_shared>>
      %dma_wait3A_42 = arith.constant 0 : i32
      %dma_wait3A_43 = tpu.memref_slice %arg2[%add3A, %dma_wait3A_42] : memref<20000x128xf32, #tpu.memory_space<hbm>> -> memref<624x128xf32, #tpu.memory_space<hbm>>
      tpu.wait_dma2 semaphore(%run_scoped3A_36 : memref<!tpu.dma_semaphore, #tpu.memory_space<semaphore_mem>>) src(%dma_wait3A_43 : memref<624x128xf32, #tpu.memory_space<hbm>>) dst(%dma_wait3A_41 : memref<624x128xf32, #tpu.memory_space<vmem_shared>>)
      tpu.yield
    }) : () -> ()
    %eq3A = arith.constant 0 : i32
    %eq3A_5 = arith.cmpi eq, %arg1, %eq3A : i32
    %convert_element_type3A = arith.extui %eq3A_5 : i1 to i32
    %cond3A = arith.constant 0 : i32
    %cond3A_6 = arith.cmpi ne, %convert_element_type3A, %cond3A : i32
    scf.if %cond3A_6 {
      %mul3A_36 = arith.constant 10000 : i32
      %mul3A_37 = arith.muli %arg0, %mul3A_36 : i32
      %add3A_38 = arith.constant 9984 : i32
      %add3A_39 = arith.addi %mul3A_37, %add3A_38 : i32
      "tpu.region"() ({
        %run_scoped3A_40 = tpu.sem_alloc : memref<!tpu.dma_semaphore, #tpu.memory_space<semaphore_mem>>
        %dma_start3A_41 = arith.constant 9984 : i32
        %dma_start3A_42 = arith.constant 0 : i32
        %dma_start3A_43 = tpu.memref_slice %arg10[%dma_start3A_41, %dma_start3A_42] : memref<10008x128xf32, #tpu.memory_space<vmem_shared>> -> memref<16x128xf32, #tpu.memory_space<vmem_shared>>
        %dma_start3A_44 = arith.constant 0 : i32
        %dma_start3A_45 = tpu.memref_slice %arg2[%add3A_39, %dma_start3A_44] : memref<20000x128xf32, #tpu.memory_space<hbm>> -> memref<16x128xf32, #tpu.memory_space<hbm>>
        tpu.enqueue_dma source(%dma_start3A_45 : memref<16x128xf32, #tpu.memory_space<hbm>>) target(%dma_start3A_43 : memref<16x128xf32, #tpu.memory_space<vmem_shared>>) target_semaphore(%run_scoped3A_40 : memref<!tpu.dma_semaphore, #tpu.memory_space<semaphore_mem>>)
        %dma_wait3A = arith.constant 9984 : i32
        %dma_wait3A_46 = arith.constant 0 : i32
        %dma_wait3A_47 = tpu.memref_slice %arg10[%dma_wait3A, %dma_wait3A_46] : memref<10008x128xf32, #tpu.memory_space<vmem_shared>> -> memref<16x128xf32, #tpu.memory_space<vmem_shared>>
        %dma_wait3A_48 = arith.constant 0 : i32
        %dma_wait3A_49 = tpu.memref_slice %arg2[%add3A_39, %dma_wait3A_48] : memref<20000x128xf32, #tpu.memory_space<hbm>> -> memref<16x128xf32, #tpu.memory_space<hbm>>
        tpu.wait_dma2 semaphore(%run_scoped3A_40 : memref<!tpu.dma_semaphore, #tpu.memory_space<semaphore_mem>>) src(%dma_wait3A_49 : memref<16x128xf32, #tpu.memory_space<hbm>>) dst(%dma_wait3A_47 : memref<16x128xf32, #tpu.memory_space<vmem_shared>>)
        tpu.yield
      }) : () -> ()
    } else {
    }
    %mul3A_7 = arith.constant 80 : i32
    %mul3A_8 = arith.muli %arg1, %mul3A_7 : i32
    %run_scoped3A = arith.constant 0 : i32
    "tpu.region"() ({
      %run_scoped3A_36 = tpu.sem_alloc : memref<!tpu.dma_semaphore, #tpu.memory_space<semaphore_mem>>
      %dma_start3A_37 = arith.constant 0 : i32
      %dma_start3A_38 = arith.constant 0 : i32
      %dma_start3A_39 = tpu.memref_slice %arg6[%run_scoped3A, %dma_start3A_37, %dma_start3A_38] : memref<2x16x128xi32, #tpu.memory_space<vmem>> -> memref<1x16x128xi32, #tpu.memory_space<vmem>>
      %dma_start3A_40 = tpu.memref_squeeze %dma_start3A_39 : memref<1x16x128xi32, #tpu.memory_space<vmem>> -> memref<16x128xi32, #tpu.memory_space<vmem>>
      %dma_start3A_41 = arith.constant 0 : i32
      %dma_start3A_42 = tpu.memref_slice %arg3[%arg0, %mul3A_8, %dma_start3A_41] : memref<2x1280x128xi32, #tpu.memory_space<hbm>> -> memref<1x16x128xi32, #tpu.memory_space<hbm>>
      %dma_start3A_43 = tpu.memref_squeeze %dma_start3A_42 : memref<1x16x128xi32, #tpu.memory_space<hbm>> -> memref<16x128xi32, #tpu.memory_space<hbm>>
      %dma_start3A_44 = arith.constant 0 : i32
      %dma_start3A_45 = arith.constant 0 : i32
      %dma_start3A_46 = tpu.memref_slice %arg6[%run_scoped3A, %dma_start3A_44, %dma_start3A_45] : memref<2x16x128xi32, #tpu.memory_space<vmem>> -> memref<1x16x128xi32, #tpu.memory_space<vmem>>
      %dma_start3A_47 = tpu.memref_squeeze %dma_start3A_46 : memref<1x16x128xi32, #tpu.memory_space<vmem>> -> memref<16x128xi32, #tpu.memory_space<vmem>>
      %dma_start3A_48 = arith.constant 0 : i32
      %dma_start3A_49 = tpu.memref_slice %arg3[%arg0, %mul3A_8, %dma_start3A_48] : memref<2x1280x128xi32, #tpu.memory_space<hbm>> -> memref<1x16x128xi32, #tpu.memory_space<hbm>>
      %dma_start3A_50 = tpu.memref_squeeze %dma_start3A_49 : memref<1x16x128xi32, #tpu.memory_space<hbm>> -> memref<16x128xi32, #tpu.memory_space<hbm>>
      tpu.enqueue_dma source(%dma_start3A_50 : memref<16x128xi32, #tpu.memory_space<hbm>>) target(%dma_start3A_47 : memref<16x128xi32, #tpu.memory_space<vmem>>) target_semaphore(%run_scoped3A_36 : memref<!tpu.dma_semaphore, #tpu.memory_space<semaphore_mem>>)
      %dma_wait3A = arith.constant 0 : i32
      %dma_wait3A_51 = arith.constant 0 : i32
      %dma_wait3A_52 = tpu.memref_slice %arg6[%run_scoped3A, %dma_wait3A, %dma_wait3A_51] : memref<2x16x128xi32, #tpu.memory_space<vmem>> -> memref<1x16x128xi32, #tpu.memory_space<vmem>>
      %dma_wait3A_53 = tpu.memref_squeeze %dma_wait3A_52 : memref<1x16x128xi32, #tpu.memory_space<vmem>> -> memref<16x128xi32, #tpu.memory_space<vmem>>
      %dma_wait3A_54 = arith.constant 0 : i32
      %dma_wait3A_55 = tpu.memref_slice %arg3[%arg0, %mul3A_8, %dma_wait3A_54] : memref<2x1280x128xi32, #tpu.memory_space<hbm>> -> memref<1x16x128xi32, #tpu.memory_space<hbm>>
      %dma_wait3A_56 = tpu.memref_squeeze %dma_wait3A_55 : memref<1x16x128xi32, #tpu.memory_space<hbm>> -> memref<16x128xi32, #tpu.memory_space<hbm>>
      %dma_wait3A_57 = arith.constant 0 : i32
      %dma_wait3A_58 = arith.constant 0 : i32
      %dma_wait3A_59 = tpu.memref_slice %arg6[%run_scoped3A, %dma_wait3A_57, %dma_wait3A_58] : memref<2x16x128xi32, #tpu.memory_space<vmem>> -> memref<1x16x128xi32, #tpu.memory_space<vmem>>
      %dma_wait3A_60 = tpu.memref_squeeze %dma_wait3A_59 : memref<1x16x128xi32, #tpu.memory_space<vmem>> -> memref<16x128xi32, #tpu.memory_space<vmem>>
      %dma_wait3A_61 = arith.constant 0 : i32
      %dma_wait3A_62 = tpu.memref_slice %arg3[%arg0, %mul3A_8, %dma_wait3A_61] : memref<2x1280x128xi32, #tpu.memory_space<hbm>> -> memref<1x16x128xi32, #tpu.memory_space<hbm>>
      %dma_wait3A_63 = tpu.memref_squeeze %dma_wait3A_62 : memref<1x16x128xi32, #tpu.memory_space<hbm>> -> memref<16x128xi32, #tpu.memory_space<hbm>>
      tpu.wait_dma2 semaphore(%run_scoped3A_36 : memref<!tpu.dma_semaphore, #tpu.memory_space<semaphore_mem>>) src(%dma_wait3A_63 : memref<16x128xi32, #tpu.memory_space<hbm>>) dst(%dma_wait3A_60 : memref<16x128xi32, #tpu.memory_space<vmem>>)
      tpu.yield
    }) : () -> ()
    %run_scoped3A_9 = arith.constant 0 : i32
    "tpu.region"() ({
      %run_scoped3A_36 = tpu.sem_alloc : memref<!tpu.dma_semaphore, #tpu.memory_space<semaphore_mem>>
      %dma_start3A_37 = arith.constant 0 : i32
      %dma_start3A_38 = arith.constant 0 : i32
      %dma_start3A_39 = tpu.memref_slice %arg7[%run_scoped3A_9, %dma_start3A_37, %dma_start3A_38] : memref<2x16x128xi32, #tpu.memory_space<vmem>> -> memref<1x16x128xi32, #tpu.memory_space<vmem>>
      %dma_start3A_40 = tpu.memref_squeeze %dma_start3A_39 : memref<1x16x128xi32, #tpu.memory_space<vmem>> -> memref<16x128xi32, #tpu.memory_space<vmem>>
      %dma_start3A_41 = arith.constant 0 : i32
      %dma_start3A_42 = tpu.memref_slice %arg4[%mul3A_8, %dma_start3A_41] : memref<1280x128xi32, #tpu.memory_space<hbm>> -> memref<16x128xi32, #tpu.memory_space<hbm>>
      %dma_start3A_43 = arith.constant 0 : i32
      %dma_start3A_44 = arith.constant 0 : i32
      %dma_start3A_45 = tpu.memref_slice %arg7[%run_scoped3A_9, %dma_start3A_43, %dma_start3A_44] : memref<2x16x128xi32, #tpu.memory_space<vmem>> -> memref<1x16x128xi32, #tpu.memory_space<vmem>>
      %dma_start3A_46 = tpu.memref_squeeze %dma_start3A_45 : memref<1x16x128xi32, #tpu.memory_space<vmem>> -> memref<16x128xi32, #tpu.memory_space<vmem>>
      %dma_start3A_47 = arith.constant 0 : i32
      %dma_start3A_48 = tpu.memref_slice %arg4[%mul3A_8, %dma_start3A_47] : memref<1280x128xi32, #tpu.memory_space<hbm>> -> memref<16x128xi32, #tpu.memory_space<hbm>>
      tpu.enqueue_dma source(%dma_start3A_48 : memref<16x128xi32, #tpu.memory_space<hbm>>) target(%dma_start3A_46 : memref<16x128xi32, #tpu.memory_space<vmem>>) target_semaphore(%run_scoped3A_36 : memref<!tpu.dma_semaphore, #tpu.memory_space<semaphore_mem>>)
      %dma_wait3A = arith.constant 0 : i32
      %dma_wait3A_49 = arith.constant 0 : i32
      %dma_wait3A_50 = tpu.memref_slice %arg7[%run_scoped3A_9, %dma_wait3A, %dma_wait3A_49] : memref<2x16x128xi32, #tpu.memory_space<vmem>> -> memref<1x16x128xi32, #tpu.memory_space<vmem>>
      %dma_wait3A_51 = tpu.memref_squeeze %dma_wait3A_50 : memref<1x16x128xi32, #tpu.memory_space<vmem>> -> memref<16x128xi32, #tpu.memory_space<vmem>>
      %dma_wait3A_52 = arith.constant 0 : i32
      %dma_wait3A_53 = tpu.memref_slice %arg4[%mul3A_8, %dma_wait3A_52] : memref<1280x128xi32, #tpu.memory_space<hbm>> -> memref<16x128xi32, #tpu.memory_space<hbm>>
      %dma_wait3A_54 = arith.constant 0 : i32
      %dma_wait3A_55 = arith.constant 0 : i32
      %dma_wait3A_56 = tpu.memref_slice %arg7[%run_scoped3A_9, %dma_wait3A_54, %dma_wait3A_55] : memref<2x16x128xi32, #tpu.memory_space<vmem>> -> memref<1x16x128xi32, #tpu.memory_space<vmem>>
      %dma_wait3A_57 = tpu.memref_squeeze %dma_wait3A_56 : memref<1x16x128xi32, #tpu.memory_space<vmem>> -> memref<16x128xi32, #tpu.memory_space<vmem>>
      %dma_wait3A_58 = arith.constant 0 : i32
      %dma_wait3A_59 = tpu.memref_slice %arg4[%mul3A_8, %dma_wait3A_58] : memref<1280x128xi32, #tpu.memory_space<hbm>> -> memref<16x128xi32, #tpu.memory_space<hbm>>
      tpu.wait_dma2 semaphore(%run_scoped3A_36 : memref<!tpu.dma_semaphore, #tpu.memory_space<semaphore_mem>>) src(%dma_wait3A_59 : memref<16x128xi32, #tpu.memory_space<hbm>>) dst(%dma_wait3A_57 : memref<16x128xi32, #tpu.memory_space<vmem>>)
      tpu.yield
    }) : () -> ()
    %barrier3A = arith.constant 0 : index
    tpu.barrier barrier_id(%barrier3A)
    %dma_start3A = arith.constant 0 : i32
    %dma_start3A_10 = arith.constant 0 : i32
    %dma_start3A_11 = arith.constant 0 : i32
    %dma_start3A_12 = tpu.memref_slice %arg6[%dma_start3A, %dma_start3A_10, %dma_start3A_11] : memref<2x16x128xi32, #tpu.memory_space<vmem>> -> memref<1x1x128xi32, #tpu.memory_space<vmem>>
    %dma_start3A_13 = tpu.memref_squeeze %dma_start3A_12 : memref<1x1x128xi32, #tpu.memory_space<vmem>> -> memref<128xi32, #tpu.memory_space<vmem>>
    %dma_start3A_14 = arith.constant 0 : i32
    %dma_start3A_15 = arith.constant 0 : i32
    %dma_start3A_16 = tpu.memref_slice %arg2[%dma_start3A_14, %dma_start3A_15] : memref<20000x128xf32, #tpu.memory_space<hbm>> -> memref<20000x128xf32, #tpu.memory_space<hbm>>
    tpu.enqueue_indirect_dma source(%dma_start3A_16 : memref<20000x128xf32, #tpu.memory_space<hbm>>) target(%arg8 : memref<128x128xf32, #tpu.memory_space<vmem>>) offsets(%dma_start3A_13 : memref<128xi32, #tpu.memory_space<vmem>>) semaphore(%arg11 : memref<!tpu.dma_semaphore, #tpu.memory_space<semaphore_mem>>)
    %scan3A = arith.constant 0 : i32
    %scan3A_17 = arith.constant 0 : i32
    %scan3A_18 = arith.constant 5 : i32
    %scan3A_19 = arith.addi %scan3A_17, %scan3A_18 : i32
    %scan3A_20 = arith.constant 1 : i32
    %scan3A_21 = scf.for %scan3A_36 = %scan3A_17 to %scan3A_19 step %scan3A_20 iter_args(%scan3A_37 = %scan3A) -> (i32)  : i32 {
      %jit3A = arith.constant 2 : i32
      %eq3A_38 = arith.constant 0 : i32
      %eq3A_39 = arith.cmpi eq, %jit3A, %eq3A_38 : i32
      %jit3A_40 = arith.constant 1 : i32
      %select_n3A = arith.select %eq3A_39, %jit3A_40, %jit3A : i32
      %rem3A = arith.remsi %scan3A_36, %select_n3A : i32
      %ne3A = arith.constant 0 : i32
      %ne3A_41 = arith.cmpi ne, %rem3A, %ne3A : i32
      %lt3A = arith.constant 0 : i32
      %lt3A_42 = arith.cmpi slt, %rem3A, %lt3A : i32
      %lt3A_43 = arith.constant 0 : i32
      %lt3A_44 = arith.cmpi slt, %select_n3A, %lt3A_43 : i32
      %ne3A_45 = arith.xori %lt3A_42, %lt3A_44 : i1
      %and3A = arith.andi %ne3A_45, %ne3A_41 : i1
      %add3A_46 = arith.addi %rem3A, %select_n3A : i32
      %select_n3A_47 = arith.select %and3A, %add3A_46, %rem3A : i32
      %lt3A_48 = arith.constant 4 : i32
      %lt3A_49 = arith.cmpi slt, %scan3A_36, %lt3A_48 : i32
      %convert_element_type3A_50 = arith.extui %lt3A_49 : i1 to i32
      %cond3A_51 = arith.constant 0 : i32
      %cond3A_52 = arith.cmpi ne, %convert_element_type3A_50, %cond3A_51 : i32
      scf.if %cond3A_52 {
        %add3A_61 = arith.constant 1 : i32
        %add3A_62 = arith.addi %scan3A_36, %add3A_61 : i32
        %mul3A_63 = arith.constant 16 : i32
        %mul3A_64 = arith.muli %add3A_62, %mul3A_63 : i32
        %add3A_65 = arith.addi %mul3A_8, %mul3A_64 : i32
        %sub3A = arith.constant 1 : i32
        %sub3A_66 = arith.subi %sub3A, %select_n3A_47 : i32
        %dma_start3A_67 = arith.constant 0 : i32
        %dma_start3A_68 = arith.constant 0 : i32
        %dma_start3A_69 = tpu.memref_slice %arg6[%sub3A_66, %dma_start3A_67, %dma_start3A_68] : memref<2x16x128xi32, #tpu.memory_space<vmem>> -> memref<1x16x128xi32, #tpu.memory_space<vmem>>
        %dma_start3A_70 = tpu.memref_squeeze %dma_start3A_69 : memref<1x16x128xi32, #tpu.memory_space<vmem>> -> memref<16x128xi32, #tpu.memory_space<vmem>>
        %dma_start3A_71 = arith.constant 0 : i32
        %dma_start3A_72 = tpu.memref_slice %arg3[%arg0, %add3A_65, %dma_start3A_71] : memref<2x1280x128xi32, #tpu.memory_space<hbm>> -> memref<1x16x128xi32, #tpu.memory_space<hbm>>
        %dma_start3A_73 = tpu.memref_squeeze %dma_start3A_72 : memref<1x16x128xi32, #tpu.memory_space<hbm>> -> memref<16x128xi32, #tpu.memory_space<hbm>>
        %dma_start3A_74 = arith.constant 0 : i32
        %dma_start3A_75 = arith.constant 0 : i32
        %dma_start3A_76 = tpu.memref_slice %arg6[%sub3A_66, %dma_start3A_74, %dma_start3A_75] : memref<2x16x128xi32, #tpu.memory_space<vmem>> -> memref<1x16x128xi32, #tpu.memory_space<vmem>>
        %dma_start3A_77 = tpu.memref_squeeze %dma_start3A_76 : memref<1x16x128xi32, #tpu.memory_space<vmem>> -> memref<16x128xi32, #tpu.memory_space<vmem>>
        %dma_start3A_78 = arith.constant 0 : i32
        %dma_start3A_79 = tpu.memref_slice %arg3[%arg0, %add3A_65, %dma_start3A_78] : memref<2x1280x128xi32, #tpu.memory_space<hbm>> -> memref<1x16x128xi32, #tpu.memory_space<hbm>>
        %dma_start3A_80 = tpu.memref_squeeze %dma_start3A_79 : memref<1x16x128xi32, #tpu.memory_space<hbm>> -> memref<16x128xi32, #tpu.memory_space<hbm>>
        tpu.enqueue_dma source(%dma_start3A_80 : memref<16x128xi32, #tpu.memory_space<hbm>>) target(%dma_start3A_77 : memref<16x128xi32, #tpu.memory_space<vmem>>) target_semaphore(%arg13 : memref<!tpu.dma_semaphore, #tpu.memory_space<semaphore_mem>>)
        %add3A_81 = arith.constant 1 : i32
        %add3A_82 = arith.addi %scan3A_36, %add3A_81 : i32
        %mul3A_83 = arith.constant 16 : i32
        %mul3A_84 = arith.muli %add3A_82, %mul3A_83 : i32
        %add3A_85 = arith.addi %mul3A_8, %mul3A_84 : i32
        %sub3A_86 = arith.constant 1 : i32
        %sub3A_87 = arith.subi %sub3A_86, %select_n3A_47 : i32
        %dma_start3A_88 = arith.constant 0 : i32
        %dma_start3A_89 = arith.constant 0 : i32
        %dma_start3A_90 = tpu.memref_slice %arg7[%sub3A_87, %dma_start3A_88, %dma_start3A_89] : memref<2x16x128xi32, #tpu.memory_space<vmem>> -> memref<1x16x128xi32, #tpu.memory_space<vmem>>
        %dma_start3A_91 = tpu.memref_squeeze %dma_start3A_90 : memref<1x16x128xi32, #tpu.memory_space<vmem>> -> memref<16x128xi32, #tpu.memory_space<vmem>>
        %dma_start3A_92 = arith.constant 0 : i32
        %dma_start3A_93 = tpu.memref_slice %arg4[%add3A_85, %dma_start3A_92] : memref<1280x128xi32, #tpu.memory_space<hbm>> -> memref<16x128xi32, #tpu.memory_space<hbm>>
        %dma_start3A_94 = arith.constant 0 : i32
        %dma_start3A_95 = arith.constant 0 : i32
        %dma_start3A_96 = tpu.memref_slice %arg7[%sub3A_87, %dma_start3A_94, %dma_start3A_95] : memref<2x16x128xi32, #tpu.memory_space<vmem>> -> memref<1x16x128xi32, #tpu.memory_space<vmem>>
        %dma_start3A_97 = tpu.memref_squeeze %dma_start3A_96 : memref<1x16x128xi32, #tpu.memory_space<vmem>> -> memref<16x128xi32, #tpu.memory_space<vmem>>
        %dma_start3A_98 = arith.constant 0 : i32
        %dma_start3A_99 = tpu.memref_slice %arg4[%add3A_85, %dma_start3A_98] : memref<1280x128xi32, #tpu.memory_space<hbm>> -> memref<16x128xi32, #tpu.memory_space<hbm>>
        tpu.enqueue_dma source(%dma_start3A_99 : memref<16x128xi32, #tpu.memory_space<hbm>>) target(%dma_start3A_97 : memref<16x128xi32, #tpu.memory_space<vmem>>) target_semaphore(%arg14 : memref<!tpu.dma_semaphore, #tpu.memory_space<semaphore_mem>>)
      } else {
      }
      %scan3A_53 = arith.constant 0 : i32
      %scan3A_54 = arith.constant 0 : i32
      %scan3A_55 = arith.constant 8 : i32
      %scan3A_56 = arith.addi %scan3A_54, %scan3A_55 : i32
      %scan3A_57 = arith.constant 1 : i32
      %scan3A_58 = scf.for %scan3A_61 = %scan3A_54 to %scan3A_56 step %scan3A_57 iter_args(%scan3A_62 = %scan3A_53) -> (i32)  : i32 {
        %mul3A_63 = arith.constant 2 : i32
        %mul3A_64 = arith.muli %mul3A_63, %scan3A_61 : i32
        %add3A_65 = arith.constant 1 : i32
        %add3A_66 = arith.addi %mul3A_64, %add3A_65 : i32
        %dma_start3A_67 = arith.constant 0 : i32
        %dma_start3A_68 = tpu.memref_slice %arg6[%select_n3A_47, %add3A_66, %dma_start3A_67] : memref<2x16x128xi32, #tpu.memory_space<vmem>> -> memref<1x1x128xi32, #tpu.memory_space<vmem>>
        %dma_start3A_69 = tpu.memref_squeeze %dma_start3A_68 : memref<1x1x128xi32, #tpu.memory_space<vmem>> -> memref<128xi32, #tpu.memory_space<vmem>>
        %dma_start3A_70 = arith.constant 0 : i32
        %dma_start3A_71 = arith.constant 0 : i32
        %dma_start3A_72 = tpu.memref_slice %arg2[%dma_start3A_70, %dma_start3A_71] : memref<20000x128xf32, #tpu.memory_space<hbm>> -> memref<20000x128xf32, #tpu.memory_space<hbm>>
        tpu.enqueue_indirect_dma source(%dma_start3A_72 : memref<20000x128xf32, #tpu.memory_space<hbm>>) target(%arg9 : memref<128x128xf32, #tpu.memory_space<vmem>>) offsets(%dma_start3A_69 : memref<128xi32, #tpu.memory_space<vmem>>) semaphore(%arg12 : memref<!tpu.dma_semaphore, #tpu.memory_space<semaphore_mem>>)
        %dma_wait3A = arith.constant 0 : i32
        %dma_wait3A_73 = tpu.memref_slice %arg6[%select_n3A_47, %mul3A_64, %dma_wait3A] : memref<2x16x128xi32, #tpu.memory_space<vmem>> -> memref<1x1x128xi32, #tpu.memory_space<vmem>>
        %dma_wait3A_74 = tpu.memref_squeeze %dma_wait3A_73 : memref<1x1x128xi32, #tpu.memory_space<vmem>> -> memref<128xi32, #tpu.memory_space<vmem>>
        %dma_wait3A_75 = arith.constant 0 : i32
        %dma_wait3A_76 = arith.constant 0 : i32
        %dma_wait3A_77 = tpu.memref_slice %arg2[%dma_wait3A_75, %dma_wait3A_76] : memref<20000x128xf32, #tpu.memory_space<hbm>> -> memref<20000x128xf32, #tpu.memory_space<hbm>>
        tpu.wait_indirect_dma semaphore(%arg11 : memref<!tpu.dma_semaphore, #tpu.memory_space<semaphore_mem>>) src(%dma_wait3A_77 : memref<20000x128xf32, #tpu.memory_space<hbm>>) dst(%arg8 : memref<128x128xf32, #tpu.memory_space<vmem>>)
        "tpu.region"() ({
          %run_scoped3A_100 = tpu.sem_alloc : memref<!tpu.dma_semaphore, #tpu.memory_space<semaphore_mem>>
          %dma_start3A_101 = arith.constant 0 : i32
          %dma_start3A_102 = tpu.memref_slice %arg7[%select_n3A_47, %mul3A_64, %dma_start3A_101] : memref<2x16x128xi32, #tpu.memory_space<vmem>> -> memref<1x1x128xi32, #tpu.memory_space<vmem>>
          %dma_start3A_103 = tpu.memref_squeeze %dma_start3A_102 : memref<1x1x128xi32, #tpu.memory_space<vmem>> -> memref<128xi32, #tpu.memory_space<vmem>>
          %dma_start3A_104 = arith.constant 0 : i32
          %dma_start3A_105 = arith.constant 0 : i32
          %dma_start3A_106 = tpu.memref_slice %arg10[%dma_start3A_104, %dma_start3A_105] : memref<10008x128xf32, #tpu.memory_space<vmem_shared>> -> memref<10008x128xf32, #tpu.memory_space<vmem_shared>>
          tpu.enqueue_indirect_dma source(%arg8 : memref<128x128xf32, #tpu.memory_space<vmem>>) target(%dma_start3A_106 : memref<10008x128xf32, #tpu.memory_space<vmem_shared>>) offsets(%dma_start3A_103 : memref<128xi32, #tpu.memory_space<vmem>>) semaphore(%run_scoped3A_100 : memref<!tpu.dma_semaphore, #tpu.memory_space<semaphore_mem>>) {add = true}
          %dma_wait3A_107 = arith.constant 0 : i32
          %dma_wait3A_108 = tpu.memref_slice %arg7[%select_n3A_47, %mul3A_64, %dma_wait3A_107] : memref<2x16x128xi32, #tpu.memory_space<vmem>> -> memref<1x1x128xi32, #tpu.memory_space<vmem>>
          %dma_wait3A_109 = tpu.memref_squeeze %dma_wait3A_108 : memref<1x1x128xi32, #tpu.memory_space<vmem>> -> memref<128xi32, #tpu.memory_space<vmem>>
          %dma_wait3A_110 = arith.constant 0 : i32
          %dma_wait3A_111 = arith.constant 0 : i32
          %dma_wait3A_112 = tpu.memref_slice %arg10[%dma_wait3A_110, %dma_wait3A_111] : memref<10008x128xf32, #tpu.memory_space<vmem_shared>> -> memref<10008x128xf32, #tpu.memory_space<vmem_shared>>
          tpu.wait_indirect_dma semaphore(%run_scoped3A_100 : memref<!tpu.dma_semaphore, #tpu.memory_space<semaphore_mem>>) src(%arg8 : memref<128x128xf32, #tpu.memory_space<vmem>>) dst(%dma_wait3A_112 : memref<10008x128xf32, #tpu.memory_space<vmem_shared>>)
          tpu.yield
        }) : () -> ()
        %add3A_78 = arith.constant 1 : i32
        %add3A_79 = arith.addi %mul3A_64, %add3A_78 : i32
        %lt3A_80 = arith.constant 7 : i32
        %lt3A_81 = arith.cmpi slt, %scan3A_61, %lt3A_80 : i32
        %convert_element_type3A_82 = arith.extui %lt3A_81 : i1 to i32
        %cond3A_83 = arith.constant 0 : i32
        %cond3A_84 = arith.cmpi ne, %convert_element_type3A_82, %cond3A_83 : i32
        scf.if %cond3A_84 {
          %add3A_100 = arith.constant 1 : i32
          %add3A_101 = arith.addi %add3A_79, %add3A_100 : i32
          %dma_start3A_102 = arith.constant 0 : i32
          %dma_start3A_103 = tpu.memref_slice %arg6[%select_n3A_47, %add3A_101, %dma_start3A_102] : memref<2x16x128xi32, #tpu.memory_space<vmem>> -> memref<1x1x128xi32, #tpu.memory_space<vmem>>
          %dma_start3A_104 = tpu.memref_squeeze %dma_start3A_103 : memref<1x1x128xi32, #tpu.memory_space<vmem>> -> memref<128xi32, #tpu.memory_space<vmem>>
          %dma_start3A_105 = arith.constant 0 : i32
          %dma_start3A_106 = arith.constant 0 : i32
          %dma_start3A_107 = tpu.memref_slice %arg2[%dma_start3A_105, %dma_start3A_106] : memref<20000x128xf32, #tpu.memory_space<hbm>> -> memref<20000x128xf32, #tpu.memory_space<hbm>>
          tpu.enqueue_indirect_dma source(%dma_start3A_107 : memref<20000x128xf32, #tpu.memory_space<hbm>>) target(%arg8 : memref<128x128xf32, #tpu.memory_space<vmem>>) offsets(%dma_start3A_104 : memref<128xi32, #tpu.memory_space<vmem>>) semaphore(%arg11 : memref<!tpu.dma_semaphore, #tpu.memory_space<semaphore_mem>>)
        } else {
        }
        %eq3A_85 = arith.constant 7 : i32
        %eq3A_86 = arith.cmpi eq, %scan3A_61, %eq3A_85 : i32
        %lt3A_87 = arith.constant 4 : i32
        %lt3A_88 = arith.cmpi slt, %scan3A_36, %lt3A_87 : i32
        %and3A_89 = arith.andi %eq3A_86, %lt3A_88 : i1
        %convert_element_type3A_90 = arith.extui %and3A_89 : i1 to i32
        %cond3A_91 = arith.constant 0 : i32
        %cond3A_92 = arith.cmpi ne, %convert_element_type3A_90, %cond3A_91 : i32
        scf.if %cond3A_92 {
          %add3A_100 = arith.constant 1 : i32
          %add3A_101 = arith.addi %scan3A_36, %add3A_100 : i32
          %mul3A_102 = arith.constant 16 : i32
          %mul3A_103 = arith.muli %add3A_101, %mul3A_102 : i32
          %add3A_104 = arith.addi %mul3A_8, %mul3A_103 : i32
          %sub3A = arith.constant 1 : i32
          %sub3A_105 = arith.subi %sub3A, %select_n3A_47 : i32
          %dma_wait3A_106 = arith.constant 0 : i32
          %dma_wait3A_107 = arith.constant 0 : i32
          %dma_wait3A_108 = tpu.memref_slice %arg6[%sub3A_105, %dma_wait3A_106, %dma_wait3A_107] : memref<2x16x128xi32, #tpu.memory_space<vmem>> -> memref<1x16x128xi32, #tpu.memory_space<vmem>>
          %dma_wait3A_109 = tpu.memref_squeeze %dma_wait3A_108 : memref<1x16x128xi32, #tpu.memory_space<vmem>> -> memref<16x128xi32, #tpu.memory_space<vmem>>
          %dma_wait3A_110 = arith.constant 0 : i32
          %dma_wait3A_111 = tpu.memref_slice %arg3[%arg0, %add3A_104, %dma_wait3A_110] : memref<2x1280x128xi32, #tpu.memory_space<hbm>> -> memref<1x16x128xi32, #tpu.memory_space<hbm>>
          %dma_wait3A_112 = tpu.memref_squeeze %dma_wait3A_111 : memref<1x16x128xi32, #tpu.memory_space<hbm>> -> memref<16x128xi32, #tpu.memory_space<hbm>>
          %dma_wait3A_113 = arith.constant 0 : i32
          %dma_wait3A_114 = arith.constant 0 : i32
          %dma_wait3A_115 = tpu.memref_slice %arg6[%sub3A_105, %dma_wait3A_113, %dma_wait3A_114] : memref<2x16x128xi32, #tpu.memory_space<vmem>> -> memref<1x16x128xi32, #tpu.memory_space<vmem>>
          %dma_wait3A_116 = tpu.memref_squeeze %dma_wait3A_115 : memref<1x16x128xi32, #tpu.memory_space<vmem>> -> memref<16x128xi32, #tpu.memory_space<vmem>>
          %dma_wait3A_117 = arith.constant 0 : i32
          %dma_wait3A_118 = tpu.memref_slice %arg3[%arg0, %add3A_104, %dma_wait3A_117] : memref<2x1280x128xi32, #tpu.memory_space<hbm>> -> memref<1x16x128xi32, #tpu.memory_space<hbm>>
          %dma_wait3A_119 = tpu.memref_squeeze %dma_wait3A_118 : memref<1x16x128xi32, #tpu.memory_space<hbm>> -> memref<16x128xi32, #tpu.memory_space<hbm>>
          tpu.wait_dma2 semaphore(%arg13 : memref<!tpu.dma_semaphore, #tpu.memory_space<semaphore_mem>>) src(%dma_wait3A_119 : memref<16x128xi32, #tpu.memory_space<hbm>>) dst(%dma_wait3A_116 : memref<16x128xi32, #tpu.memory_space<vmem>>)
          %add3A_120 = arith.constant 1 : i32
          %add3A_121 = arith.addi %scan3A_36, %add3A_120 : i32
          %mul3A_122 = arith.constant 16 : i32
          %mul3A_123 = arith.muli %add3A_121, %mul3A_122 : i32
          %add3A_124 = arith.addi %mul3A_8, %mul3A_123 : i32
          %sub3A_125 = arith.constant 1 : i32
          %sub3A_126 = arith.subi %sub3A_125, %select_n3A_47 : i32
          %dma_wait3A_127 = arith.constant 0 : i32
          %dma_wait3A_128 = arith.constant 0 : i32
          %dma_wait3A_129 = tpu.memref_slice %arg7[%sub3A_126, %dma_wait3A_127, %dma_wait3A_128] : memref<2x16x128xi32, #tpu.memory_space<vmem>> -> memref<1x16x128xi32, #tpu.memory_space<vmem>>
          %dma_wait3A_130 = tpu.memref_squeeze %dma_wait3A_129 : memref<1x16x128xi32, #tpu.memory_space<vmem>> -> memref<16x128xi32, #tpu.memory_space<vmem>>
          %dma_wait3A_131 = arith.constant 0 : i32
          %dma_wait3A_132 = tpu.memref_slice %arg4[%add3A_124, %dma_wait3A_131] : memref<1280x128xi32, #tpu.memory_space<hbm>> -> memref<16x128xi32, #tpu.memory_space<hbm>>
          %dma_wait3A_133 = arith.constant 0 : i32
          %dma_wait3A_134 = arith.constant 0 : i32
          %dma_wait3A_135 = tpu.memref_slice %arg7[%sub3A_126, %dma_wait3A_133, %dma_wait3A_134] : memref<2x16x128xi32, #tpu.memory_space<vmem>> -> memref<1x16x128xi32, #tpu.memory_space<vmem>>
          %dma_wait3A_136 = tpu.memref_squeeze %dma_wait3A_135 : memref<1x16x128xi32, #tpu.memory_space<vmem>> -> memref<16x128xi32, #tpu.memory_space<vmem>>
          %dma_wait3A_137 = arith.constant 0 : i32
          %dma_wait3A_138 = tpu.memref_slice %arg4[%add3A_124, %dma_wait3A_137] : memref<1280x128xi32, #tpu.memory_space<hbm>> -> memref<16x128xi32, #tpu.memory_space<hbm>>
          tpu.wait_dma2 semaphore(%arg14 : memref<!tpu.dma_semaphore, #tpu.memory_space<semaphore_mem>>) src(%dma_wait3A_138 : memref<16x128xi32, #tpu.memory_space<hbm>>) dst(%dma_wait3A_136 : memref<16x128xi32, #tpu.memory_space<vmem>>)
          %sub3A_139 = arith.constant 1 : i32
          %sub3A_140 = arith.subi %sub3A_139, %select_n3A_47 : i32
          %dma_start3A_141 = arith.constant 0 : i32
          %dma_start3A_142 = arith.constant 0 : i32
          %dma_start3A_143 = tpu.memref_slice %arg6[%sub3A_140, %dma_start3A_141, %dma_start3A_142] : memref<2x16x128xi32, #tpu.memory_space<vmem>> -> memref<1x1x128xi32, #tpu.memory_space<vmem>>
          %dma_start3A_144 = tpu.memref_squeeze %dma_start3A_143 : memref<1x1x128xi32, #tpu.memory_space<vmem>> -> memref<128xi32, #tpu.memory_space<vmem>>
          %dma_start3A_145 = arith.constant 0 : i32
          %dma_start3A_146 = arith.constant 0 : i32
          %dma_start3A_147 = tpu.memref_slice %arg2[%dma_start3A_145, %dma_start3A_146] : memref<20000x128xf32, #tpu.memory_space<hbm>> -> memref<20000x128xf32, #tpu.memory_space<hbm>>
          tpu.enqueue_indirect_dma source(%dma_start3A_147 : memref<20000x128xf32, #tpu.memory_space<hbm>>) target(%arg8 : memref<128x128xf32, #tpu.memory_space<vmem>>) offsets(%dma_start3A_144 : memref<128xi32, #tpu.memory_space<vmem>>) semaphore(%arg11 : memref<!tpu.dma_semaphore, #tpu.memory_space<semaphore_mem>>)
        } else {
        }
        %dma_wait3A_93 = arith.constant 0 : i32
        %dma_wait3A_94 = tpu.memref_slice %arg6[%select_n3A_47, %add3A_79, %dma_wait3A_93] : memref<2x16x128xi32, #tpu.memory_space<vmem>> -> memref<1x1x128xi32, #tpu.memory_space<vmem>>
        %dma_wait3A_95 = tpu.memref_squeeze %dma_wait3A_94 : memref<1x1x128xi32, #tpu.memory_space<vmem>> -> memref<128xi32, #tpu.memory_space<vmem>>
        %dma_wait3A_96 = arith.constant 0 : i32
        %dma_wait3A_97 = arith.constant 0 : i32
        %dma_wait3A_98 = tpu.memref_slice %arg2[%dma_wait3A_96, %dma_wait3A_97] : memref<20000x128xf32, #tpu.memory_space<hbm>> -> memref<20000x128xf32, #tpu.memory_space<hbm>>
        tpu.wait_indirect_dma semaphore(%arg12 : memref<!tpu.dma_semaphore, #tpu.memory_space<semaphore_mem>>) src(%dma_wait3A_98 : memref<20000x128xf32, #tpu.memory_space<hbm>>) dst(%arg9 : memref<128x128xf32, #tpu.memory_space<vmem>>)
        "tpu.region"() ({
          %run_scoped3A_100 = tpu.sem_alloc : memref<!tpu.dma_semaphore, #tpu.memory_space<semaphore_mem>>
          %dma_start3A_101 = arith.constant 0 : i32
          %dma_start3A_102 = tpu.memref_slice %arg7[%select_n3A_47, %add3A_79, %dma_start3A_101] : memref<2x16x128xi32, #tpu.memory_space<vmem>> -> memref<1x1x128xi32, #tpu.memory_space<vmem>>
          %dma_start3A_103 = tpu.memref_squeeze %dma_start3A_102 : memref<1x1x128xi32, #tpu.memory_space<vmem>> -> memref<128xi32, #tpu.memory_space<vmem>>
          %dma_start3A_104 = arith.constant 0 : i32
          %dma_start3A_105 = arith.constant 0 : i32
          %dma_start3A_106 = tpu.memref_slice %arg10[%dma_start3A_104, %dma_start3A_105] : memref<10008x128xf32, #tpu.memory_space<vmem_shared>> -> memref<10008x128xf32, #tpu.memory_space<vmem_shared>>
          tpu.enqueue_indirect_dma source(%arg9 : memref<128x128xf32, #tpu.memory_space<vmem>>) target(%dma_start3A_106 : memref<10008x128xf32, #tpu.memory_space<vmem_shared>>) offsets(%dma_start3A_103 : memref<128xi32, #tpu.memory_space<vmem>>) semaphore(%run_scoped3A_100 : memref<!tpu.dma_semaphore, #tpu.memory_space<semaphore_mem>>) {add = true}
          %dma_wait3A_107 = arith.constant 0 : i32
          %dma_wait3A_108 = tpu.memref_slice %arg7[%select_n3A_47, %add3A_79, %dma_wait3A_107] : memref<2x16x128xi32, #tpu.memory_space<vmem>> -> memref<1x1x128xi32, #tpu.memory_space<vmem>>
          %dma_wait3A_109 = tpu.memref_squeeze %dma_wait3A_108 : memref<1x1x128xi32, #tpu.memory_space<vmem>> -> memref<128xi32, #tpu.memory_space<vmem>>
          %dma_wait3A_110 = arith.constant 0 : i32
          %dma_wait3A_111 = arith.constant 0 : i32
          %dma_wait3A_112 = tpu.memref_slice %arg10[%dma_wait3A_110, %dma_wait3A_111] : memref<10008x128xf32, #tpu.memory_space<vmem_shared>> -> memref<10008x128xf32, #tpu.memory_space<vmem_shared>>
          tpu.wait_indirect_dma semaphore(%run_scoped3A_100 : memref<!tpu.dma_semaphore, #tpu.memory_space<semaphore_mem>>) src(%arg9 : memref<128x128xf32, #tpu.memory_space<vmem>>) dst(%dma_wait3A_112 : memref<10008x128xf32, #tpu.memory_space<vmem_shared>>)
          tpu.yield
        }) : () -> ()
        %scan3A_99 = arith.constant 0 : i32
        scf.yield %scan3A_99 : i32
      }
      %scan3A_59 = arith.constant 8 : i32
      %scan3A_60 = arith.constant 0 : i32
      scf.yield %scan3A_60 : i32
    }
    %scan3A_22 = arith.constant 5 : i32
    %barrier3A_23 = arith.constant 0 : index
    tpu.barrier barrier_id(%barrier3A_23)
    %mul3A_24 = arith.constant 624 : i32
    %mul3A_25 = arith.muli %arg1, %mul3A_24 : i32
    %mul3A_26 = arith.constant 10000 : i32
    %mul3A_27 = arith.muli %arg0, %mul3A_26 : i32
    %mul3A_28 = arith.constant 624 : i32
    %mul3A_29 = arith.muli %arg1, %mul3A_28 : i32
    %add3A_30 = arith.addi %mul3A_27, %mul3A_29 : i32
    "tpu.region"() ({
      %run_scoped3A_36 = tpu.sem_alloc : memref<!tpu.dma_semaphore, #tpu.memory_space<semaphore_mem>>
      %dma_start3A_37 = arith.constant 0 : i32
      %dma_start3A_38 = tpu.memref_slice %arg5[%add3A_30, %dma_start3A_37] : memref<20000x128xf32, #tpu.memory_space<hbm>> -> memref<624x128xf32, #tpu.memory_space<hbm>>
      %dma_start3A_39 = arith.constant 0 : i32
      %dma_start3A_40 = tpu.memref_slice %arg10[%mul3A_25, %dma_start3A_39] : memref<10008x128xf32, #tpu.memory_space<vmem_shared>> -> memref<624x128xf32, #tpu.memory_space<vmem_shared>>
      tpu.enqueue_dma source(%dma_start3A_40 : memref<624x128xf32, #tpu.memory_space<vmem_shared>>) target(%dma_start3A_38 : memref<624x128xf32, #tpu.memory_space<hbm>>) target_semaphore(%run_scoped3A_36 : memref<!tpu.dma_semaphore, #tpu.memory_space<semaphore_mem>>)
      %dma_wait3A = arith.constant 0 : i32
      %dma_wait3A_41 = tpu.memref_slice %arg5[%add3A_30, %dma_wait3A] : memref<20000x128xf32, #tpu.memory_space<hbm>> -> memref<624x128xf32, #tpu.memory_space<hbm>>
      %dma_wait3A_42 = arith.constant 0 : i32
      %dma_wait3A_43 = tpu.memref_slice %arg10[%mul3A_25, %dma_wait3A_42] : memref<10008x128xf32, #tpu.memory_space<vmem_shared>> -> memref<624x128xf32, #tpu.memory_space<vmem_shared>>
      tpu.wait_dma2 semaphore(%run_scoped3A_36 : memref<!tpu.dma_semaphore, #tpu.memory_space<semaphore_mem>>) src(%dma_wait3A_43 : memref<624x128xf32, #tpu.memory_space<vmem_shared>>) dst(%dma_wait3A_41 : memref<624x128xf32, #tpu.memory_space<hbm>>)
      tpu.yield
    }) : () -> ()
    %eq3A_31 = arith.constant 0 : i32
    %eq3A_32 = arith.cmpi eq, %arg1, %eq3A_31 : i32
    %convert_element_type3A_33 = arith.extui %eq3A_32 : i1 to i32
    %cond3A_34 = arith.constant 0 : i32
    %cond3A_35 = arith.cmpi ne, %convert_element_type3A_33, %cond3A_34 : i32
    scf.if %cond3A_35 {
      %mul3A_36 = arith.constant 10000 : i32
      %mul3A_37 = arith.muli %arg0, %mul3A_36 : i32
      %add3A_38 = arith.constant 9984 : i32
      %add3A_39 = arith.addi %mul3A_37, %add3A_38 : i32
      "tpu.region"() ({
        %run_scoped3A_40 = tpu.sem_alloc : memref<!tpu.dma_semaphore, #tpu.memory_space<semaphore_mem>>
        %dma_start3A_41 = arith.constant 0 : i32
        %dma_start3A_42 = tpu.memref_slice %arg5[%add3A_39, %dma_start3A_41] : memref<20000x128xf32, #tpu.memory_space<hbm>> -> memref<16x128xf32, #tpu.memory_space<hbm>>
        %dma_start3A_43 = arith.constant 9984 : i32
        %dma_start3A_44 = arith.constant 0 : i32
        %dma_start3A_45 = tpu.memref_slice %arg10[%dma_start3A_43, %dma_start3A_44] : memref<10008x128xf32, #tpu.memory_space<vmem_shared>> -> memref<16x128xf32, #tpu.memory_space<vmem_shared>>
        tpu.enqueue_dma source(%dma_start3A_45 : memref<16x128xf32, #tpu.memory_space<vmem_shared>>) target(%dma_start3A_42 : memref<16x128xf32, #tpu.memory_space<hbm>>) target_semaphore(%run_scoped3A_40 : memref<!tpu.dma_semaphore, #tpu.memory_space<semaphore_mem>>)
        %dma_wait3A = arith.constant 0 : i32
        %dma_wait3A_46 = tpu.memref_slice %arg5[%add3A_39, %dma_wait3A] : memref<20000x128xf32, #tpu.memory_space<hbm>> -> memref<16x128xf32, #tpu.memory_space<hbm>>
        %dma_wait3A_47 = arith.constant 9984 : i32
        %dma_wait3A_48 = arith.constant 0 : i32
        %dma_wait3A_49 = tpu.memref_slice %arg10[%dma_wait3A_47, %dma_wait3A_48] : memref<10008x128xf32, #tpu.memory_space<vmem_shared>> -> memref<16x128xf32, #tpu.memory_space<vmem_shared>>
        tpu.wait_dma2 semaphore(%run_scoped3A_40 : memref<!tpu.dma_semaphore, #tpu.memory_space<semaphore_mem>>) src(%dma_wait3A_49 : memref<16x128xf32, #tpu.memory_space<vmem_shared>>) dst(%dma_wait3A_46 : memref<16x128xf32, #tpu.memory_space<hbm>>)
        tpu.yield
      }) : () -> ()
    } else {
    }
    return
  }
}

#map = affine_map<(d0, d1) -> (0, 0)>
#map1 = affine_map<(d0, d1) -> (0, 0, 0)>
module attributes {stable_mosaic.version = 14 : i64} {
  func.func @_sc_agg_body(%arg0: i32, %arg1: i32, %arg2: memref<20000x128xf32, #tpu.memory_space<hbm>>, %arg3: memref<2x1280x128xi32, #tpu.memory_space<hbm>>, %arg4: memref<1280x128xi32, #tpu.memory_space<hbm>>, %arg5: memref<20000x128xf32, #tpu.memory_space<hbm>>, %arg6: memref<2x16x128xi32, #tpu.memory_space<vmem>>, %arg7: memref<2x16x128xi32, #tpu.memory_space<vmem>>, %arg8: memref<128x128xf32, #tpu.memory_space<vmem>>, %arg9: memref<128x128xf32, #tpu.memory_space<vmem>>, %arg10: memref<10008x128xf32, #tpu.memory_space<vmem_shared>>, %arg11: memref<!tpu.dma_semaphore, #tpu.memory_space<semaphore_mem>>, %arg12: memref<!tpu.dma_semaphore, #tpu.memory_space<semaphore_mem>>, %arg13: memref<!tpu.dma_semaphore, #tpu.memory_space<semaphore_mem>>, %arg14: memref<!tpu.dma_semaphore, #tpu.memory_space<semaphore_mem>>) attributes {dimension_semantics = [#tpu.dimension_semantics<core_parallel>, #tpu.dimension_semantics<subcore_parallel>], iteration_bounds = array<i64: 2, 16>, scalar_prefetch = 0 : i64, scratch_operands = 9 : i64, tpu.core_type = #tpu.core_type<sc_vector_subcore>, window_params = [{transform_indices = #map}, {transform_indices = #map1}, {transform_indices = #map}, {transform_indices = #map}]} {
    %mul3A = arith.constant 10000 : i32
    %mul3A_0 = arith.muli %arg0, %mul3A : i32
    %mul3A_1 = arith.constant 624 : i32
    %mul3A_2 = arith.muli %arg1, %mul3A_1 : i32
    %add3A = arith.addi %mul3A_0, %mul3A_2 : i32
    %mul3A_3 = arith.constant 624 : i32
    %mul3A_4 = arith.muli %arg1, %mul3A_3 : i32
    "tpu.region"() ({
      %run_scoped3A_28 = tpu.sem_alloc : memref<!tpu.dma_semaphore, #tpu.memory_space<semaphore_mem>>
      %dma_start3A = arith.constant 0 : i32
      %dma_start3A_29 = tpu.memref_slice %arg10[%mul3A_4, %dma_start3A] : memref<10008x128xf32, #tpu.memory_space<vmem_shared>> -> memref<624x128xf32, #tpu.memory_space<vmem_shared>>
      %dma_start3A_30 = arith.constant 0 : i32
      %dma_start3A_31 = tpu.memref_slice %arg2[%add3A, %dma_start3A_30] : memref<20000x128xf32, #tpu.memory_space<hbm>> -> memref<624x128xf32, #tpu.memory_space<hbm>>
      tpu.enqueue_dma source(%dma_start3A_31 : memref<624x128xf32, #tpu.memory_space<hbm>>) target(%dma_start3A_29 : memref<624x128xf32, #tpu.memory_space<vmem_shared>>) target_semaphore(%run_scoped3A_28 : memref<!tpu.dma_semaphore, #tpu.memory_space<semaphore_mem>>)
      %dma_wait3A = arith.constant 0 : i32
      %dma_wait3A_32 = tpu.memref_slice %arg10[%mul3A_4, %dma_wait3A] : memref<10008x128xf32, #tpu.memory_space<vmem_shared>> -> memref<624x128xf32, #tpu.memory_space<vmem_shared>>
      %dma_wait3A_33 = arith.constant 0 : i32
      %dma_wait3A_34 = tpu.memref_slice %arg2[%add3A, %dma_wait3A_33] : memref<20000x128xf32, #tpu.memory_space<hbm>> -> memref<624x128xf32, #tpu.memory_space<hbm>>
      tpu.wait_dma2 semaphore(%run_scoped3A_28 : memref<!tpu.dma_semaphore, #tpu.memory_space<semaphore_mem>>) src(%dma_wait3A_34 : memref<624x128xf32, #tpu.memory_space<hbm>>) dst(%dma_wait3A_32 : memref<624x128xf32, #tpu.memory_space<vmem_shared>>)
      tpu.yield
    }) : () -> ()
    %eq3A = arith.constant 0 : i32
    %eq3A_5 = arith.cmpi eq, %arg1, %eq3A : i32
    %convert_element_type3A = arith.extui %eq3A_5 : i1 to i32
    %cond3A = arith.constant 0 : i32
    %cond3A_6 = arith.cmpi ne, %convert_element_type3A, %cond3A : i32
    scf.if %cond3A_6 {
      %mul3A_28 = arith.constant 10000 : i32
      %mul3A_29 = arith.muli %arg0, %mul3A_28 : i32
      %add3A_30 = arith.constant 9984 : i32
      %add3A_31 = arith.addi %mul3A_29, %add3A_30 : i32
      "tpu.region"() ({
        %run_scoped3A_32 = tpu.sem_alloc : memref<!tpu.dma_semaphore, #tpu.memory_space<semaphore_mem>>
        %dma_start3A = arith.constant 9984 : i32
        %dma_start3A_33 = arith.constant 0 : i32
        %dma_start3A_34 = tpu.memref_slice %arg10[%dma_start3A, %dma_start3A_33] : memref<10008x128xf32, #tpu.memory_space<vmem_shared>> -> memref<16x128xf32, #tpu.memory_space<vmem_shared>>
        %dma_start3A_35 = arith.constant 0 : i32
        %dma_start3A_36 = tpu.memref_slice %arg2[%add3A_31, %dma_start3A_35] : memref<20000x128xf32, #tpu.memory_space<hbm>> -> memref<16x128xf32, #tpu.memory_space<hbm>>
        tpu.enqueue_dma source(%dma_start3A_36 : memref<16x128xf32, #tpu.memory_space<hbm>>) target(%dma_start3A_34 : memref<16x128xf32, #tpu.memory_space<vmem_shared>>) target_semaphore(%run_scoped3A_32 : memref<!tpu.dma_semaphore, #tpu.memory_space<semaphore_mem>>)
        %dma_wait3A = arith.constant 9984 : i32
        %dma_wait3A_37 = arith.constant 0 : i32
        %dma_wait3A_38 = tpu.memref_slice %arg10[%dma_wait3A, %dma_wait3A_37] : memref<10008x128xf32, #tpu.memory_space<vmem_shared>> -> memref<16x128xf32, #tpu.memory_space<vmem_shared>>
        %dma_wait3A_39 = arith.constant 0 : i32
        %dma_wait3A_40 = tpu.memref_slice %arg2[%add3A_31, %dma_wait3A_39] : memref<20000x128xf32, #tpu.memory_space<hbm>> -> memref<16x128xf32, #tpu.memory_space<hbm>>
        tpu.wait_dma2 semaphore(%run_scoped3A_32 : memref<!tpu.dma_semaphore, #tpu.memory_space<semaphore_mem>>) src(%dma_wait3A_40 : memref<16x128xf32, #tpu.memory_space<hbm>>) dst(%dma_wait3A_38 : memref<16x128xf32, #tpu.memory_space<vmem_shared>>)
        tpu.yield
      }) : () -> ()
    } else {
    }
    %mul3A_7 = arith.constant 80 : i32
    %mul3A_8 = arith.muli %arg1, %mul3A_7 : i32
    %run_scoped3A = arith.constant 0 : i32
    "tpu.region"() ({
      %run_scoped3A_28 = tpu.sem_alloc : memref<!tpu.dma_semaphore, #tpu.memory_space<semaphore_mem>>
      %dma_start3A = arith.constant 0 : i32
      %dma_start3A_29 = arith.constant 0 : i32
      %dma_start3A_30 = tpu.memref_slice %arg7[%run_scoped3A, %dma_start3A, %dma_start3A_29] : memref<2x16x128xi32, #tpu.memory_space<vmem>> -> memref<1x16x128xi32, #tpu.memory_space<vmem>>
      %dma_start3A_31 = tpu.memref_squeeze %dma_start3A_30 : memref<1x16x128xi32, #tpu.memory_space<vmem>> -> memref<16x128xi32, #tpu.memory_space<vmem>>
      %dma_start3A_32 = arith.constant 0 : i32
      %dma_start3A_33 = tpu.memref_slice %arg4[%mul3A_8, %dma_start3A_32] : memref<1280x128xi32, #tpu.memory_space<hbm>> -> memref<16x128xi32, #tpu.memory_space<hbm>>
      %dma_start3A_34 = arith.constant 0 : i32
      %dma_start3A_35 = arith.constant 0 : i32
      %dma_start3A_36 = tpu.memref_slice %arg7[%run_scoped3A, %dma_start3A_34, %dma_start3A_35] : memref<2x16x128xi32, #tpu.memory_space<vmem>> -> memref<1x16x128xi32, #tpu.memory_space<vmem>>
      %dma_start3A_37 = tpu.memref_squeeze %dma_start3A_36 : memref<1x16x128xi32, #tpu.memory_space<vmem>> -> memref<16x128xi32, #tpu.memory_space<vmem>>
      %dma_start3A_38 = arith.constant 0 : i32
      %dma_start3A_39 = tpu.memref_slice %arg4[%mul3A_8, %dma_start3A_38] : memref<1280x128xi32, #tpu.memory_space<hbm>> -> memref<16x128xi32, #tpu.memory_space<hbm>>
      tpu.enqueue_dma source(%dma_start3A_39 : memref<16x128xi32, #tpu.memory_space<hbm>>) target(%dma_start3A_37 : memref<16x128xi32, #tpu.memory_space<vmem>>) target_semaphore(%run_scoped3A_28 : memref<!tpu.dma_semaphore, #tpu.memory_space<semaphore_mem>>)
      %dma_wait3A = arith.constant 0 : i32
      %dma_wait3A_40 = arith.constant 0 : i32
      %dma_wait3A_41 = tpu.memref_slice %arg7[%run_scoped3A, %dma_wait3A, %dma_wait3A_40] : memref<2x16x128xi32, #tpu.memory_space<vmem>> -> memref<1x16x128xi32, #tpu.memory_space<vmem>>
      %dma_wait3A_42 = tpu.memref_squeeze %dma_wait3A_41 : memref<1x16x128xi32, #tpu.memory_space<vmem>> -> memref<16x128xi32, #tpu.memory_space<vmem>>
      %dma_wait3A_43 = arith.constant 0 : i32
      %dma_wait3A_44 = tpu.memref_slice %arg4[%mul3A_8, %dma_wait3A_43] : memref<1280x128xi32, #tpu.memory_space<hbm>> -> memref<16x128xi32, #tpu.memory_space<hbm>>
      %dma_wait3A_45 = arith.constant 0 : i32
      %dma_wait3A_46 = arith.constant 0 : i32
      %dma_wait3A_47 = tpu.memref_slice %arg7[%run_scoped3A, %dma_wait3A_45, %dma_wait3A_46] : memref<2x16x128xi32, #tpu.memory_space<vmem>> -> memref<1x16x128xi32, #tpu.memory_space<vmem>>
      %dma_wait3A_48 = tpu.memref_squeeze %dma_wait3A_47 : memref<1x16x128xi32, #tpu.memory_space<vmem>> -> memref<16x128xi32, #tpu.memory_space<vmem>>
      %dma_wait3A_49 = arith.constant 0 : i32
      %dma_wait3A_50 = tpu.memref_slice %arg4[%mul3A_8, %dma_wait3A_49] : memref<1280x128xi32, #tpu.memory_space<hbm>> -> memref<16x128xi32, #tpu.memory_space<hbm>>
      tpu.wait_dma2 semaphore(%run_scoped3A_28 : memref<!tpu.dma_semaphore, #tpu.memory_space<semaphore_mem>>) src(%dma_wait3A_50 : memref<16x128xi32, #tpu.memory_space<hbm>>) dst(%dma_wait3A_48 : memref<16x128xi32, #tpu.memory_space<vmem>>)
      tpu.yield
    }) : () -> ()
    "tpu.region"() ({
      %run_scoped3A_28 = tpu.sem_alloc : memref<!tpu.dma_semaphore, #tpu.memory_space<semaphore_mem>>
      %dma_start3A = arith.constant 0 : i32
      %dma_start3A_29 = arith.constant 0 : i32
      %dma_start3A_30 = tpu.memref_slice %arg2[%dma_start3A, %dma_start3A_29] : memref<20000x128xf32, #tpu.memory_space<hbm>> -> memref<128x128xf32, #tpu.memory_space<hbm>>
      %dma_start3A_31 = arith.constant 0 : i32
      %dma_start3A_32 = arith.constant 0 : i32
      %dma_start3A_33 = tpu.memref_slice %arg2[%dma_start3A_31, %dma_start3A_32] : memref<20000x128xf32, #tpu.memory_space<hbm>> -> memref<128x128xf32, #tpu.memory_space<hbm>>
      tpu.enqueue_dma source(%dma_start3A_33 : memref<128x128xf32, #tpu.memory_space<hbm>>) target(%arg8 : memref<128x128xf32, #tpu.memory_space<vmem>>) target_semaphore(%run_scoped3A_28 : memref<!tpu.dma_semaphore, #tpu.memory_space<semaphore_mem>>)
      %dma_wait3A = arith.constant 0 : i32
      %dma_wait3A_34 = arith.constant 0 : i32
      %dma_wait3A_35 = tpu.memref_slice %arg2[%dma_wait3A, %dma_wait3A_34] : memref<20000x128xf32, #tpu.memory_space<hbm>> -> memref<128x128xf32, #tpu.memory_space<hbm>>
      %dma_wait3A_36 = arith.constant 0 : i32
      %dma_wait3A_37 = arith.constant 0 : i32
      %dma_wait3A_38 = tpu.memref_slice %arg2[%dma_wait3A_36, %dma_wait3A_37] : memref<20000x128xf32, #tpu.memory_space<hbm>> -> memref<128x128xf32, #tpu.memory_space<hbm>>
      tpu.wait_dma2 semaphore(%run_scoped3A_28 : memref<!tpu.dma_semaphore, #tpu.memory_space<semaphore_mem>>) src(%dma_wait3A_38 : memref<128x128xf32, #tpu.memory_space<hbm>>) dst(%arg8 : memref<128x128xf32, #tpu.memory_space<vmem>>)
      tpu.yield
    }) : () -> ()
    "tpu.region"() ({
      %run_scoped3A_28 = tpu.sem_alloc : memref<!tpu.dma_semaphore, #tpu.memory_space<semaphore_mem>>
      %dma_start3A = arith.constant 0 : i32
      %dma_start3A_29 = arith.constant 0 : i32
      %dma_start3A_30 = tpu.memref_slice %arg2[%dma_start3A, %dma_start3A_29] : memref<20000x128xf32, #tpu.memory_space<hbm>> -> memref<128x128xf32, #tpu.memory_space<hbm>>
      %dma_start3A_31 = arith.constant 0 : i32
      %dma_start3A_32 = arith.constant 0 : i32
      %dma_start3A_33 = tpu.memref_slice %arg2[%dma_start3A_31, %dma_start3A_32] : memref<20000x128xf32, #tpu.memory_space<hbm>> -> memref<128x128xf32, #tpu.memory_space<hbm>>
      tpu.enqueue_dma source(%dma_start3A_33 : memref<128x128xf32, #tpu.memory_space<hbm>>) target(%arg9 : memref<128x128xf32, #tpu.memory_space<vmem>>) target_semaphore(%run_scoped3A_28 : memref<!tpu.dma_semaphore, #tpu.memory_space<semaphore_mem>>)
      %dma_wait3A = arith.constant 0 : i32
      %dma_wait3A_34 = arith.constant 0 : i32
      %dma_wait3A_35 = tpu.memref_slice %arg2[%dma_wait3A, %dma_wait3A_34] : memref<20000x128xf32, #tpu.memory_space<hbm>> -> memref<128x128xf32, #tpu.memory_space<hbm>>
      %dma_wait3A_36 = arith.constant 0 : i32
      %dma_wait3A_37 = arith.constant 0 : i32
      %dma_wait3A_38 = tpu.memref_slice %arg2[%dma_wait3A_36, %dma_wait3A_37] : memref<20000x128xf32, #tpu.memory_space<hbm>> -> memref<128x128xf32, #tpu.memory_space<hbm>>
      tpu.wait_dma2 semaphore(%run_scoped3A_28 : memref<!tpu.dma_semaphore, #tpu.memory_space<semaphore_mem>>) src(%dma_wait3A_38 : memref<128x128xf32, #tpu.memory_space<hbm>>) dst(%arg9 : memref<128x128xf32, #tpu.memory_space<vmem>>)
      tpu.yield
    }) : () -> ()
    %barrier3A = arith.constant 0 : index
    tpu.barrier barrier_id(%barrier3A)
    %scan3A = arith.constant 0 : i32
    %scan3A_9 = arith.constant 0 : i32
    %scan3A_10 = arith.constant 5 : i32
    %scan3A_11 = arith.addi %scan3A_9, %scan3A_10 : i32
    %scan3A_12 = arith.constant 1 : i32
    %scan3A_13 = scf.for %scan3A_28 = %scan3A_9 to %scan3A_11 step %scan3A_12 iter_args(%scan3A_29 = %scan3A) -> (i32)  : i32 {
      %jit3A = arith.constant 2 : i32
      %eq3A_30 = arith.constant 0 : i32
      %eq3A_31 = arith.cmpi eq, %jit3A, %eq3A_30 : i32
      %jit3A_32 = arith.constant 1 : i32
      %select_n3A = arith.select %eq3A_31, %jit3A_32, %jit3A : i32
      %rem3A = arith.remsi %scan3A_28, %select_n3A : i32
      %ne3A = arith.constant 0 : i32
      %ne3A_33 = arith.cmpi ne, %rem3A, %ne3A : i32
      %lt3A = arith.constant 0 : i32
      %lt3A_34 = arith.cmpi slt, %rem3A, %lt3A : i32
      %lt3A_35 = arith.constant 0 : i32
      %lt3A_36 = arith.cmpi slt, %select_n3A, %lt3A_35 : i32
      %ne3A_37 = arith.xori %lt3A_34, %lt3A_36 : i1
      %and3A = arith.andi %ne3A_37, %ne3A_33 : i1
      %add3A_38 = arith.addi %rem3A, %select_n3A : i32
      %select_n3A_39 = arith.select %and3A, %add3A_38, %rem3A : i32
      %lt3A_40 = arith.constant 4 : i32
      %lt3A_41 = arith.cmpi slt, %scan3A_28, %lt3A_40 : i32
      %convert_element_type3A_42 = arith.extui %lt3A_41 : i1 to i32
      %cond3A_43 = arith.constant 0 : i32
      %cond3A_44 = arith.cmpi ne, %convert_element_type3A_42, %cond3A_43 : i32
      scf.if %cond3A_44 {
        %add3A_58 = arith.constant 1 : i32
        %add3A_59 = arith.addi %scan3A_28, %add3A_58 : i32
        %mul3A_60 = arith.constant 16 : i32
        %mul3A_61 = arith.muli %add3A_59, %mul3A_60 : i32
        %add3A_62 = arith.addi %mul3A_8, %mul3A_61 : i32
        %sub3A = arith.constant 1 : i32
        %sub3A_63 = arith.subi %sub3A, %select_n3A_39 : i32
        %dma_start3A = arith.constant 0 : i32
        %dma_start3A_64 = arith.constant 0 : i32
        %dma_start3A_65 = tpu.memref_slice %arg7[%sub3A_63, %dma_start3A, %dma_start3A_64] : memref<2x16x128xi32, #tpu.memory_space<vmem>> -> memref<1x16x128xi32, #tpu.memory_space<vmem>>
        %dma_start3A_66 = tpu.memref_squeeze %dma_start3A_65 : memref<1x16x128xi32, #tpu.memory_space<vmem>> -> memref<16x128xi32, #tpu.memory_space<vmem>>
        %dma_start3A_67 = arith.constant 0 : i32
        %dma_start3A_68 = tpu.memref_slice %arg4[%add3A_62, %dma_start3A_67] : memref<1280x128xi32, #tpu.memory_space<hbm>> -> memref<16x128xi32, #tpu.memory_space<hbm>>
        %dma_start3A_69 = arith.constant 0 : i32
        %dma_start3A_70 = arith.constant 0 : i32
        %dma_start3A_71 = tpu.memref_slice %arg7[%sub3A_63, %dma_start3A_69, %dma_start3A_70] : memref<2x16x128xi32, #tpu.memory_space<vmem>> -> memref<1x16x128xi32, #tpu.memory_space<vmem>>
        %dma_start3A_72 = tpu.memref_squeeze %dma_start3A_71 : memref<1x16x128xi32, #tpu.memory_space<vmem>> -> memref<16x128xi32, #tpu.memory_space<vmem>>
        %dma_start3A_73 = arith.constant 0 : i32
        %dma_start3A_74 = tpu.memref_slice %arg4[%add3A_62, %dma_start3A_73] : memref<1280x128xi32, #tpu.memory_space<hbm>> -> memref<16x128xi32, #tpu.memory_space<hbm>>
        tpu.enqueue_dma source(%dma_start3A_74 : memref<16x128xi32, #tpu.memory_space<hbm>>) target(%dma_start3A_72 : memref<16x128xi32, #tpu.memory_space<vmem>>) target_semaphore(%arg14 : memref<!tpu.dma_semaphore, #tpu.memory_space<semaphore_mem>>)
      } else {
      }
      %scan3A_45 = arith.constant 0 : i32
      %scan3A_46 = arith.constant 0 : i32
      %scan3A_47 = arith.constant 8 : i32
      %scan3A_48 = arith.addi %scan3A_46, %scan3A_47 : i32
      %scan3A_49 = arith.constant 1 : i32
      %scan3A_50 = scf.for %scan3A_58 = %scan3A_46 to %scan3A_48 step %scan3A_49 iter_args(%scan3A_59 = %scan3A_45) -> (i32)  : i32 {
        %mul3A_60 = arith.constant 2 : i32
        %mul3A_61 = arith.muli %mul3A_60, %scan3A_58 : i32
        "tpu.region"() ({
          %run_scoped3A_65 = tpu.sem_alloc : memref<!tpu.dma_semaphore, #tpu.memory_space<semaphore_mem>>
          %dma_start3A = arith.constant 0 : i32
          %dma_start3A_66 = tpu.memref_slice %arg7[%select_n3A_39, %mul3A_61, %dma_start3A] : memref<2x16x128xi32, #tpu.memory_space<vmem>> -> memref<1x1x128xi32, #tpu.memory_space<vmem>>
          %dma_start3A_67 = tpu.memref_squeeze %dma_start3A_66 : memref<1x1x128xi32, #tpu.memory_space<vmem>> -> memref<128xi32, #tpu.memory_space<vmem>>
          %dma_start3A_68 = arith.constant 0 : i32
          %dma_start3A_69 = arith.constant 0 : i32
          %dma_start3A_70 = tpu.memref_slice %arg10[%dma_start3A_68, %dma_start3A_69] : memref<10008x128xf32, #tpu.memory_space<vmem_shared>> -> memref<10008x128xf32, #tpu.memory_space<vmem_shared>>
          tpu.enqueue_indirect_dma source(%arg8 : memref<128x128xf32, #tpu.memory_space<vmem>>) target(%dma_start3A_70 : memref<10008x128xf32, #tpu.memory_space<vmem_shared>>) offsets(%dma_start3A_67 : memref<128xi32, #tpu.memory_space<vmem>>) semaphore(%run_scoped3A_65 : memref<!tpu.dma_semaphore, #tpu.memory_space<semaphore_mem>>) {add = true}
          %dma_wait3A = arith.constant 0 : i32
          %dma_wait3A_71 = tpu.memref_slice %arg7[%select_n3A_39, %mul3A_61, %dma_wait3A] : memref<2x16x128xi32, #tpu.memory_space<vmem>> -> memref<1x1x128xi32, #tpu.memory_space<vmem>>
          %dma_wait3A_72 = tpu.memref_squeeze %dma_wait3A_71 : memref<1x1x128xi32, #tpu.memory_space<vmem>> -> memref<128xi32, #tpu.memory_space<vmem>>
          %dma_wait3A_73 = arith.constant 0 : i32
          %dma_wait3A_74 = arith.constant 0 : i32
          %dma_wait3A_75 = tpu.memref_slice %arg10[%dma_wait3A_73, %dma_wait3A_74] : memref<10008x128xf32, #tpu.memory_space<vmem_shared>> -> memref<10008x128xf32, #tpu.memory_space<vmem_shared>>
          tpu.wait_indirect_dma semaphore(%run_scoped3A_65 : memref<!tpu.dma_semaphore, #tpu.memory_space<semaphore_mem>>) src(%arg8 : memref<128x128xf32, #tpu.memory_space<vmem>>) dst(%dma_wait3A_75 : memref<10008x128xf32, #tpu.memory_space<vmem_shared>>)
          tpu.yield
        }) : () -> ()
        %add3A_62 = arith.constant 1 : i32
        %add3A_63 = arith.addi %mul3A_61, %add3A_62 : i32
        "tpu.region"() ({
          %run_scoped3A_65 = tpu.sem_alloc : memref<!tpu.dma_semaphore, #tpu.memory_space<semaphore_mem>>
          %dma_start3A = arith.constant 0 : i32
          %dma_start3A_66 = tpu.memref_slice %arg7[%select_n3A_39, %add3A_63, %dma_start3A] : memref<2x16x128xi32, #tpu.memory_space<vmem>> -> memref<1x1x128xi32, #tpu.memory_space<vmem>>
          %dma_start3A_67 = tpu.memref_squeeze %dma_start3A_66 : memref<1x1x128xi32, #tpu.memory_space<vmem>> -> memref<128xi32, #tpu.memory_space<vmem>>
          %dma_start3A_68 = arith.constant 0 : i32
          %dma_start3A_69 = arith.constant 0 : i32
          %dma_start3A_70 = tpu.memref_slice %arg10[%dma_start3A_68, %dma_start3A_69] : memref<10008x128xf32, #tpu.memory_space<vmem_shared>> -> memref<10008x128xf32, #tpu.memory_space<vmem_shared>>
          tpu.enqueue_indirect_dma source(%arg9 : memref<128x128xf32, #tpu.memory_space<vmem>>) target(%dma_start3A_70 : memref<10008x128xf32, #tpu.memory_space<vmem_shared>>) offsets(%dma_start3A_67 : memref<128xi32, #tpu.memory_space<vmem>>) semaphore(%run_scoped3A_65 : memref<!tpu.dma_semaphore, #tpu.memory_space<semaphore_mem>>) {add = true}
          %dma_wait3A = arith.constant 0 : i32
          %dma_wait3A_71 = tpu.memref_slice %arg7[%select_n3A_39, %add3A_63, %dma_wait3A] : memref<2x16x128xi32, #tpu.memory_space<vmem>> -> memref<1x1x128xi32, #tpu.memory_space<vmem>>
          %dma_wait3A_72 = tpu.memref_squeeze %dma_wait3A_71 : memref<1x1x128xi32, #tpu.memory_space<vmem>> -> memref<128xi32, #tpu.memory_space<vmem>>
          %dma_wait3A_73 = arith.constant 0 : i32
          %dma_wait3A_74 = arith.constant 0 : i32
          %dma_wait3A_75 = tpu.memref_slice %arg10[%dma_wait3A_73, %dma_wait3A_74] : memref<10008x128xf32, #tpu.memory_space<vmem_shared>> -> memref<10008x128xf32, #tpu.memory_space<vmem_shared>>
          tpu.wait_indirect_dma semaphore(%run_scoped3A_65 : memref<!tpu.dma_semaphore, #tpu.memory_space<semaphore_mem>>) src(%arg9 : memref<128x128xf32, #tpu.memory_space<vmem>>) dst(%dma_wait3A_75 : memref<10008x128xf32, #tpu.memory_space<vmem_shared>>)
          tpu.yield
        }) : () -> ()
        %scan3A_64 = arith.constant 0 : i32
        scf.yield %scan3A_64 : i32
      }
      %scan3A_51 = arith.constant 8 : i32
      %lt3A_52 = arith.constant 4 : i32
      %lt3A_53 = arith.cmpi slt, %scan3A_28, %lt3A_52 : i32
      %convert_element_type3A_54 = arith.extui %lt3A_53 : i1 to i32
      %cond3A_55 = arith.constant 0 : i32
      %cond3A_56 = arith.cmpi ne, %convert_element_type3A_54, %cond3A_55 : i32
      scf.if %cond3A_56 {
        %add3A_58 = arith.constant 1 : i32
        %add3A_59 = arith.addi %scan3A_28, %add3A_58 : i32
        %mul3A_60 = arith.constant 16 : i32
        %mul3A_61 = arith.muli %add3A_59, %mul3A_60 : i32
        %add3A_62 = arith.addi %mul3A_8, %mul3A_61 : i32
        %sub3A = arith.constant 1 : i32
        %sub3A_63 = arith.subi %sub3A, %select_n3A_39 : i32
        %dma_wait3A = arith.constant 0 : i32
        %dma_wait3A_64 = arith.constant 0 : i32
        %dma_wait3A_65 = tpu.memref_slice %arg7[%sub3A_63, %dma_wait3A, %dma_wait3A_64] : memref<2x16x128xi32, #tpu.memory_space<vmem>> -> memref<1x16x128xi32, #tpu.memory_space<vmem>>
        %dma_wait3A_66 = tpu.memref_squeeze %dma_wait3A_65 : memref<1x16x128xi32, #tpu.memory_space<vmem>> -> memref<16x128xi32, #tpu.memory_space<vmem>>
        %dma_wait3A_67 = arith.constant 0 : i32
        %dma_wait3A_68 = tpu.memref_slice %arg4[%add3A_62, %dma_wait3A_67] : memref<1280x128xi32, #tpu.memory_space<hbm>> -> memref<16x128xi32, #tpu.memory_space<hbm>>
        %dma_wait3A_69 = arith.constant 0 : i32
        %dma_wait3A_70 = arith.constant 0 : i32
        %dma_wait3A_71 = tpu.memref_slice %arg7[%sub3A_63, %dma_wait3A_69, %dma_wait3A_70] : memref<2x16x128xi32, #tpu.memory_space<vmem>> -> memref<1x16x128xi32, #tpu.memory_space<vmem>>
        %dma_wait3A_72 = tpu.memref_squeeze %dma_wait3A_71 : memref<1x16x128xi32, #tpu.memory_space<vmem>> -> memref<16x128xi32, #tpu.memory_space<vmem>>
        %dma_wait3A_73 = arith.constant 0 : i32
        %dma_wait3A_74 = tpu.memref_slice %arg4[%add3A_62, %dma_wait3A_73] : memref<1280x128xi32, #tpu.memory_space<hbm>> -> memref<16x128xi32, #tpu.memory_space<hbm>>
        tpu.wait_dma2 semaphore(%arg14 : memref<!tpu.dma_semaphore, #tpu.memory_space<semaphore_mem>>) src(%dma_wait3A_74 : memref<16x128xi32, #tpu.memory_space<hbm>>) dst(%dma_wait3A_72 : memref<16x128xi32, #tpu.memory_space<vmem>>)
      } else {
      }
      %scan3A_57 = arith.constant 0 : i32
      scf.yield %scan3A_57 : i32
    }
    %scan3A_14 = arith.constant 5 : i32
    %barrier3A_15 = arith.constant 0 : index
    tpu.barrier barrier_id(%barrier3A_15)
    %mul3A_16 = arith.constant 624 : i32
    %mul3A_17 = arith.muli %arg1, %mul3A_16 : i32
    %mul3A_18 = arith.constant 10000 : i32
    %mul3A_19 = arith.muli %arg0, %mul3A_18 : i32
    %mul3A_20 = arith.constant 624 : i32
    %mul3A_21 = arith.muli %arg1, %mul3A_20 : i32
    %add3A_22 = arith.addi %mul3A_19, %mul3A_21 : i32
    "tpu.region"() ({
      %run_scoped3A_28 = tpu.sem_alloc : memref<!tpu.dma_semaphore, #tpu.memory_space<semaphore_mem>>
      %dma_start3A = arith.constant 0 : i32
      %dma_start3A_29 = tpu.memref_slice %arg5[%add3A_22, %dma_start3A] : memref<20000x128xf32, #tpu.memory_space<hbm>> -> memref<624x128xf32, #tpu.memory_space<hbm>>
      %dma_start3A_30 = arith.constant 0 : i32
      %dma_start3A_31 = tpu.memref_slice %arg10[%mul3A_17, %dma_start3A_30] : memref<10008x128xf32, #tpu.memory_space<vmem_shared>> -> memref<624x128xf32, #tpu.memory_space<vmem_shared>>
      tpu.enqueue_dma source(%dma_start3A_31 : memref<624x128xf32, #tpu.memory_space<vmem_shared>>) target(%dma_start3A_29 : memref<624x128xf32, #tpu.memory_space<hbm>>) target_semaphore(%run_scoped3A_28 : memref<!tpu.dma_semaphore, #tpu.memory_space<semaphore_mem>>)
      %dma_wait3A = arith.constant 0 : i32
      %dma_wait3A_32 = tpu.memref_slice %arg5[%add3A_22, %dma_wait3A] : memref<20000x128xf32, #tpu.memory_space<hbm>> -> memref<624x128xf32, #tpu.memory_space<hbm>>
      %dma_wait3A_33 = arith.constant 0 : i32
      %dma_wait3A_34 = tpu.memref_slice %arg10[%mul3A_17, %dma_wait3A_33] : memref<10008x128xf32, #tpu.memory_space<vmem_shared>> -> memref<624x128xf32, #tpu.memory_space<vmem_shared>>
      tpu.wait_dma2 semaphore(%run_scoped3A_28 : memref<!tpu.dma_semaphore, #tpu.memory_space<semaphore_mem>>) src(%dma_wait3A_34 : memref<624x128xf32, #tpu.memory_space<vmem_shared>>) dst(%dma_wait3A_32 : memref<624x128xf32, #tpu.memory_space<hbm>>)
      tpu.yield
    }) : () -> ()
    %eq3A_23 = arith.constant 0 : i32
    %eq3A_24 = arith.cmpi eq, %arg1, %eq3A_23 : i32
    %convert_element_type3A_25 = arith.extui %eq3A_24 : i1 to i32
    %cond3A_26 = arith.constant 0 : i32
    %cond3A_27 = arith.cmpi ne, %convert_element_type3A_25, %cond3A_26 : i32
    scf.if %cond3A_27 {
      %mul3A_28 = arith.constant 10000 : i32
      %mul3A_29 = arith.muli %arg0, %mul3A_28 : i32
      %add3A_30 = arith.constant 9984 : i32
      %add3A_31 = arith.addi %mul3A_29, %add3A_30 : i32
      "tpu.region"() ({
        %run_scoped3A_32 = tpu.sem_alloc : memref<!tpu.dma_semaphore, #tpu.memory_space<semaphore_mem>>
        %dma_start3A = arith.constant 0 : i32
        %dma_start3A_33 = tpu.memref_slice %arg5[%add3A_31, %dma_start3A] : memref<20000x128xf32, #tpu.memory_space<hbm>> -> memref<16x128xf32, #tpu.memory_space<hbm>>
        %dma_start3A_34 = arith.constant 9984 : i32
        %dma_start3A_35 = arith.constant 0 : i32
        %dma_start3A_36 = tpu.memref_slice %arg10[%dma_start3A_34, %dma_start3A_35] : memref<10008x128xf32, #tpu.memory_space<vmem_shared>> -> memref<16x128xf32, #tpu.memory_space<vmem_shared>>
        tpu.enqueue_dma source(%dma_start3A_36 : memref<16x128xf32, #tpu.memory_space<vmem_shared>>) target(%dma_start3A_33 : memref<16x128xf32, #tpu.memory_space<hbm>>) target_semaphore(%run_scoped3A_32 : memref<!tpu.dma_semaphore, #tpu.memory_space<semaphore_mem>>)
        %dma_wait3A = arith.constant 0 : i32
        %dma_wait3A_37 = tpu.memref_slice %arg5[%add3A_31, %dma_wait3A] : memref<20000x128xf32, #tpu.memory_space<hbm>> -> memref<16x128xf32, #tpu.memory_space<hbm>>
        %dma_wait3A_38 = arith.constant 9984 : i32
        %dma_wait3A_39 = arith.constant 0 : i32
        %dma_wait3A_40 = tpu.memref_slice %arg10[%dma_wait3A_38, %dma_wait3A_39] : memref<10008x128xf32, #tpu.memory_space<vmem_shared>> -> memref<16x128xf32, #tpu.memory_space<vmem_shared>>
        tpu.wait_dma2 semaphore(%run_scoped3A_32 : memref<!tpu.dma_semaphore, #tpu.memory_space<semaphore_mem>>) src(%dma_wait3A_40 : memref<16x128xf32, #tpu.memory_space<vmem_shared>>) dst(%dma_wait3A_37 : memref<16x128xf32, #tpu.memory_space<hbm>>)
        tpu.yield
      }) : () -> ()
    } else {
    }
    return
  }
}

#map = affine_map<(d0, d1) -> (0, 0)>
#map1 = affine_map<(d0, d1) -> (0, 0, 0)>
module attributes {stable_mosaic.version = 14 : i64} {
  func.func @_sc_agg_body(%arg0: i32, %arg1: i32, %arg2: memref<20000x128xf32, #tpu.memory_space<hbm>>, %arg3: memref<2x1280x128xi32, #tpu.memory_space<hbm>>, %arg4: memref<1280x128xi32, #tpu.memory_space<hbm>>, %arg5: memref<20000x128xf32, #tpu.memory_space<hbm>>, %arg6: memref<2x16x128xi32, #tpu.memory_space<vmem>>, %arg7: memref<2x16x128xi32, #tpu.memory_space<vmem>>, %arg8: memref<128x128xf32, #tpu.memory_space<vmem>>, %arg9: memref<128x128xf32, #tpu.memory_space<vmem>>, %arg10: memref<10008x128xf32, #tpu.memory_space<vmem_shared>>, %arg11: memref<!tpu.dma_semaphore, #tpu.memory_space<semaphore_mem>>, %arg12: memref<!tpu.dma_semaphore, #tpu.memory_space<semaphore_mem>>, %arg13: memref<!tpu.dma_semaphore, #tpu.memory_space<semaphore_mem>>, %arg14: memref<!tpu.dma_semaphore, #tpu.memory_space<semaphore_mem>>) attributes {dimension_semantics = [#tpu.dimension_semantics<core_parallel>, #tpu.dimension_semantics<subcore_parallel>], iteration_bounds = array<i64: 2, 16>, scalar_prefetch = 0 : i64, scratch_operands = 9 : i64, tpu.core_type = #tpu.core_type<sc_vector_subcore>, window_params = [{transform_indices = #map}, {transform_indices = #map1}, {transform_indices = #map}, {transform_indices = #map}]} {
    %mul3A = arith.constant 10000 : i32
    %mul3A_0 = arith.muli %arg0, %mul3A : i32
    %mul3A_1 = arith.constant 624 : i32
    %mul3A_2 = arith.muli %arg1, %mul3A_1 : i32
    %add3A = arith.addi %mul3A_0, %mul3A_2 : i32
    %mul3A_3 = arith.constant 624 : i32
    %mul3A_4 = arith.muli %arg1, %mul3A_3 : i32
    "tpu.region"() ({
      %run_scoped3A_36 = tpu.sem_alloc : memref<!tpu.dma_semaphore, #tpu.memory_space<semaphore_mem>>
      %dma_start3A_37 = arith.constant 0 : i32
      %dma_start3A_38 = tpu.memref_slice %arg10[%mul3A_4, %dma_start3A_37] : memref<10008x128xf32, #tpu.memory_space<vmem_shared>> -> memref<624x128xf32, #tpu.memory_space<vmem_shared>>
      %dma_start3A_39 = arith.constant 0 : i32
      %dma_start3A_40 = tpu.memref_slice %arg2[%add3A, %dma_start3A_39] : memref<20000x128xf32, #tpu.memory_space<hbm>> -> memref<624x128xf32, #tpu.memory_space<hbm>>
      tpu.enqueue_dma source(%dma_start3A_40 : memref<624x128xf32, #tpu.memory_space<hbm>>) target(%dma_start3A_38 : memref<624x128xf32, #tpu.memory_space<vmem_shared>>) target_semaphore(%run_scoped3A_36 : memref<!tpu.dma_semaphore, #tpu.memory_space<semaphore_mem>>)
      %dma_wait3A = arith.constant 0 : i32
      %dma_wait3A_41 = tpu.memref_slice %arg10[%mul3A_4, %dma_wait3A] : memref<10008x128xf32, #tpu.memory_space<vmem_shared>> -> memref<624x128xf32, #tpu.memory_space<vmem_shared>>
      %dma_wait3A_42 = arith.constant 0 : i32
      %dma_wait3A_43 = tpu.memref_slice %arg2[%add3A, %dma_wait3A_42] : memref<20000x128xf32, #tpu.memory_space<hbm>> -> memref<624x128xf32, #tpu.memory_space<hbm>>
      tpu.wait_dma2 semaphore(%run_scoped3A_36 : memref<!tpu.dma_semaphore, #tpu.memory_space<semaphore_mem>>) src(%dma_wait3A_43 : memref<624x128xf32, #tpu.memory_space<hbm>>) dst(%dma_wait3A_41 : memref<624x128xf32, #tpu.memory_space<vmem_shared>>)
      tpu.yield
    }) : () -> ()
    %eq3A = arith.constant 0 : i32
    %eq3A_5 = arith.cmpi eq, %arg1, %eq3A : i32
    %convert_element_type3A = arith.extui %eq3A_5 : i1 to i32
    %cond3A = arith.constant 0 : i32
    %cond3A_6 = arith.cmpi ne, %convert_element_type3A, %cond3A : i32
    scf.if %cond3A_6 {
      %mul3A_36 = arith.constant 10000 : i32
      %mul3A_37 = arith.muli %arg0, %mul3A_36 : i32
      %add3A_38 = arith.constant 9984 : i32
      %add3A_39 = arith.addi %mul3A_37, %add3A_38 : i32
      "tpu.region"() ({
        %run_scoped3A_40 = tpu.sem_alloc : memref<!tpu.dma_semaphore, #tpu.memory_space<semaphore_mem>>
        %dma_start3A_41 = arith.constant 9984 : i32
        %dma_start3A_42 = arith.constant 0 : i32
        %dma_start3A_43 = tpu.memref_slice %arg10[%dma_start3A_41, %dma_start3A_42] : memref<10008x128xf32, #tpu.memory_space<vmem_shared>> -> memref<16x128xf32, #tpu.memory_space<vmem_shared>>
        %dma_start3A_44 = arith.constant 0 : i32
        %dma_start3A_45 = tpu.memref_slice %arg2[%add3A_39, %dma_start3A_44] : memref<20000x128xf32, #tpu.memory_space<hbm>> -> memref<16x128xf32, #tpu.memory_space<hbm>>
        tpu.enqueue_dma source(%dma_start3A_45 : memref<16x128xf32, #tpu.memory_space<hbm>>) target(%dma_start3A_43 : memref<16x128xf32, #tpu.memory_space<vmem_shared>>) target_semaphore(%run_scoped3A_40 : memref<!tpu.dma_semaphore, #tpu.memory_space<semaphore_mem>>)
        %dma_wait3A = arith.constant 9984 : i32
        %dma_wait3A_46 = arith.constant 0 : i32
        %dma_wait3A_47 = tpu.memref_slice %arg10[%dma_wait3A, %dma_wait3A_46] : memref<10008x128xf32, #tpu.memory_space<vmem_shared>> -> memref<16x128xf32, #tpu.memory_space<vmem_shared>>
        %dma_wait3A_48 = arith.constant 0 : i32
        %dma_wait3A_49 = tpu.memref_slice %arg2[%add3A_39, %dma_wait3A_48] : memref<20000x128xf32, #tpu.memory_space<hbm>> -> memref<16x128xf32, #tpu.memory_space<hbm>>
        tpu.wait_dma2 semaphore(%run_scoped3A_40 : memref<!tpu.dma_semaphore, #tpu.memory_space<semaphore_mem>>) src(%dma_wait3A_49 : memref<16x128xf32, #tpu.memory_space<hbm>>) dst(%dma_wait3A_47 : memref<16x128xf32, #tpu.memory_space<vmem_shared>>)
        tpu.yield
      }) : () -> ()
    } else {
    }
    %mul3A_7 = arith.constant 80 : i32
    %mul3A_8 = arith.muli %arg1, %mul3A_7 : i32
    %run_scoped3A = arith.constant 0 : i32
    "tpu.region"() ({
      %run_scoped3A_36 = tpu.sem_alloc : memref<!tpu.dma_semaphore, #tpu.memory_space<semaphore_mem>>
      %dma_start3A_37 = arith.constant 0 : i32
      %dma_start3A_38 = arith.constant 0 : i32
      %dma_start3A_39 = tpu.memref_slice %arg6[%run_scoped3A, %dma_start3A_37, %dma_start3A_38] : memref<2x16x128xi32, #tpu.memory_space<vmem>> -> memref<1x16x128xi32, #tpu.memory_space<vmem>>
      %dma_start3A_40 = tpu.memref_squeeze %dma_start3A_39 : memref<1x16x128xi32, #tpu.memory_space<vmem>> -> memref<16x128xi32, #tpu.memory_space<vmem>>
      %dma_start3A_41 = arith.constant 0 : i32
      %dma_start3A_42 = tpu.memref_slice %arg3[%arg0, %mul3A_8, %dma_start3A_41] : memref<2x1280x128xi32, #tpu.memory_space<hbm>> -> memref<1x16x128xi32, #tpu.memory_space<hbm>>
      %dma_start3A_43 = tpu.memref_squeeze %dma_start3A_42 : memref<1x16x128xi32, #tpu.memory_space<hbm>> -> memref<16x128xi32, #tpu.memory_space<hbm>>
      %dma_start3A_44 = arith.constant 0 : i32
      %dma_start3A_45 = arith.constant 0 : i32
      %dma_start3A_46 = tpu.memref_slice %arg6[%run_scoped3A, %dma_start3A_44, %dma_start3A_45] : memref<2x16x128xi32, #tpu.memory_space<vmem>> -> memref<1x16x128xi32, #tpu.memory_space<vmem>>
      %dma_start3A_47 = tpu.memref_squeeze %dma_start3A_46 : memref<1x16x128xi32, #tpu.memory_space<vmem>> -> memref<16x128xi32, #tpu.memory_space<vmem>>
      %dma_start3A_48 = arith.constant 0 : i32
      %dma_start3A_49 = tpu.memref_slice %arg3[%arg0, %mul3A_8, %dma_start3A_48] : memref<2x1280x128xi32, #tpu.memory_space<hbm>> -> memref<1x16x128xi32, #tpu.memory_space<hbm>>
      %dma_start3A_50 = tpu.memref_squeeze %dma_start3A_49 : memref<1x16x128xi32, #tpu.memory_space<hbm>> -> memref<16x128xi32, #tpu.memory_space<hbm>>
      tpu.enqueue_dma source(%dma_start3A_50 : memref<16x128xi32, #tpu.memory_space<hbm>>) target(%dma_start3A_47 : memref<16x128xi32, #tpu.memory_space<vmem>>) target_semaphore(%run_scoped3A_36 : memref<!tpu.dma_semaphore, #tpu.memory_space<semaphore_mem>>)
      %dma_wait3A = arith.constant 0 : i32
      %dma_wait3A_51 = arith.constant 0 : i32
      %dma_wait3A_52 = tpu.memref_slice %arg6[%run_scoped3A, %dma_wait3A, %dma_wait3A_51] : memref<2x16x128xi32, #tpu.memory_space<vmem>> -> memref<1x16x128xi32, #tpu.memory_space<vmem>>
      %dma_wait3A_53 = tpu.memref_squeeze %dma_wait3A_52 : memref<1x16x128xi32, #tpu.memory_space<vmem>> -> memref<16x128xi32, #tpu.memory_space<vmem>>
      %dma_wait3A_54 = arith.constant 0 : i32
      %dma_wait3A_55 = tpu.memref_slice %arg3[%arg0, %mul3A_8, %dma_wait3A_54] : memref<2x1280x128xi32, #tpu.memory_space<hbm>> -> memref<1x16x128xi32, #tpu.memory_space<hbm>>
      %dma_wait3A_56 = tpu.memref_squeeze %dma_wait3A_55 : memref<1x16x128xi32, #tpu.memory_space<hbm>> -> memref<16x128xi32, #tpu.memory_space<hbm>>
      %dma_wait3A_57 = arith.constant 0 : i32
      %dma_wait3A_58 = arith.constant 0 : i32
      %dma_wait3A_59 = tpu.memref_slice %arg6[%run_scoped3A, %dma_wait3A_57, %dma_wait3A_58] : memref<2x16x128xi32, #tpu.memory_space<vmem>> -> memref<1x16x128xi32, #tpu.memory_space<vmem>>
      %dma_wait3A_60 = tpu.memref_squeeze %dma_wait3A_59 : memref<1x16x128xi32, #tpu.memory_space<vmem>> -> memref<16x128xi32, #tpu.memory_space<vmem>>
      %dma_wait3A_61 = arith.constant 0 : i32
      %dma_wait3A_62 = tpu.memref_slice %arg3[%arg0, %mul3A_8, %dma_wait3A_61] : memref<2x1280x128xi32, #tpu.memory_space<hbm>> -> memref<1x16x128xi32, #tpu.memory_space<hbm>>
      %dma_wait3A_63 = tpu.memref_squeeze %dma_wait3A_62 : memref<1x16x128xi32, #tpu.memory_space<hbm>> -> memref<16x128xi32, #tpu.memory_space<hbm>>
      tpu.wait_dma2 semaphore(%run_scoped3A_36 : memref<!tpu.dma_semaphore, #tpu.memory_space<semaphore_mem>>) src(%dma_wait3A_63 : memref<16x128xi32, #tpu.memory_space<hbm>>) dst(%dma_wait3A_60 : memref<16x128xi32, #tpu.memory_space<vmem>>)
      tpu.yield
    }) : () -> ()
    %run_scoped3A_9 = arith.constant 0 : i32
    "tpu.region"() ({
      %run_scoped3A_36 = tpu.sem_alloc : memref<!tpu.dma_semaphore, #tpu.memory_space<semaphore_mem>>
      %dma_start3A_37 = arith.constant 0 : i32
      %dma_start3A_38 = arith.constant 0 : i32
      %dma_start3A_39 = tpu.memref_slice %arg7[%run_scoped3A_9, %dma_start3A_37, %dma_start3A_38] : memref<2x16x128xi32, #tpu.memory_space<vmem>> -> memref<1x16x128xi32, #tpu.memory_space<vmem>>
      %dma_start3A_40 = tpu.memref_squeeze %dma_start3A_39 : memref<1x16x128xi32, #tpu.memory_space<vmem>> -> memref<16x128xi32, #tpu.memory_space<vmem>>
      %dma_start3A_41 = arith.constant 0 : i32
      %dma_start3A_42 = tpu.memref_slice %arg4[%mul3A_8, %dma_start3A_41] : memref<1280x128xi32, #tpu.memory_space<hbm>> -> memref<16x128xi32, #tpu.memory_space<hbm>>
      %dma_start3A_43 = arith.constant 0 : i32
      %dma_start3A_44 = arith.constant 0 : i32
      %dma_start3A_45 = tpu.memref_slice %arg7[%run_scoped3A_9, %dma_start3A_43, %dma_start3A_44] : memref<2x16x128xi32, #tpu.memory_space<vmem>> -> memref<1x16x128xi32, #tpu.memory_space<vmem>>
      %dma_start3A_46 = tpu.memref_squeeze %dma_start3A_45 : memref<1x16x128xi32, #tpu.memory_space<vmem>> -> memref<16x128xi32, #tpu.memory_space<vmem>>
      %dma_start3A_47 = arith.constant 0 : i32
      %dma_start3A_48 = tpu.memref_slice %arg4[%mul3A_8, %dma_start3A_47] : memref<1280x128xi32, #tpu.memory_space<hbm>> -> memref<16x128xi32, #tpu.memory_space<hbm>>
      tpu.enqueue_dma source(%dma_start3A_48 : memref<16x128xi32, #tpu.memory_space<hbm>>) target(%dma_start3A_46 : memref<16x128xi32, #tpu.memory_space<vmem>>) target_semaphore(%run_scoped3A_36 : memref<!tpu.dma_semaphore, #tpu.memory_space<semaphore_mem>>)
      %dma_wait3A = arith.constant 0 : i32
      %dma_wait3A_49 = arith.constant 0 : i32
      %dma_wait3A_50 = tpu.memref_slice %arg7[%run_scoped3A_9, %dma_wait3A, %dma_wait3A_49] : memref<2x16x128xi32, #tpu.memory_space<vmem>> -> memref<1x16x128xi32, #tpu.memory_space<vmem>>
      %dma_wait3A_51 = tpu.memref_squeeze %dma_wait3A_50 : memref<1x16x128xi32, #tpu.memory_space<vmem>> -> memref<16x128xi32, #tpu.memory_space<vmem>>
      %dma_wait3A_52 = arith.constant 0 : i32
      %dma_wait3A_53 = tpu.memref_slice %arg4[%mul3A_8, %dma_wait3A_52] : memref<1280x128xi32, #tpu.memory_space<hbm>> -> memref<16x128xi32, #tpu.memory_space<hbm>>
      %dma_wait3A_54 = arith.constant 0 : i32
      %dma_wait3A_55 = arith.constant 0 : i32
      %dma_wait3A_56 = tpu.memref_slice %arg7[%run_scoped3A_9, %dma_wait3A_54, %dma_wait3A_55] : memref<2x16x128xi32, #tpu.memory_space<vmem>> -> memref<1x16x128xi32, #tpu.memory_space<vmem>>
      %dma_wait3A_57 = tpu.memref_squeeze %dma_wait3A_56 : memref<1x16x128xi32, #tpu.memory_space<vmem>> -> memref<16x128xi32, #tpu.memory_space<vmem>>
      %dma_wait3A_58 = arith.constant 0 : i32
      %dma_wait3A_59 = tpu.memref_slice %arg4[%mul3A_8, %dma_wait3A_58] : memref<1280x128xi32, #tpu.memory_space<hbm>> -> memref<16x128xi32, #tpu.memory_space<hbm>>
      tpu.wait_dma2 semaphore(%run_scoped3A_36 : memref<!tpu.dma_semaphore, #tpu.memory_space<semaphore_mem>>) src(%dma_wait3A_59 : memref<16x128xi32, #tpu.memory_space<hbm>>) dst(%dma_wait3A_57 : memref<16x128xi32, #tpu.memory_space<vmem>>)
      tpu.yield
    }) : () -> ()
    %barrier3A = arith.constant 0 : index
    tpu.barrier barrier_id(%barrier3A)
    %dma_start3A = arith.constant 0 : i32
    %dma_start3A_10 = arith.constant 0 : i32
    %dma_start3A_11 = arith.constant 0 : i32
    %dma_start3A_12 = tpu.memref_slice %arg6[%dma_start3A, %dma_start3A_10, %dma_start3A_11] : memref<2x16x128xi32, #tpu.memory_space<vmem>> -> memref<1x1x128xi32, #tpu.memory_space<vmem>>
    %dma_start3A_13 = tpu.memref_squeeze %dma_start3A_12 : memref<1x1x128xi32, #tpu.memory_space<vmem>> -> memref<128xi32, #tpu.memory_space<vmem>>
    %dma_start3A_14 = arith.constant 0 : i32
    %dma_start3A_15 = arith.constant 0 : i32
    %dma_start3A_16 = tpu.memref_slice %arg2[%dma_start3A_14, %dma_start3A_15] : memref<20000x128xf32, #tpu.memory_space<hbm>> -> memref<20000x128xf32, #tpu.memory_space<hbm>>
    tpu.enqueue_indirect_dma source(%dma_start3A_16 : memref<20000x128xf32, #tpu.memory_space<hbm>>) target(%arg8 : memref<128x128xf32, #tpu.memory_space<vmem>>) offsets(%dma_start3A_13 : memref<128xi32, #tpu.memory_space<vmem>>) semaphore(%arg11 : memref<!tpu.dma_semaphore, #tpu.memory_space<semaphore_mem>>)
    %scan3A = arith.constant 0 : i32
    %scan3A_17 = arith.constant 0 : i32
    %scan3A_18 = arith.constant 5 : i32
    %scan3A_19 = arith.addi %scan3A_17, %scan3A_18 : i32
    %scan3A_20 = arith.constant 1 : i32
    %scan3A_21 = scf.for %scan3A_36 = %scan3A_17 to %scan3A_19 step %scan3A_20 iter_args(%scan3A_37 = %scan3A) -> (i32)  : i32 {
      %jit3A = arith.constant 2 : i32
      %eq3A_38 = arith.constant 0 : i32
      %eq3A_39 = arith.cmpi eq, %jit3A, %eq3A_38 : i32
      %jit3A_40 = arith.constant 1 : i32
      %select_n3A = arith.select %eq3A_39, %jit3A_40, %jit3A : i32
      %rem3A = arith.remsi %scan3A_36, %select_n3A : i32
      %ne3A = arith.constant 0 : i32
      %ne3A_41 = arith.cmpi ne, %rem3A, %ne3A : i32
      %lt3A = arith.constant 0 : i32
      %lt3A_42 = arith.cmpi slt, %rem3A, %lt3A : i32
      %lt3A_43 = arith.constant 0 : i32
      %lt3A_44 = arith.cmpi slt, %select_n3A, %lt3A_43 : i32
      %ne3A_45 = arith.xori %lt3A_42, %lt3A_44 : i1
      %and3A = arith.andi %ne3A_45, %ne3A_41 : i1
      %add3A_46 = arith.addi %rem3A, %select_n3A : i32
      %select_n3A_47 = arith.select %and3A, %add3A_46, %rem3A : i32
      %lt3A_48 = arith.constant 4 : i32
      %lt3A_49 = arith.cmpi slt, %scan3A_36, %lt3A_48 : i32
      %convert_element_type3A_50 = arith.extui %lt3A_49 : i1 to i32
      %cond3A_51 = arith.constant 0 : i32
      %cond3A_52 = arith.cmpi ne, %convert_element_type3A_50, %cond3A_51 : i32
      scf.if %cond3A_52 {
        %add3A_61 = arith.constant 1 : i32
        %add3A_62 = arith.addi %scan3A_36, %add3A_61 : i32
        %mul3A_63 = arith.constant 16 : i32
        %mul3A_64 = arith.muli %add3A_62, %mul3A_63 : i32
        %add3A_65 = arith.addi %mul3A_8, %mul3A_64 : i32
        %sub3A = arith.constant 1 : i32
        %sub3A_66 = arith.subi %sub3A, %select_n3A_47 : i32
        %dma_start3A_67 = arith.constant 0 : i32
        %dma_start3A_68 = arith.constant 0 : i32
        %dma_start3A_69 = tpu.memref_slice %arg6[%sub3A_66, %dma_start3A_67, %dma_start3A_68] : memref<2x16x128xi32, #tpu.memory_space<vmem>> -> memref<1x16x128xi32, #tpu.memory_space<vmem>>
        %dma_start3A_70 = tpu.memref_squeeze %dma_start3A_69 : memref<1x16x128xi32, #tpu.memory_space<vmem>> -> memref<16x128xi32, #tpu.memory_space<vmem>>
        %dma_start3A_71 = arith.constant 0 : i32
        %dma_start3A_72 = tpu.memref_slice %arg3[%arg0, %add3A_65, %dma_start3A_71] : memref<2x1280x128xi32, #tpu.memory_space<hbm>> -> memref<1x16x128xi32, #tpu.memory_space<hbm>>
        %dma_start3A_73 = tpu.memref_squeeze %dma_start3A_72 : memref<1x16x128xi32, #tpu.memory_space<hbm>> -> memref<16x128xi32, #tpu.memory_space<hbm>>
        %dma_start3A_74 = arith.constant 0 : i32
        %dma_start3A_75 = arith.constant 0 : i32
        %dma_start3A_76 = tpu.memref_slice %arg6[%sub3A_66, %dma_start3A_74, %dma_start3A_75] : memref<2x16x128xi32, #tpu.memory_space<vmem>> -> memref<1x16x128xi32, #tpu.memory_space<vmem>>
        %dma_start3A_77 = tpu.memref_squeeze %dma_start3A_76 : memref<1x16x128xi32, #tpu.memory_space<vmem>> -> memref<16x128xi32, #tpu.memory_space<vmem>>
        %dma_start3A_78 = arith.constant 0 : i32
        %dma_start3A_79 = tpu.memref_slice %arg3[%arg0, %add3A_65, %dma_start3A_78] : memref<2x1280x128xi32, #tpu.memory_space<hbm>> -> memref<1x16x128xi32, #tpu.memory_space<hbm>>
        %dma_start3A_80 = tpu.memref_squeeze %dma_start3A_79 : memref<1x16x128xi32, #tpu.memory_space<hbm>> -> memref<16x128xi32, #tpu.memory_space<hbm>>
        tpu.enqueue_dma source(%dma_start3A_80 : memref<16x128xi32, #tpu.memory_space<hbm>>) target(%dma_start3A_77 : memref<16x128xi32, #tpu.memory_space<vmem>>) target_semaphore(%arg13 : memref<!tpu.dma_semaphore, #tpu.memory_space<semaphore_mem>>)
        %add3A_81 = arith.constant 1 : i32
        %add3A_82 = arith.addi %scan3A_36, %add3A_81 : i32
        %mul3A_83 = arith.constant 16 : i32
        %mul3A_84 = arith.muli %add3A_82, %mul3A_83 : i32
        %add3A_85 = arith.addi %mul3A_8, %mul3A_84 : i32
        %sub3A_86 = arith.constant 1 : i32
        %sub3A_87 = arith.subi %sub3A_86, %select_n3A_47 : i32
        %dma_start3A_88 = arith.constant 0 : i32
        %dma_start3A_89 = arith.constant 0 : i32
        %dma_start3A_90 = tpu.memref_slice %arg7[%sub3A_87, %dma_start3A_88, %dma_start3A_89] : memref<2x16x128xi32, #tpu.memory_space<vmem>> -> memref<1x16x128xi32, #tpu.memory_space<vmem>>
        %dma_start3A_91 = tpu.memref_squeeze %dma_start3A_90 : memref<1x16x128xi32, #tpu.memory_space<vmem>> -> memref<16x128xi32, #tpu.memory_space<vmem>>
        %dma_start3A_92 = arith.constant 0 : i32
        %dma_start3A_93 = tpu.memref_slice %arg4[%add3A_85, %dma_start3A_92] : memref<1280x128xi32, #tpu.memory_space<hbm>> -> memref<16x128xi32, #tpu.memory_space<hbm>>
        %dma_start3A_94 = arith.constant 0 : i32
        %dma_start3A_95 = arith.constant 0 : i32
        %dma_start3A_96 = tpu.memref_slice %arg7[%sub3A_87, %dma_start3A_94, %dma_start3A_95] : memref<2x16x128xi32, #tpu.memory_space<vmem>> -> memref<1x16x128xi32, #tpu.memory_space<vmem>>
        %dma_start3A_97 = tpu.memref_squeeze %dma_start3A_96 : memref<1x16x128xi32, #tpu.memory_space<vmem>> -> memref<16x128xi32, #tpu.memory_space<vmem>>
        %dma_start3A_98 = arith.constant 0 : i32
        %dma_start3A_99 = tpu.memref_slice %arg4[%add3A_85, %dma_start3A_98] : memref<1280x128xi32, #tpu.memory_space<hbm>> -> memref<16x128xi32, #tpu.memory_space<hbm>>
        tpu.enqueue_dma source(%dma_start3A_99 : memref<16x128xi32, #tpu.memory_space<hbm>>) target(%dma_start3A_97 : memref<16x128xi32, #tpu.memory_space<vmem>>) target_semaphore(%arg14 : memref<!tpu.dma_semaphore, #tpu.memory_space<semaphore_mem>>)
      } else {
      }
      %scan3A_53 = arith.constant 0 : i32
      %scan3A_54 = arith.constant 0 : i32
      %scan3A_55 = arith.constant 8 : i32
      %scan3A_56 = arith.addi %scan3A_54, %scan3A_55 : i32
      %scan3A_57 = arith.constant 1 : i32
      %scan3A_58 = scf.for %scan3A_61 = %scan3A_54 to %scan3A_56 step %scan3A_57 iter_args(%scan3A_62 = %scan3A_53) -> (i32)  : i32 {
        %mul3A_63 = arith.constant 2 : i32
        %mul3A_64 = arith.muli %mul3A_63, %scan3A_61 : i32
        %add3A_65 = arith.constant 1 : i32
        %add3A_66 = arith.addi %mul3A_64, %add3A_65 : i32
        %dma_start3A_67 = arith.constant 0 : i32
        %dma_start3A_68 = tpu.memref_slice %arg6[%select_n3A_47, %add3A_66, %dma_start3A_67] : memref<2x16x128xi32, #tpu.memory_space<vmem>> -> memref<1x1x128xi32, #tpu.memory_space<vmem>>
        %dma_start3A_69 = tpu.memref_squeeze %dma_start3A_68 : memref<1x1x128xi32, #tpu.memory_space<vmem>> -> memref<128xi32, #tpu.memory_space<vmem>>
        %dma_start3A_70 = arith.constant 0 : i32
        %dma_start3A_71 = arith.constant 0 : i32
        %dma_start3A_72 = tpu.memref_slice %arg2[%dma_start3A_70, %dma_start3A_71] : memref<20000x128xf32, #tpu.memory_space<hbm>> -> memref<20000x128xf32, #tpu.memory_space<hbm>>
        tpu.enqueue_indirect_dma source(%dma_start3A_72 : memref<20000x128xf32, #tpu.memory_space<hbm>>) target(%arg9 : memref<128x128xf32, #tpu.memory_space<vmem>>) offsets(%dma_start3A_69 : memref<128xi32, #tpu.memory_space<vmem>>) semaphore(%arg12 : memref<!tpu.dma_semaphore, #tpu.memory_space<semaphore_mem>>)
        %dma_wait3A = arith.constant 0 : i32
        %dma_wait3A_73 = tpu.memref_slice %arg6[%select_n3A_47, %mul3A_64, %dma_wait3A] : memref<2x16x128xi32, #tpu.memory_space<vmem>> -> memref<1x1x128xi32, #tpu.memory_space<vmem>>
        %dma_wait3A_74 = tpu.memref_squeeze %dma_wait3A_73 : memref<1x1x128xi32, #tpu.memory_space<vmem>> -> memref<128xi32, #tpu.memory_space<vmem>>
        %dma_wait3A_75 = arith.constant 0 : i32
        %dma_wait3A_76 = arith.constant 0 : i32
        %dma_wait3A_77 = tpu.memref_slice %arg2[%dma_wait3A_75, %dma_wait3A_76] : memref<20000x128xf32, #tpu.memory_space<hbm>> -> memref<20000x128xf32, #tpu.memory_space<hbm>>
        tpu.wait_indirect_dma semaphore(%arg11 : memref<!tpu.dma_semaphore, #tpu.memory_space<semaphore_mem>>) src(%dma_wait3A_77 : memref<20000x128xf32, #tpu.memory_space<hbm>>) dst(%arg8 : memref<128x128xf32, #tpu.memory_space<vmem>>)
        "tpu.region"() ({
          %run_scoped3A_100 = tpu.sem_alloc : memref<!tpu.dma_semaphore, #tpu.memory_space<semaphore_mem>>
          %dma_start3A_101 = arith.constant 0 : i32
          %dma_start3A_102 = tpu.memref_slice %arg7[%select_n3A_47, %mul3A_64, %dma_start3A_101] : memref<2x16x128xi32, #tpu.memory_space<vmem>> -> memref<1x1x128xi32, #tpu.memory_space<vmem>>
          %dma_start3A_103 = tpu.memref_squeeze %dma_start3A_102 : memref<1x1x128xi32, #tpu.memory_space<vmem>> -> memref<128xi32, #tpu.memory_space<vmem>>
          %dma_start3A_104 = arith.constant 0 : i32
          %dma_start3A_105 = arith.constant 0 : i32
          %dma_start3A_106 = tpu.memref_slice %arg10[%dma_start3A_104, %dma_start3A_105] : memref<10008x128xf32, #tpu.memory_space<vmem_shared>> -> memref<10008x128xf32, #tpu.memory_space<vmem_shared>>
          tpu.enqueue_indirect_dma source(%arg8 : memref<128x128xf32, #tpu.memory_space<vmem>>) target(%dma_start3A_106 : memref<10008x128xf32, #tpu.memory_space<vmem_shared>>) offsets(%dma_start3A_103 : memref<128xi32, #tpu.memory_space<vmem>>) semaphore(%run_scoped3A_100 : memref<!tpu.dma_semaphore, #tpu.memory_space<semaphore_mem>>) {add = true}
          %dma_wait3A_107 = arith.constant 0 : i32
          %dma_wait3A_108 = tpu.memref_slice %arg7[%select_n3A_47, %mul3A_64, %dma_wait3A_107] : memref<2x16x128xi32, #tpu.memory_space<vmem>> -> memref<1x1x128xi32, #tpu.memory_space<vmem>>
          %dma_wait3A_109 = tpu.memref_squeeze %dma_wait3A_108 : memref<1x1x128xi32, #tpu.memory_space<vmem>> -> memref<128xi32, #tpu.memory_space<vmem>>
          %dma_wait3A_110 = arith.constant 0 : i32
          %dma_wait3A_111 = arith.constant 0 : i32
          %dma_wait3A_112 = tpu.memref_slice %arg10[%dma_wait3A_110, %dma_wait3A_111] : memref<10008x128xf32, #tpu.memory_space<vmem_shared>> -> memref<10008x128xf32, #tpu.memory_space<vmem_shared>>
          tpu.wait_indirect_dma semaphore(%run_scoped3A_100 : memref<!tpu.dma_semaphore, #tpu.memory_space<semaphore_mem>>) src(%arg8 : memref<128x128xf32, #tpu.memory_space<vmem>>) dst(%dma_wait3A_112 : memref<10008x128xf32, #tpu.memory_space<vmem_shared>>)
          tpu.yield
        }) : () -> ()
        %add3A_78 = arith.constant 1 : i32
        %add3A_79 = arith.addi %mul3A_64, %add3A_78 : i32
        %lt3A_80 = arith.constant 7 : i32
        %lt3A_81 = arith.cmpi slt, %scan3A_61, %lt3A_80 : i32
        %convert_element_type3A_82 = arith.extui %lt3A_81 : i1 to i32
        %cond3A_83 = arith.constant 0 : i32
        %cond3A_84 = arith.cmpi ne, %convert_element_type3A_82, %cond3A_83 : i32
        scf.if %cond3A_84 {
          %add3A_100 = arith.constant 1 : i32
          %add3A_101 = arith.addi %add3A_79, %add3A_100 : i32
          %dma_start3A_102 = arith.constant 0 : i32
          %dma_start3A_103 = tpu.memref_slice %arg6[%select_n3A_47, %add3A_101, %dma_start3A_102] : memref<2x16x128xi32, #tpu.memory_space<vmem>> -> memref<1x1x128xi32, #tpu.memory_space<vmem>>
          %dma_start3A_104 = tpu.memref_squeeze %dma_start3A_103 : memref<1x1x128xi32, #tpu.memory_space<vmem>> -> memref<128xi32, #tpu.memory_space<vmem>>
          %dma_start3A_105 = arith.constant 0 : i32
          %dma_start3A_106 = arith.constant 0 : i32
          %dma_start3A_107 = tpu.memref_slice %arg2[%dma_start3A_105, %dma_start3A_106] : memref<20000x128xf32, #tpu.memory_space<hbm>> -> memref<20000x128xf32, #tpu.memory_space<hbm>>
          tpu.enqueue_indirect_dma source(%dma_start3A_107 : memref<20000x128xf32, #tpu.memory_space<hbm>>) target(%arg8 : memref<128x128xf32, #tpu.memory_space<vmem>>) offsets(%dma_start3A_104 : memref<128xi32, #tpu.memory_space<vmem>>) semaphore(%arg11 : memref<!tpu.dma_semaphore, #tpu.memory_space<semaphore_mem>>)
        } else {
        }
        %eq3A_85 = arith.constant 7 : i32
        %eq3A_86 = arith.cmpi eq, %scan3A_61, %eq3A_85 : i32
        %lt3A_87 = arith.constant 4 : i32
        %lt3A_88 = arith.cmpi slt, %scan3A_36, %lt3A_87 : i32
        %and3A_89 = arith.andi %eq3A_86, %lt3A_88 : i1
        %convert_element_type3A_90 = arith.extui %and3A_89 : i1 to i32
        %cond3A_91 = arith.constant 0 : i32
        %cond3A_92 = arith.cmpi ne, %convert_element_type3A_90, %cond3A_91 : i32
        scf.if %cond3A_92 {
          %add3A_100 = arith.constant 1 : i32
          %add3A_101 = arith.addi %scan3A_36, %add3A_100 : i32
          %mul3A_102 = arith.constant 16 : i32
          %mul3A_103 = arith.muli %add3A_101, %mul3A_102 : i32
          %add3A_104 = arith.addi %mul3A_8, %mul3A_103 : i32
          %sub3A = arith.constant 1 : i32
          %sub3A_105 = arith.subi %sub3A, %select_n3A_47 : i32
          %dma_wait3A_106 = arith.constant 0 : i32
          %dma_wait3A_107 = arith.constant 0 : i32
          %dma_wait3A_108 = tpu.memref_slice %arg6[%sub3A_105, %dma_wait3A_106, %dma_wait3A_107] : memref<2x16x128xi32, #tpu.memory_space<vmem>> -> memref<1x16x128xi32, #tpu.memory_space<vmem>>
          %dma_wait3A_109 = tpu.memref_squeeze %dma_wait3A_108 : memref<1x16x128xi32, #tpu.memory_space<vmem>> -> memref<16x128xi32, #tpu.memory_space<vmem>>
          %dma_wait3A_110 = arith.constant 0 : i32
          %dma_wait3A_111 = tpu.memref_slice %arg3[%arg0, %add3A_104, %dma_wait3A_110] : memref<2x1280x128xi32, #tpu.memory_space<hbm>> -> memref<1x16x128xi32, #tpu.memory_space<hbm>>
          %dma_wait3A_112 = tpu.memref_squeeze %dma_wait3A_111 : memref<1x16x128xi32, #tpu.memory_space<hbm>> -> memref<16x128xi32, #tpu.memory_space<hbm>>
          %dma_wait3A_113 = arith.constant 0 : i32
          %dma_wait3A_114 = arith.constant 0 : i32
          %dma_wait3A_115 = tpu.memref_slice %arg6[%sub3A_105, %dma_wait3A_113, %dma_wait3A_114] : memref<2x16x128xi32, #tpu.memory_space<vmem>> -> memref<1x16x128xi32, #tpu.memory_space<vmem>>
          %dma_wait3A_116 = tpu.memref_squeeze %dma_wait3A_115 : memref<1x16x128xi32, #tpu.memory_space<vmem>> -> memref<16x128xi32, #tpu.memory_space<vmem>>
          %dma_wait3A_117 = arith.constant 0 : i32
          %dma_wait3A_118 = tpu.memref_slice %arg3[%arg0, %add3A_104, %dma_wait3A_117] : memref<2x1280x128xi32, #tpu.memory_space<hbm>> -> memref<1x16x128xi32, #tpu.memory_space<hbm>>
          %dma_wait3A_119 = tpu.memref_squeeze %dma_wait3A_118 : memref<1x16x128xi32, #tpu.memory_space<hbm>> -> memref<16x128xi32, #tpu.memory_space<hbm>>
          tpu.wait_dma2 semaphore(%arg13 : memref<!tpu.dma_semaphore, #tpu.memory_space<semaphore_mem>>) src(%dma_wait3A_119 : memref<16x128xi32, #tpu.memory_space<hbm>>) dst(%dma_wait3A_116 : memref<16x128xi32, #tpu.memory_space<vmem>>)
          %add3A_120 = arith.constant 1 : i32
          %add3A_121 = arith.addi %scan3A_36, %add3A_120 : i32
          %mul3A_122 = arith.constant 16 : i32
          %mul3A_123 = arith.muli %add3A_121, %mul3A_122 : i32
          %add3A_124 = arith.addi %mul3A_8, %mul3A_123 : i32
          %sub3A_125 = arith.constant 1 : i32
          %sub3A_126 = arith.subi %sub3A_125, %select_n3A_47 : i32
          %dma_wait3A_127 = arith.constant 0 : i32
          %dma_wait3A_128 = arith.constant 0 : i32
          %dma_wait3A_129 = tpu.memref_slice %arg7[%sub3A_126, %dma_wait3A_127, %dma_wait3A_128] : memref<2x16x128xi32, #tpu.memory_space<vmem>> -> memref<1x16x128xi32, #tpu.memory_space<vmem>>
          %dma_wait3A_130 = tpu.memref_squeeze %dma_wait3A_129 : memref<1x16x128xi32, #tpu.memory_space<vmem>> -> memref<16x128xi32, #tpu.memory_space<vmem>>
          %dma_wait3A_131 = arith.constant 0 : i32
          %dma_wait3A_132 = tpu.memref_slice %arg4[%add3A_124, %dma_wait3A_131] : memref<1280x128xi32, #tpu.memory_space<hbm>> -> memref<16x128xi32, #tpu.memory_space<hbm>>
          %dma_wait3A_133 = arith.constant 0 : i32
          %dma_wait3A_134 = arith.constant 0 : i32
          %dma_wait3A_135 = tpu.memref_slice %arg7[%sub3A_126, %dma_wait3A_133, %dma_wait3A_134] : memref<2x16x128xi32, #tpu.memory_space<vmem>> -> memref<1x16x128xi32, #tpu.memory_space<vmem>>
          %dma_wait3A_136 = tpu.memref_squeeze %dma_wait3A_135 : memref<1x16x128xi32, #tpu.memory_space<vmem>> -> memref<16x128xi32, #tpu.memory_space<vmem>>
          %dma_wait3A_137 = arith.constant 0 : i32
          %dma_wait3A_138 = tpu.memref_slice %arg4[%add3A_124, %dma_wait3A_137] : memref<1280x128xi32, #tpu.memory_space<hbm>> -> memref<16x128xi32, #tpu.memory_space<hbm>>
          tpu.wait_dma2 semaphore(%arg14 : memref<!tpu.dma_semaphore, #tpu.memory_space<semaphore_mem>>) src(%dma_wait3A_138 : memref<16x128xi32, #tpu.memory_space<hbm>>) dst(%dma_wait3A_136 : memref<16x128xi32, #tpu.memory_space<vmem>>)
          %sub3A_139 = arith.constant 1 : i32
          %sub3A_140 = arith.subi %sub3A_139, %select_n3A_47 : i32
          %dma_start3A_141 = arith.constant 0 : i32
          %dma_start3A_142 = arith.constant 0 : i32
          %dma_start3A_143 = tpu.memref_slice %arg6[%sub3A_140, %dma_start3A_141, %dma_start3A_142] : memref<2x16x128xi32, #tpu.memory_space<vmem>> -> memref<1x1x128xi32, #tpu.memory_space<vmem>>
          %dma_start3A_144 = tpu.memref_squeeze %dma_start3A_143 : memref<1x1x128xi32, #tpu.memory_space<vmem>> -> memref<128xi32, #tpu.memory_space<vmem>>
          %dma_start3A_145 = arith.constant 0 : i32
          %dma_start3A_146 = arith.constant 0 : i32
          %dma_start3A_147 = tpu.memref_slice %arg2[%dma_start3A_145, %dma_start3A_146] : memref<20000x128xf32, #tpu.memory_space<hbm>> -> memref<20000x128xf32, #tpu.memory_space<hbm>>
          tpu.enqueue_indirect_dma source(%dma_start3A_147 : memref<20000x128xf32, #tpu.memory_space<hbm>>) target(%arg8 : memref<128x128xf32, #tpu.memory_space<vmem>>) offsets(%dma_start3A_144 : memref<128xi32, #tpu.memory_space<vmem>>) semaphore(%arg11 : memref<!tpu.dma_semaphore, #tpu.memory_space<semaphore_mem>>)
        } else {
        }
        %dma_wait3A_93 = arith.constant 0 : i32
        %dma_wait3A_94 = tpu.memref_slice %arg6[%select_n3A_47, %add3A_79, %dma_wait3A_93] : memref<2x16x128xi32, #tpu.memory_space<vmem>> -> memref<1x1x128xi32, #tpu.memory_space<vmem>>
        %dma_wait3A_95 = tpu.memref_squeeze %dma_wait3A_94 : memref<1x1x128xi32, #tpu.memory_space<vmem>> -> memref<128xi32, #tpu.memory_space<vmem>>
        %dma_wait3A_96 = arith.constant 0 : i32
        %dma_wait3A_97 = arith.constant 0 : i32
        %dma_wait3A_98 = tpu.memref_slice %arg2[%dma_wait3A_96, %dma_wait3A_97] : memref<20000x128xf32, #tpu.memory_space<hbm>> -> memref<20000x128xf32, #tpu.memory_space<hbm>>
        tpu.wait_indirect_dma semaphore(%arg12 : memref<!tpu.dma_semaphore, #tpu.memory_space<semaphore_mem>>) src(%dma_wait3A_98 : memref<20000x128xf32, #tpu.memory_space<hbm>>) dst(%arg9 : memref<128x128xf32, #tpu.memory_space<vmem>>)
        "tpu.region"() ({
          %run_scoped3A_100 = tpu.sem_alloc : memref<!tpu.dma_semaphore, #tpu.memory_space<semaphore_mem>>
          %dma_start3A_101 = arith.constant 0 : i32
          %dma_start3A_102 = tpu.memref_slice %arg7[%select_n3A_47, %add3A_79, %dma_start3A_101] : memref<2x16x128xi32, #tpu.memory_space<vmem>> -> memref<1x1x128xi32, #tpu.memory_space<vmem>>
          %dma_start3A_103 = tpu.memref_squeeze %dma_start3A_102 : memref<1x1x128xi32, #tpu.memory_space<vmem>> -> memref<128xi32, #tpu.memory_space<vmem>>
          %dma_start3A_104 = arith.constant 0 : i32
          %dma_start3A_105 = arith.constant 0 : i32
          %dma_start3A_106 = tpu.memref_slice %arg10[%dma_start3A_104, %dma_start3A_105] : memref<10008x128xf32, #tpu.memory_space<vmem_shared>> -> memref<10008x128xf32, #tpu.memory_space<vmem_shared>>
          tpu.enqueue_indirect_dma source(%arg9 : memref<128x128xf32, #tpu.memory_space<vmem>>) target(%dma_start3A_106 : memref<10008x128xf32, #tpu.memory_space<vmem_shared>>) offsets(%dma_start3A_103 : memref<128xi32, #tpu.memory_space<vmem>>) semaphore(%run_scoped3A_100 : memref<!tpu.dma_semaphore, #tpu.memory_space<semaphore_mem>>) {add = true}
          %dma_wait3A_107 = arith.constant 0 : i32
          %dma_wait3A_108 = tpu.memref_slice %arg7[%select_n3A_47, %add3A_79, %dma_wait3A_107] : memref<2x16x128xi32, #tpu.memory_space<vmem>> -> memref<1x1x128xi32, #tpu.memory_space<vmem>>
          %dma_wait3A_109 = tpu.memref_squeeze %dma_wait3A_108 : memref<1x1x128xi32, #tpu.memory_space<vmem>> -> memref<128xi32, #tpu.memory_space<vmem>>
          %dma_wait3A_110 = arith.constant 0 : i32
          %dma_wait3A_111 = arith.constant 0 : i32
          %dma_wait3A_112 = tpu.memref_slice %arg10[%dma_wait3A_110, %dma_wait3A_111] : memref<10008x128xf32, #tpu.memory_space<vmem_shared>> -> memref<10008x128xf32, #tpu.memory_space<vmem_shared>>
          tpu.wait_indirect_dma semaphore(%run_scoped3A_100 : memref<!tpu.dma_semaphore, #tpu.memory_space<semaphore_mem>>) src(%arg9 : memref<128x128xf32, #tpu.memory_space<vmem>>) dst(%dma_wait3A_112 : memref<10008x128xf32, #tpu.memory_space<vmem_shared>>)
          tpu.yield
        }) : () -> ()
        %scan3A_99 = arith.constant 0 : i32
        scf.yield %scan3A_99 : i32
      }
      %scan3A_59 = arith.constant 8 : i32
      %scan3A_60 = arith.constant 0 : i32
      scf.yield %scan3A_60 : i32
    }
    %scan3A_22 = arith.constant 5 : i32
    %barrier3A_23 = arith.constant 0 : index
    tpu.barrier barrier_id(%barrier3A_23)
    %mul3A_24 = arith.constant 624 : i32
    %mul3A_25 = arith.muli %arg1, %mul3A_24 : i32
    %mul3A_26 = arith.constant 10000 : i32
    %mul3A_27 = arith.muli %arg0, %mul3A_26 : i32
    %mul3A_28 = arith.constant 624 : i32
    %mul3A_29 = arith.muli %arg1, %mul3A_28 : i32
    %add3A_30 = arith.addi %mul3A_27, %mul3A_29 : i32
    "tpu.region"() ({
      %run_scoped3A_36 = tpu.sem_alloc : memref<!tpu.dma_semaphore, #tpu.memory_space<semaphore_mem>>
      %dma_start3A_37 = arith.constant 0 : i32
      %dma_start3A_38 = tpu.memref_slice %arg5[%add3A_30, %dma_start3A_37] : memref<20000x128xf32, #tpu.memory_space<hbm>> -> memref<624x128xf32, #tpu.memory_space<hbm>>
      %dma_start3A_39 = arith.constant 0 : i32
      %dma_start3A_40 = tpu.memref_slice %arg10[%mul3A_25, %dma_start3A_39] : memref<10008x128xf32, #tpu.memory_space<vmem_shared>> -> memref<624x128xf32, #tpu.memory_space<vmem_shared>>
      tpu.enqueue_dma source(%dma_start3A_40 : memref<624x128xf32, #tpu.memory_space<vmem_shared>>) target(%dma_start3A_38 : memref<624x128xf32, #tpu.memory_space<hbm>>) target_semaphore(%run_scoped3A_36 : memref<!tpu.dma_semaphore, #tpu.memory_space<semaphore_mem>>)
      %dma_wait3A = arith.constant 0 : i32
      %dma_wait3A_41 = tpu.memref_slice %arg5[%add3A_30, %dma_wait3A] : memref<20000x128xf32, #tpu.memory_space<hbm>> -> memref<624x128xf32, #tpu.memory_space<hbm>>
      %dma_wait3A_42 = arith.constant 0 : i32
      %dma_wait3A_43 = tpu.memref_slice %arg10[%mul3A_25, %dma_wait3A_42] : memref<10008x128xf32, #tpu.memory_space<vmem_shared>> -> memref<624x128xf32, #tpu.memory_space<vmem_shared>>
      tpu.wait_dma2 semaphore(%run_scoped3A_36 : memref<!tpu.dma_semaphore, #tpu.memory_space<semaphore_mem>>) src(%dma_wait3A_43 : memref<624x128xf32, #tpu.memory_space<vmem_shared>>) dst(%dma_wait3A_41 : memref<624x128xf32, #tpu.memory_space<hbm>>)
      tpu.yield
    }) : () -> ()
    %eq3A_31 = arith.constant 0 : i32
    %eq3A_32 = arith.cmpi eq, %arg1, %eq3A_31 : i32
    %convert_element_type3A_33 = arith.extui %eq3A_32 : i1 to i32
    %cond3A_34 = arith.constant 0 : i32
    %cond3A_35 = arith.cmpi ne, %convert_element_type3A_33, %cond3A_34 : i32
    scf.if %cond3A_35 {
      %mul3A_36 = arith.constant 10000 : i32
      %mul3A_37 = arith.muli %arg0, %mul3A_36 : i32
      %add3A_38 = arith.constant 9984 : i32
      %add3A_39 = arith.addi %mul3A_37, %add3A_38 : i32
      "tpu.region"() ({
        %run_scoped3A_40 = tpu.sem_alloc : memref<!tpu.dma_semaphore, #tpu.memory_space<semaphore_mem>>
        %dma_start3A_41 = arith.constant 0 : i32
        %dma_start3A_42 = tpu.memref_slice %arg5[%add3A_39, %dma_start3A_41] : memref<20000x128xf32, #tpu.memory_space<hbm>> -> memref<16x128xf32, #tpu.memory_space<hbm>>
        %dma_start3A_43 = arith.constant 9984 : i32
        %dma_start3A_44 = arith.constant 0 : i32
        %dma_start3A_45 = tpu.memref_slice %arg10[%dma_start3A_43, %dma_start3A_44] : memref<10008x128xf32, #tpu.memory_space<vmem_shared>> -> memref<16x128xf32, #tpu.memory_space<vmem_shared>>
        tpu.enqueue_dma source(%dma_start3A_45 : memref<16x128xf32, #tpu.memory_space<vmem_shared>>) target(%dma_start3A_42 : memref<16x128xf32, #tpu.memory_space<hbm>>) target_semaphore(%run_scoped3A_40 : memref<!tpu.dma_semaphore, #tpu.memory_space<semaphore_mem>>)
        %dma_wait3A = arith.constant 0 : i32
        %dma_wait3A_46 = tpu.memref_slice %arg5[%add3A_39, %dma_wait3A] : memref<20000x128xf32, #tpu.memory_space<hbm>> -> memref<16x128xf32, #tpu.memory_space<hbm>>
        %dma_wait3A_47 = arith.constant 9984 : i32
        %dma_wait3A_48 = arith.constant 0 : i32
        %dma_wait3A_49 = tpu.memref_slice %arg10[%dma_wait3A_47, %dma_wait3A_48] : memref<10008x128xf32, #tpu.memory_space<vmem_shared>> -> memref<16x128xf32, #tpu.memory_space<vmem_shared>>
        tpu.wait_dma2 semaphore(%run_scoped3A_40 : memref<!tpu.dma_semaphore, #tpu.memory_space<semaphore_mem>>) src(%dma_wait3A_49 : memref<16x128xf32, #tpu.memory_space<vmem_shared>>) dst(%dma_wait3A_46 : memref<16x128xf32, #tpu.memory_space<hbm>>)
        tpu.yield
      }) : () -> ()
    } else {
    }
    return
  }
}

#map = affine_map<(d0, d1) -> (0, 0)>
#map1 = affine_map<(d0, d1) -> (0, 0, 0)>
module attributes {stable_mosaic.version = 14 : i64} {
  func.func @_sc_agg_body(%arg0: i32, %arg1: i32, %arg2: memref<20000x128xf32, #tpu.memory_space<hbm>>, %arg3: memref<2x1280x128xi32, #tpu.memory_space<hbm>>, %arg4: memref<1280x128xi32, #tpu.memory_space<hbm>>, %arg5: memref<20000x128xf32, #tpu.memory_space<hbm>>, %arg6: memref<2x16x128xi32, #tpu.memory_space<vmem>>, %arg7: memref<2x16x128xi32, #tpu.memory_space<vmem>>, %arg8: memref<128x128xf32, #tpu.memory_space<vmem>>, %arg9: memref<128x128xf32, #tpu.memory_space<vmem>>, %arg10: memref<10008x128xf32, #tpu.memory_space<vmem_shared>>, %arg11: memref<!tpu.dma_semaphore, #tpu.memory_space<semaphore_mem>>, %arg12: memref<!tpu.dma_semaphore, #tpu.memory_space<semaphore_mem>>, %arg13: memref<!tpu.dma_semaphore, #tpu.memory_space<semaphore_mem>>, %arg14: memref<!tpu.dma_semaphore, #tpu.memory_space<semaphore_mem>>) attributes {dimension_semantics = [#tpu.dimension_semantics<core_parallel>, #tpu.dimension_semantics<subcore_parallel>], iteration_bounds = array<i64: 2, 16>, scalar_prefetch = 0 : i64, scratch_operands = 9 : i64, tpu.core_type = #tpu.core_type<sc_vector_subcore>, window_params = [{transform_indices = #map}, {transform_indices = #map1}, {transform_indices = #map}, {transform_indices = #map}]} {
    %mul3A = arith.constant 10000 : i32
    %mul3A_0 = arith.muli %arg0, %mul3A : i32
    %mul3A_1 = arith.constant 624 : i32
    %mul3A_2 = arith.muli %arg1, %mul3A_1 : i32
    %add3A = arith.addi %mul3A_0, %mul3A_2 : i32
    %mul3A_3 = arith.constant 624 : i32
    %mul3A_4 = arith.muli %arg1, %mul3A_3 : i32
    "tpu.region"() ({
      %run_scoped3A_36 = tpu.sem_alloc : memref<!tpu.dma_semaphore, #tpu.memory_space<semaphore_mem>>
      %dma_start3A_37 = arith.constant 0 : i32
      %dma_start3A_38 = tpu.memref_slice %arg10[%mul3A_4, %dma_start3A_37] : memref<10008x128xf32, #tpu.memory_space<vmem_shared>> -> memref<624x128xf32, #tpu.memory_space<vmem_shared>>
      %dma_start3A_39 = arith.constant 0 : i32
      %dma_start3A_40 = tpu.memref_slice %arg2[%add3A, %dma_start3A_39] : memref<20000x128xf32, #tpu.memory_space<hbm>> -> memref<624x128xf32, #tpu.memory_space<hbm>>
      tpu.enqueue_dma source(%dma_start3A_40 : memref<624x128xf32, #tpu.memory_space<hbm>>) target(%dma_start3A_38 : memref<624x128xf32, #tpu.memory_space<vmem_shared>>) target_semaphore(%run_scoped3A_36 : memref<!tpu.dma_semaphore, #tpu.memory_space<semaphore_mem>>)
      %dma_wait3A = arith.constant 0 : i32
      %dma_wait3A_41 = tpu.memref_slice %arg10[%mul3A_4, %dma_wait3A] : memref<10008x128xf32, #tpu.memory_space<vmem_shared>> -> memref<624x128xf32, #tpu.memory_space<vmem_shared>>
      %dma_wait3A_42 = arith.constant 0 : i32
      %dma_wait3A_43 = tpu.memref_slice %arg2[%add3A, %dma_wait3A_42] : memref<20000x128xf32, #tpu.memory_space<hbm>> -> memref<624x128xf32, #tpu.memory_space<hbm>>
      tpu.wait_dma2 semaphore(%run_scoped3A_36 : memref<!tpu.dma_semaphore, #tpu.memory_space<semaphore_mem>>) src(%dma_wait3A_43 : memref<624x128xf32, #tpu.memory_space<hbm>>) dst(%dma_wait3A_41 : memref<624x128xf32, #tpu.memory_space<vmem_shared>>)
      tpu.yield
    }) : () -> ()
    %eq3A = arith.constant 0 : i32
    %eq3A_5 = arith.cmpi eq, %arg1, %eq3A : i32
    %convert_element_type3A = arith.extui %eq3A_5 : i1 to i32
    %cond3A = arith.constant 0 : i32
    %cond3A_6 = arith.cmpi ne, %convert_element_type3A, %cond3A : i32
    scf.if %cond3A_6 {
      %mul3A_36 = arith.constant 10000 : i32
      %mul3A_37 = arith.muli %arg0, %mul3A_36 : i32
      %add3A_38 = arith.constant 9984 : i32
      %add3A_39 = arith.addi %mul3A_37, %add3A_38 : i32
      "tpu.region"() ({
        %run_scoped3A_40 = tpu.sem_alloc : memref<!tpu.dma_semaphore, #tpu.memory_space<semaphore_mem>>
        %dma_start3A_41 = arith.constant 9984 : i32
        %dma_start3A_42 = arith.constant 0 : i32
        %dma_start3A_43 = tpu.memref_slice %arg10[%dma_start3A_41, %dma_start3A_42] : memref<10008x128xf32, #tpu.memory_space<vmem_shared>> -> memref<16x128xf32, #tpu.memory_space<vmem_shared>>
        %dma_start3A_44 = arith.constant 0 : i32
        %dma_start3A_45 = tpu.memref_slice %arg2[%add3A_39, %dma_start3A_44] : memref<20000x128xf32, #tpu.memory_space<hbm>> -> memref<16x128xf32, #tpu.memory_space<hbm>>
        tpu.enqueue_dma source(%dma_start3A_45 : memref<16x128xf32, #tpu.memory_space<hbm>>) target(%dma_start3A_43 : memref<16x128xf32, #tpu.memory_space<vmem_shared>>) target_semaphore(%run_scoped3A_40 : memref<!tpu.dma_semaphore, #tpu.memory_space<semaphore_mem>>)
        %dma_wait3A = arith.constant 9984 : i32
        %dma_wait3A_46 = arith.constant 0 : i32
        %dma_wait3A_47 = tpu.memref_slice %arg10[%dma_wait3A, %dma_wait3A_46] : memref<10008x128xf32, #tpu.memory_space<vmem_shared>> -> memref<16x128xf32, #tpu.memory_space<vmem_shared>>
        %dma_wait3A_48 = arith.constant 0 : i32
        %dma_wait3A_49 = tpu.memref_slice %arg2[%add3A_39, %dma_wait3A_48] : memref<20000x128xf32, #tpu.memory_space<hbm>> -> memref<16x128xf32, #tpu.memory_space<hbm>>
        tpu.wait_dma2 semaphore(%run_scoped3A_40 : memref<!tpu.dma_semaphore, #tpu.memory_space<semaphore_mem>>) src(%dma_wait3A_49 : memref<16x128xf32, #tpu.memory_space<hbm>>) dst(%dma_wait3A_47 : memref<16x128xf32, #tpu.memory_space<vmem_shared>>)
        tpu.yield
      }) : () -> ()
    } else {
    }
    %mul3A_7 = arith.constant 80 : i32
    %mul3A_8 = arith.muli %arg1, %mul3A_7 : i32
    %run_scoped3A = arith.constant 0 : i32
    "tpu.region"() ({
      %run_scoped3A_36 = tpu.sem_alloc : memref<!tpu.dma_semaphore, #tpu.memory_space<semaphore_mem>>
      %dma_start3A_37 = arith.constant 0 : i32
      %dma_start3A_38 = arith.constant 0 : i32
      %dma_start3A_39 = tpu.memref_slice %arg6[%run_scoped3A, %dma_start3A_37, %dma_start3A_38] : memref<2x16x128xi32, #tpu.memory_space<vmem>> -> memref<1x16x128xi32, #tpu.memory_space<vmem>>
      %dma_start3A_40 = tpu.memref_squeeze %dma_start3A_39 : memref<1x16x128xi32, #tpu.memory_space<vmem>> -> memref<16x128xi32, #tpu.memory_space<vmem>>
      %dma_start3A_41 = arith.constant 0 : i32
      %dma_start3A_42 = tpu.memref_slice %arg3[%arg0, %mul3A_8, %dma_start3A_41] : memref<2x1280x128xi32, #tpu.memory_space<hbm>> -> memref<1x16x128xi32, #tpu.memory_space<hbm>>
      %dma_start3A_43 = tpu.memref_squeeze %dma_start3A_42 : memref<1x16x128xi32, #tpu.memory_space<hbm>> -> memref<16x128xi32, #tpu.memory_space<hbm>>
      %dma_start3A_44 = arith.constant 0 : i32
      %dma_start3A_45 = arith.constant 0 : i32
      %dma_start3A_46 = tpu.memref_slice %arg6[%run_scoped3A, %dma_start3A_44, %dma_start3A_45] : memref<2x16x128xi32, #tpu.memory_space<vmem>> -> memref<1x16x128xi32, #tpu.memory_space<vmem>>
      %dma_start3A_47 = tpu.memref_squeeze %dma_start3A_46 : memref<1x16x128xi32, #tpu.memory_space<vmem>> -> memref<16x128xi32, #tpu.memory_space<vmem>>
      %dma_start3A_48 = arith.constant 0 : i32
      %dma_start3A_49 = tpu.memref_slice %arg3[%arg0, %mul3A_8, %dma_start3A_48] : memref<2x1280x128xi32, #tpu.memory_space<hbm>> -> memref<1x16x128xi32, #tpu.memory_space<hbm>>
      %dma_start3A_50 = tpu.memref_squeeze %dma_start3A_49 : memref<1x16x128xi32, #tpu.memory_space<hbm>> -> memref<16x128xi32, #tpu.memory_space<hbm>>
      tpu.enqueue_dma source(%dma_start3A_50 : memref<16x128xi32, #tpu.memory_space<hbm>>) target(%dma_start3A_47 : memref<16x128xi32, #tpu.memory_space<vmem>>) target_semaphore(%run_scoped3A_36 : memref<!tpu.dma_semaphore, #tpu.memory_space<semaphore_mem>>)
      %dma_wait3A = arith.constant 0 : i32
      %dma_wait3A_51 = arith.constant 0 : i32
      %dma_wait3A_52 = tpu.memref_slice %arg6[%run_scoped3A, %dma_wait3A, %dma_wait3A_51] : memref<2x16x128xi32, #tpu.memory_space<vmem>> -> memref<1x16x128xi32, #tpu.memory_space<vmem>>
      %dma_wait3A_53 = tpu.memref_squeeze %dma_wait3A_52 : memref<1x16x128xi32, #tpu.memory_space<vmem>> -> memref<16x128xi32, #tpu.memory_space<vmem>>
      %dma_wait3A_54 = arith.constant 0 : i32
      %dma_wait3A_55 = tpu.memref_slice %arg3[%arg0, %mul3A_8, %dma_wait3A_54] : memref<2x1280x128xi32, #tpu.memory_space<hbm>> -> memref<1x16x128xi32, #tpu.memory_space<hbm>>
      %dma_wait3A_56 = tpu.memref_squeeze %dma_wait3A_55 : memref<1x16x128xi32, #tpu.memory_space<hbm>> -> memref<16x128xi32, #tpu.memory_space<hbm>>
      %dma_wait3A_57 = arith.constant 0 : i32
      %dma_wait3A_58 = arith.constant 0 : i32
      %dma_wait3A_59 = tpu.memref_slice %arg6[%run_scoped3A, %dma_wait3A_57, %dma_wait3A_58] : memref<2x16x128xi32, #tpu.memory_space<vmem>> -> memref<1x16x128xi32, #tpu.memory_space<vmem>>
      %dma_wait3A_60 = tpu.memref_squeeze %dma_wait3A_59 : memref<1x16x128xi32, #tpu.memory_space<vmem>> -> memref<16x128xi32, #tpu.memory_space<vmem>>
      %dma_wait3A_61 = arith.constant 0 : i32
      %dma_wait3A_62 = tpu.memref_slice %arg3[%arg0, %mul3A_8, %dma_wait3A_61] : memref<2x1280x128xi32, #tpu.memory_space<hbm>> -> memref<1x16x128xi32, #tpu.memory_space<hbm>>
      %dma_wait3A_63 = tpu.memref_squeeze %dma_wait3A_62 : memref<1x16x128xi32, #tpu.memory_space<hbm>> -> memref<16x128xi32, #tpu.memory_space<hbm>>
      tpu.wait_dma2 semaphore(%run_scoped3A_36 : memref<!tpu.dma_semaphore, #tpu.memory_space<semaphore_mem>>) src(%dma_wait3A_63 : memref<16x128xi32, #tpu.memory_space<hbm>>) dst(%dma_wait3A_60 : memref<16x128xi32, #tpu.memory_space<vmem>>)
      tpu.yield
    }) : () -> ()
    %run_scoped3A_9 = arith.constant 0 : i32
    "tpu.region"() ({
      %run_scoped3A_36 = tpu.sem_alloc : memref<!tpu.dma_semaphore, #tpu.memory_space<semaphore_mem>>
      %dma_start3A_37 = arith.constant 0 : i32
      %dma_start3A_38 = arith.constant 0 : i32
      %dma_start3A_39 = tpu.memref_slice %arg7[%run_scoped3A_9, %dma_start3A_37, %dma_start3A_38] : memref<2x16x128xi32, #tpu.memory_space<vmem>> -> memref<1x16x128xi32, #tpu.memory_space<vmem>>
      %dma_start3A_40 = tpu.memref_squeeze %dma_start3A_39 : memref<1x16x128xi32, #tpu.memory_space<vmem>> -> memref<16x128xi32, #tpu.memory_space<vmem>>
      %dma_start3A_41 = arith.constant 0 : i32
      %dma_start3A_42 = tpu.memref_slice %arg4[%mul3A_8, %dma_start3A_41] : memref<1280x128xi32, #tpu.memory_space<hbm>> -> memref<16x128xi32, #tpu.memory_space<hbm>>
      %dma_start3A_43 = arith.constant 0 : i32
      %dma_start3A_44 = arith.constant 0 : i32
      %dma_start3A_45 = tpu.memref_slice %arg7[%run_scoped3A_9, %dma_start3A_43, %dma_start3A_44] : memref<2x16x128xi32, #tpu.memory_space<vmem>> -> memref<1x16x128xi32, #tpu.memory_space<vmem>>
      %dma_start3A_46 = tpu.memref_squeeze %dma_start3A_45 : memref<1x16x128xi32, #tpu.memory_space<vmem>> -> memref<16x128xi32, #tpu.memory_space<vmem>>
      %dma_start3A_47 = arith.constant 0 : i32
      %dma_start3A_48 = tpu.memref_slice %arg4[%mul3A_8, %dma_start3A_47] : memref<1280x128xi32, #tpu.memory_space<hbm>> -> memref<16x128xi32, #tpu.memory_space<hbm>>
      tpu.enqueue_dma source(%dma_start3A_48 : memref<16x128xi32, #tpu.memory_space<hbm>>) target(%dma_start3A_46 : memref<16x128xi32, #tpu.memory_space<vmem>>) target_semaphore(%run_scoped3A_36 : memref<!tpu.dma_semaphore, #tpu.memory_space<semaphore_mem>>)
      %dma_wait3A = arith.constant 0 : i32
      %dma_wait3A_49 = arith.constant 0 : i32
      %dma_wait3A_50 = tpu.memref_slice %arg7[%run_scoped3A_9, %dma_wait3A, %dma_wait3A_49] : memref<2x16x128xi32, #tpu.memory_space<vmem>> -> memref<1x16x128xi32, #tpu.memory_space<vmem>>
      %dma_wait3A_51 = tpu.memref_squeeze %dma_wait3A_50 : memref<1x16x128xi32, #tpu.memory_space<vmem>> -> memref<16x128xi32, #tpu.memory_space<vmem>>
      %dma_wait3A_52 = arith.constant 0 : i32
      %dma_wait3A_53 = tpu.memref_slice %arg4[%mul3A_8, %dma_wait3A_52] : memref<1280x128xi32, #tpu.memory_space<hbm>> -> memref<16x128xi32, #tpu.memory_space<hbm>>
      %dma_wait3A_54 = arith.constant 0 : i32
      %dma_wait3A_55 = arith.constant 0 : i32
      %dma_wait3A_56 = tpu.memref_slice %arg7[%run_scoped3A_9, %dma_wait3A_54, %dma_wait3A_55] : memref<2x16x128xi32, #tpu.memory_space<vmem>> -> memref<1x16x128xi32, #tpu.memory_space<vmem>>
      %dma_wait3A_57 = tpu.memref_squeeze %dma_wait3A_56 : memref<1x16x128xi32, #tpu.memory_space<vmem>> -> memref<16x128xi32, #tpu.memory_space<vmem>>
      %dma_wait3A_58 = arith.constant 0 : i32
      %dma_wait3A_59 = tpu.memref_slice %arg4[%mul3A_8, %dma_wait3A_58] : memref<1280x128xi32, #tpu.memory_space<hbm>> -> memref<16x128xi32, #tpu.memory_space<hbm>>
      tpu.wait_dma2 semaphore(%run_scoped3A_36 : memref<!tpu.dma_semaphore, #tpu.memory_space<semaphore_mem>>) src(%dma_wait3A_59 : memref<16x128xi32, #tpu.memory_space<hbm>>) dst(%dma_wait3A_57 : memref<16x128xi32, #tpu.memory_space<vmem>>)
      tpu.yield
    }) : () -> ()
    %barrier3A = arith.constant 0 : index
    tpu.barrier barrier_id(%barrier3A)
    %dma_start3A = arith.constant 0 : i32
    %dma_start3A_10 = arith.constant 0 : i32
    %dma_start3A_11 = arith.constant 0 : i32
    %dma_start3A_12 = tpu.memref_slice %arg6[%dma_start3A, %dma_start3A_10, %dma_start3A_11] : memref<2x16x128xi32, #tpu.memory_space<vmem>> -> memref<1x1x128xi32, #tpu.memory_space<vmem>>
    %dma_start3A_13 = tpu.memref_squeeze %dma_start3A_12 : memref<1x1x128xi32, #tpu.memory_space<vmem>> -> memref<128xi32, #tpu.memory_space<vmem>>
    %dma_start3A_14 = arith.constant 0 : i32
    %dma_start3A_15 = arith.constant 0 : i32
    %dma_start3A_16 = tpu.memref_slice %arg2[%dma_start3A_14, %dma_start3A_15] : memref<20000x128xf32, #tpu.memory_space<hbm>> -> memref<20000x128xf32, #tpu.memory_space<hbm>>
    tpu.enqueue_indirect_dma source(%dma_start3A_16 : memref<20000x128xf32, #tpu.memory_space<hbm>>) target(%arg8 : memref<128x128xf32, #tpu.memory_space<vmem>>) offsets(%dma_start3A_13 : memref<128xi32, #tpu.memory_space<vmem>>) semaphore(%arg11 : memref<!tpu.dma_semaphore, #tpu.memory_space<semaphore_mem>>)
    %scan3A = arith.constant 0 : i32
    %scan3A_17 = arith.constant 0 : i32
    %scan3A_18 = arith.constant 5 : i32
    %scan3A_19 = arith.addi %scan3A_17, %scan3A_18 : i32
    %scan3A_20 = arith.constant 1 : i32
    %scan3A_21 = scf.for %scan3A_36 = %scan3A_17 to %scan3A_19 step %scan3A_20 iter_args(%scan3A_37 = %scan3A) -> (i32)  : i32 {
      %jit3A = arith.constant 2 : i32
      %eq3A_38 = arith.constant 0 : i32
      %eq3A_39 = arith.cmpi eq, %jit3A, %eq3A_38 : i32
      %jit3A_40 = arith.constant 1 : i32
      %select_n3A = arith.select %eq3A_39, %jit3A_40, %jit3A : i32
      %rem3A = arith.remsi %scan3A_36, %select_n3A : i32
      %ne3A = arith.constant 0 : i32
      %ne3A_41 = arith.cmpi ne, %rem3A, %ne3A : i32
      %lt3A = arith.constant 0 : i32
      %lt3A_42 = arith.cmpi slt, %rem3A, %lt3A : i32
      %lt3A_43 = arith.constant 0 : i32
      %lt3A_44 = arith.cmpi slt, %select_n3A, %lt3A_43 : i32
      %ne3A_45 = arith.xori %lt3A_42, %lt3A_44 : i1
      %and3A = arith.andi %ne3A_45, %ne3A_41 : i1
      %add3A_46 = arith.addi %rem3A, %select_n3A : i32
      %select_n3A_47 = arith.select %and3A, %add3A_46, %rem3A : i32
      %lt3A_48 = arith.constant 4 : i32
      %lt3A_49 = arith.cmpi slt, %scan3A_36, %lt3A_48 : i32
      %convert_element_type3A_50 = arith.extui %lt3A_49 : i1 to i32
      %cond3A_51 = arith.constant 0 : i32
      %cond3A_52 = arith.cmpi ne, %convert_element_type3A_50, %cond3A_51 : i32
      scf.if %cond3A_52 {
        %add3A_61 = arith.constant 1 : i32
        %add3A_62 = arith.addi %scan3A_36, %add3A_61 : i32
        %mul3A_63 = arith.constant 16 : i32
        %mul3A_64 = arith.muli %add3A_62, %mul3A_63 : i32
        %add3A_65 = arith.addi %mul3A_8, %mul3A_64 : i32
        %sub3A = arith.constant 1 : i32
        %sub3A_66 = arith.subi %sub3A, %select_n3A_47 : i32
        %dma_start3A_67 = arith.constant 0 : i32
        %dma_start3A_68 = arith.constant 0 : i32
        %dma_start3A_69 = tpu.memref_slice %arg6[%sub3A_66, %dma_start3A_67, %dma_start3A_68] : memref<2x16x128xi32, #tpu.memory_space<vmem>> -> memref<1x16x128xi32, #tpu.memory_space<vmem>>
        %dma_start3A_70 = tpu.memref_squeeze %dma_start3A_69 : memref<1x16x128xi32, #tpu.memory_space<vmem>> -> memref<16x128xi32, #tpu.memory_space<vmem>>
        %dma_start3A_71 = arith.constant 0 : i32
        %dma_start3A_72 = tpu.memref_slice %arg3[%arg0, %add3A_65, %dma_start3A_71] : memref<2x1280x128xi32, #tpu.memory_space<hbm>> -> memref<1x16x128xi32, #tpu.memory_space<hbm>>
        %dma_start3A_73 = tpu.memref_squeeze %dma_start3A_72 : memref<1x16x128xi32, #tpu.memory_space<hbm>> -> memref<16x128xi32, #tpu.memory_space<hbm>>
        %dma_start3A_74 = arith.constant 0 : i32
        %dma_start3A_75 = arith.constant 0 : i32
        %dma_start3A_76 = tpu.memref_slice %arg6[%sub3A_66, %dma_start3A_74, %dma_start3A_75] : memref<2x16x128xi32, #tpu.memory_space<vmem>> -> memref<1x16x128xi32, #tpu.memory_space<vmem>>
        %dma_start3A_77 = tpu.memref_squeeze %dma_start3A_76 : memref<1x16x128xi32, #tpu.memory_space<vmem>> -> memref<16x128xi32, #tpu.memory_space<vmem>>
        %dma_start3A_78 = arith.constant 0 : i32
        %dma_start3A_79 = tpu.memref_slice %arg3[%arg0, %add3A_65, %dma_start3A_78] : memref<2x1280x128xi32, #tpu.memory_space<hbm>> -> memref<1x16x128xi32, #tpu.memory_space<hbm>>
        %dma_start3A_80 = tpu.memref_squeeze %dma_start3A_79 : memref<1x16x128xi32, #tpu.memory_space<hbm>> -> memref<16x128xi32, #tpu.memory_space<hbm>>
        tpu.enqueue_dma source(%dma_start3A_80 : memref<16x128xi32, #tpu.memory_space<hbm>>) target(%dma_start3A_77 : memref<16x128xi32, #tpu.memory_space<vmem>>) target_semaphore(%arg13 : memref<!tpu.dma_semaphore, #tpu.memory_space<semaphore_mem>>)
        %add3A_81 = arith.constant 1 : i32
        %add3A_82 = arith.addi %scan3A_36, %add3A_81 : i32
        %mul3A_83 = arith.constant 16 : i32
        %mul3A_84 = arith.muli %add3A_82, %mul3A_83 : i32
        %add3A_85 = arith.addi %mul3A_8, %mul3A_84 : i32
        %sub3A_86 = arith.constant 1 : i32
        %sub3A_87 = arith.subi %sub3A_86, %select_n3A_47 : i32
        %dma_start3A_88 = arith.constant 0 : i32
        %dma_start3A_89 = arith.constant 0 : i32
        %dma_start3A_90 = tpu.memref_slice %arg7[%sub3A_87, %dma_start3A_88, %dma_start3A_89] : memref<2x16x128xi32, #tpu.memory_space<vmem>> -> memref<1x16x128xi32, #tpu.memory_space<vmem>>
        %dma_start3A_91 = tpu.memref_squeeze %dma_start3A_90 : memref<1x16x128xi32, #tpu.memory_space<vmem>> -> memref<16x128xi32, #tpu.memory_space<vmem>>
        %dma_start3A_92 = arith.constant 0 : i32
        %dma_start3A_93 = tpu.memref_slice %arg4[%add3A_85, %dma_start3A_92] : memref<1280x128xi32, #tpu.memory_space<hbm>> -> memref<16x128xi32, #tpu.memory_space<hbm>>
        %dma_start3A_94 = arith.constant 0 : i32
        %dma_start3A_95 = arith.constant 0 : i32
        %dma_start3A_96 = tpu.memref_slice %arg7[%sub3A_87, %dma_start3A_94, %dma_start3A_95] : memref<2x16x128xi32, #tpu.memory_space<vmem>> -> memref<1x16x128xi32, #tpu.memory_space<vmem>>
        %dma_start3A_97 = tpu.memref_squeeze %dma_start3A_96 : memref<1x16x128xi32, #tpu.memory_space<vmem>> -> memref<16x128xi32, #tpu.memory_space<vmem>>
        %dma_start3A_98 = arith.constant 0 : i32
        %dma_start3A_99 = tpu.memref_slice %arg4[%add3A_85, %dma_start3A_98] : memref<1280x128xi32, #tpu.memory_space<hbm>> -> memref<16x128xi32, #tpu.memory_space<hbm>>
        tpu.enqueue_dma source(%dma_start3A_99 : memref<16x128xi32, #tpu.memory_space<hbm>>) target(%dma_start3A_97 : memref<16x128xi32, #tpu.memory_space<vmem>>) target_semaphore(%arg14 : memref<!tpu.dma_semaphore, #tpu.memory_space<semaphore_mem>>)
      } else {
      }
      %scan3A_53 = arith.constant 0 : i32
      %scan3A_54 = arith.constant 0 : i32
      %scan3A_55 = arith.constant 8 : i32
      %scan3A_56 = arith.addi %scan3A_54, %scan3A_55 : i32
      %scan3A_57 = arith.constant 1 : i32
      %scan3A_58 = scf.for %scan3A_61 = %scan3A_54 to %scan3A_56 step %scan3A_57 iter_args(%scan3A_62 = %scan3A_53) -> (i32)  : i32 {
        %mul3A_63 = arith.constant 2 : i32
        %mul3A_64 = arith.muli %mul3A_63, %scan3A_61 : i32
        %add3A_65 = arith.constant 1 : i32
        %add3A_66 = arith.addi %mul3A_64, %add3A_65 : i32
        %dma_start3A_67 = arith.constant 0 : i32
        %dma_start3A_68 = tpu.memref_slice %arg6[%select_n3A_47, %add3A_66, %dma_start3A_67] : memref<2x16x128xi32, #tpu.memory_space<vmem>> -> memref<1x1x128xi32, #tpu.memory_space<vmem>>
        %dma_start3A_69 = tpu.memref_squeeze %dma_start3A_68 : memref<1x1x128xi32, #tpu.memory_space<vmem>> -> memref<128xi32, #tpu.memory_space<vmem>>
        %dma_start3A_70 = arith.constant 0 : i32
        %dma_start3A_71 = arith.constant 0 : i32
        %dma_start3A_72 = tpu.memref_slice %arg2[%dma_start3A_70, %dma_start3A_71] : memref<20000x128xf32, #tpu.memory_space<hbm>> -> memref<20000x128xf32, #tpu.memory_space<hbm>>
        tpu.enqueue_indirect_dma source(%dma_start3A_72 : memref<20000x128xf32, #tpu.memory_space<hbm>>) target(%arg9 : memref<128x128xf32, #tpu.memory_space<vmem>>) offsets(%dma_start3A_69 : memref<128xi32, #tpu.memory_space<vmem>>) semaphore(%arg12 : memref<!tpu.dma_semaphore, #tpu.memory_space<semaphore_mem>>)
        %dma_wait3A = arith.constant 0 : i32
        %dma_wait3A_73 = tpu.memref_slice %arg6[%select_n3A_47, %mul3A_64, %dma_wait3A] : memref<2x16x128xi32, #tpu.memory_space<vmem>> -> memref<1x1x128xi32, #tpu.memory_space<vmem>>
        %dma_wait3A_74 = tpu.memref_squeeze %dma_wait3A_73 : memref<1x1x128xi32, #tpu.memory_space<vmem>> -> memref<128xi32, #tpu.memory_space<vmem>>
        %dma_wait3A_75 = arith.constant 0 : i32
        %dma_wait3A_76 = arith.constant 0 : i32
        %dma_wait3A_77 = tpu.memref_slice %arg2[%dma_wait3A_75, %dma_wait3A_76] : memref<20000x128xf32, #tpu.memory_space<hbm>> -> memref<20000x128xf32, #tpu.memory_space<hbm>>
        tpu.wait_indirect_dma semaphore(%arg11 : memref<!tpu.dma_semaphore, #tpu.memory_space<semaphore_mem>>) src(%dma_wait3A_77 : memref<20000x128xf32, #tpu.memory_space<hbm>>) dst(%arg8 : memref<128x128xf32, #tpu.memory_space<vmem>>)
        "tpu.region"() ({
          %run_scoped3A_100 = tpu.sem_alloc : memref<!tpu.dma_semaphore, #tpu.memory_space<semaphore_mem>>
          %dma_start3A_101 = arith.constant 0 : i32
          %dma_start3A_102 = tpu.memref_slice %arg7[%select_n3A_47, %mul3A_64, %dma_start3A_101] : memref<2x16x128xi32, #tpu.memory_space<vmem>> -> memref<1x1x128xi32, #tpu.memory_space<vmem>>
          %dma_start3A_103 = tpu.memref_squeeze %dma_start3A_102 : memref<1x1x128xi32, #tpu.memory_space<vmem>> -> memref<128xi32, #tpu.memory_space<vmem>>
          %dma_start3A_104 = arith.constant 0 : i32
          %dma_start3A_105 = arith.constant 0 : i32
          %dma_start3A_106 = tpu.memref_slice %arg10[%dma_start3A_104, %dma_start3A_105] : memref<10008x128xf32, #tpu.memory_space<vmem_shared>> -> memref<10008x128xf32, #tpu.memory_space<vmem_shared>>
          tpu.enqueue_indirect_dma source(%arg8 : memref<128x128xf32, #tpu.memory_space<vmem>>) target(%dma_start3A_106 : memref<10008x128xf32, #tpu.memory_space<vmem_shared>>) offsets(%dma_start3A_103 : memref<128xi32, #tpu.memory_space<vmem>>) semaphore(%run_scoped3A_100 : memref<!tpu.dma_semaphore, #tpu.memory_space<semaphore_mem>>) {add = true}
          %dma_wait3A_107 = arith.constant 0 : i32
          %dma_wait3A_108 = tpu.memref_slice %arg7[%select_n3A_47, %mul3A_64, %dma_wait3A_107] : memref<2x16x128xi32, #tpu.memory_space<vmem>> -> memref<1x1x128xi32, #tpu.memory_space<vmem>>
          %dma_wait3A_109 = tpu.memref_squeeze %dma_wait3A_108 : memref<1x1x128xi32, #tpu.memory_space<vmem>> -> memref<128xi32, #tpu.memory_space<vmem>>
          %dma_wait3A_110 = arith.constant 0 : i32
          %dma_wait3A_111 = arith.constant 0 : i32
          %dma_wait3A_112 = tpu.memref_slice %arg10[%dma_wait3A_110, %dma_wait3A_111] : memref<10008x128xf32, #tpu.memory_space<vmem_shared>> -> memref<10008x128xf32, #tpu.memory_space<vmem_shared>>
          tpu.wait_indirect_dma semaphore(%run_scoped3A_100 : memref<!tpu.dma_semaphore, #tpu.memory_space<semaphore_mem>>) src(%arg8 : memref<128x128xf32, #tpu.memory_space<vmem>>) dst(%dma_wait3A_112 : memref<10008x128xf32, #tpu.memory_space<vmem_shared>>)
          tpu.yield
        }) : () -> ()
        %add3A_78 = arith.constant 1 : i32
        %add3A_79 = arith.addi %mul3A_64, %add3A_78 : i32
        %lt3A_80 = arith.constant 7 : i32
        %lt3A_81 = arith.cmpi slt, %scan3A_61, %lt3A_80 : i32
        %convert_element_type3A_82 = arith.extui %lt3A_81 : i1 to i32
        %cond3A_83 = arith.constant 0 : i32
        %cond3A_84 = arith.cmpi ne, %convert_element_type3A_82, %cond3A_83 : i32
        scf.if %cond3A_84 {
          %add3A_100 = arith.constant 1 : i32
          %add3A_101 = arith.addi %add3A_79, %add3A_100 : i32
          %dma_start3A_102 = arith.constant 0 : i32
          %dma_start3A_103 = tpu.memref_slice %arg6[%select_n3A_47, %add3A_101, %dma_start3A_102] : memref<2x16x128xi32, #tpu.memory_space<vmem>> -> memref<1x1x128xi32, #tpu.memory_space<vmem>>
          %dma_start3A_104 = tpu.memref_squeeze %dma_start3A_103 : memref<1x1x128xi32, #tpu.memory_space<vmem>> -> memref<128xi32, #tpu.memory_space<vmem>>
          %dma_start3A_105 = arith.constant 0 : i32
          %dma_start3A_106 = arith.constant 0 : i32
          %dma_start3A_107 = tpu.memref_slice %arg2[%dma_start3A_105, %dma_start3A_106] : memref<20000x128xf32, #tpu.memory_space<hbm>> -> memref<20000x128xf32, #tpu.memory_space<hbm>>
          tpu.enqueue_indirect_dma source(%dma_start3A_107 : memref<20000x128xf32, #tpu.memory_space<hbm>>) target(%arg8 : memref<128x128xf32, #tpu.memory_space<vmem>>) offsets(%dma_start3A_104 : memref<128xi32, #tpu.memory_space<vmem>>) semaphore(%arg11 : memref<!tpu.dma_semaphore, #tpu.memory_space<semaphore_mem>>)
        } else {
        }
        %eq3A_85 = arith.constant 7 : i32
        %eq3A_86 = arith.cmpi eq, %scan3A_61, %eq3A_85 : i32
        %lt3A_87 = arith.constant 4 : i32
        %lt3A_88 = arith.cmpi slt, %scan3A_36, %lt3A_87 : i32
        %and3A_89 = arith.andi %eq3A_86, %lt3A_88 : i1
        %convert_element_type3A_90 = arith.extui %and3A_89 : i1 to i32
        %cond3A_91 = arith.constant 0 : i32
        %cond3A_92 = arith.cmpi ne, %convert_element_type3A_90, %cond3A_91 : i32
        scf.if %cond3A_92 {
          %add3A_100 = arith.constant 1 : i32
          %add3A_101 = arith.addi %scan3A_36, %add3A_100 : i32
          %mul3A_102 = arith.constant 16 : i32
          %mul3A_103 = arith.muli %add3A_101, %mul3A_102 : i32
          %add3A_104 = arith.addi %mul3A_8, %mul3A_103 : i32
          %sub3A = arith.constant 1 : i32
          %sub3A_105 = arith.subi %sub3A, %select_n3A_47 : i32
          %dma_wait3A_106 = arith.constant 0 : i32
          %dma_wait3A_107 = arith.constant 0 : i32
          %dma_wait3A_108 = tpu.memref_slice %arg6[%sub3A_105, %dma_wait3A_106, %dma_wait3A_107] : memref<2x16x128xi32, #tpu.memory_space<vmem>> -> memref<1x16x128xi32, #tpu.memory_space<vmem>>
          %dma_wait3A_109 = tpu.memref_squeeze %dma_wait3A_108 : memref<1x16x128xi32, #tpu.memory_space<vmem>> -> memref<16x128xi32, #tpu.memory_space<vmem>>
          %dma_wait3A_110 = arith.constant 0 : i32
          %dma_wait3A_111 = tpu.memref_slice %arg3[%arg0, %add3A_104, %dma_wait3A_110] : memref<2x1280x128xi32, #tpu.memory_space<hbm>> -> memref<1x16x128xi32, #tpu.memory_space<hbm>>
          %dma_wait3A_112 = tpu.memref_squeeze %dma_wait3A_111 : memref<1x16x128xi32, #tpu.memory_space<hbm>> -> memref<16x128xi32, #tpu.memory_space<hbm>>
          %dma_wait3A_113 = arith.constant 0 : i32
          %dma_wait3A_114 = arith.constant 0 : i32
          %dma_wait3A_115 = tpu.memref_slice %arg6[%sub3A_105, %dma_wait3A_113, %dma_wait3A_114] : memref<2x16x128xi32, #tpu.memory_space<vmem>> -> memref<1x16x128xi32, #tpu.memory_space<vmem>>
          %dma_wait3A_116 = tpu.memref_squeeze %dma_wait3A_115 : memref<1x16x128xi32, #tpu.memory_space<vmem>> -> memref<16x128xi32, #tpu.memory_space<vmem>>
          %dma_wait3A_117 = arith.constant 0 : i32
          %dma_wait3A_118 = tpu.memref_slice %arg3[%arg0, %add3A_104, %dma_wait3A_117] : memref<2x1280x128xi32, #tpu.memory_space<hbm>> -> memref<1x16x128xi32, #tpu.memory_space<hbm>>
          %dma_wait3A_119 = tpu.memref_squeeze %dma_wait3A_118 : memref<1x16x128xi32, #tpu.memory_space<hbm>> -> memref<16x128xi32, #tpu.memory_space<hbm>>
          tpu.wait_dma2 semaphore(%arg13 : memref<!tpu.dma_semaphore, #tpu.memory_space<semaphore_mem>>) src(%dma_wait3A_119 : memref<16x128xi32, #tpu.memory_space<hbm>>) dst(%dma_wait3A_116 : memref<16x128xi32, #tpu.memory_space<vmem>>)
          %add3A_120 = arith.constant 1 : i32
          %add3A_121 = arith.addi %scan3A_36, %add3A_120 : i32
          %mul3A_122 = arith.constant 16 : i32
          %mul3A_123 = arith.muli %add3A_121, %mul3A_122 : i32
          %add3A_124 = arith.addi %mul3A_8, %mul3A_123 : i32
          %sub3A_125 = arith.constant 1 : i32
          %sub3A_126 = arith.subi %sub3A_125, %select_n3A_47 : i32
          %dma_wait3A_127 = arith.constant 0 : i32
          %dma_wait3A_128 = arith.constant 0 : i32
          %dma_wait3A_129 = tpu.memref_slice %arg7[%sub3A_126, %dma_wait3A_127, %dma_wait3A_128] : memref<2x16x128xi32, #tpu.memory_space<vmem>> -> memref<1x16x128xi32, #tpu.memory_space<vmem>>
          %dma_wait3A_130 = tpu.memref_squeeze %dma_wait3A_129 : memref<1x16x128xi32, #tpu.memory_space<vmem>> -> memref<16x128xi32, #tpu.memory_space<vmem>>
          %dma_wait3A_131 = arith.constant 0 : i32
          %dma_wait3A_132 = tpu.memref_slice %arg4[%add3A_124, %dma_wait3A_131] : memref<1280x128xi32, #tpu.memory_space<hbm>> -> memref<16x128xi32, #tpu.memory_space<hbm>>
          %dma_wait3A_133 = arith.constant 0 : i32
          %dma_wait3A_134 = arith.constant 0 : i32
          %dma_wait3A_135 = tpu.memref_slice %arg7[%sub3A_126, %dma_wait3A_133, %dma_wait3A_134] : memref<2x16x128xi32, #tpu.memory_space<vmem>> -> memref<1x16x128xi32, #tpu.memory_space<vmem>>
          %dma_wait3A_136 = tpu.memref_squeeze %dma_wait3A_135 : memref<1x16x128xi32, #tpu.memory_space<vmem>> -> memref<16x128xi32, #tpu.memory_space<vmem>>
          %dma_wait3A_137 = arith.constant 0 : i32
          %dma_wait3A_138 = tpu.memref_slice %arg4[%add3A_124, %dma_wait3A_137] : memref<1280x128xi32, #tpu.memory_space<hbm>> -> memref<16x128xi32, #tpu.memory_space<hbm>>
          tpu.wait_dma2 semaphore(%arg14 : memref<!tpu.dma_semaphore, #tpu.memory_space<semaphore_mem>>) src(%dma_wait3A_138 : memref<16x128xi32, #tpu.memory_space<hbm>>) dst(%dma_wait3A_136 : memref<16x128xi32, #tpu.memory_space<vmem>>)
          %sub3A_139 = arith.constant 1 : i32
          %sub3A_140 = arith.subi %sub3A_139, %select_n3A_47 : i32
          %dma_start3A_141 = arith.constant 0 : i32
          %dma_start3A_142 = arith.constant 0 : i32
          %dma_start3A_143 = tpu.memref_slice %arg6[%sub3A_140, %dma_start3A_141, %dma_start3A_142] : memref<2x16x128xi32, #tpu.memory_space<vmem>> -> memref<1x1x128xi32, #tpu.memory_space<vmem>>
          %dma_start3A_144 = tpu.memref_squeeze %dma_start3A_143 : memref<1x1x128xi32, #tpu.memory_space<vmem>> -> memref<128xi32, #tpu.memory_space<vmem>>
          %dma_start3A_145 = arith.constant 0 : i32
          %dma_start3A_146 = arith.constant 0 : i32
          %dma_start3A_147 = tpu.memref_slice %arg2[%dma_start3A_145, %dma_start3A_146] : memref<20000x128xf32, #tpu.memory_space<hbm>> -> memref<20000x128xf32, #tpu.memory_space<hbm>>
          tpu.enqueue_indirect_dma source(%dma_start3A_147 : memref<20000x128xf32, #tpu.memory_space<hbm>>) target(%arg8 : memref<128x128xf32, #tpu.memory_space<vmem>>) offsets(%dma_start3A_144 : memref<128xi32, #tpu.memory_space<vmem>>) semaphore(%arg11 : memref<!tpu.dma_semaphore, #tpu.memory_space<semaphore_mem>>)
        } else {
        }
        %dma_wait3A_93 = arith.constant 0 : i32
        %dma_wait3A_94 = tpu.memref_slice %arg6[%select_n3A_47, %add3A_79, %dma_wait3A_93] : memref<2x16x128xi32, #tpu.memory_space<vmem>> -> memref<1x1x128xi32, #tpu.memory_space<vmem>>
        %dma_wait3A_95 = tpu.memref_squeeze %dma_wait3A_94 : memref<1x1x128xi32, #tpu.memory_space<vmem>> -> memref<128xi32, #tpu.memory_space<vmem>>
        %dma_wait3A_96 = arith.constant 0 : i32
        %dma_wait3A_97 = arith.constant 0 : i32
        %dma_wait3A_98 = tpu.memref_slice %arg2[%dma_wait3A_96, %dma_wait3A_97] : memref<20000x128xf32, #tpu.memory_space<hbm>> -> memref<20000x128xf32, #tpu.memory_space<hbm>>
        tpu.wait_indirect_dma semaphore(%arg12 : memref<!tpu.dma_semaphore, #tpu.memory_space<semaphore_mem>>) src(%dma_wait3A_98 : memref<20000x128xf32, #tpu.memory_space<hbm>>) dst(%arg9 : memref<128x128xf32, #tpu.memory_space<vmem>>)
        "tpu.region"() ({
          %run_scoped3A_100 = tpu.sem_alloc : memref<!tpu.dma_semaphore, #tpu.memory_space<semaphore_mem>>
          %dma_start3A_101 = arith.constant 0 : i32
          %dma_start3A_102 = tpu.memref_slice %arg7[%select_n3A_47, %add3A_79, %dma_start3A_101] : memref<2x16x128xi32, #tpu.memory_space<vmem>> -> memref<1x1x128xi32, #tpu.memory_space<vmem>>
          %dma_start3A_103 = tpu.memref_squeeze %dma_start3A_102 : memref<1x1x128xi32, #tpu.memory_space<vmem>> -> memref<128xi32, #tpu.memory_space<vmem>>
          %dma_start3A_104 = arith.constant 0 : i32
          %dma_start3A_105 = arith.constant 0 : i32
          %dma_start3A_106 = tpu.memref_slice %arg10[%dma_start3A_104, %dma_start3A_105] : memref<10008x128xf32, #tpu.memory_space<vmem_shared>> -> memref<10008x128xf32, #tpu.memory_space<vmem_shared>>
          tpu.enqueue_indirect_dma source(%arg9 : memref<128x128xf32, #tpu.memory_space<vmem>>) target(%dma_start3A_106 : memref<10008x128xf32, #tpu.memory_space<vmem_shared>>) offsets(%dma_start3A_103 : memref<128xi32, #tpu.memory_space<vmem>>) semaphore(%run_scoped3A_100 : memref<!tpu.dma_semaphore, #tpu.memory_space<semaphore_mem>>) {add = true}
          %dma_wait3A_107 = arith.constant 0 : i32
          %dma_wait3A_108 = tpu.memref_slice %arg7[%select_n3A_47, %add3A_79, %dma_wait3A_107] : memref<2x16x128xi32, #tpu.memory_space<vmem>> -> memref<1x1x128xi32, #tpu.memory_space<vmem>>
          %dma_wait3A_109 = tpu.memref_squeeze %dma_wait3A_108 : memref<1x1x128xi32, #tpu.memory_space<vmem>> -> memref<128xi32, #tpu.memory_space<vmem>>
          %dma_wait3A_110 = arith.constant 0 : i32
          %dma_wait3A_111 = arith.constant 0 : i32
          %dma_wait3A_112 = tpu.memref_slice %arg10[%dma_wait3A_110, %dma_wait3A_111] : memref<10008x128xf32, #tpu.memory_space<vmem_shared>> -> memref<10008x128xf32, #tpu.memory_space<vmem_shared>>
          tpu.wait_indirect_dma semaphore(%run_scoped3A_100 : memref<!tpu.dma_semaphore, #tpu.memory_space<semaphore_mem>>) src(%arg9 : memref<128x128xf32, #tpu.memory_space<vmem>>) dst(%dma_wait3A_112 : memref<10008x128xf32, #tpu.memory_space<vmem_shared>>)
          tpu.yield
        }) : () -> ()
        %scan3A_99 = arith.constant 0 : i32
        scf.yield %scan3A_99 : i32
      }
      %scan3A_59 = arith.constant 8 : i32
      %scan3A_60 = arith.constant 0 : i32
      scf.yield %scan3A_60 : i32
    }
    %scan3A_22 = arith.constant 5 : i32
    %barrier3A_23 = arith.constant 0 : index
    tpu.barrier barrier_id(%barrier3A_23)
    %mul3A_24 = arith.constant 624 : i32
    %mul3A_25 = arith.muli %arg1, %mul3A_24 : i32
    %mul3A_26 = arith.constant 10000 : i32
    %mul3A_27 = arith.muli %arg0, %mul3A_26 : i32
    %mul3A_28 = arith.constant 624 : i32
    %mul3A_29 = arith.muli %arg1, %mul3A_28 : i32
    %add3A_30 = arith.addi %mul3A_27, %mul3A_29 : i32
    "tpu.region"() ({
      %run_scoped3A_36 = tpu.sem_alloc : memref<!tpu.dma_semaphore, #tpu.memory_space<semaphore_mem>>
      %dma_start3A_37 = arith.constant 0 : i32
      %dma_start3A_38 = tpu.memref_slice %arg5[%add3A_30, %dma_start3A_37] : memref<20000x128xf32, #tpu.memory_space<hbm>> -> memref<624x128xf32, #tpu.memory_space<hbm>>
      %dma_start3A_39 = arith.constant 0 : i32
      %dma_start3A_40 = tpu.memref_slice %arg10[%mul3A_25, %dma_start3A_39] : memref<10008x128xf32, #tpu.memory_space<vmem_shared>> -> memref<624x128xf32, #tpu.memory_space<vmem_shared>>
      tpu.enqueue_dma source(%dma_start3A_40 : memref<624x128xf32, #tpu.memory_space<vmem_shared>>) target(%dma_start3A_38 : memref<624x128xf32, #tpu.memory_space<hbm>>) target_semaphore(%run_scoped3A_36 : memref<!tpu.dma_semaphore, #tpu.memory_space<semaphore_mem>>)
      %dma_wait3A = arith.constant 0 : i32
      %dma_wait3A_41 = tpu.memref_slice %arg5[%add3A_30, %dma_wait3A] : memref<20000x128xf32, #tpu.memory_space<hbm>> -> memref<624x128xf32, #tpu.memory_space<hbm>>
      %dma_wait3A_42 = arith.constant 0 : i32
      %dma_wait3A_43 = tpu.memref_slice %arg10[%mul3A_25, %dma_wait3A_42] : memref<10008x128xf32, #tpu.memory_space<vmem_shared>> -> memref<624x128xf32, #tpu.memory_space<vmem_shared>>
      tpu.wait_dma2 semaphore(%run_scoped3A_36 : memref<!tpu.dma_semaphore, #tpu.memory_space<semaphore_mem>>) src(%dma_wait3A_43 : memref<624x128xf32, #tpu.memory_space<vmem_shared>>) dst(%dma_wait3A_41 : memref<624x128xf32, #tpu.memory_space<hbm>>)
      tpu.yield
    }) : () -> ()
    %eq3A_31 = arith.constant 0 : i32
    %eq3A_32 = arith.cmpi eq, %arg1, %eq3A_31 : i32
    %convert_element_type3A_33 = arith.extui %eq3A_32 : i1 to i32
    %cond3A_34 = arith.constant 0 : i32
    %cond3A_35 = arith.cmpi ne, %convert_element_type3A_33, %cond3A_34 : i32
    scf.if %cond3A_35 {
      %mul3A_36 = arith.constant 10000 : i32
      %mul3A_37 = arith.muli %arg0, %mul3A_36 : i32
      %add3A_38 = arith.constant 9984 : i32
      %add3A_39 = arith.addi %mul3A_37, %add3A_38 : i32
      "tpu.region"() ({
        %run_scoped3A_40 = tpu.sem_alloc : memref<!tpu.dma_semaphore, #tpu.memory_space<semaphore_mem>>
        %dma_start3A_41 = arith.constant 0 : i32
        %dma_start3A_42 = tpu.memref_slice %arg5[%add3A_39, %dma_start3A_41] : memref<20000x128xf32, #tpu.memory_space<hbm>> -> memref<16x128xf32, #tpu.memory_space<hbm>>
        %dma_start3A_43 = arith.constant 9984 : i32
        %dma_start3A_44 = arith.constant 0 : i32
        %dma_start3A_45 = tpu.memref_slice %arg10[%dma_start3A_43, %dma_start3A_44] : memref<10008x128xf32, #tpu.memory_space<vmem_shared>> -> memref<16x128xf32, #tpu.memory_space<vmem_shared>>
        tpu.enqueue_dma source(%dma_start3A_45 : memref<16x128xf32, #tpu.memory_space<vmem_shared>>) target(%dma_start3A_42 : memref<16x128xf32, #tpu.memory_space<hbm>>) target_semaphore(%run_scoped3A_40 : memref<!tpu.dma_semaphore, #tpu.memory_space<semaphore_mem>>)
        %dma_wait3A = arith.constant 0 : i32
        %dma_wait3A_46 = tpu.memref_slice %arg5[%add3A_39, %dma_wait3A] : memref<20000x128xf32, #tpu.memory_space<hbm>> -> memref<16x128xf32, #tpu.memory_space<hbm>>
        %dma_wait3A_47 = arith.constant 9984 : i32
        %dma_wait3A_48 = arith.constant 0 : i32
        %dma_wait3A_49 = tpu.memref_slice %arg10[%dma_wait3A_47, %dma_wait3A_48] : memref<10008x128xf32, #tpu.memory_space<vmem_shared>> -> memref<16x128xf32, #tpu.memory_space<vmem_shared>>
        tpu.wait_dma2 semaphore(%run_scoped3A_40 : memref<!tpu.dma_semaphore, #tpu.memory_space<semaphore_mem>>) src(%dma_wait3A_49 : memref<16x128xf32, #tpu.memory_space<vmem_shared>>) dst(%dma_wait3A_46 : memref<16x128xf32, #tpu.memory_space<hbm>>)
        tpu.yield
      }) : () -> ()
    } else {
    }
    return
  }
}

module attributes {stable_mosaic.version = 14 : i64} {
  func.func @_tc_h1_body(%arg0: i32, %arg1: memref<1000x256xf32, #tpu.memory_space<vmem>>, %arg2: memref<256x256xf32, #tpu.memory_space<vmem>>, %arg3: memref<1000x1xf32, #tpu.memory_space<vmem>>, %arg4: memref<2x1000x128xf32, #tpu.memory_space<vmem>>) attributes {dimension_semantics = [#tpu.dimension_semantics<arbitrary>], iteration_bounds = array<i64: 10>, scalar_prefetch = 0 : i64, scratch_operands = 0 : i64, tpu.core_type = #tpu.core_type<tc>, window_params = [{transform_indices = @transform_0, window_bounds = array<i64: 1000, 256>}, {pipeline_mode = #tpu.pipeline_mode<synchronous>, transform_indices = @transform_1, window_bounds = array<i64: 256, 256>}, {transform_indices = @transform_2, window_bounds = array<i64: 1000, 1>}, {transform_indices = @transform_3, window_bounds = array<i64: 2, 1000, 128>}]} {
    %get3A = arith.constant 0 : index
    %get3A_0 = arith.constant 0 : index
    %get3A_1 = vector.load %arg3[%get3A, %get3A_0] : memref<1000x1xf32, #tpu.memory_space<vmem>>, vector<1000x1xf32>
    %rsqrt3A = math.rsqrt %get3A_1 : vector<1000x1xf32>
    %get3A_2 = arith.constant 0 : index
    %get3A_3 = arith.constant 0 : index
    %get3A_4 = vector.load %arg1[%get3A_2, %get3A_3] : memref<1000x256xf32, #tpu.memory_space<vmem>>, vector<1000x256xf32>
    %get3A_5 = arith.constant 0 : index
    %get3A_6 = arith.constant 0 : index
    %get3A_7 = vector.load %arg2[%get3A_5, %get3A_6] : memref<256x256xf32, #tpu.memory_space<vmem>>, vector<256x256xf32>
    %dot_general3A = arith.constant dense<0.000000e+00> : vector<1000x256xf32>
    %dot_general3A_8 = tpu.matmul %get3A_4, %get3A_7, %dot_general3A {dimension_numbers = #tpu.dot_dimension_numbers<[1], [0], [0], [1], [0, 0, 1, 1], [], []>, precision = #tpu.contract_precision<fp32>, transpose_lhs_hint = false} : vector<1000x256xf32>, vector<256x256xf32>, vector<1000x256xf32> -> vector<1000x256xf32>
    %mul3A = vector.broadcast %rsqrt3A : vector<1000x1xf32> to vector<1000x256xf32>
    %mul3A_9 = arith.mulf %dot_general3A_8, %mul3A : vector<1000x256xf32>
    %slice3A = vector.extract_strided_slice %mul3A_9 {offsets = [0, 0], sizes = [1000, 128], strides = [1, 1]} : vector<1000x256xf32> to vector<1000x128xf32>
    %swap3A = arith.constant 0 : index
    %swap3A_10 = arith.constant 0 : index
    %swap3A_11 = arith.constant 0 : index
    %swap3A_12 = vector.load %arg4[%swap3A, %swap3A_10, %swap3A_11] : memref<2x1000x128xf32, #tpu.memory_space<vmem>>, vector<1x1000x128xf32>
    %swap3A_13 = vector.shape_cast %swap3A_12 : vector<1x1000x128xf32> to vector<1000x128xf32>
    %swap3A_14 = vector.shape_cast %slice3A : vector<1000x128xf32> to vector<1x1000x128xf32>
    tpu.vector_store %arg4[%swap3A, %swap3A_10, %swap3A_11], %swap3A_14 {strides = array<i32>} : memref<2x1000x128xf32, #tpu.memory_space<vmem>>, vector<1x1000x128xf32>,
    %slice3A_15 = vector.extract_strided_slice %mul3A_9 {offsets = [0, 128], sizes = [1000, 128], strides = [1, 1]} : vector<1000x256xf32> to vector<1000x128xf32>
    %swap3A_16 = arith.constant 1 : index
    %swap3A_17 = arith.constant 0 : index
    %swap3A_18 = arith.constant 0 : index
    %swap3A_19 = vector.load %arg4[%swap3A_16, %swap3A_17, %swap3A_18] : memref<2x1000x128xf32, #tpu.memory_space<vmem>>, vector<1x1000x128xf32>
    %swap3A_20 = vector.shape_cast %swap3A_19 : vector<1x1000x128xf32> to vector<1000x128xf32>
    %swap3A_21 = vector.shape_cast %slice3A_15 : vector<1000x128xf32> to vector<1x1000x128xf32>
    tpu.vector_store %arg4[%swap3A_16, %swap3A_17, %swap3A_18], %swap3A_21 {strides = array<i32>} : memref<2x1000x128xf32, #tpu.memory_space<vmem>>, vector<1x1000x128xf32>,
    return
  }
  func.func @transform_0(%arg0: i32) -> (i32, i32) {
    %c0_i32 = arith.constant 0 : i32
    %c0_i32_0 = arith.constant 0 : i32
    return %arg0, %c0_i32 : i32, i32
  }
  func.func @transform_1(%arg0: i32) -> (i32, i32) {
    %c0_i32 = arith.constant 0 : i32
    %c0_i32_0 = arith.constant 0 : i32
    %c0_i32_1 = arith.constant 0 : i32
    return %c0_i32, %c0_i32_0 : i32, i32
  }
  func.func @transform_2(%arg0: i32) -> (i32, i32) {
    %c0_i32 = arith.constant 0 : i32
    %c0_i32_0 = arith.constant 0 : i32
    return %arg0, %c0_i32 : i32, i32
  }
  func.func @transform_3(%arg0: i32) -> (i32, i32, i32) {
    %c0_i32 = arith.constant 0 : i32
    %c0_i32_0 = arith.constant 0 : i32
    %c0_i32_1 = arith.constant 0 : i32
    return %c0_i32, %arg0, %c0_i32_0 : i32, i32, i32
  }
}

module attributes {stable_mosaic.version = 14 : i64} {
  func.func @_tc_stats_body(%arg0: memref<2x10000x128xf32, #tpu.memory_space<vmem>>, %arg1: memref<10000x1xf32, #tpu.memory_space<vmem>>, %arg2: memref<1x256xf32, #tpu.memory_space<vmem>>, %arg3: memref<8x256xf32, #tpu.memory_space<vmem>>) attributes {dimension_semantics = [], scalar_prefetch = 0 : i64, scratch_operands = 0 : i64, tpu.core_type = #tpu.core_type<tc>} {
    %get3A = arith.constant 0 : index
    %get3A_0 = arith.constant 0 : index
    %get3A_1 = vector.load %arg1[%get3A, %get3A_0] : memref<10000x1xf32, #tpu.memory_space<vmem>>, vector<10000x1xf32>
    %rsqrt3A = math.rsqrt %get3A_1 : vector<10000x1xf32>
    %get3A_2 = arith.constant 0 : index
    %get3A_3 = arith.constant 0 : index
    %get3A_4 = arith.constant 0 : index
    %get3A_5 = vector.load %arg0[%get3A_2, %get3A_3, %get3A_4] : memref<2x10000x128xf32, #tpu.memory_space<vmem>>, vector<1x10000x128xf32>
    %get3A_6 = vector.shape_cast %get3A_5 : vector<1x10000x128xf32> to vector<10000x128xf32>
    %get3A_7 = arith.constant 1 : index
    %get3A_8 = arith.constant 0 : index
    %get3A_9 = arith.constant 0 : index
    %get3A_10 = vector.load %arg0[%get3A_7, %get3A_8, %get3A_9] : memref<2x10000x128xf32, #tpu.memory_space<vmem>>, vector<1x10000x128xf32>
    %get3A_11 = vector.shape_cast %get3A_10 : vector<1x10000x128xf32> to vector<10000x128xf32>
    %concatenate3A = tpu.concatenate %get3A_6, %get3A_11 in 1 : vector<10000x128xf32>, vector<10000x128xf32> -> vector<10000x256xf32>
    %mul3A = vector.broadcast %rsqrt3A : vector<10000x1xf32> to vector<10000x256xf32>
    %mul3A_12 = arith.mulf %concatenate3A, %mul3A : vector<10000x256xf32>
    %get3A_13 = arith.constant 0 : index
    %get3A_14 = arith.constant 0 : index
    %get3A_15 = vector.load %arg2[%get3A_13, %get3A_14] : memref<1x256xf32, #tpu.memory_space<vmem>>, vector<1x256xf32>
    %add3A = vector.broadcast %get3A_15 : vector<1x256xf32> to vector<10000x256xf32>
    %add3A_16 = arith.addf %mul3A_12, %add3A : vector<10000x256xf32>
    %reduce_sum3A = arith.constant dense<0.000000e+00> : vector<256xf32>
    %reduce_sum3A_17 = vector.multi_reduction <add>, %add3A_16, %reduce_sum3A [0] : vector<10000x256xf32> to vector<256xf32>
    %broadcast_in_dim3A = vector.shape_cast %reduce_sum3A_17 : vector<256xf32> to vector<1x256xf32>
    %mul3A_18 = arith.mulf %add3A_16, %add3A_16 : vector<10000x256xf32>
    %reduce_sum3A_19 = arith.constant dense<0.000000e+00> : vector<256xf32>
    %reduce_sum3A_20 = vector.multi_reduction <add>, %mul3A_18, %reduce_sum3A_19 [0] : vector<10000x256xf32> to vector<256xf32>
    %broadcast_in_dim3A_21 = vector.shape_cast %reduce_sum3A_20 : vector<256xf32> to vector<1x256xf32>
    %broadcast_in_dim3A_22 = arith.constant 0.000000e+00 : f32
    %broadcast_in_dim3A_23 = vector.broadcast %broadcast_in_dim3A_22 : f32 to vector<6x256xf32>
    %concatenate3A_24 = tpu.concatenate %broadcast_in_dim3A, %broadcast_in_dim3A_21, %broadcast_in_dim3A_23 in 0 : vector<1x256xf32>, vector<1x256xf32>, vector<6x256xf32> -> vector<8x256xf32>
    %swap3A = arith.constant 0 : index
    %swap3A_25 = arith.constant 0 : index
    %swap3A_26 = vector.load %arg3[%swap3A, %swap3A_25] : memref<8x256xf32, #tpu.memory_space<vmem>>, vector<8x256xf32>
    tpu.vector_store %arg3[%swap3A, %swap3A_25], %concatenate3A_24 {strides = array<i32>} : memref<8x256xf32, #tpu.memory_space<vmem>>, vector<8x256xf32>,
    return
  }
}

module attributes {stable_mosaic.version = 14 : i64} {
  func.func @_tc_apply_body(%arg0: i32, %arg1: memref<2x1000x128xf32, #tpu.memory_space<vmem>>, %arg2: memref<1000x1xf32, #tpu.memory_space<vmem>>, %arg3: memref<1x256xf32, #tpu.memory_space<vmem>>, %arg4: memref<8x256xf32, #tpu.memory_space<vmem>>, %arg5: memref<1x256xf32, #tpu.memory_space<vmem>>, %arg6: memref<1x256xf32, #tpu.memory_space<vmem>>, %arg7: memref<256x256xf32, #tpu.memory_space<vmem>>, %arg8: memref<1000x256xf32, #tpu.memory_space<vmem>>, %arg9: memref<2x1000x128xf32, #tpu.memory_space<vmem>>) attributes {dimension_semantics = [#tpu.dimension_semantics<arbitrary>], iteration_bounds = array<i64: 10>, scalar_prefetch = 0 : i64, scratch_operands = 0 : i64, tpu.core_type = #tpu.core_type<tc>, window_params = [{transform_indices = @transform_0, window_bounds = array<i64: 2, 1000, 128>}, {transform_indices = @transform_1, window_bounds = array<i64: 1000, 1>}, {pipeline_mode = #tpu.pipeline_mode<synchronous>, transform_indices = @transform_2, window_bounds = array<i64: 1, 256>}, {pipeline_mode = #tpu.pipeline_mode<synchronous>, transform_indices = @transform_3, window_bounds = array<i64: 8, 256>}, {pipeline_mode = #tpu.pipeline_mode<synchronous>, transform_indices = @transform_4, window_bounds = array<i64: 1, 256>}, {pipeline_mode = #tpu.pipeline_mode<synchronous>, transform_indices = @transform_5, window_bounds = array<i64: 1, 256>}, {pipeline_mode = #tpu.pipeline_mode<synchronous>, transform_indices = @transform_6, window_bounds = array<i64: 256, 256>}, {transform_indices = @transform_7, window_bounds = array<i64: 1000, 256>}, {transform_indices = @transform_8, window_bounds = array<i64: 2, 1000, 128>}]} {
    %get3A = arith.constant 0 : index
    %get3A_0 = arith.constant 0 : index
    %get3A_1 = vector.load %arg2[%get3A, %get3A_0] : memref<1000x1xf32, #tpu.memory_space<vmem>>, vector<1000x1xf32>
    %rsqrt3A = math.rsqrt %get3A_1 : vector<1000x1xf32>
    %get3A_2 = arith.constant 0 : index
    %get3A_3 = arith.constant 0 : index
    %get3A_4 = arith.constant 0 : index
    %get3A_5 = vector.load %arg1[%get3A_2, %get3A_3, %get3A_4] : memref<2x1000x128xf32, #tpu.memory_space<vmem>>, vector<1x1000x128xf32>
    %get3A_6 = vector.shape_cast %get3A_5 : vector<1x1000x128xf32> to vector<1000x128xf32>
    %get3A_7 = arith.constant 1 : index
    %get3A_8 = arith.constant 0 : index
    %get3A_9 = arith.constant 0 : index
    %get3A_10 = vector.load %arg1[%get3A_7, %get3A_8, %get3A_9] : memref<2x1000x128xf32, #tpu.memory_space<vmem>>, vector<1x1000x128xf32>
    %get3A_11 = vector.shape_cast %get3A_10 : vector<1x1000x128xf32> to vector<1000x128xf32>
    %concatenate3A = tpu.concatenate %get3A_6, %get3A_11 in 1 : vector<1000x128xf32>, vector<1000x128xf32> -> vector<1000x256xf32>
    %mul3A = vector.broadcast %rsqrt3A : vector<1000x1xf32> to vector<1000x256xf32>
    %mul3A_12 = arith.mulf %concatenate3A, %mul3A : vector<1000x256xf32>
    %get3A_13 = arith.constant 0 : index
    %get3A_14 = arith.constant 0 : index
    %get3A_15 = vector.load %arg3[%get3A_13, %get3A_14] : memref<1x256xf32, #tpu.memory_space<vmem>>, vector<1x256xf32>
    %add3A = vector.broadcast %get3A_15 : vector<1x256xf32> to vector<1000x256xf32>
    %add3A_16 = arith.addf %mul3A_12, %add3A : vector<1000x256xf32>
    %get3A_17 = arith.constant 0 : index
    %get3A_18 = arith.constant 0 : index
    %get3A_19 = vector.load %arg4[%get3A_17, %get3A_18] : memref<8x256xf32, #tpu.memory_space<vmem>>, vector<1x256xf32>
    %mul3A_20 = arith.constant 9.99999974E-5 : f32
    %mul3A_21 = vector.broadcast %mul3A_20 : f32 to vector<1x256xf32>
    %mul3A_22 = arith.mulf %get3A_19, %mul3A_21 : vector<1x256xf32>
    %get3A_23 = arith.constant 1 : index
    %get3A_24 = arith.constant 0 : index
    %get3A_25 = vector.load %arg4[%get3A_23, %get3A_24] : memref<8x256xf32, #tpu.memory_space<vmem>>, vector<1x256xf32>
    %mul3A_26 = arith.constant 9.99999974E-5 : f32
    %mul3A_27 = vector.broadcast %mul3A_26 : f32 to vector<1x256xf32>
    %mul3A_28 = arith.mulf %get3A_25, %mul3A_27 : vector<1x256xf32>
    %mul3A_29 = arith.mulf %mul3A_22, %mul3A_22 : vector<1x256xf32>
    %sub3A = arith.subf %mul3A_28, %mul3A_29 : vector<1x256xf32>
    %get3A_30 = arith.constant 0 : index
    %get3A_31 = arith.constant 0 : index
    %get3A_32 = vector.load %arg5[%get3A_30, %get3A_31] : memref<1x256xf32, #tpu.memory_space<vmem>>, vector<1x256xf32>
    %sub3A_33 = vector.broadcast %mul3A_22 : vector<1x256xf32> to vector<1000x256xf32>
    %sub3A_34 = arith.subf %add3A_16, %sub3A_33 : vector<1000x256xf32>
    %mul3A_35 = vector.broadcast %get3A_32 : vector<1x256xf32> to vector<1000x256xf32>
    %mul3A_36 = arith.mulf %mul3A_35, %sub3A_34 : vector<1000x256xf32>
    %add3A_37 = arith.constant 9.99999974E-6 : f32
    %add3A_38 = vector.broadcast %add3A_37 : f32 to vector<1x256xf32>
    %add3A_39 = arith.addf %sub3A, %add3A_38 : vector<1x256xf32>
    %rsqrt3A_40 = math.rsqrt %add3A_39 : vector<1x256xf32>
    %mul3A_41 = vector.broadcast %rsqrt3A_40 : vector<1x256xf32> to vector<1000x256xf32>
    %mul3A_42 = arith.mulf %mul3A_36, %mul3A_41 : vector<1000x256xf32>
    %get3A_43 = arith.constant 0 : index
    %get3A_44 = arith.constant 0 : index
    %get3A_45 = vector.load %arg6[%get3A_43, %get3A_44] : memref<1x256xf32, #tpu.memory_space<vmem>>, vector<1x256xf32>
    %add3A_46 = vector.broadcast %get3A_45 : vector<1x256xf32> to vector<1000x256xf32>
    %add3A_47 = arith.addf %mul3A_42, %add3A_46 : vector<1000x256xf32>
    %max3A = arith.constant 0.000000e+00 : f32
    %max3A_48 = vector.broadcast %max3A : f32 to vector<1000x256xf32>
    %max3A_49 = arith.maximumf %add3A_47, %max3A_48 : vector<1000x256xf32>
    %swap3A = arith.constant 0 : index
    %swap3A_50 = arith.constant 0 : index
    %swap3A_51 = vector.load %arg8[%swap3A, %swap3A_50] : memref<1000x256xf32, #tpu.memory_space<vmem>>, vector<1000x256xf32>
    tpu.vector_store %arg8[%swap3A, %swap3A_50], %max3A_49 {strides = array<i32>} : memref<1000x256xf32, #tpu.memory_space<vmem>>, vector<1000x256xf32>,
    %get3A_52 = arith.constant 0 : index
    %get3A_53 = arith.constant 0 : index
    %get3A_54 = vector.load %arg7[%get3A_52, %get3A_53] : memref<256x256xf32, #tpu.memory_space<vmem>>, vector<256x256xf32>
    %dot_general3A = arith.constant dense<0.000000e+00> : vector<1000x256xf32>
    %dot_general3A_55 = tpu.matmul %max3A_49, %get3A_54, %dot_general3A {dimension_numbers = #tpu.dot_dimension_numbers<[1], [0], [0], [1], [0, 0, 1, 1], [], []>, precision = #tpu.contract_precision<fp32>, transpose_lhs_hint = false} : vector<1000x256xf32>, vector<256x256xf32>, vector<1000x256xf32> -> vector<1000x256xf32>
    %mul3A_56 = vector.broadcast %rsqrt3A : vector<1000x1xf32> to vector<1000x256xf32>
    %mul3A_57 = arith.mulf %dot_general3A_55, %mul3A_56 : vector<1000x256xf32>
    %slice3A = vector.extract_strided_slice %mul3A_57 {offsets = [0, 0], sizes = [1000, 128], strides = [1, 1]} : vector<1000x256xf32> to vector<1000x128xf32>
    %swap3A_58 = arith.constant 0 : index
    %swap3A_59 = arith.constant 0 : index
    %swap3A_60 = arith.constant 0 : index
    %swap3A_61 = vector.load %arg9[%swap3A_58, %swap3A_59, %swap3A_60] : memref<2x1000x128xf32, #tpu.memory_space<vmem>>, vector<1x1000x128xf32>
    %swap3A_62 = vector.shape_cast %swap3A_61 : vector<1x1000x128xf32> to vector<1000x128xf32>
    %swap3A_63 = vector.shape_cast %slice3A : vector<1000x128xf32> to vector<1x1000x128xf32>
    tpu.vector_store %arg9[%swap3A_58, %swap3A_59, %swap3A_60], %swap3A_63 {strides = array<i32>} : memref<2x1000x128xf32, #tpu.memory_space<vmem>>, vector<1x1000x128xf32>,
    %slice3A_64 = vector.extract_strided_slice %mul3A_57 {offsets = [0, 128], sizes = [1000, 128], strides = [1, 1]} : vector<1000x256xf32> to vector<1000x128xf32>
    %swap3A_65 = arith.constant 1 : index
    %swap3A_66 = arith.constant 0 : index
    %swap3A_67 = arith.constant 0 : index
    %swap3A_68 = vector.load %arg9[%swap3A_65, %swap3A_66, %swap3A_67] : memref<2x1000x128xf32, #tpu.memory_space<vmem>>, vector<1x1000x128xf32>
    %swap3A_69 = vector.shape_cast %swap3A_68 : vector<1x1000x128xf32> to vector<1000x128xf32>
    %swap3A_70 = vector.shape_cast %slice3A_64 : vector<1000x128xf32> to vector<1x1000x128xf32>
    tpu.vector_store %arg9[%swap3A_65, %swap3A_66, %swap3A_67], %swap3A_70 {strides = array<i32>} : memref<2x1000x128xf32, #tpu.memory_space<vmem>>, vector<1x1000x128xf32>,
    return
  }
  func.func @transform_0(%arg0: i32) -> (i32, i32, i32) {
    %c0_i32 = arith.constant 0 : i32
    %c0_i32_0 = arith.constant 0 : i32
    %c0_i32_1 = arith.constant 0 : i32
    return %c0_i32, %arg0, %c0_i32_0 : i32, i32, i32
  }
  func.func @transform_1(%arg0: i32) -> (i32, i32) {
    %c0_i32 = arith.constant 0 : i32
    %c0_i32_0 = arith.constant 0 : i32
    return %arg0, %c0_i32 : i32, i32
  }
  func.func @transform_2(%arg0: i32) -> (i32, i32) {
    %c0_i32 = arith.constant 0 : i32
    %c0_i32_0 = arith.constant 0 : i32
    %c0_i32_1 = arith.constant 0 : i32
    return %c0_i32, %c0_i32_0 : i32, i32
  }
  func.func @transform_3(%arg0: i32) -> (i32, i32) {
    %c0_i32 = arith.constant 0 : i32
    %c0_i32_0 = arith.constant 0 : i32
    %c0_i32_1 = arith.constant 0 : i32
    return %c0_i32, %c0_i32_0 : i32, i32
  }
  func.func @transform_4(%arg0: i32) -> (i32, i32) {
    %c0_i32 = arith.constant 0 : i32
    %c0_i32_0 = arith.constant 0 : i32
    %c0_i32_1 = arith.constant 0 : i32
    return %c0_i32, %c0_i32_0 : i32, i32
  }
  func.func @transform_5(%arg0: i32) -> (i32, i32) {
    %c0_i32 = arith.constant 0 : i32
    %c0_i32_0 = arith.constant 0 : i32
    %c0_i32_1 = arith.constant 0 : i32
    return %c0_i32, %c0_i32_0 : i32, i32
  }
  func.func @transform_6(%arg0: i32) -> (i32, i32) {
    %c0_i32 = arith.constant 0 : i32
    %c0_i32_0 = arith.constant 0 : i32
    %c0_i32_1 = arith.constant 0 : i32
    return %c0_i32, %c0_i32_0 : i32, i32
  }
  func.func @transform_7(%arg0: i32) -> (i32, i32) {
    %c0_i32 = arith.constant 0 : i32
    %c0_i32_0 = arith.constant 0 : i32
    return %arg0, %c0_i32 : i32, i32
  }
  func.func @transform_8(%arg0: i32) -> (i32, i32, i32) {
    %c0_i32 = arith.constant 0 : i32
    %c0_i32_0 = arith.constant 0 : i32
    %c0_i32_1 = arith.constant 0 : i32
    return %c0_i32, %arg0, %c0_i32_0 : i32, i32, i32
  }
}

module attributes {stable_mosaic.version = 14 : i64} {
  func.func @body(%arg0: i32, %arg1: memref<2x1000x128xf32, #tpu.memory_space<vmem>>, %arg2: memref<1000x1xf32, #tpu.memory_space<vmem>>, %arg3: memref<1x256xf32, #tpu.memory_space<vmem>>, %arg4: memref<8x256xf32, #tpu.memory_space<vmem>>, %arg5: memref<1x256xf32, #tpu.memory_space<vmem>>, %arg6: memref<1x256xf32, #tpu.memory_space<vmem>>, %arg7: memref<256x256xf32, #tpu.memory_space<vmem>>, %arg8: memref<1000x256xf32, #tpu.memory_space<vmem>>, %arg9: memref<1000x256xf32, #tpu.memory_space<vmem>>, %arg10: memref<2x1000x128xf32, #tpu.memory_space<vmem>>) attributes {dimension_semantics = [#tpu.dimension_semantics<arbitrary>], iteration_bounds = array<i64: 10>, scalar_prefetch = 0 : i64, scratch_operands = 0 : i64, tpu.core_type = #tpu.core_type<tc>, window_params = [{transform_indices = @transform_0, window_bounds = array<i64: 2, 1000, 128>}, {transform_indices = @transform_1, window_bounds = array<i64: 1000, 1>}, {pipeline_mode = #tpu.pipeline_mode<synchronous>, transform_indices = @transform_2, window_bounds = array<i64: 1, 256>}, {pipeline_mode = #tpu.pipeline_mode<synchronous>, transform_indices = @transform_3, window_bounds = array<i64: 8, 256>}, {pipeline_mode = #tpu.pipeline_mode<synchronous>, transform_indices = @transform_4, window_bounds = array<i64: 1, 256>}, {pipeline_mode = #tpu.pipeline_mode<synchronous>, transform_indices = @transform_5, window_bounds = array<i64: 1, 256>}, {pipeline_mode = #tpu.pipeline_mode<synchronous>, transform_indices = @transform_6, window_bounds = array<i64: 256, 256>}, {transform_indices = @transform_7, window_bounds = array<i64: 1000, 256>}, {transform_indices = @transform_8, window_bounds = array<i64: 1000, 256>}, {transform_indices = @transform_9, window_bounds = array<i64: 2, 1000, 128>}]} {
    %get3A = arith.constant 0 : index
    %get3A_0 = arith.constant 0 : index
    %get3A_1 = vector.load %arg2[%get3A, %get3A_0] : memref<1000x1xf32, #tpu.memory_space<vmem>>, vector<1000x1xf32>
    %rsqrt3A = math.rsqrt %get3A_1 : vector<1000x1xf32>
    %get3A_2 = arith.constant 0 : index
    %get3A_3 = arith.constant 0 : index
    %get3A_4 = arith.constant 0 : index
    %get3A_5 = vector.load %arg1[%get3A_2, %get3A_3, %get3A_4] : memref<2x1000x128xf32, #tpu.memory_space<vmem>>, vector<1x1000x128xf32>
    %get3A_6 = vector.shape_cast %get3A_5 : vector<1x1000x128xf32> to vector<1000x128xf32>
    %get3A_7 = arith.constant 1 : index
    %get3A_8 = arith.constant 0 : index
    %get3A_9 = arith.constant 0 : index
    %get3A_10 = vector.load %arg1[%get3A_7, %get3A_8, %get3A_9] : memref<2x1000x128xf32, #tpu.memory_space<vmem>>, vector<1x1000x128xf32>
    %get3A_11 = vector.shape_cast %get3A_10 : vector<1x1000x128xf32> to vector<1000x128xf32>
    %concatenate3A = tpu.concatenate %get3A_6, %get3A_11 in 1 : vector<1000x128xf32>, vector<1000x128xf32> -> vector<1000x256xf32>
    %mul3A = vector.broadcast %rsqrt3A : vector<1000x1xf32> to vector<1000x256xf32>
    %mul3A_12 = arith.mulf %concatenate3A, %mul3A : vector<1000x256xf32>
    %get3A_13 = arith.constant 0 : index
    %get3A_14 = arith.constant 0 : index
    %get3A_15 = vector.load %arg3[%get3A_13, %get3A_14] : memref<1x256xf32, #tpu.memory_space<vmem>>, vector<1x256xf32>
    %add3A = vector.broadcast %get3A_15 : vector<1x256xf32> to vector<1000x256xf32>
    %add3A_16 = arith.addf %mul3A_12, %add3A : vector<1000x256xf32>
    %get3A_17 = arith.constant 0 : index
    %get3A_18 = arith.constant 0 : index
    %get3A_19 = vector.load %arg4[%get3A_17, %get3A_18] : memref<8x256xf32, #tpu.memory_space<vmem>>, vector<1x256xf32>
    %mul3A_20 = arith.constant 9.99999974E-5 : f32
    %mul3A_21 = vector.broadcast %mul3A_20 : f32 to vector<1x256xf32>
    %mul3A_22 = arith.mulf %get3A_19, %mul3A_21 : vector<1x256xf32>
    %get3A_23 = arith.constant 1 : index
    %get3A_24 = arith.constant 0 : index
    %get3A_25 = vector.load %arg4[%get3A_23, %get3A_24] : memref<8x256xf32, #tpu.memory_space<vmem>>, vector<1x256xf32>
    %mul3A_26 = arith.constant 9.99999974E-5 : f32
    %mul3A_27 = vector.broadcast %mul3A_26 : f32 to vector<1x256xf32>
    %mul3A_28 = arith.mulf %get3A_25, %mul3A_27 : vector<1x256xf32>
    %mul3A_29 = arith.mulf %mul3A_22, %mul3A_22 : vector<1x256xf32>
    %sub3A = arith.subf %mul3A_28, %mul3A_29 : vector<1x256xf32>
    %get3A_30 = arith.constant 0 : index
    %get3A_31 = arith.constant 0 : index
    %get3A_32 = vector.load %arg5[%get3A_30, %get3A_31] : memref<1x256xf32, #tpu.memory_space<vmem>>, vector<1x256xf32>
    %sub3A_33 = vector.broadcast %mul3A_22 : vector<1x256xf32> to vector<1000x256xf32>
    %sub3A_34 = arith.subf %add3A_16, %sub3A_33 : vector<1000x256xf32>
    %mul3A_35 = vector.broadcast %get3A_32 : vector<1x256xf32> to vector<1000x256xf32>
    %mul3A_36 = arith.mulf %mul3A_35, %sub3A_34 : vector<1000x256xf32>
    %add3A_37 = arith.constant 9.99999974E-6 : f32
    %add3A_38 = vector.broadcast %add3A_37 : f32 to vector<1x256xf32>
    %add3A_39 = arith.addf %sub3A, %add3A_38 : vector<1x256xf32>
    %rsqrt3A_40 = math.rsqrt %add3A_39 : vector<1x256xf32>
    %mul3A_41 = vector.broadcast %rsqrt3A_40 : vector<1x256xf32> to vector<1000x256xf32>
    %mul3A_42 = arith.mulf %mul3A_36, %mul3A_41 : vector<1000x256xf32>
    %get3A_43 = arith.constant 0 : index
    %get3A_44 = arith.constant 0 : index
    %get3A_45 = vector.load %arg6[%get3A_43, %get3A_44] : memref<1x256xf32, #tpu.memory_space<vmem>>, vector<1x256xf32>
    %add3A_46 = vector.broadcast %get3A_45 : vector<1x256xf32> to vector<1000x256xf32>
    %add3A_47 = arith.addf %mul3A_42, %add3A_46 : vector<1000x256xf32>
    %get3A_48 = arith.constant 0 : index
    %get3A_49 = arith.constant 0 : index
    %get3A_50 = vector.load %arg8[%get3A_48, %get3A_49] : memref<1000x256xf32, #tpu.memory_space<vmem>>, vector<1000x256xf32>
    %add3A_51 = arith.addf %add3A_47, %get3A_50 : vector<1000x256xf32>
    %max3A = arith.constant 0.000000e+00 : f32
    %max3A_52 = vector.broadcast %max3A : f32 to vector<1000x256xf32>
    %max3A_53 = arith.maximumf %add3A_51, %max3A_52 : vector<1000x256xf32>
    %swap3A = arith.constant 0 : index
    %swap3A_54 = arith.constant 0 : index
    %swap3A_55 = vector.load %arg9[%swap3A, %swap3A_54] : memref<1000x256xf32, #tpu.memory_space<vmem>>, vector<1000x256xf32>
    tpu.vector_store %arg9[%swap3A, %swap3A_54], %max3A_53 {strides = array<i32>} : memref<1000x256xf32, #tpu.memory_space<vmem>>, vector<1000x256xf32>,
    %get3A_56 = arith.constant 0 : index
    %get3A_57 = arith.constant 0 : index
    %get3A_58 = vector.load %arg7[%get3A_56, %get3A_57] : memref<256x256xf32, #tpu.memory_space<vmem>>, vector<256x256xf32>
    %dot_general3A = arith.constant dense<0.000000e+00> : vector<1000x256xf32>
    %dot_general3A_59 = tpu.matmul %max3A_53, %get3A_58, %dot_general3A {dimension_numbers = #tpu.dot_dimension_numbers<[1], [0], [0], [1], [0, 0, 1, 1], [], []>, precision = #tpu.contract_precision<fp32>, transpose_lhs_hint = false} : vector<1000x256xf32>, vector<256x256xf32>, vector<1000x256xf32> -> vector<1000x256xf32>
    %mul3A_60 = vector.broadcast %rsqrt3A : vector<1000x1xf32> to vector<1000x256xf32>
    %mul3A_61 = arith.mulf %dot_general3A_59, %mul3A_60 : vector<1000x256xf32>
    %slice3A = vector.extract_strided_slice %mul3A_61 {offsets = [0, 0], sizes = [1000, 128], strides = [1, 1]} : vector<1000x256xf32> to vector<1000x128xf32>
    %swap3A_62 = arith.constant 0 : index
    %swap3A_63 = arith.constant 0 : index
    %swap3A_64 = arith.constant 0 : index
    %swap3A_65 = vector.load %arg10[%swap3A_62, %swap3A_63, %swap3A_64] : memref<2x1000x128xf32, #tpu.memory_space<vmem>>, vector<1x1000x128xf32>
    %swap3A_66 = vector.shape_cast %swap3A_65 : vector<1x1000x128xf32> to vector<1000x128xf32>
    %swap3A_67 = vector.shape_cast %slice3A : vector<1000x128xf32> to vector<1x1000x128xf32>
    tpu.vector_store %arg10[%swap3A_62, %swap3A_63, %swap3A_64], %swap3A_67 {strides = array<i32>} : memref<2x1000x128xf32, #tpu.memory_space<vmem>>, vector<1x1000x128xf32>,
    %slice3A_68 = vector.extract_strided_slice %mul3A_61 {offsets = [0, 128], sizes = [1000, 128], strides = [1, 1]} : vector<1000x256xf32> to vector<1000x128xf32>
    %swap3A_69 = arith.constant 1 : index
    %swap3A_70 = arith.constant 0 : index
    %swap3A_71 = arith.constant 0 : index
    %swap3A_72 = vector.load %arg10[%swap3A_69, %swap3A_70, %swap3A_71] : memref<2x1000x128xf32, #tpu.memory_space<vmem>>, vector<1x1000x128xf32>
    %swap3A_73 = vector.shape_cast %swap3A_72 : vector<1x1000x128xf32> to vector<1000x128xf32>
    %swap3A_74 = vector.shape_cast %slice3A_68 : vector<1000x128xf32> to vector<1x1000x128xf32>
    tpu.vector_store %arg10[%swap3A_69, %swap3A_70, %swap3A_71], %swap3A_74 {strides = array<i32>} : memref<2x1000x128xf32, #tpu.memory_space<vmem>>, vector<1x1000x128xf32>,
    return
  }
  func.func @transform_0(%arg0: i32) -> (i32, i32, i32) {
    %c0_i32 = arith.constant 0 : i32
    %c0_i32_0 = arith.constant 0 : i32
    %c0_i32_1 = arith.constant 0 : i32
    return %c0_i32, %arg0, %c0_i32_0 : i32, i32, i32
  }
  func.func @transform_1(%arg0: i32) -> (i32, i32) {
    %c0_i32 = arith.constant 0 : i32
    %c0_i32_0 = arith.constant 0 : i32
    return %arg0, %c0_i32 : i32, i32
  }
  func.func @transform_2(%arg0: i32) -> (i32, i32) {
    %c0_i32 = arith.constant 0 : i32
    %c0_i32_0 = arith.constant 0 : i32
    %c0_i32_1 = arith.constant 0 : i32
    return %c0_i32, %c0_i32_0 : i32, i32
  }
  func.func @transform_3(%arg0: i32) -> (i32, i32) {
    %c0_i32 = arith.constant 0 : i32
    %c0_i32_0 = arith.constant 0 : i32
    %c0_i32_1 = arith.constant 0 : i32
    return %c0_i32, %c0_i32_0 : i32, i32
  }
  func.func @transform_4(%arg0: i32) -> (i32, i32) {
    %c0_i32 = arith.constant 0 : i32
    %c0_i32_0 = arith.constant 0 : i32
    %c0_i32_1 = arith.constant 0 : i32
    return %c0_i32, %c0_i32_0 : i32, i32
  }
  func.func @transform_5(%arg0: i32) -> (i32, i32) {
    %c0_i32 = arith.constant 0 : i32
    %c0_i32_0 = arith.constant 0 : i32
    %c0_i32_1 = arith.constant 0 : i32
    return %c0_i32, %c0_i32_0 : i32, i32
  }
  func.func @transform_6(%arg0: i32) -> (i32, i32) {
    %c0_i32 = arith.constant 0 : i32
    %c0_i32_0 = arith.constant 0 : i32
    %c0_i32_1 = arith.constant 0 : i32
    return %c0_i32, %c0_i32_0 : i32, i32
  }
  func.func @transform_7(%arg0: i32) -> (i32, i32) {
    %c0_i32 = arith.constant 0 : i32
    %c0_i32_0 = arith.constant 0 : i32
    return %arg0, %c0_i32 : i32, i32
  }
  func.func @transform_8(%arg0: i32) -> (i32, i32) {
    %c0_i32 = arith.constant 0 : i32
    %c0_i32_0 = arith.constant 0 : i32
    return %arg0, %c0_i32 : i32, i32
  }
  func.func @transform_9(%arg0: i32) -> (i32, i32, i32) {
    %c0_i32 = arith.constant 0 : i32
    %c0_i32_0 = arith.constant 0 : i32
    %c0_i32_1 = arith.constant 0 : i32
    return %c0_i32, %arg0, %c0_i32_0 : i32, i32, i32
  }
}

module attributes {stable_mosaic.version = 14 : i64} {
  func.func @body(%arg0: i32, %arg1: memref<2x1000x128xf32, #tpu.memory_space<vmem>>, %arg2: memref<1000x1xf32, #tpu.memory_space<vmem>>, %arg3: memref<1x256xf32, #tpu.memory_space<vmem>>, %arg4: memref<8x256xf32, #tpu.memory_space<vmem>>, %arg5: memref<1x256xf32, #tpu.memory_space<vmem>>, %arg6: memref<1x256xf32, #tpu.memory_space<vmem>>, %arg7: memref<256x256xf32, #tpu.memory_space<vmem>>, %arg8: memref<1000x256xf32, #tpu.memory_space<vmem>>, %arg9: memref<1000x256xf32, #tpu.memory_space<vmem>>, %arg10: memref<2x1000x128xf32, #tpu.memory_space<vmem>>) attributes {dimension_semantics = [#tpu.dimension_semantics<arbitrary>], iteration_bounds = array<i64: 10>, scalar_prefetch = 0 : i64, scratch_operands = 0 : i64, tpu.core_type = #tpu.core_type<tc>, window_params = [{transform_indices = @transform_0, window_bounds = array<i64: 2, 1000, 128>}, {transform_indices = @transform_1, window_bounds = array<i64: 1000, 1>}, {pipeline_mode = #tpu.pipeline_mode<synchronous>, transform_indices = @transform_2, window_bounds = array<i64: 1, 256>}, {pipeline_mode = #tpu.pipeline_mode<synchronous>, transform_indices = @transform_3, window_bounds = array<i64: 8, 256>}, {pipeline_mode = #tpu.pipeline_mode<synchronous>, transform_indices = @transform_4, window_bounds = array<i64: 1, 256>}, {pipeline_mode = #tpu.pipeline_mode<synchronous>, transform_indices = @transform_5, window_bounds = array<i64: 1, 256>}, {pipeline_mode = #tpu.pipeline_mode<synchronous>, transform_indices = @transform_6, window_bounds = array<i64: 256, 256>}, {transform_indices = @transform_7, window_bounds = array<i64: 1000, 256>}, {transform_indices = @transform_8, window_bounds = array<i64: 1000, 256>}, {transform_indices = @transform_9, window_bounds = array<i64: 2, 1000, 128>}]} {
    %get3A = arith.constant 0 : index
    %get3A_0 = arith.constant 0 : index
    %get3A_1 = vector.load %arg2[%get3A, %get3A_0] : memref<1000x1xf32, #tpu.memory_space<vmem>>, vector<1000x1xf32>
    %rsqrt3A = math.rsqrt %get3A_1 : vector<1000x1xf32>
    %get3A_2 = arith.constant 0 : index
    %get3A_3 = arith.constant 0 : index
    %get3A_4 = arith.constant 0 : index
    %get3A_5 = vector.load %arg1[%get3A_2, %get3A_3, %get3A_4] : memref<2x1000x128xf32, #tpu.memory_space<vmem>>, vector<1x1000x128xf32>
    %get3A_6 = vector.shape_cast %get3A_5 : vector<1x1000x128xf32> to vector<1000x128xf32>
    %get3A_7 = arith.constant 1 : index
    %get3A_8 = arith.constant 0 : index
    %get3A_9 = arith.constant 0 : index
    %get3A_10 = vector.load %arg1[%get3A_7, %get3A_8, %get3A_9] : memref<2x1000x128xf32, #tpu.memory_space<vmem>>, vector<1x1000x128xf32>
    %get3A_11 = vector.shape_cast %get3A_10 : vector<1x1000x128xf32> to vector<1000x128xf32>
    %concatenate3A = tpu.concatenate %get3A_6, %get3A_11 in 1 : vector<1000x128xf32>, vector<1000x128xf32> -> vector<1000x256xf32>
    %mul3A = vector.broadcast %rsqrt3A : vector<1000x1xf32> to vector<1000x256xf32>
    %mul3A_12 = arith.mulf %concatenate3A, %mul3A : vector<1000x256xf32>
    %get3A_13 = arith.constant 0 : index
    %get3A_14 = arith.constant 0 : index
    %get3A_15 = vector.load %arg3[%get3A_13, %get3A_14] : memref<1x256xf32, #tpu.memory_space<vmem>>, vector<1x256xf32>
    %add3A = vector.broadcast %get3A_15 : vector<1x256xf32> to vector<1000x256xf32>
    %add3A_16 = arith.addf %mul3A_12, %add3A : vector<1000x256xf32>
    %get3A_17 = arith.constant 0 : index
    %get3A_18 = arith.constant 0 : index
    %get3A_19 = vector.load %arg4[%get3A_17, %get3A_18] : memref<8x256xf32, #tpu.memory_space<vmem>>, vector<1x256xf32>
    %mul3A_20 = arith.constant 9.99999974E-5 : f32
    %mul3A_21 = vector.broadcast %mul3A_20 : f32 to vector<1x256xf32>
    %mul3A_22 = arith.mulf %get3A_19, %mul3A_21 : vector<1x256xf32>
    %get3A_23 = arith.constant 1 : index
    %get3A_24 = arith.constant 0 : index
    %get3A_25 = vector.load %arg4[%get3A_23, %get3A_24] : memref<8x256xf32, #tpu.memory_space<vmem>>, vector<1x256xf32>
    %mul3A_26 = arith.constant 9.99999974E-5 : f32
    %mul3A_27 = vector.broadcast %mul3A_26 : f32 to vector<1x256xf32>
    %mul3A_28 = arith.mulf %get3A_25, %mul3A_27 : vector<1x256xf32>
    %mul3A_29 = arith.mulf %mul3A_22, %mul3A_22 : vector<1x256xf32>
    %sub3A = arith.subf %mul3A_28, %mul3A_29 : vector<1x256xf32>
    %get3A_30 = arith.constant 0 : index
    %get3A_31 = arith.constant 0 : index
    %get3A_32 = vector.load %arg5[%get3A_30, %get3A_31] : memref<1x256xf32, #tpu.memory_space<vmem>>, vector<1x256xf32>
    %sub3A_33 = vector.broadcast %mul3A_22 : vector<1x256xf32> to vector<1000x256xf32>
    %sub3A_34 = arith.subf %add3A_16, %sub3A_33 : vector<1000x256xf32>
    %mul3A_35 = vector.broadcast %get3A_32 : vector<1x256xf32> to vector<1000x256xf32>
    %mul3A_36 = arith.mulf %mul3A_35, %sub3A_34 : vector<1000x256xf32>
    %add3A_37 = arith.constant 9.99999974E-6 : f32
    %add3A_38 = vector.broadcast %add3A_37 : f32 to vector<1x256xf32>
    %add3A_39 = arith.addf %sub3A, %add3A_38 : vector<1x256xf32>
    %rsqrt3A_40 = math.rsqrt %add3A_39 : vector<1x256xf32>
    %mul3A_41 = vector.broadcast %rsqrt3A_40 : vector<1x256xf32> to vector<1000x256xf32>
    %mul3A_42 = arith.mulf %mul3A_36, %mul3A_41 : vector<1000x256xf32>
    %get3A_43 = arith.constant 0 : index
    %get3A_44 = arith.constant 0 : index
    %get3A_45 = vector.load %arg6[%get3A_43, %get3A_44] : memref<1x256xf32, #tpu.memory_space<vmem>>, vector<1x256xf32>
    %add3A_46 = vector.broadcast %get3A_45 : vector<1x256xf32> to vector<1000x256xf32>
    %add3A_47 = arith.addf %mul3A_42, %add3A_46 : vector<1000x256xf32>
    %get3A_48 = arith.constant 0 : index
    %get3A_49 = arith.constant 0 : index
    %get3A_50 = vector.load %arg8[%get3A_48, %get3A_49] : memref<1000x256xf32, #tpu.memory_space<vmem>>, vector<1000x256xf32>
    %add3A_51 = arith.addf %add3A_47, %get3A_50 : vector<1000x256xf32>
    %max3A = arith.constant 0.000000e+00 : f32
    %max3A_52 = vector.broadcast %max3A : f32 to vector<1000x256xf32>
    %max3A_53 = arith.maximumf %add3A_51, %max3A_52 : vector<1000x256xf32>
    %swap3A = arith.constant 0 : index
    %swap3A_54 = arith.constant 0 : index
    %swap3A_55 = vector.load %arg9[%swap3A, %swap3A_54] : memref<1000x256xf32, #tpu.memory_space<vmem>>, vector<1000x256xf32>
    tpu.vector_store %arg9[%swap3A, %swap3A_54], %max3A_53 {strides = array<i32>} : memref<1000x256xf32, #tpu.memory_space<vmem>>, vector<1000x256xf32>,
    %get3A_56 = arith.constant 0 : index
    %get3A_57 = arith.constant 0 : index
    %get3A_58 = vector.load %arg7[%get3A_56, %get3A_57] : memref<256x256xf32, #tpu.memory_space<vmem>>, vector<256x256xf32>
    %dot_general3A = arith.constant dense<0.000000e+00> : vector<1000x256xf32>
    %dot_general3A_59 = tpu.matmul %max3A_53, %get3A_58, %dot_general3A {dimension_numbers = #tpu.dot_dimension_numbers<[1], [0], [0], [1], [0, 0, 1, 1], [], []>, precision = #tpu.contract_precision<fp32>, transpose_lhs_hint = false} : vector<1000x256xf32>, vector<256x256xf32>, vector<1000x256xf32> -> vector<1000x256xf32>
    %mul3A_60 = vector.broadcast %rsqrt3A : vector<1000x1xf32> to vector<1000x256xf32>
    %mul3A_61 = arith.mulf %dot_general3A_59, %mul3A_60 : vector<1000x256xf32>
    %slice3A = vector.extract_strided_slice %mul3A_61 {offsets = [0, 0], sizes = [1000, 128], strides = [1, 1]} : vector<1000x256xf32> to vector<1000x128xf32>
    %swap3A_62 = arith.constant 0 : index
    %swap3A_63 = arith.constant 0 : index
    %swap3A_64 = arith.constant 0 : index
    %swap3A_65 = vector.load %arg10[%swap3A_62, %swap3A_63, %swap3A_64] : memref<2x1000x128xf32, #tpu.memory_space<vmem>>, vector<1x1000x128xf32>
    %swap3A_66 = vector.shape_cast %swap3A_65 : vector<1x1000x128xf32> to vector<1000x128xf32>
    %swap3A_67 = vector.shape_cast %slice3A : vector<1000x128xf32> to vector<1x1000x128xf32>
    tpu.vector_store %arg10[%swap3A_62, %swap3A_63, %swap3A_64], %swap3A_67 {strides = array<i32>} : memref<2x1000x128xf32, #tpu.memory_space<vmem>>, vector<1x1000x128xf32>,
    %slice3A_68 = vector.extract_strided_slice %mul3A_61 {offsets = [0, 128], sizes = [1000, 128], strides = [1, 1]} : vector<1000x256xf32> to vector<1000x128xf32>
    %swap3A_69 = arith.constant 1 : index
    %swap3A_70 = arith.constant 0 : index
    %swap3A_71 = arith.constant 0 : index
    %swap3A_72 = vector.load %arg10[%swap3A_69, %swap3A_70, %swap3A_71] : memref<2x1000x128xf32, #tpu.memory_space<vmem>>, vector<1x1000x128xf32>
    %swap3A_73 = vector.shape_cast %swap3A_72 : vector<1x1000x128xf32> to vector<1000x128xf32>
    %swap3A_74 = vector.shape_cast %slice3A_68 : vector<1000x128xf32> to vector<1x1000x128xf32>
    tpu.vector_store %arg10[%swap3A_69, %swap3A_70, %swap3A_71], %swap3A_74 {strides = array<i32>} : memref<2x1000x128xf32, #tpu.memory_space<vmem>>, vector<1x1000x128xf32>,
    return
  }
  func.func @transform_0(%arg0: i32) -> (i32, i32, i32) {
    %c0_i32 = arith.constant 0 : i32
    %c0_i32_0 = arith.constant 0 : i32
    %c0_i32_1 = arith.constant 0 : i32
    return %c0_i32, %arg0, %c0_i32_0 : i32, i32, i32
  }
  func.func @transform_1(%arg0: i32) -> (i32, i32) {
    %c0_i32 = arith.constant 0 : i32
    %c0_i32_0 = arith.constant 0 : i32
    return %arg0, %c0_i32 : i32, i32
  }
  func.func @transform_2(%arg0: i32) -> (i32, i32) {
    %c0_i32 = arith.constant 0 : i32
    %c0_i32_0 = arith.constant 0 : i32
    %c0_i32_1 = arith.constant 0 : i32
    return %c0_i32, %c0_i32_0 : i32, i32
  }
  func.func @transform_3(%arg0: i32) -> (i32, i32) {
    %c0_i32 = arith.constant 0 : i32
    %c0_i32_0 = arith.constant 0 : i32
    %c0_i32_1 = arith.constant 0 : i32
    return %c0_i32, %c0_i32_0 : i32, i32
  }
  func.func @transform_4(%arg0: i32) -> (i32, i32) {
    %c0_i32 = arith.constant 0 : i32
    %c0_i32_0 = arith.constant 0 : i32
    %c0_i32_1 = arith.constant 0 : i32
    return %c0_i32, %c0_i32_0 : i32, i32
  }
  func.func @transform_5(%arg0: i32) -> (i32, i32) {
    %c0_i32 = arith.constant 0 : i32
    %c0_i32_0 = arith.constant 0 : i32
    %c0_i32_1 = arith.constant 0 : i32
    return %c0_i32, %c0_i32_0 : i32, i32
  }
  func.func @transform_6(%arg0: i32) -> (i32, i32) {
    %c0_i32 = arith.constant 0 : i32
    %c0_i32_0 = arith.constant 0 : i32
    %c0_i32_1 = arith.constant 0 : i32
    return %c0_i32, %c0_i32_0 : i32, i32
  }
  func.func @transform_7(%arg0: i32) -> (i32, i32) {
    %c0_i32 = arith.constant 0 : i32
    %c0_i32_0 = arith.constant 0 : i32
    return %arg0, %c0_i32 : i32, i32
  }
  func.func @transform_8(%arg0: i32) -> (i32, i32) {
    %c0_i32 = arith.constant 0 : i32
    %c0_i32_0 = arith.constant 0 : i32
    return %arg0, %c0_i32 : i32, i32
  }
  func.func @transform_9(%arg0: i32) -> (i32, i32, i32) {
    %c0_i32 = arith.constant 0 : i32
    %c0_i32_0 = arith.constant 0 : i32
    %c0_i32_1 = arith.constant 0 : i32
    return %c0_i32, %arg0, %c0_i32_0 : i32, i32, i32
  }
}

module attributes {stable_mosaic.version = 14 : i64} {
  func.func @_tc_final_body(%arg0: i32, %arg1: memref<2x1000x128xf32, #tpu.memory_space<vmem>>, %arg2: memref<1000x1xf32, #tpu.memory_space<vmem>>, %arg3: memref<1x256xf32, #tpu.memory_space<vmem>>, %arg4: memref<1000x256xf32, #tpu.memory_space<vmem>>) attributes {dimension_semantics = [#tpu.dimension_semantics<arbitrary>], iteration_bounds = array<i64: 10>, scalar_prefetch = 0 : i64, scratch_operands = 0 : i64, tpu.core_type = #tpu.core_type<tc>, window_params = [{transform_indices = @transform_0, window_bounds = array<i64: 2, 1000, 128>}, {transform_indices = @transform_1, window_bounds = array<i64: 1000, 1>}, {pipeline_mode = #tpu.pipeline_mode<synchronous>, transform_indices = @transform_2, window_bounds = array<i64: 1, 256>}, {transform_indices = @transform_3, window_bounds = array<i64: 1000, 256>}]} {
    %get3A = arith.constant 0 : index
    %get3A_0 = arith.constant 0 : index
    %get3A_1 = vector.load %arg2[%get3A, %get3A_0] : memref<1000x1xf32, #tpu.memory_space<vmem>>, vector<1000x1xf32>
    %rsqrt3A = math.rsqrt %get3A_1 : vector<1000x1xf32>
    %get3A_2 = arith.constant 0 : index
    %get3A_3 = arith.constant 0 : index
    %get3A_4 = arith.constant 0 : index
    %get3A_5 = vector.load %arg1[%get3A_2, %get3A_3, %get3A_4] : memref<2x1000x128xf32, #tpu.memory_space<vmem>>, vector<1x1000x128xf32>
    %get3A_6 = vector.shape_cast %get3A_5 : vector<1x1000x128xf32> to vector<1000x128xf32>
    %get3A_7 = arith.constant 1 : index
    %get3A_8 = arith.constant 0 : index
    %get3A_9 = arith.constant 0 : index
    %get3A_10 = vector.load %arg1[%get3A_7, %get3A_8, %get3A_9] : memref<2x1000x128xf32, #tpu.memory_space<vmem>>, vector<1x1000x128xf32>
    %get3A_11 = vector.shape_cast %get3A_10 : vector<1x1000x128xf32> to vector<1000x128xf32>
    %concatenate3A = tpu.concatenate %get3A_6, %get3A_11 in 1 : vector<1000x128xf32>, vector<1000x128xf32> -> vector<1000x256xf32>
    %mul3A = vector.broadcast %rsqrt3A : vector<1000x1xf32> to vector<1000x256xf32>
    %mul3A_12 = arith.mulf %concatenate3A, %mul3A : vector<1000x256xf32>
    %get3A_13 = arith.constant 0 : index
    %get3A_14 = arith.constant 0 : index
    %get3A_15 = vector.load %arg3[%get3A_13, %get3A_14] : memref<1x256xf32, #tpu.memory_space<vmem>>, vector<1x256xf32>
    %add3A = vector.broadcast %get3A_15 : vector<1x256xf32> to vector<1000x256xf32>
    %add3A_16 = arith.addf %mul3A_12, %add3A : vector<1000x256xf32>
    %swap3A = arith.constant 0 : index
    %swap3A_17 = arith.constant 0 : index
    %swap3A_18 = vector.load %arg4[%swap3A, %swap3A_17] : memref<1000x256xf32, #tpu.memory_space<vmem>>, vector<1000x256xf32>
    tpu.vector_store %arg4[%swap3A, %swap3A_17], %add3A_16 {strides = array<i32>} : memref<1000x256xf32, #tpu.memory_space<vmem>>, vector<1000x256xf32>,
    return
  }
  func.func @transform_0(%arg0: i32) -> (i32, i32, i32) {
    %c0_i32 = arith.constant 0 : i32
    %c0_i32_0 = arith.constant 0 : i32
    %c0_i32_1 = arith.constant 0 : i32
    return %c0_i32, %arg0, %c0_i32_0 : i32, i32, i32
  }
  func.func @transform_1(%arg0: i32) -> (i32, i32) {
    %c0_i32 = arith.constant 0 : i32
    %c0_i32_0 = arith.constant 0 : i32
    return %arg0, %c0_i32 : i32, i32
  }
  func.func @transform_2(%arg0: i32) -> (i32, i32) {
    %c0_i32 = arith.constant 0 : i32
    %c0_i32_0 = arith.constant 0 : i32
    %c0_i32_1 = arith.constant 0 : i32
    return %c0_i32, %c0_i32_0 : i32, i32
  }
  func.func @transform_3(%arg0: i32) -> (i32, i32) {
    %c0_i32 = arith.constant 0 : i32
    %c0_i32_0 = arith.constant 0 : i32
    return %arg0, %c0_i32 : i32, i32
  }
}

</mosaic_0001>

<sc_bundles>
// kernel: kernel.15.cloned.1.call-start
scs
__scs_entry_jumppad:
0x0: {  	(pc) =	sbr.rel $0x88, $3  }
0x1: {  	(tag) =	ssettag $0x0;
	lr =	simm.s32 $0x1  }
0x2: {  	[smem:$0x3F91] =	sst lr;
	_ =	strace $0xD0000000  }
0x3: {  	_ = 	snop  }
0x4: {  	_ = 	snop  }
0x5: {  	_ = 	snop  }
0x6: {  	_ = 	snop  }
0x7: {  	_ = 	snop  }
__scs_overlays_trampoline_lowered:
0x8: {  	[smem:$0x3FA0] =	sst s0  }
0x9: {  	[smem:$0x3FA1] =	sst s1  }
0xa: {  	[smem:$0x3FA2] =	sst s2  }
0xb: {  	[smem:$0x3FA3] =	sst s3  }
0xc: {  	[smem:$0x3FA4] =	sst s4  }
0xd: {  	[smem:$0x3FA5] =	sst s5  }
0xe: {  	[smem:$0x3FA6] =	sst s6  }
0xf: {  	[smem:$0x3FA7] =	sst s7  }
0x10: {  	[smem:$0x3FA8] =	sst s8  }
0x11: {  	[smem:$0x3FA9] =	sst s9;
	s0 =	simm.s32 @!p0 $0x0  }
0x12: {  	s1 =	sld [smem:$0x3F8F];
	s0 =	simm.s32 @p0 $0x1  }
0x13: {  	[smem:$0x3FAA] =	sst s0;
	s0 =	simm.s32 @!p1 $0x0  }
0x14: {  	s2 =	sld [smem:$0x3F8E];
	s0 =	simm.s32 @p1 $0x1  }
0x15: {  	[smem:$0x3FAB] =	sst s0;
	s0 =	simm.s32 @!p2 $0x0  }
0x16: {  	s3 =	sld [smem:$0x3FDB];
	s0 =	simm.s32 @p2 $0x1  }
0x17: {  	s4 =	simm.s32 $0x1BF5;
	[smem:$0x3FAD] =	sst s0  }
0x18: {  	s0 =	sld [smem:$0x3F90];
	_ =	swait.ge [sflag:s4], $0x0  }
0x19: {  	s7 =	sld [smem:$0x3F91]  }
0x1a: {  	s8 =	sadd.s32 $0xFFFFE003, lr  }
0x1b: {  	s9 =	sadd.s32 $0xFFFFFEF7, lr;
	s5 =	simm.s32 $0xFFFFFFFF;
	p2 =	slt.u32 s8, $0xFFFFF086  }
0x1c: {  	p1 =	slt.u32 s9, $0xF7A;
	s5 =	simm.s32 @!p2 $0x0  }
0x1d: {  	s5 =	simm.s32 @p1 $0x1;
	p0 =	seq.s32 s7, s2  }
0x1e: {  	s7 =	smul.u32 @!p0 $0xF7A, s2;
	p2 =	seq.s32 @!p0 s5, $0x0  }
0x1f: {  	s9 =	smul.u32 $0xF7A, s1;
	s8 =	simm.s32 @!p0 $0x1BF5;
	p2 =	por !p2, p0  }
0x20: {  	[sflag:s8] =	ssyncset.s32 @!p0 $0xFFFFF086;
	s6 =	sadd.s32 @!p0 s3, s7;
	s7 =	simm.s32 @!p0 $0x108  }
0x21: {  	s3 =	sadd.s32 s3, s9;
	s6 =	sadd.s32 @!p0 $0x88, s6;
	s7 =	simm.s32 @p2 $0x1082  }
0x22: {  	[simem:s7], [sflag:s8] =	dma.local @!p0 [hbm:s6], $0xF7A  }
0x23: {  	s9 =	sor.u32 $0xD0000000, s2;
	s6 =	simm.s32 $0x108;
	_ =	swait.ge @!p0 [sflag:s8], $0x0  }
0x24: {  	s3 =	sadd.s32 $0x88, s3;
	s6 =	simm.s32 @!p1 $0x1082;
	[sflag:s4] =	ssyncset.s32 $0xFFFFF086  }
0x25: {  	[simem:s6], [sflag:s4] =	dma.local [hbm:s3], $0xF7A  }
0x26: {  	[smem:$0x3F91] =	sst s1;
	(tag) =	ssettag s2;
	_ =	strace s9  }
0x27: {  	s1 =	sld [smem:$0x3FA1]  }
0x28: {  	s2 =	sld [smem:$0x3FA2]  }
0x29: {  	s4 =	sld [smem:$0x3FA4]  }
0x2a: {  	p0 =	seq.s32 s5, $0x0;
	s5 =	sld [smem:$0x3FA5]  }
0x2b: {  	s6 =	sld [smem:$0x3FA6]  }
0x2c: {  	s7 =	sld [smem:$0x3FA7]  }
0x2d: {  	s3 =	simm.s32 $0x108;
	s8 =	sld [smem:$0x3FA8]  }
0x2e: {  	s3 =	simm.s32 @!p0 $0x1082;
	s9 =	sld [smem:$0x3FA9]  }
0x2f: {  	lr =	sadd.s32 s0, s3;
	s0 =	sld [smem:$0x3FA0]  }
0x30: {  	s3 =	sld [smem:$0x3FA3]  }
0x31: {  	[smem:$0x3FAC] =	sst s10  }
0x32: {  	s10 =	sld [smem:$0x3FAA];
	_ =	sdelay $0x3  }
0x33: {  	p0 =	seq.s32 s10, $0x1;
	s10 =	sld [smem:$0x3FAC];
	_ =	sdelay $0x3  }
0x34: {  	[smem:$0x3FAC] =	sst s10  }
0x35: {  	s10 =	sld [smem:$0x3FAB];
	_ =	sdelay $0x3  }
0x36: {  	p1 =	seq.s32 s10, $0x1;
	s10 =	sld [smem:$0x3FAC];
	_ =	sdelay $0x3  }
0x37: {  	[smem:$0x3FAC] =	sst s10  }
0x38: {  	s10 =	sld [smem:$0x3FAD]  }
0x39: {  	_ = 	snop;
	(pc) =	sbr.ind lr, $3  }
0x3a: {  	_ = 	snop  }
0x3b: {  	_ = 	snop  }
0x3c: {  	p2 =	seq.s32 s10, $0x1;
	s10 =	sld [smem:$0x3FAC]  }
0x3d: {  	_ =	shalt  }
0x3e: {  	_ =	shalt  }
0x3f: {  	_ =	shalt  }
0x40: {  	_ =	shalt  }
0x41: {  	_ =	shalt  }
0x42: {  	_ =	shalt  }
0x43: {  	_ =	shalt  }
0x44: {  	_ =	shalt  }
0x45: {  	_ =	shalt  }
0x46: {  	_ =	shalt  }
0x47: {  	_ =	shalt  }
0x48: {  	_ =	shalt  }
0x49: {  	_ =	shalt  }
0x4a: {  	_ =	shalt  }
0x4b: {  	_ =	shalt  }
0x4c: {  	_ =	shalt  }
0x4d: {  	_ =	shalt  }
0x4e: {  	_ =	shalt  }
0x4f: {  	_ =	shalt  }
0x50: {  	_ =	shalt  }
0x51: {  	_ =	shalt  }
0x52: {  	_ =	shalt  }
0x53: {  	_ =	shalt  }
0x54: {  	_ =	shalt  }
0x55: {  	_ =	shalt  }
0x56: {  	_ =	shalt  }
0x57: {  	_ =	shalt  }
0x58: {  	_ =	shalt  }
0x59: {  	_ =	shalt  }
0x5a: {  	_ =	shalt  }
0x5b: {  	_ =	shalt  }
0x5c: {  	_ =	shalt  }
0x5d: {  	_ =	shalt  }
0x5e: {  	_ =	shalt  }
0x5f: {  	_ =	shalt  }
0x60: {  	_ =	shalt  }
0x61: {  	_ =	shalt  }
0x62: {  	_ =	shalt  }
0x63: {  	_ =	shalt  }
0x64: {  	_ =	shalt  }
0x65: {  	_ =	shalt  }
0x66: {  	_ =	shalt  }
0x67: {  	_ =	shalt  }
0x68: {  	_ =	shalt  }
0x69: {  	_ =	shalt  }
0x6a: {  	_ =	shalt  }
0x6b: {  	_ =	shalt  }
0x6c: {  	_ =	shalt  }
0x6d: {  	_ =	shalt  }
0x6e: {  	_ =	shalt  }
0x6f: {  	_ =	shalt  }
0x70: {  	_ =	shalt  }
0x71: {  	_ =	shalt  }
0x72: {  	_ =	shalt  }
0x73: {  	_ =	shalt  }
0x74: {  	_ =	shalt  }
0x75: {  	_ =	shalt  }
0x76: {  	_ =	shalt  }
0x77: {  	_ =	shalt  }
0x78: {  	_ =	shalt  }
0x79: {  	_ =	shalt  }
0x7a: {  	_ =	shalt  }
0x7b: {  	_ =	shalt  }
0x7c: {  	_ =	shalt  }
0x7d: {  	_ =	shalt  }
0x7e: {  	_ =	shalt  }
0x7f: {  	_ =	shalt  }
0x80: {  	_ =	shalt  }
0x81: {  	_ =	shalt  }
0x82: {  	_ =	shalt  }
0x83: {  	_ =	shalt  }
0x84: {  	_ =	shalt  }
0x85: {  	_ =	shalt  }
0x86: {  	_ =	shalt  }
0x87: {  	_ =	shalt  }
.Lfunc_end0:
.L_simem_size_0:
called_computation_lowered:
.L_overlay_start_0:
0x88: {  	s2 =	sld [smem:$0x3FD9]  }
0x89: {  	s3 =	sld [smem:$0x3FFE];
	_ =	sdelay $0x1  }
0x8a: {  	s1 =	srdreg.scid  }
0x8b: {  	s0 =	sand.u32 $0x1, s1  }
0x8c: {  	s17 =	sshll.u32 s0, $0xA;
	s2 =	sadd.s32 s3, s2  }
0x8d: {  	s2 =	sadd.s32 s2, s17  }
0x8e: {  	[smem:$0x3FB8] =	sst s2  }
0x8f: {  	_ = 	snop  }
0x90: {  	s2 =	sld [smem:$0x3FD0];
	(tm) =	ssettm $0x1  }
0x91: {  	s18 =	sld [smem:$0x3FFB];
	_ =	sdelay $0x3  }
0x92: {  	_ =	strace s18  }
0x93: {  	s3 =	sld [smem:$0x3FFC];
	_ =	sdelay $0x3  }
0x94: {  	_ =	strace s3  }
0x95: {  	s3 =	sld [smem:$0x3FFD];
	_ =	sdelay $0x3  }
0x96: {  	_ =	strace s3  }
0x97: {  	_ =	strace $0x8FFFFFFF  }
0x98: {  	s19 =	sld [smem:$0x3FDB];
	_ =	sdelay $0x1  }
0x99: {  	s4 =	simm.s32 $_scs_section_size  }
0x9a: {  	s5 =	simm.s32 $_size__tile_overlayer_lowered;
	s6 =	simm.s32 $_tile_overlayer_lowered  }
0x9b: {  	s22 =	simm.s32 $0x1BFF;
	s21 =	sshll.u32 s6, $0x1;
	s3 =	sadd.s32 s4, s19  }
0x9c: {  	s7 =	simm.s32 $0x0;
	s20 =	sshll.u32 s5, $0x1;
	s5 =	sadd.s32 s21, s3  }
0x9d: {  	[timem:s7], [sflag:s22] =	dma.local [hbm:s5], s20  }
0x9e: {  	_ =	swait.ge [sflag:s22], s20  }
0x9f: {  	s4 =	ssub.s32 $0x0, s20;
	[sflag:s22] =	ssyncset.done $0x0  }
0xa0: {  	[sflag:s22] =	ssyncadd.s32 s4;
	_ =	sdelay $0x1  }
0xa1: {  	s23 =	simm.s32 $0x1B8B  }
0xa2: {  	_ =	swait.ge [sflag:s23], $0x1  }
0xa3: {  	[sflag:s23] =	ssyncset.done $0x0  }
0xa4: {  	s25 =	simm.s32 $0x1B8E;
	s24 =	sld [smem:$0x3FFE];
	[sflag:s23] =	ssyncadd.s32 $0xFFFFFFFF  }
0xa5: {  	s26 =	simm.s32 $execute0_lowered;
	[smem:$0x3FD2] =	sst s25  }
0xa6: {  	s5 =	sshll.u32 s26, $0x1;
	_ =	strace $0x80000046;
	[dreg:$0x1] =	wrdreg $0xFFFFFFFF  }
0xa7: {  	s28 =	simm.s32 $_size_execute0_lowered;
	s3 =	sadd.s32 s3, s5;
	[dreg:$0x0] =	wrdreg $0x0  }
0xa8: {  	s5 =	sshll.u32 s28, $0x1;
	[dreg:$0x2] =	wrdreg s3  }
0xa9: {  	[dreg:$0x3] =	wrdreg s5  }
0xaa: {  	[dreg:$0x4] =	wrdreg $0xC0  }
0xab: {  	_ =	task [dreg:s7], $0x5FFFF  }
0xac: {  	[dreg:$0x1] =	wrdreg $0xFFFFFFFF  }
0xad: {  	[dreg:$0x0] =	wrdreg $0x60  }
0xae: {  	[dreg:$0x2] =	wrdreg s2  }
0xaf: {  	[dreg:$0x3] =	wrdreg s24  }
0xb0: {  	[dreg:$0x4] =	wrdreg $0x90000  }
0xb1: {  	[dreg:$0x5] =	wrdreg $0x9  }
0xb2: {  	_ =	task.clear_ibuf [dreg:s7], $0x6FFFF;
	_ =	strace $0x90000046  }
0xb3: {  	s29 =	simm.s32 $0x9;
	_ =	strace $0x80000048  }
0xb4: {  	_ =	swait.ge [sflag:s29], $0x1  }
0xb5: {  	[sflag:s29] =	ssyncadd.s32 $0xFFFFFFFF  }
0xb6: {  	_ =	strace $0x90000048  }
0xb7: {  	_ =	sfence  }
0xb8: {  	s30 =	sld [smem:$0x0];
	_ =	sdelay $0x2  }
0xb9: {  	s31 =	sshll.u32 s1, $0xD;
	s1 =	sshrl.u32 s1, $0x2  }
0xba: {  	s3 =	sand.u32 $0x4000, s31;
	s1 =	sadd.s32 s1, s30  }
0xbb: {  	s0 =	sor.u32 s3, s0;
	s1 =	sshll.u32 s1, $0x11  }
0xbc: {  	s0 =	sor.u32 s1, s0  }
0xbd: {  	s0 =	sadd.s32 $0x8F2B, s0  }
0xbe: {  	[sflag:s0] =	ssyncadd.remote.s32 $0x1  }
0xbf: {  	_ =	sfence.sel $0xFFFF  }
0xc0: {  	[dreg:$0x0] =	wrdreg $0xFFFFFFFF;
	(pc) =	sbr.abs _section_cstart, $3  }
0xc1: {  	[dreg:$0x1] =	wrdreg $0xFFFFFFFF  }
0xc2: {  	_ =	task.clear_ibuf [dreg:s7], $0x2FFFF;
	_ =	strace $0x9FFFFFFF  }
0xc3: {  	(tm) =	ssettm $0x7FFFFFFF  }
tec
execute0_lowered:
.L_overlay_start_1:
0x0: {  	(tag) =	ssettag $0x1  }
0x1: {  	s1 =	rddreg [dreg:$0x0]  }
0x2: {  	s4 =	rddreg [dreg:$0x1]  }
0x3: {  	s2 =	rddreg [dreg:$0x2]  }
0x4: {  	s0 =	rddreg [dreg:$0x3]  }
0x5: {  	s12 =	stileid.u32;
	s6 =	srdreg.scid;
	s3 =	simm.s32 $0x0  }
0x6: {  	s16 =	simm.s32 $0x5000;
	s17 =	simm.s32 $0x80;
	s5 =	smul.u32 $0x500, s12  }
0x7: {  	s18 =	simm.s32 $0x1;
	s19 =	simm.s32 $0x0;
	s7 =	smul.u32 $0x4E000, s12  }
0x8: {  	s6 =	sand.u32 $0x1, s6;
	[smem:$0x7FF] =	sst s3;
	s10 =	smul.u32 $0x270, s12  }
0x9: {  	s13 =	sadd.s32 $0x12C00, s4;
	s30 =	sshll.u32 s12, $0x6;
	s15 =	sadd.s32 $0x138000, s2  }
0xa: {  	p0 =	sne.s32 s12, $0x0;
	s8 =	smul.u32 $0x2710, s6;
	_ =	strace $0x80000047  }
0xb: {  	s9 =	ssub.s32 $0x2, s6;
	s6 =	smul.u32 $0x138800, s6;
	s11 =	sadd.s32 s5, s4  }
0xc: {  	s25 =	sshrl.u32 s9, $0x1;
	s26 =	sshrl.u32 s7, $0x2;
	s5 =	sor.u32 $0x1C02, s30  }
0xd: {  	s28 =	sadd.s32 s10, s8;
	s29 =	ssub.s32 s9, s25;
	s14 =	sadd.s32 s26, s2  }
.Ltmp0:
0xe: {  	s6 =	sshrl.u32 s6, $0x3;
	s7 =	sadd.s32 $0x3C00, s11;
	(pc) =	sbr.rel .LBB2_1-.Ltmp0, $4  }
0xf: {  	s11 =	sadd.s32 $0x3D00, s11;
	s8 =	sshll.u32 s28, $0x4;
	s31 =	sadd.s32 $0x27000, s6  }
0x10: {  	s10 =	smax.u32 s29, $0x1;
	s12 =	sshrl.u32 s14, $0x3;
	s14 =	sshrl.u32 @!p0 s15, $0x3  }
0x11: {  	s15 =	simm.s32 $0x1000;
	s4 =	sadd.s32 s1, s8;
	s6 =	sadd.s32 s1, s31  }
0x12: {  	s8 =	sadd.s32 s13, s8;
	s9 =	sadd.s32 s13, s31;
	s13 =	simm.s32 $0x2  }
.LBB2_4:
0x13: {  	[bflag:$0x0] =	sbarrier.arrive $0xFFFF  }
0x14: {  	[hbm:s8], [sflag:s5] =	dma.local [spmem:s12], $0x2700  }
0x15: {  	s19 =	sadd.s32 $0x1, s19;
	_ =	swait.ge [sflag:s13], $0x2700  }
0x16: {  	p1 =	sne.s32 s19, s10;
	[sflag:s13] =	ssyncset.done $0x0  }
.Ltmp1:
0x17: {  	s20 =	simm.s32 @!p0 $0x2;
	[sflag:s13] =	ssyncadd.s32 $0xFFFFD900;
	(pc) =	sbr.rel @!p1 .LBB2_5-.Ltmp1, $4  }
0x18: {  	[hbm:s9], [sflag:s5] =	dma.local @!p0 [spmem:s14], $0x100  }
0x19: {  	_ =	swait.ge @!p0 [sflag:s20], $0x100  }
0x1a: {  	[sflag:s20] =	ssyncset.done @!p0 $0x0  }
0x1b: {  	[sflag:s20] =	ssyncadd.s32 @!p0 $0xFFFFFF00  }
.LBB2_1:
0x1c: {  	[spmem:s12], [sflag:s5] =	dma.local [hbm:s4], $0x2700  }
0x1d: {  	_ =	swait.ge [sflag:s13], $0x2700  }
0x1e: {  	[sflag:s13] =	ssyncset.done $0x0  }
0x1f: {  	s20 =	simm.s32 @!p0 $0x2;
	[sflag:s13] =	ssyncadd.s32 $0xFFFFD900  }
0x20: {  	[spmem:s14], [sflag:s5] =	dma.local @!p0 [hbm:s6], $0x100  }
0x21: {  	_ =	swait.ge @!p0 [sflag:s20], $0x100  }
0x22: {  	[sflag:s20] =	ssyncset.done @!p0 $0x0  }
0x23: {  	[sflag:s20] =	ssyncadd.s32 @!p0 $0xFFFFFF00  }
0x24: {  	[tilespmem:s3], [sflag:$0x2] =	stream.linear.gather [hbm4b:s7+s3], $0x800, $0x38;
	[tilespmem:$0x1C8C0] =	vst v63  }
0x25: {  	_ =	swait.ge [sflag:s13], $0x800  }
0x26: {  	[sflag:s13] =	ssyncset.done $0x0  }
0x27: {  	[sflag:s13] =	ssyncadd.s32 $0xFFFFF800  }
0x28: {  	[tilespmem:s15], [sflag:$0x2] =	stream.linear.gather [hbm4b:s1+s3], $0x4000, $0x38;
	[tilespmem:$0x1C8C0] =	vst v63  }
0x29: {  	_ =	swait.ge [sflag:s13], $0x4000  }
0x2a: {  	[sflag:s13] =	ssyncset.done $0x0  }
0x2b: {  	[sflag:s13] =	ssyncadd.s32 $0xFFFFC000  }
0x2c: {  	[tilespmem:s16], [sflag:$0x2] =	stream.linear.gather [hbm4b:s1+s3], $0x4000, $0x38;
	[tilespmem:$0x1C8C0] =	vst v63  }
0x2d: {  	_ =	swait.ge [sflag:s13], $0x4000  }
0x2e: {  	[sflag:s13] =	ssyncset.done $0x0  }
0x2f: {  	[sflag:s13] =	ssyncadd.s32 $0xFFFFC000  }
0x30: {  	s21 =	simm.s32 $0x0;
	s20 =	smov.u32 s11;
	[bflag:$0x0] =	sbarrier.arrive $0xFFFF  }
.LBB2_2:
0x31: {  	s22 =	sand.u32 $0x1, s21;
	p1 =	seq.s32 s21, $0x4  }
0x32: {  	s23 =	sshll.u32 @!p1 s22, $0xB  }
0x33: {  	s24 =	simm.s32 @!p1 $0x0;
	s23 =	sxor.u32 @!p1 $0x800, s23  }
0x34: {  	[tilespmem:s23], [sflag:$0x1] =	stream.linear.gather @!p1 [hbm4b:s20+s24], $0x800, $0x38;
	[tilespmem:$0x1C8C0] =	vst v63  }
0x35: {  	s22 =	sshll.u32 s22, $0xB  }
0x36: {  	[spmem:s2] =	stream.indirect.scatter.add.f32 [tilespmem:s15], [sflag:$0x2], $0x80, s22, s17, $0xb8;
	[tilespmem:$0x1C8C0] =	vst v63  }
0x37: {  	_ =	swait.ge [sflag:s13], $0x4000  }
0x38: {  	[sflag:s13] =	ssyncset.done $0x0  }
0x39: {  	s24 =	sor.u32 $0x80, s22;
	[sflag:s13] =	ssyncadd.s32 $0xFFFFC000  }
0x3a: {  	[spmem:s2] =	stream.indirect.scatter.add.f32 [tilespmem:s16], [sflag:$0x2], $0x80, s24, s17, $0xb8;
	[tilespmem:$0x1C8C0] =	vst v63  }
0x3b: {  	_ =	swait.ge [sflag:s13], $0x4000  }
0x3c: {  	[sflag:s13] =	ssyncset.done $0x0  }
0x3d: {  	s25 =	sor.u32 $0x100, s22;
	[sflag:s13] =	ssyncadd.s32 $0xFFFFC000  }
0x3e: {  	[spmem:s2] =	stream.indirect.scatter.add.f32 [tilespmem:s15], [sflag:$0x2], $0x80, s25, s17, $0xb8;
	[tilespmem:$0x1C8C0] =	vst v63  }
0x3f: {  	_ =	swait.ge [sflag:s13], $0x4000  }
0x40: {  	[sflag:s13] =	ssyncset.done $0x0  }
0x41: {  	s26 =	sor.u32 $0x180, s22;
	[sflag:s13] =	ssyncadd.s32 $0xFFFFC000  }
0x42: {  	[spmem:s2] =	stream.indirect.scatter.add.f32 [tilespmem:s16], [sflag:$0x2], $0x80, s26, s17, $0xb8;
	[tilespmem:$0x1C8C0] =	vst v63  }
0x43: {  	_ =	swait.ge [sflag:s13], $0x4000  }
0x44: {  	[sflag:s13] =	ssyncset.done $0x0  }
0x45: {  	s28 =	sor.u32 $0x200, s22;
	[sflag:s13] =	ssyncadd.s32 $0xFFFFC000  }
0x46: {  	[spmem:s2] =	stream.indirect.scatter.add.f32 [tilespmem:s15], [sflag:$0x2], $0x80, s28, s17, $0xb8;
	[tilespmem:$0x1C8C0] =	vst v63  }
0x47: {  	_ =	swait.ge [sflag:s13], $0x4000  }
0x48: {  	[sflag:s13] =	ssyncset.done $0x0  }
0x49: {  	s29 =	sor.u32 $0x280, s22;
	[sflag:s13] =	ssyncadd.s32 $0xFFFFC000  }
0x4a: {  	[spmem:s2] =	stream.indirect.scatter.add.f32 [tilespmem:s16], [sflag:$0x2], $0x80, s29, s17, $0xb8;
	[tilespmem:$0x1C8C0] =	vst v63  }
0x4b: {  	_ =	swait.ge [sflag:s13], $0x4000  }
0x4c: {  	[sflag:s13] =	ssyncset.done $0x0  }
0x4d: {  	s30 =	sor.u32 $0x300, s22;
	[sflag:s13] =	ssyncadd.s32 $0xFFFFC000  }
0x4e: {  	[spmem:s2] =	stream.indirect.scatter.add.f32 [tilespmem:s15], [sflag:$0x2], $0x80, s30, s17, $0xb8;
	[tilespmem:$0x1C8C0] =	vst v63  }
0x4f: {  	_ =	swait.ge [sflag:s13], $0x4000  }
0x50: {  	[sflag:s13] =	ssyncset.done $0x0  }
0x51: {  	s31 =	sor.u32 $0x380, s22;
	[sflag:s13] =	ssyncadd.s32 $0xFFFFC000  }
0x52: {  	[spmem:s2] =	stream.indirect.scatter.add.f32 [tilespmem:s16], [sflag:$0x2], $0x80, s31, s17, $0xb8;
	[tilespmem:$0x1C8C0] =	vst v63  }
0x53: {  	_ =	swait.ge [sflag:s13], $0x4000  }
0x54: {  	[sflag:s13] =	ssyncset.done $0x0  }
0x55: {  	s24 =	sor.u32 $0x400, s22;
	[sflag:s13] =	ssyncadd.s32 $0xFFFFC000  }
0x56: {  	[spmem:s2] =	stream.indirect.scatter.add.f32 [tilespmem:s15], [sflag:$0x2], $0x80, s24, s17, $0xb8;
	[tilespmem:$0x1C8C0] =	vst v63  }
0x57: {  	_ =	swait.ge [sflag:s13], $0x4000  }
0x58: {  	[sflag:s13] =	ssyncset.done $0x0  }
0x59: {  	s25 =	sor.u32 $0x480, s22;
	[sflag:s13] =	ssyncadd.s32 $0xFFFFC000  }
0x5a: {  	[spmem:s2] =	stream.indirect.scatter.add.f32 [tilespmem:s16], [sflag:$0x2], $0x80, s25, s17, $0xb8;
	[tilespmem:$0x1C8C0] =	vst v63  }
0x5b: {  	_ =	swait.ge [sflag:s13], $0x4000  }
0x5c: {  	[sflag:s13] =	ssyncset.done $0x0  }
0x5d: {  	s26 =	sor.u32 $0x500, s22;
	[sflag:s13] =	ssyncadd.s32 $0xFFFFC000  }
0x5e: {  	[spmem:s2] =	stream.indirect.scatter.add.f32 [tilespmem:s15], [sflag:$0x2], $0x80, s26, s17, $0xb8;
	[tilespmem:$0x1C8C0] =	vst v63  }
0x5f: {  	_ =	swait.ge [sflag:s13], $0x4000  }
0x60: {  	[sflag:s13] =	ssyncset.done $0x0  }
0x61: {  	s28 =	sor.u32 $0x580, s22;
	[sflag:s13] =	ssyncadd.s32 $0xFFFFC000  }
0x62: {  	[spmem:s2] =	stream.indirect.scatter.add.f32 [tilespmem:s16], [sflag:$0x2], $0x80, s28, s17, $0xb8;
	[tilespmem:$0x1C8C0] =	vst v63  }
0x63: {  	_ =	swait.ge [sflag:s13], $0x4000  }
0x64: {  	[sflag:s13] =	ssyncset.done $0x0  }
0x65: {  	s29 =	sor.u32 $0x600, s22;
	[sflag:s13] =	ssyncadd.s32 $0xFFFFC000  }
0x66: {  	[spmem:s2] =	stream.indirect.scatter.add.f32 [tilespmem:s15], [sflag:$0x2], $0x80, s29, s17, $0xb8;
	[tilespmem:$0x1C8C0] =	vst v63  }
0x67: {  	_ =	swait.ge [sflag:s13], $0x4000  }
0x68: {  	[sflag:s13] =	ssyncset.done $0x0  }
0x69: {  	s30 =	sor.u32 $0x680, s22;
	[sflag:s13] =	ssyncadd.s32 $0xFFFFC000  }
0x6a: {  	[spmem:s2] =	stream.indirect.scatter.add.f32 [tilespmem:s16], [sflag:$0x2], $0x80, s30, s17, $0xb8;
	[tilespmem:$0x1C8C0] =	vst v63  }
0x6b: {  	_ =	swait.ge [sflag:s13], $0x4000  }
0x6c: {  	[sflag:s13] =	ssyncset.done $0x0  }
0x6d: {  	s31 =	sor.u32 $0x700, s22;
	[sflag:s13] =	ssyncadd.s32 $0xFFFFC000  }
0x6e: {  	[spmem:s2] =	stream.indirect.scatter.add.f32 [tilespmem:s15], [sflag:$0x2], $0x80, s31, s17, $0xb8;
	[tilespmem:$0x1C8C0] =	vst v63  }
0x6f: {  	_ =	swait.ge [sflag:s13], $0x4000  }
0x70: {  	[sflag:s13] =	ssyncset.done $0x0  }
.Ltmp2:
0x71: {  	s22 =	sor.u32 $0x780, s22;
	[sflag:s13] =	ssyncadd.s32 $0xFFFFC000;
	(pc) =	sbr.rel @p1 .LBB2_4-.Ltmp2, $4  }
0x72: {  	[spmem:s2] =	stream.indirect.scatter.add.f32 [tilespmem:s16], [sflag:$0x2], $0x80, s22, s17, $0xb8;
	[tilespmem:$0x1C8C0] =	vst v63  }
0x73: {  	_ =	swait.ge [sflag:s13], $0x4000  }
0x74: {  	[sflag:s13] =	ssyncset.done $0x0  }
0x75: {  	[sflag:s13] =	ssyncadd.s32 $0xFFFFC000  }
.Ltmp3:
0x76: {  	(pc) =	sbr.rel .LBB2_2-.Ltmp3, $4  }
0x77: {  	_ = 	snop  }
0x78: {  	_ =	swait.ge [sflag:s18], $0x800  }
0x79: {  	[sflag:s18] =	ssyncset.done $0x0  }
0x7a: {  	s21 =	sadd.s32 $0x1, s21;
	s20 =	sadd.s32 $0x100, s20;
	[sflag:s18] =	ssyncadd.s32 $0xFFFFF800  }
.LBB2_5:
0x7b: {  	_ =	sfence.sel $0x180000  }
0x7c: {  	[bflag:$0x0] =	sbarrier.arrive $0xFFFF  }
0x7d: {  	_ =	strace $0x90000047  }
0x7e: {  	s0 =	sadd.s32 @!p0 $0x100000, s0;
	[bflag:$0x2] =	sbarrier.arrive $0xFFFF  }
0x7f: {  	[sflag:s0] =	ssyncadd.tile.s32 @!p0 $0x1;
	_ =	shalt  }
.Lfunc_end2:
_tile_overlayer_lowered:
.L_overlay_start_2:
0x80: {  	(tag) =	ssettag $0x2  }
0x81: {  	s0 =	rddreg [dreg:$0x0];
	s2 =	stileid.u32  }
0x82: {  	s1 =	rddreg [dreg:$0x1];
	p0 =	sne.s32 s2, $0x0  }
0x83: {  	s3 =	rddreg [dreg:$0x2];
	[bflag:$0x3] =	sbarrier.arrive $0xFFFF;
	s2 =	simm.s32 @!p0 $0x1C02  }
0x84: {  	[timem:s3], [sflag:s2] =	dma.local @!p0 [hbm:s0], s1  }
0x85: {  	s0 =	simm.s32 @!p0 $0x2  }
0x86: {  	_ =	swait.ge @!p0 [sflag:s0], s1  }
0x87: {  	s1 =	ssub.s32 @!p0 $0x0, s1;
	[sflag:s0] =	ssyncset.done @!p0 $0x0  }
0x88: {  	[sflag:s0] =	ssyncadd.s32 @!p0 s1  }
0x89: {  	[bflag:$0x3] =	sbarrier.arrive $0xFFFF  }
0x8a: {  	_ =	shalt  }

// kernel: kernel.18.cloned.1.call-start
scs
__scs_entry_jumppad:
0x0: {  	(pc) =	sbr.rel $0x88, $3  }
0x1: {  	(tag) =	ssettag $0x0;
	lr =	simm.s32 $0x1  }
0x2: {  	[smem:$0x3F91] =	sst lr;
	_ =	strace $0xD0000000  }
0x3: {  	_ = 	snop  }
0x4: {  	_ = 	snop  }
0x5: {  	_ = 	snop  }
0x6: {  	_ = 	snop  }
0x7: {  	_ = 	snop  }
__scs_overlays_trampoline_lowered:
0x8: {  	[smem:$0x3FA0] =	sst s0  }
0x9: {  	[smem:$0x3FA1] =	sst s1  }
0xa: {  	[smem:$0x3FA2] =	sst s2  }
0xb: {  	[smem:$0x3FA3] =	sst s3  }
0xc: {  	[smem:$0x3FA4] =	sst s4  }
0xd: {  	[smem:$0x3FA5] =	sst s5  }
0xe: {  	[smem:$0x3FA6] =	sst s6  }
0xf: {  	[smem:$0x3FA7] =	sst s7  }
0x10: {  	[smem:$0x3FA8] =	sst s8  }
0x11: {  	[smem:$0x3FA9] =	sst s9;
	s0 =	simm.s32 @!p0 $0x0  }
0x12: {  	s1 =	sld [smem:$0x3F8F];
	s0 =	simm.s32 @p0 $0x1  }
0x13: {  	[smem:$0x3FAA] =	sst s0;
	s0 =	simm.s32 @!p1 $0x0  }
0x14: {  	s2 =	sld [smem:$0x3F8E];
	s0 =	simm.s32 @p1 $0x1  }
0x15: {  	[smem:$0x3FAB] =	sst s0;
	s0 =	simm.s32 @!p2 $0x0  }
0x16: {  	s3 =	sld [smem:$0x3FDB];
	s0 =	simm.s32 @p2 $0x1  }
0x17: {  	s4 =	simm.s32 $0x1BF5;
	[smem:$0x3FAD] =	sst s0  }
0x18: {  	s0 =	sld [smem:$0x3F90];
	_ =	swait.ge [sflag:s4], $0x0  }
0x19: {  	s7 =	sld [smem:$0x3F91]  }
0x1a: {  	s8 =	sadd.s32 $0xFFFFE003, lr  }
0x1b: {  	s9 =	sadd.s32 $0xFFFFFEF7, lr;
	s5 =	simm.s32 $0xFFFFFFFF;
	p2 =	slt.u32 s8, $0xFFFFF086  }
0x1c: {  	p1 =	slt.u32 s9, $0xF7A;
	s5 =	simm.s32 @!p2 $0x0  }
0x1d: {  	s5 =	simm.s32 @p1 $0x1;
	p0 =	seq.s32 s7, s2  }
0x1e: {  	s7 =	smul.u32 @!p0 $0xF7A, s2;
	p2 =	seq.s32 @!p0 s5, $0x0  }
0x1f: {  	s9 =	smul.u32 $0xF7A, s1;
	s8 =	simm.s32 @!p0 $0x1BF5;
	p2 =	por !p2, p0  }
0x20: {  	[sflag:s8] =	ssyncset.s32 @!p0 $0xFFFFF086;
	s6 =	sadd.s32 @!p0 s3, s7;
	s7 =	simm.s32 @!p0 $0x108  }
0x21: {  	s3 =	sadd.s32 s3, s9;
	s6 =	sadd.s32 @!p0 $0x88, s6;
	s7 =	simm.s32 @p2 $0x1082  }
0x22: {  	[simem:s7], [sflag:s8] =	dma.local @!p0 [hbm:s6], $0xF7A  }
0x23: {  	s9 =	sor.u32 $0xD0000000, s2;
	s6 =	simm.s32 $0x108;
	_ =	swait.ge @!p0 [sflag:s8], $0x0  }
0x24: {  	s3 =	sadd.s32 $0x88, s3;
	s6 =	simm.s32 @!p1 $0x1082;
	[sflag:s4] =	ssyncset.s32 $0xFFFFF086  }
0x25: {  	[simem:s6], [sflag:s4] =	dma.local [hbm:s3], $0xF7A  }
0x26: {  	[smem:$0x3F91] =	sst s1;
	(tag) =	ssettag s2;
	_ =	strace s9  }
0x27: {  	s1 =	sld [smem:$0x3FA1]  }
0x28: {  	s2 =	sld [smem:$0x3FA2]  }
0x29: {  	s4 =	sld [smem:$0x3FA4]  }
0x2a: {  	p0 =	seq.s32 s5, $0x0;
	s5 =	sld [smem:$0x3FA5]  }
0x2b: {  	s6 =	sld [smem:$0x3FA6]  }
0x2c: {  	s7 =	sld [smem:$0x3FA7]  }
0x2d: {  	s3 =	simm.s32 $0x108;
	s8 =	sld [smem:$0x3FA8]  }
0x2e: {  	s3 =	simm.s32 @!p0 $0x1082;
	s9 =	sld [smem:$0x3FA9]  }
0x2f: {  	lr =	sadd.s32 s0, s3;
	s0 =	sld [smem:$0x3FA0]  }
0x30: {  	s3 =	sld [smem:$0x3FA3]  }
0x31: {  	[smem:$0x3FAC] =	sst s10  }
0x32: {  	s10 =	sld [smem:$0x3FAA];
	_ =	sdelay $0x3  }
0x33: {  	p0 =	seq.s32 s10, $0x1;
	s10 =	sld [smem:$0x3FAC];
	_ =	sdelay $0x3  }
0x34: {  	[smem:$0x3FAC] =	sst s10  }
0x35: {  	s10 =	sld [smem:$0x3FAB];
	_ =	sdelay $0x3  }
0x36: {  	p1 =	seq.s32 s10, $0x1;
	s10 =	sld [smem:$0x3FAC];
	_ =	sdelay $0x3  }
0x37: {  	[smem:$0x3FAC] =	sst s10  }
0x38: {  	s10 =	sld [smem:$0x3FAD]  }
0x39: {  	_ = 	snop;
	(pc) =	sbr.ind lr, $3  }
0x3a: {  	_ = 	snop  }
0x3b: {  	_ = 	snop  }
0x3c: {  	p2 =	seq.s32 s10, $0x1;
	s10 =	sld [smem:$0x3FAC]  }
0x3d: {  	_ =	shalt  }
0x3e: {  	_ =	shalt  }
0x3f: {  	_ =	shalt  }
0x40: {  	_ =	shalt  }
0x41: {  	_ =	shalt  }
0x42: {  	_ =	shalt  }
0x43: {  	_ =	shalt  }
0x44: {  	_ =	shalt  }
0x45: {  	_ =	shalt  }
0x46: {  	_ =	shalt  }
0x47: {  	_ =	shalt  }
0x48: {  	_ =	shalt  }
0x49: {  	_ =	shalt  }
0x4a: {  	_ =	shalt  }
0x4b: {  	_ =	shalt  }
0x4c: {  	_ =	shalt  }
0x4d: {  	_ =	shalt  }
0x4e: {  	_ =	shalt  }
0x4f: {  	_ =	shalt  }
0x50: {  	_ =	shalt  }
0x51: {  	_ =	shalt  }
0x52: {  	_ =	shalt  }
0x53: {  	_ =	shalt  }
0x54: {  	_ =	shalt  }
0x55: {  	_ =	shalt  }
0x56: {  	_ =	shalt  }
0x57: {  	_ =	shalt  }
0x58: {  	_ =	shalt  }
0x59: {  	_ =	shalt  }
0x5a: {  	_ =	shalt  }
0x5b: {  	_ =	shalt  }
0x5c: {  	_ =	shalt  }
0x5d: {  	_ =	shalt  }
0x5e: {  	_ =	shalt  }
0x5f: {  	_ =	shalt  }
0x60: {  	_ =	shalt  }
0x61: {  	_ =	shalt  }
0x62: {  	_ =	shalt  }
0x63: {  	_ =	shalt  }
0x64: {  	_ =	shalt  }
0x65: {  	_ =	shalt  }
0x66: {  	_ =	shalt  }
0x67: {  	_ =	shalt  }
0x68: {  	_ =	shalt  }
0x69: {  	_ =	shalt  }
0x6a: {  	_ =	shalt  }
0x6b: {  	_ =	shalt  }
0x6c: {  	_ =	shalt  }
0x6d: {  	_ =	shalt  }
0x6e: {  	_ =	shalt  }
0x6f: {  	_ =	shalt  }
0x70: {  	_ =	shalt  }
0x71: {  	_ =	shalt  }
0x72: {  	_ =	shalt  }
0x73: {  	_ =	shalt  }
0x74: {  	_ =	shalt  }
0x75: {  	_ =	shalt  }
0x76: {  	_ =	shalt  }
0x77: {  	_ =	shalt  }
0x78: {  	_ =	shalt  }
0x79: {  	_ =	shalt  }
0x7a: {  	_ =	shalt  }
0x7b: {  	_ =	shalt  }
0x7c: {  	_ =	shalt  }
0x7d: {  	_ =	shalt  }
0x7e: {  	_ =	shalt  }
0x7f: {  	_ =	shalt  }
0x80: {  	_ =	shalt  }
0x81: {  	_ =	shalt  }
0x82: {  	_ =	shalt  }
0x83: {  	_ =	shalt  }
0x84: {  	_ =	shalt  }
0x85: {  	_ =	shalt  }
0x86: {  	_ =	shalt  }
0x87: {  	_ =	shalt  }
.Lfunc_end0:
.L_simem_size_0:
called_computation.1_lowered:
.L_overlay_start_0:
0x88: {  	s2 =	sld [smem:$0x3FD9]  }
0x89: {  	s3 =	sld [smem:$0x3FFE];
	_ =	sdelay $0x1  }
0x8a: {  	s1 =	srdreg.scid  }
0x8b: {  	s0 =	sand.u32 $0x1, s1  }
0x8c: {  	s17 =	sshll.u32 s0, $0xA;
	s2 =	sadd.s32 s3, s2  }
0x8d: {  	s2 =	sadd.s32 s2, s17  }
0x8e: {  	[smem:$0x3FB8] =	sst s2  }
0x8f: {  	_ = 	snop  }
0x90: {  	s2 =	sld [smem:$0x3FD0];
	(tm) =	ssettm $0x1  }
0x91: {  	s18 =	sld [smem:$0x3FFB];
	_ =	sdelay $0x3  }
0x92: {  	_ =	strace s18  }
0x93: {  	s3 =	sld [smem:$0x3FFC];
	_ =	sdelay $0x3  }
0x94: {  	_ =	strace s3  }
0x95: {  	s3 =	sld [smem:$0x3FFD];
	_ =	sdelay $0x3  }
0x96: {  	_ =	strace s3  }
0x97: {  	_ =	strace $0x8FFFFFFF  }
0x98: {  	s19 =	sld [smem:$0x3FDB];
	_ =	sdelay $0x1  }
0x99: {  	s4 =	simm.s32 $_scs_section_size  }
0x9a: {  	s5 =	simm.s32 $_size__tile_overlayer_lowered;
	s6 =	simm.s32 $_tile_overlayer_lowered  }
0x9b: {  	s22 =	simm.s32 $0x1BFF;
	s21 =	sshll.u32 s6, $0x1;
	s3 =	sadd.s32 s4, s19  }
0x9c: {  	s7 =	simm.s32 $0x0;
	s20 =	sshll.u32 s5, $0x1;
	s5 =	sadd.s32 s21, s3  }
0x9d: {  	[timem:s7], [sflag:s22] =	dma.local [hbm:s5], s20  }
0x9e: {  	_ =	swait.ge [sflag:s22], s20  }
0x9f: {  	s4 =	ssub.s32 $0x0, s20;
	[sflag:s22] =	ssyncset.done $0x0  }
0xa0: {  	[sflag:s22] =	ssyncadd.s32 s4;
	_ =	sdelay $0x1  }
0xa1: {  	s23 =	simm.s32 $0x1B8B  }
0xa2: {  	_ =	swait.ge [sflag:s23], $0x1  }
0xa3: {  	[sflag:s23] =	ssyncset.done $0x0  }
0xa4: {  	s25 =	simm.s32 $0x1B8E;
	s24 =	sld [smem:$0x3FFE];
	[sflag:s23] =	ssyncadd.s32 $0xFFFFFFFF  }
0xa5: {  	s26 =	simm.s32 $execute0_lowered;
	[smem:$0x3FD2] =	sst s25  }
0xa6: {  	s5 =	sshll.u32 s26, $0x1;
	_ =	strace $0x80000049;
	[dreg:$0x1] =	wrdreg $0xFFFFFFFF  }
0xa7: {  	s28 =	simm.s32 $_size_execute0_lowered;
	s3 =	sadd.s32 s3, s5;
	[dreg:$0x0] =	wrdreg $0x0  }
0xa8: {  	s5 =	sshll.u32 s28, $0x1;
	[dreg:$0x2] =	wrdreg s3  }
0xa9: {  	[dreg:$0x3] =	wrdreg s5  }
0xaa: {  	[dreg:$0x4] =	wrdreg $0xC0  }
0xab: {  	_ =	task [dreg:s7], $0x5FFFF  }
0xac: {  	[dreg:$0x1] =	wrdreg $0xFFFFFFFF  }
0xad: {  	[dreg:$0x0] =	wrdreg $0x60  }
0xae: {  	[dreg:$0x2] =	wrdreg s2  }
0xaf: {  	[dreg:$0x3] =	wrdreg s24  }
0xb0: {  	[dreg:$0x4] =	wrdreg $0xA0000  }
0xb1: {  	[dreg:$0x5] =	wrdreg $0x9  }
0xb2: {  	_ =	task.clear_ibuf [dreg:s7], $0x6FFFF;
	_ =	strace $0x90000049  }
0xb3: {  	s29 =	simm.s32 $0x9;
	_ =	strace $0x8000004B  }
0xb4: {  	_ =	swait.ge [sflag:s29], $0x1  }
0xb5: {  	[sflag:s29] =	ssyncadd.s32 $0xFFFFFFFF  }
0xb6: {  	_ =	strace $0x9000004B  }
0xb7: {  	_ =	sfence  }
0xb8: {  	s30 =	sld [smem:$0x0];
	_ =	sdelay $0x2  }
0xb9: {  	s31 =	sshll.u32 s1, $0xD;
	s1 =	sshrl.u32 s1, $0x2  }
0xba: {  	s3 =	sand.u32 $0x4000, s31;
	s1 =	sadd.s32 s1, s30  }
0xbb: {  	s0 =	sor.u32 s3, s0;
	s1 =	sshll.u32 s1, $0x11  }
0xbc: {  	s0 =	sor.u32 s1, s0  }
0xbd: {  	s0 =	sadd.s32 $0x8F2B, s0  }
0xbe: {  	[sflag:s0] =	ssyncadd.remote.s32 $0x1  }
0xbf: {  	_ =	sfence.sel $0xFFFF  }
0xc0: {  	[dreg:$0x0] =	wrdreg $0xFFFFFFFF;
	(pc) =	sbr.abs _section_cstart, $3  }
0xc1: {  	[dreg:$0x1] =	wrdreg $0xFFFFFFFF  }
0xc2: {  	_ =	task.clear_ibuf [dreg:s7], $0x2FFFF;
	_ =	strace $0x9FFFFFFF  }
0xc3: {  	(tm) =	ssettm $0x7FFFFFFF  }
tec
execute0_lowered:
.L_overlay_start_1:
0x0: {  	(tag) =	ssettag $0x1  }
0x1: {  	s1 =	rddreg [dreg:$0x0]  }
0x2: {  	s5 =	rddreg [dreg:$0x1]  }
0x3: {  	s2 =	rddreg [dreg:$0x2]  }
0x4: {  	s0 =	rddreg [dreg:$0x3];
	s3 =	simm.s32 $0x0;
	s14 =	stileid.u32  }
0x5: {  	s6 =	srdreg.scid;
	s20 =	simm.s32 $0x6000;
	s7 =	smul.u32 $0x4E000, s14  }
0x6: {  	s21 =	simm.s32 $0x1;
	[smem:$0x7FF] =	sst s3;
	s10 =	smul.u32 $0x270, s14  }
0x7: {  	s4 =	sadd.s32 $0x8C00, s5;
	s6 =	sand.u32 $0x1, s6;
	s29 =	smul.u32 $0x2800, s14  }
0x8: {  	s12 =	sadd.s32 $0x3C00, s5;
	s11 =	sadd.s32 $0x12C00, s5;
	s19 =	smul.u32 $0x500, s14  }
0x9: {  	s28 =	sshll.u32 s14, $0x6;
	s16 =	sadd.s32 $0x138000, s2;
	s9 =	smul.u32 $0x2710, s6  }
0xa: {  	p0 =	sne.s32 s14, $0x0;
	_ =	strace $0x8000004A;
	s24 =	smul.u32 $0x138800, s6  }
0xb: {  	s8 =	ssub.s32 $0x2, s6;
	s26 =	smul.u32 $0x28000, s6;
	s6 =	sor.u32 $0x1C05, s28  }
0xc: {  	s16 =	sshrl.u32 @!p0 s16, $0x3;
	s22 =	sshrl.u32 s8, $0x1;
	s23 =	sshrl.u32 s7, $0x2  }
0xd: {  	s30 =	sadd.s32 s19, s12;
	s19 =	simm.s32 $0x2000;
	s13 =	ssub.s32 s8, s22  }
0xe: {  	s15 =	sadd.s32 s23, s2;
	s25 =	sadd.s32 s10, s9;
	s7 =	sshrl.u32 s24, $0x3  }
0xf: {  	s18 =	sadd.s32 s29, s26;
	s9 =	sshrl.u32 s29, $0x3;
	s22 =	simm.s32 $0x2  }
0x10: {  	s23 =	simm.s32 $0x0;
	s10 =	sshll.u32 s25, $0x4;
	s17 =	sadd.s32 $0x27000, s7  }
0x11: {  	s8 =	sshrl.u32 s18, $0x3;
	s9 =	sadd.s32 s12, s9;
	s12 =	smax.u32 s13, $0x1  }
0x12: {  	s13 =	sadd.s32 $0x100, s30;
	s31 =	sadd.s32 $0x800, s18;
	s14 =	sshrl.u32 s15, $0x3  }
0x13: {  	s15 =	simm.s32 $0x5;
	s18 =	simm.s32 $0x80;
	s5 =	sadd.s32 s1, s10  }
0x14: {  	s7 =	sadd.s32 s1, s17;
	s8 =	sadd.s32 s4, s8;
	s10 =	sadd.s32 s11, s10  }
0x15: {  	s11 =	sadd.s32 s11, s17;
	[dreg:$0x4] =	wrdreg s31;
	s17 =	simm.s32 $0x1000  }
.LBB2_1:
0x16: {  	[spmem:s14], [sflag:s6] =	dma.local [hbm:s5], $0x2700  }
0x17: {  	_ =	swait.ge [sflag:s15], $0x2700  }
0x18: {  	[sflag:s15] =	ssyncset.done $0x0  }
0x19: {  	s24 =	simm.s32 @!p0 $0x5;
	[sflag:s15] =	ssyncadd.s32 $0xFFFFD900  }
0x1a: {  	[spmem:s16], [sflag:s6] =	dma.local @!p0 [hbm:s7], $0x100  }
0x1b: {  	_ =	swait.ge @!p0 [sflag:s24], $0x100  }
0x1c: {  	[sflag:s24] =	ssyncset.done @!p0 $0x0  }
0x1d: {  	[sflag:s24] =	ssyncadd.s32 @!p0 $0xFFFFFF00  }
0x1e: {  	[tilespmem:s3], [sflag:$0x5] =	stream.linear.gather [hbm4b:s8+s3], $0x800, $0x38;
	[tilespmem:$0x1D8C0] =	vst v63  }
0x1f: {  	_ =	swait.ge [sflag:s15], $0x800  }
0x20: {  	[sflag:s15] =	ssyncset.done $0x0  }
0x21: {  	[sflag:s15] =	ssyncadd.s32 $0xFFFFF800  }
0x22: {  	[tilespmem:s17], [sflag:$0x5] =	stream.linear.gather [hbm4b:s9+s3], $0x800, $0x38;
	[tilespmem:$0x1D8C0] =	vst v63  }
0x23: {  	_ =	swait.ge [sflag:s15], $0x800  }
0x24: {  	[sflag:s15] =	ssyncset.done $0x0  }
0x25: {  	[sflag:s15] =	ssyncadd.s32 $0xFFFFF800  }
0x26: {  	[bflag:$0x0] =	sbarrier.arrive $0xFFFF  }
0x27: {  	p1 =	por $0x0, $0x0;
	s24 =	rddreg [dreg:$0x4]  }
0x28: {  	[tilespmem:s19], [sflag:$0x1] =	stream.indirect.gather [hbm4b:s1+s18], $0x80, s3, s18, $0xb8;
	[tilespmem:$0x1D8C0] =	vst v63  }
0x29: {  	s24 =	sadd.s32 @!p1 $0x0, s24  }
0x2a: {  	s25 =	sand.u32 @!p1 $0x800, s3;
	s26 =	sshrl.u32 @!p1 s24, $0x3  }
0x2b: {  	s28 =	simm.s32 @!p1 $0x0;
	s24 =	sxor.u32 @!p1 $0x800, s25;
	s26 =	sadd.s32 @!p1 s4, s26  }
0x2c: {  	[tilespmem:s24], [sflag:$0x3] =	stream.linear.gather @!p1 [hbm4b:s26+s28], $0x800, $0x38;
	[tilespmem:$0x1D8C0] =	vst v63  }
0x2d: {  	s25 =	simm.s32 @p1 $0x0;
	s26 =	sor.u32 @!p1 $0x1000, s24  }
0x2e: {  	[tilespmem:s26], [sflag:$0x4] =	stream.linear.gather @!p1 [hbm4b:s13+s28], $0x800, $0x38;
	[tilespmem:$0x1D8C0] =	vst v63  }
0x2f: {  	s30 =	sor.u32 $0x80, s25  }
0x30: {  	[tilespmem:s20], [sflag:$0x2] =	stream.indirect.gather [hbm4b:s1+s18], $0x80, s30, s18, $0xb8;
	[tilespmem:$0x1D8C0] =	vst v63  }
0x31: {  	_ =	swait.ge [sflag:s21], $0x4000  }
0x32: {  	[sflag:s21] =	ssyncset.done $0x0  }
0x33: {  	s31 =	sor.u32 $0x1000, s25;
	[sflag:s21] =	ssyncadd.s32 $0xFFFFC000  }
0x34: {  	[spmem:s2] =	stream.indirect.scatter.add.f32 [tilespmem:s19], [sflag:$0x5], $0x80, s31, s18, $0xb8;
	[tilespmem:$0x1D8C0] =	vst v63  }
0x35: {  	_ =	swait.ge [sflag:s15], $0x4000  }
0x36: {  	[sflag:s15] =	ssyncset.done $0x0  }
0x37: {  	s28 =	sadd.s32 $0x100, s25;
	[sflag:s15] =	ssyncadd.s32 $0xFFFFC000  }
0x38: {  	[tilespmem:s19], [sflag:$0x1] =	stream.indirect.gather [hbm4b:s1+s18], $0x80, s28, s18, $0xb8;
	[tilespmem:$0x1D8C0] =	vst v63  }
0x39: {  	_ =	swait.ge [sflag:s22], $0x4000  }
0x3a: {  	[sflag:s22] =	ssyncset.done $0x0  }
0x3b: {  	s29 =	sor.u32 $0x1080, s25;
	[sflag:s22] =	ssyncadd.s32 $0xFFFFC000  }
0x3c: {  	[spmem:s2] =	stream.indirect.scatter.add.f32 [tilespmem:s20], [sflag:$0x5], $0x80, s29, s18, $0xb8;
	[tilespmem:$0x1D8C0] =	vst v63  }
0x3d: {  	_ =	swait.ge [sflag:s15], $0x4000  }
0x3e: {  	[sflag:s15] =	ssyncset.done $0x0  }
0x3f: {  	s30 =	sor.u32 $0x180, s25;
	[sflag:s15] =	ssyncadd.s32 $0xFFFFC000  }
0x40: {  	[tilespmem:s20], [sflag:$0x2] =	stream.indirect.gather [hbm4b:s1+s18], $0x80, s30, s18, $0xb8;
	[tilespmem:$0x1D8C0] =	vst v63  }
0x41: {  	_ =	swait.ge [sflag:s21], $0x4000  }
0x42: {  	[sflag:s21] =	ssyncset.done $0x0  }
0x43: {  	s31 =	sadd.s32 $0x1100, s25;
	[sflag:s21] =	ssyncadd.s32 $0xFFFFC000  }
0x44: {  	[spmem:s2] =	stream.indirect.scatter.add.f32 [tilespmem:s19], [sflag:$0x5], $0x80, s31, s18, $0xb8;
	[tilespmem:$0x1D8C0] =	vst v63  }
0x45: {  	_ =	swait.ge [sflag:s15], $0x4000  }
0x46: {  	[sflag:s15] =	ssyncset.done $0x0  }
0x47: {  	s28 =	sadd.s32 $0x200, s25;
	[sflag:s15] =	ssyncadd.s32 $0xFFFFC000  }
0x48: {  	[tilespmem:s19], [sflag:$0x1] =	stream.indirect.gather [hbm4b:s1+s18], $0x80, s28, s18, $0xb8;
	[tilespmem:$0x1D8C0] =	vst v63  }
0x49: {  	_ =	swait.ge [sflag:s22], $0x4000  }
0x4a: {  	[sflag:s22] =	ssyncset.done $0x0  }
0x4b: {  	s29 =	sor.u32 $0x1180, s25;
	[sflag:s22] =	ssyncadd.s32 $0xFFFFC000  }
0x4c: {  	[spmem:s2] =	stream.indirect.scatter.add.f32 [tilespmem:s20], [sflag:$0x5], $0x80, s29, s18, $0xb8;
	[tilespmem:$0x1D8C0] =	vst v63  }
0x4d: {  	_ =	swait.ge [sflag:s15], $0x4000  }
0x4e: {  	[sflag:s15] =	ssyncset.done $0x0  }
0x4f: {  	s30 =	sor.u32 $0x280, s25;
	[sflag:s15] =	ssyncadd.s32 $0xFFFFC000  }
0x50: {  	[tilespmem:s20], [sflag:$0x2] =	stream.indirect.gather [hbm4b:s1+s18], $0x80, s30, s18, $0xb8;
	[tilespmem:$0x1D8C0] =	vst v63  }
0x51: {  	_ =	swait.ge [sflag:s21], $0x4000  }
0x52: {  	[sflag:s21] =	ssyncset.done $0x0  }
0x53: {  	s31 =	sadd.s32 $0x1200, s25;
	[sflag:s21] =	ssyncadd.s32 $0xFFFFC000  }
0x54: {  	[spmem:s2] =	stream.indirect.scatter.add.f32 [tilespmem:s19], [sflag:$0x5], $0x80, s31, s18, $0xb8;
	[tilespmem:$0x1D8C0] =	vst v63  }
0x55: {  	_ =	swait.ge [sflag:s15], $0x4000  }
0x56: {  	[sflag:s15] =	ssyncset.done $0x0  }
0x57: {  	s28 =	sadd.s32 $0x300, s25;
	[sflag:s15] =	ssyncadd.s32 $0xFFFFC000  }
0x58: {  	[tilespmem:s19], [sflag:$0x1] =	stream.indirect.gather [hbm4b:s1+s18], $0x80, s28, s18, $0xb8;
	[tilespmem:$0x1D8C0] =	vst v63  }
0x59: {  	_ =	swait.ge [sflag:s22], $0x4000  }
0x5a: {  	[sflag:s22] =	ssyncset.done $0x0  }
0x5b: {  	s29 =	sor.u32 $0x1280, s25;
	[sflag:s22] =	ssyncadd.s32 $0xFFFFC000  }
0x5c: {  	[spmem:s2] =	stream.indirect.scatter.add.f32 [tilespmem:s20], [sflag:$0x5], $0x80, s29, s18, $0xb8;
	[tilespmem:$0x1D8C0] =	vst v63  }
0x5d: {  	_ =	swait.ge [sflag:s15], $0x4000  }
0x5e: {  	[sflag:s15] =	ssyncset.done $0x0  }
0x5f: {  	s30 =	sor.u32 $0x380, s25;
	[sflag:s15] =	ssyncadd.s32 $0xFFFFC000  }
0x60: {  	[tilespmem:s20], [sflag:$0x2] =	stream.indirect.gather [hbm4b:s1+s18], $0x80, s30, s18, $0xb8;
	[tilespmem:$0x1D8C0] =	vst v63  }
0x61: {  	_ =	swait.ge [sflag:s21], $0x4000  }
0x62: {  	[sflag:s21] =	ssyncset.done $0x0  }
0x63: {  	s31 =	sadd.s32 $0x1300, s25;
	[sflag:s21] =	ssyncadd.s32 $0xFFFFC000  }
0x64: {  	[spmem:s2] =	stream.indirect.scatter.add.f32 [tilespmem:s19], [sflag:$0x5], $0x80, s31, s18, $0xb8;
	[tilespmem:$0x1D8C0] =	vst v63  }
0x65: {  	_ =	swait.ge [sflag:s15], $0x4000  }
0x66: {  	[sflag:s15] =	ssyncset.done $0x0  }
0x67: {  	s28 =	sadd.s32 $0x400, s25;
	[sflag:s15] =	ssyncadd.s32 $0xFFFFC000  }
0x68: {  	[tilespmem:s19], [sflag:$0x1] =	stream.indirect.gather [hbm4b:s1+s18], $0x80, s28, s18, $0xb8;
	[tilespmem:$0x1D8C0] =	vst v63  }
0x69: {  	_ =	swait.ge [sflag:s22], $0x4000  }
0x6a: {  	[sflag:s22] =	ssyncset.done $0x0  }
0x6b: {  	s29 =	sor.u32 $0x1380, s25;
	[sflag:s22] =	ssyncadd.s32 $0xFFFFC000  }
0x6c: {  	[spmem:s2] =	stream.indirect.scatter.add.f32 [tilespmem:s20], [sflag:$0x5], $0x80, s29, s18, $0xb8;
	[tilespmem:$0x1D8C0] =	vst v63  }
0x6d: {  	_ =	swait.ge [sflag:s15], $0x4000  }
0x6e: {  	[sflag:s15] =	ssyncset.done $0x0  }
0x6f: {  	s30 =	sor.u32 $0x480, s25;
	[sflag:s15] =	ssyncadd.s32 $0xFFFFC000  }
0x70: {  	[tilespmem:s20], [sflag:$0x2] =	stream.indirect.gather [hbm4b:s1+s18], $0x80, s30, s18, $0xb8;
	[tilespmem:$0x1D8C0] =	vst v63  }
0x71: {  	_ =	swait.ge [sflag:s21], $0x4000  }
0x72: {  	[sflag:s21] =	ssyncset.done $0x0  }
0x73: {  	s31 =	sadd.s32 $0x1400, s25;
	[sflag:s21] =	ssyncadd.s32 $0xFFFFC000  }
0x74: {  	[spmem:s2] =	stream.indirect.scatter.add.f32 [tilespmem:s19], [sflag:$0x5], $0x80, s31, s18, $0xb8;
	[tilespmem:$0x1D8C0] =	vst v63  }
0x75: {  	_ =	swait.ge [sflag:s15], $0x4000  }
0x76: {  	[sflag:s15] =	ssyncset.done $0x0  }
0x77: {  	s28 =	sadd.s32 $0x500, s25;
	[sflag:s15] =	ssyncadd.s32 $0xFFFFC000  }
0x78: {  	[tilespmem:s19], [sflag:$0x1] =	stream.indirect.gather [hbm4b:s1+s18], $0x80, s28, s18, $0xb8;
	[tilespmem:$0x1D8C0] =	vst v63  }
0x79: {  	_ =	swait.ge [sflag:s22], $0x4000  }
0x7a: {  	[sflag:s22] =	ssyncset.done $0x0  }
0x7b: {  	s29 =	sor.u32 $0x1480, s25;
	[sflag:s22] =	ssyncadd.s32 $0xFFFFC000  }
0x7c: {  	[spmem:s2] =	stream.indirect.scatter.add.f32 [tilespmem:s20], [sflag:$0x5], $0x80, s29, s18, $0xb8;
	[tilespmem:$0x1D8C0] =	vst v63  }
0x7d: {  	_ =	swait.ge [sflag:s15], $0x4000  }
0x7e: {  	[sflag:s15] =	ssyncset.done $0x0  }
0x7f: {  	s30 =	sor.u32 $0x580, s25;
	[sflag:s15] =	ssyncadd.s32 $0xFFFFC000  }
0x80: {  	[tilespmem:s20], [sflag:$0x2] =	stream.indirect.gather [hbm4b:s1+s18], $0x80, s30, s18, $0xb8;
	[tilespmem:$0x1D8C0] =	vst v63  }
0x81: {  	_ =	swait.ge [sflag:s21], $0x4000  }
0x82: {  	[sflag:s21] =	ssyncset.done $0x0  }
0x83: {  	s31 =	sadd.s32 $0x1500, s25;
	[sflag:s21] =	ssyncadd.s32 $0xFFFFC000  }
0x84: {  	[spmem:s2] =	stream.indirect.scatter.add.f32 [tilespmem:s19], [sflag:$0x5], $0x80, s31, s18, $0xb8;
	[tilespmem:$0x1D8C0] =	vst v63  }
0x85: {  	_ =	swait.ge [sflag:s15], $0x4000  }
0x86: {  	[sflag:s15] =	ssyncset.done $0x0  }
0x87: {  	s28 =	sadd.s32 $0x600, s25;
	[sflag:s15] =	ssyncadd.s32 $0xFFFFC000  }
0x88: {  	[tilespmem:s19], [sflag:$0x1] =	stream.indirect.gather [hbm4b:s1+s18], $0x80, s28, s18, $0xb8;
	[tilespmem:$0x1D8C0] =	vst v63  }
0x89: {  	_ =	swait.ge [sflag:s22], $0x4000  }
0x8a: {  	[sflag:s22] =	ssyncset.done $0x0  }
0x8b: {  	s29 =	sor.u32 $0x1580, s25;
	[sflag:s22] =	ssyncadd.s32 $0xFFFFC000  }
0x8c: {  	[spmem:s2] =	stream.indirect.scatter.add.f32 [tilespmem:s20], [sflag:$0x5], $0x80, s29, s18, $0xb8;
	[tilespmem:$0x1D8C0] =	vst v63  }
0x8d: {  	_ =	swait.ge [sflag:s15], $0x4000  }
0x8e: {  	[sflag:s15] =	ssyncset.done $0x0  }
0x8f: {  	s30 =	sor.u32 $0x680, s25;
	[sflag:s15] =	ssyncadd.s32 $0xFFFFC000  }
0x90: {  	[tilespmem:s20], [sflag:$0x2] =	stream.indirect.gather [hbm4b:s1+s18], $0x80, s30, s18, $0xb8;
	[tilespmem:$0x1D8C0] =	vst v63  }
0x91: {  	_ =	swait.ge [sflag:s21], $0x4000  }
0x92: {  	[sflag:s21] =	ssyncset.done $0x0  }
0x93: {  	s31 =	sadd.s32 $0x1600, s25;
	[sflag:s21] =	ssyncadd.s32 $0xFFFFC000  }
0x94: {  	[spmem:s2] =	stream.indirect.scatter.add.f32 [tilespmem:s19], [sflag:$0x5], $0x80, s31, s18, $0xb8;
	[tilespmem:$0x1D8C0] =	vst v63  }
0x95: {  	_ =	swait.ge [sflag:s15], $0x4000  }
0x96: {  	[sflag:s15] =	ssyncset.done $0x0  }
0x97: {  	s28 =	sadd.s32 $0x700, s25;
	[sflag:s15] =	ssyncadd.s32 $0xFFFFC000  }
0x98: {  	[tilespmem:s19], [sflag:$0x1] =	stream.indirect.gather [hbm4b:s1+s18], $0x80, s28, s18, $0xb8;
	[tilespmem:$0x1D8C0] =	vst v63  }
0x99: {  	_ =	swait.ge [sflag:s22], $0x4000  }
0x9a: {  	[sflag:s22] =	ssyncset.done $0x0  }
0x9b: {  	s29 =	sor.u32 $0x1680, s25;
	[sflag:s22] =	ssyncadd.s32 $0xFFFFC000  }
0x9c: {  	[spmem:s2] =	stream.indirect.scatter.add.f32 [tilespmem:s20], [sflag:$0x5], $0x80, s29, s18, $0xb8;
	[tilespmem:$0x1D8C0] =	vst v63  }
0x9d: {  	_ =	swait.ge [sflag:s15], $0x4000  }
0x9e: {  	[sflag:s15] =	ssyncset.done $0x0  }
0x9f: {  	s30 =	sor.u32 $0x780, s25;
	[sflag:s15] =	ssyncadd.s32 $0xFFFFC000  }
0xa0: {  	[tilespmem:s20], [sflag:$0x2] =	stream.indirect.gather [hbm4b:s1+s18], $0x80, s30, s18, $0xb8;
	[tilespmem:$0x1D8C0] =	vst v63  }
0xa1: {  	_ =	swait.ge [sflag:s21], $0x4000  }
0xa2: {  	[sflag:s21] =	ssyncset.done $0x0  }
0xa3: {  	s25 =	sadd.s32 $0x1700, s25;
	[sflag:s21] =	ssyncadd.s32 $0xFFFFC000  }
0xa4: {  	[spmem:s2] =	stream.indirect.scatter.add.f32 [tilespmem:s19], [sflag:$0x5], $0x80, s25, s18, $0xb8;
	[tilespmem:$0x1D8C0] =	vst v63  }
0xa5: {  	_ =	swait.ge [sflag:s15], $0x4000  }
0xa6: {  	[sflag:s15] =	ssyncset.done $0x0  }
0xa7: {  	s25 =	simm.s32 @!p1 $0x3;
	[sflag:s15] =	ssyncadd.s32 $0xFFFFC000  }
0xa8: {  	_ =	swait.ge @!p1 [sflag:s25], $0x800  }
0xa9: {  	[sflag:s25] =	ssyncset.done @!p1 $0x0  }
0xaa: {  	[sflag:s25] =	ssyncadd.s32 @!p1 $0xFFFFF800;
	s25 =	simm.s32 @!p1 $0x4  }
0xab: {  	_ =	swait.ge @!p1 [sflag:s25], $0x800  }
0xac: {  	s24 =	simm.s32 @p1 $0x800;
	[sflag:s25] =	ssyncset.done @!p1 $0x0  }
0xad: {  	s28 =	simm.s32 @!p1 $0x2000;
	[sflag:s25] =	ssyncadd.s32 @!p1 $0xFFFFF800;
	s25 =	simm.s32 @!p1 $0x80  }
0xae: {  	[tilespmem:s28], [sflag:$0x1] =	stream.indirect.gather @!p1 [hbm4b:s1+s25], $0x80, s24, s25, $0xb8;
	[tilespmem:$0x1D8C0] =	vst v63  }
0xaf: {  	_ =	swait.ge [sflag:s22], $0x4000  }
0xb0: {  	[sflag:s22] =	ssyncset.done $0x0  }
0xb1: {  	s31 =	sor.u32 $0x1000, s30;
	[sflag:s22] =	ssyncadd.s32 $0xFFFFC000  }
0xb2: {  	[spmem:s2] =	stream.indirect.scatter.add.f32 [tilespmem:s20], [sflag:$0x5], $0x80, s31, s18, $0xb8;
	[tilespmem:$0x1D8C0] =	vst v63  }
0xb3: {  	s24 =	simm.s32 $0x800;
	s25 =	smov.u32 s13;
	_ =	swait.ge [sflag:s15], $0x4000  }
.LBB2_2:
0xb4: {  	s28 =	smov.u32 s24  }
0xb5: {  	s26 =	rddreg [dreg:$0x4];
	p2 =	seq.s32 s28, $0x2000  }
0xb6: {  	[sflag:s15] =	ssyncset.done $0x0;
	s29 =	sadd.s32 @!p2 s28, s26  }
0xb7: {  	[sflag:s15] =	ssyncadd.s32 $0xFFFFC000;
	s28 =	sand.u32 @!p2 $0x800, s28;
	s29 =	sshrl.u32 @!p2 s29, $0x3  }
0xb8: {  	s30 =	simm.s32 @!p2 $0x0;
	s26 =	sxor.u32 @!p2 $0x800, s28;
	s29 =	sadd.s32 @!p2 s4, s29  }
0xb9: {  	[tilespmem:s26], [sflag:$0x3] =	stream.linear.gather @!p2 [hbm4b:s29+s30], $0x800, $0x38;
	[tilespmem:$0x1D8C0] =	vst v63  }
0xba: {  	s25 =	sadd.s32 $0x100, s25;
	s28 =	simm.s32 @p2 $0x0;
	s29 =	sor.u32 @!p2 $0x1000, s26  }
0xbb: {  	[tilespmem:s29], [sflag:$0x4] =	stream.linear.gather @!p2 [hbm4b:s25+s30], $0x800, $0x38;
	[tilespmem:$0x1D8C0] =	vst v63  }
0xbc: {  	s31 =	sor.u32 $0x80, s28  }
0xbd: {  	[tilespmem:s20], [sflag:$0x2] =	stream.indirect.gather [hbm4b:s1+s18], $0x80, s31, s18, $0xb8;
	[tilespmem:$0x1D8C0] =	vst v63  }
0xbe: {  	_ =	swait.ge [sflag:s21], $0x4000  }
0xbf: {  	[sflag:s21] =	ssyncset.done $0x0  }
0xc0: {  	s30 =	sor.u32 $0x1000, s28;
	[sflag:s21] =	ssyncadd.s32 $0xFFFFC000  }
0xc1: {  	[spmem:s2] =	stream.indirect.scatter.add.f32 [tilespmem:s19], [sflag:$0x5], $0x80, s30, s18, $0xb8;
	[tilespmem:$0x1D8C0] =	vst v63  }
0xc2: {  	_ =	swait.ge [sflag:s15], $0x4000  }
0xc3: {  	[sflag:s15] =	ssyncset.done $0x0  }
0xc4: {  	s31 =	sadd.s32 $0x100, s28;
	[sflag:s15] =	ssyncadd.s32 $0xFFFFC000  }
0xc5: {  	[tilespmem:s19], [sflag:$0x1] =	stream.indirect.gather [hbm4b:s1+s18], $0x80, s31, s18, $0xb8;
	[tilespmem:$0x1D8C0] =	vst v63  }
0xc6: {  	_ =	swait.ge [sflag:s22], $0x4000  }
0xc7: {  	[sflag:s22] =	ssyncset.done $0x0  }
0xc8: {  	s30 =	sor.u32 $0x1080, s28;
	[sflag:s22] =	ssyncadd.s32 $0xFFFFC000  }
0xc9: {  	[spmem:s2] =	stream.indirect.scatter.add.f32 [tilespmem:s20], [sflag:$0x5], $0x80, s30, s18, $0xb8;
	[tilespmem:$0x1D8C0] =	vst v63  }
0xca: {  	_ =	swait.ge [sflag:s15], $0x4000  }
0xcb: {  	[sflag:s15] =	ssyncset.done $0x0  }
0xcc: {  	s31 =	sor.u32 $0x180, s28;
	[sflag:s15] =	ssyncadd.s32 $0xFFFFC000  }
0xcd: {  	[tilespmem:s20], [sflag:$0x2] =	stream.indirect.gather [hbm4b:s1+s18], $0x80, s31, s18, $0xb8;
	[tilespmem:$0x1D8C0] =	vst v63  }
0xce: {  	_ =	swait.ge [sflag:s21], $0x4000  }
0xcf: {  	[sflag:s21] =	ssyncset.done $0x0  }
0xd0: {  	s30 =	sadd.s32 $0x1100, s28;
	[sflag:s21] =	ssyncadd.s32 $0xFFFFC000  }
0xd1: {  	[spmem:s2] =	stream.indirect.scatter.add.f32 [tilespmem:s19], [sflag:$0x5], $0x80, s30, s18, $0xb8;
	[tilespmem:$0x1D8C0] =	vst v63  }
0xd2: {  	_ =	swait.ge [sflag:s15], $0x4000  }
0xd3: {  	[sflag:s15] =	ssyncset.done $0x0  }
0xd4: {  	s31 =	sadd.s32 $0x200, s28;
	[sflag:s15] =	ssyncadd.s32 $0xFFFFC000  }
0xd5: {  	[tilespmem:s19], [sflag:$0x1] =	stream.indirect.gather [hbm4b:s1+s18], $0x80, s31, s18, $0xb8;
	[tilespmem:$0x1D8C0] =	vst v63  }
0xd6: {  	_ =	swait.ge [sflag:s22], $0x4000  }
0xd7: {  	[sflag:s22] =	ssyncset.done $0x0  }
0xd8: {  	s30 =	sor.u32 $0x1180, s28;
	[sflag:s22] =	ssyncadd.s32 $0xFFFFC000  }
0xd9: {  	[spmem:s2] =	stream.indirect.scatter.add.f32 [tilespmem:s20], [sflag:$0x5], $0x80, s30, s18, $0xb8;
	[tilespmem:$0x1D8C0] =	vst v63  }
0xda: {  	_ =	swait.ge [sflag:s15], $0x4000  }
0xdb: {  	[sflag:s15] =	ssyncset.done $0x0  }
0xdc: {  	s31 =	sor.u32 $0x280, s28;
	[sflag:s15] =	ssyncadd.s32 $0xFFFFC000  }
0xdd: {  	[tilespmem:s20], [sflag:$0x2] =	stream.indirect.gather [hbm4b:s1+s18], $0x80, s31, s18, $0xb8;
	[tilespmem:$0x1D8C0] =	vst v63  }
0xde: {  	_ =	swait.ge [sflag:s21], $0x4000  }
0xdf: {  	[sflag:s21] =	ssyncset.done $0x0  }
0xe0: {  	s30 =	sadd.s32 $0x1200, s28;
	[sflag:s21] =	ssyncadd.s32 $0xFFFFC000  }
0xe1: {  	[spmem:s2] =	stream.indirect.scatter.add.f32 [tilespmem:s19], [sflag:$0x5], $0x80, s30, s18, $0xb8;
	[tilespmem:$0x1D8C0] =	vst v63  }
0xe2: {  	_ =	swait.ge [sflag:s15], $0x4000  }
0xe3: {  	[sflag:s15] =	ssyncset.done $0x0  }
0xe4: {  	s31 =	sadd.s32 $0x300, s28;
	[sflag:s15] =	ssyncadd.s32 $0xFFFFC000  }
0xe5: {  	[tilespmem:s19], [sflag:$0x1] =	stream.indirect.gather [hbm4b:s1+s18], $0x80, s31, s18, $0xb8;
	[tilespmem:$0x1D8C0] =	vst v63  }
0xe6: {  	_ =	swait.ge [sflag:s22], $0x4000  }
0xe7: {  	[sflag:s22] =	ssyncset.done $0x0  }
0xe8: {  	s30 =	sor.u32 $0x1280, s28;
	[sflag:s22] =	ssyncadd.s32 $0xFFFFC000  }
0xe9: {  	[spmem:s2] =	stream.indirect.scatter.add.f32 [tilespmem:s20], [sflag:$0x5], $0x80, s30, s18, $0xb8;
	[tilespmem:$0x1D8C0] =	vst v63  }
0xea: {  	_ =	swait.ge [sflag:s15], $0x4000  }
0xeb: {  	[sflag:s15] =	ssyncset.done $0x0  }
0xec: {  	s31 =	sor.u32 $0x380, s28;
	[sflag:s15] =	ssyncadd.s32 $0xFFFFC000  }
0xed: {  	[tilespmem:s20], [sflag:$0x2] =	stream.indirect.gather [hbm4b:s1+s18], $0x80, s31, s18, $0xb8;
	[tilespmem:$0x1D8C0] =	vst v63  }
0xee: {  	_ =	swait.ge [sflag:s21], $0x4000  }
0xef: {  	[sflag:s21] =	ssyncset.done $0x0  }
0xf0: {  	s30 =	sadd.s32 $0x1300, s28;
	[sflag:s21] =	ssyncadd.s32 $0xFFFFC000  }
0xf1: {  	[spmem:s2] =	stream.indirect.scatter.add.f32 [tilespmem:s19], [sflag:$0x5], $0x80, s30, s18, $0xb8;
	[tilespmem:$0x1D8C0] =	vst v63  }
0xf2: {  	_ =	swait.ge [sflag:s15], $0x4000  }
0xf3: {  	[sflag:s15] =	ssyncset.done $0x0  }
0xf4: {  	s31 =	sadd.s32 $0x400, s28;
	[sflag:s15] =	ssyncadd.s32 $0xFFFFC000  }
0xf5: {  	[tilespmem:s19], [sflag:$0x1] =	stream.indirect.gather [hbm4b:s1+s18], $0x80, s31, s18, $0xb8;
	[tilespmem:$0x1D8C0] =	vst v63  }
0xf6: {  	_ =	swait.ge [sflag:s22], $0x4000  }
0xf7: {  	[sflag:s22] =	ssyncset.done $0x0  }
0xf8: {  	s30 =	sor.u32 $0x1380, s28;
	[sflag:s22] =	ssyncadd.s32 $0xFFFFC000  }
0xf9: {  	[spmem:s2] =	stream.indirect.scatter.add.f32 [tilespmem:s20], [sflag:$0x5], $0x80, s30, s18, $0xb8;
	[tilespmem:$0x1D8C0] =	vst v63  }
0xfa: {  	_ =	swait.ge [sflag:s15], $0x4000  }
0xfb: {  	[sflag:s15] =	ssyncset.done $0x0  }
0xfc: {  	s31 =	sor.u32 $0x480, s28;
	[sflag:s15] =	ssyncadd.s32 $0xFFFFC000  }
0xfd: {  	[tilespmem:s20], [sflag:$0x2] =	stream.indirect.gather [hbm4b:s1+s18], $0x80, s31, s18, $0xb8;
	[tilespmem:$0x1D8C0] =	vst v63  }
0xfe: {  	_ =	swait.ge [sflag:s21], $0x4000  }
0xff: {  	[sflag:s21] =	ssyncset.done $0x0  }
0x100: {  	s30 =	sadd.s32 $0x1400, s28;
	[sflag:s21] =	ssyncadd.s32 $0xFFFFC000  }
0x101: {  	[spmem:s2] =	stream.indirect.scatter.add.f32 [tilespmem:s19], [sflag:$0x5], $0x80, s30, s18, $0xb8;
	[tilespmem:$0x1D8C0] =	vst v63  }
0x102: {  	_ =	swait.ge [sflag:s15], $0x4000  }
0x103: {  	[sflag:s15] =	ssyncset.done $0x0  }
0x104: {  	s31 =	sadd.s32 $0x500, s28;
	[sflag:s15] =	ssyncadd.s32 $0xFFFFC000  }
0x105: {  	[tilespmem:s19], [sflag:$0x1] =	stream.indirect.gather [hbm4b:s1+s18], $0x80, s31, s18, $0xb8;
	[tilespmem:$0x1D8C0] =	vst v63  }
0x106: {  	_ =	swait.ge [sflag:s22], $0x4000  }
0x107: {  	[sflag:s22] =	ssyncset.done $0x0  }
0x108: {  	s30 =	sor.u32 $0x1480, s28;
	[sflag:s22] =	ssyncadd.s32 $0xFFFFC000  }
0x109: {  	[spmem:s2] =	stream.indirect.scatter.add.f32 [tilespmem:s20], [sflag:$0x5], $0x80, s30, s18, $0xb8;
	[tilespmem:$0x1D8C0] =	vst v63  }
0x10a: {  	_ =	swait.ge [sflag:s15], $0x4000  }
0x10b: {  	[sflag:s15] =	ssyncset.done $0x0  }
0x10c: {  	s31 =	sor.u32 $0x580, s28;
	[sflag:s15] =	ssyncadd.s32 $0xFFFFC000  }
0x10d: {  	[tilespmem:s20], [sflag:$0x2] =	stream.indirect.gather [hbm4b:s1+s18], $0x80, s31, s18, $0xb8;
	[tilespmem:$0x1D8C0] =	vst v63  }
0x10e: {  	_ =	swait.ge [sflag:s21], $0x4000  }
0x10f: {  	[sflag:s21] =	ssyncset.done $0x0  }
0x110: {  	s30 =	sadd.s32 $0x1500, s28;
	[sflag:s21] =	ssyncadd.s32 $0xFFFFC000  }
0x111: {  	[spmem:s2] =	stream.indirect.scatter.add.f32 [tilespmem:s19], [sflag:$0x5], $0x80, s30, s18, $0xb8;
	[tilespmem:$0x1D8C0] =	vst v63  }
0x112: {  	_ =	swait.ge [sflag:s15], $0x4000  }
0x113: {  	[sflag:s15] =	ssyncset.done $0x0  }
0x114: {  	s31 =	sadd.s32 $0x600, s28;
	[sflag:s15] =	ssyncadd.s32 $0xFFFFC000  }
0x115: {  	[tilespmem:s19], [sflag:$0x1] =	stream.indirect.gather [hbm4b:s1+s18], $0x80, s31, s18, $0xb8;
	[tilespmem:$0x1D8C0] =	vst v63  }
0x116: {  	_ =	swait.ge [sflag:s22], $0x4000  }
0x117: {  	[sflag:s22] =	ssyncset.done $0x0  }
0x118: {  	s30 =	sor.u32 $0x1580, s28;
	[sflag:s22] =	ssyncadd.s32 $0xFFFFC000  }
0x119: {  	[spmem:s2] =	stream.indirect.scatter.add.f32 [tilespmem:s20], [sflag:$0x5], $0x80, s30, s18, $0xb8;
	[tilespmem:$0x1D8C0] =	vst v63  }
0x11a: {  	_ =	swait.ge [sflag:s15], $0x4000  }
0x11b: {  	[sflag:s15] =	ssyncset.done $0x0  }
0x11c: {  	s31 =	sor.u32 $0x680, s28;
	[sflag:s15] =	ssyncadd.s32 $0xFFFFC000  }
0x11d: {  	[tilespmem:s20], [sflag:$0x2] =	stream.indirect.gather [hbm4b:s1+s18], $0x80, s31, s18, $0xb8;
	[tilespmem:$0x1D8C0] =	vst v63  }
0x11e: {  	_ =	swait.ge [sflag:s21], $0x4000  }
0x11f: {  	[sflag:s21] =	ssyncset.done $0x0  }
0x120: {  	s30 =	sadd.s32 $0x1600, s28;
	[sflag:s21] =	ssyncadd.s32 $0xFFFFC000  }
0x121: {  	[spmem:s2] =	stream.indirect.scatter.add.f32 [tilespmem:s19], [sflag:$0x5], $0x80, s30, s18, $0xb8;
	[tilespmem:$0x1D8C0] =	vst v63  }
0x122: {  	_ =	swait.ge [sflag:s15], $0x4000  }
0x123: {  	[sflag:s15] =	ssyncset.done $0x0  }
0x124: {  	s31 =	sadd.s32 $0x700, s28;
	[sflag:s15] =	ssyncadd.s32 $0xFFFFC000  }
0x125: {  	[tilespmem:s19], [sflag:$0x1] =	stream.indirect.gather [hbm4b:s1+s18], $0x80, s31, s18, $0xb8;
	[tilespmem:$0x1D8C0] =	vst v63  }
0x126: {  	_ =	swait.ge [sflag:s22], $0x4000  }
0x127: {  	[sflag:s22] =	ssyncset.done $0x0  }
0x128: {  	s30 =	sor.u32 $0x1680, s28;
	[sflag:s22] =	ssyncadd.s32 $0xFFFFC000  }
0x129: {  	[spmem:s2] =	stream.indirect.scatter.add.f32 [tilespmem:s20], [sflag:$0x5], $0x80, s30, s18, $0xb8;
	[tilespmem:$0x1D8C0] =	vst v63  }
0x12a: {  	_ =	swait.ge [sflag:s15], $0x4000  }
0x12b: {  	[sflag:s15] =	ssyncset.done $0x0  }
0x12c: {  	s31 =	sor.u32 $0x780, s28;
	[sflag:s15] =	ssyncadd.s32 $0xFFFFC000  }
0x12d: {  	[tilespmem:s20], [sflag:$0x2] =	stream.indirect.gather [hbm4b:s1+s18], $0x80, s31, s18, $0xb8;
	[tilespmem:$0x1D8C0] =	vst v63  }
0x12e: {  	_ =	swait.ge [sflag:s21], $0x4000  }
0x12f: {  	[sflag:s21] =	ssyncset.done $0x0  }
0x130: {  	s28 =	sadd.s32 $0x1700, s28;
	[sflag:s21] =	ssyncadd.s32 $0xFFFFC000  }
0x131: {  	[spmem:s2] =	stream.indirect.scatter.add.f32 [tilespmem:s19], [sflag:$0x5], $0x80, s28, s18, $0xb8;
	[tilespmem:$0x1D8C0] =	vst v63  }
0x132: {  	_ =	swait.ge [sflag:s15], $0x4000  }
0x133: {  	[sflag:s15] =	ssyncset.done $0x0  }
0x134: {  	s28 =	simm.s32 @!p2 $0x3;
	[sflag:s15] =	ssyncadd.s32 $0xFFFFC000  }
0x135: {  	_ =	swait.ge @!p2 [sflag:s28], $0x800  }
0x136: {  	[sflag:s28] =	ssyncset.done @!p2 $0x0  }
0x137: {  	[sflag:s28] =	ssyncadd.s32 @!p2 $0xFFFFF800;
	s28 =	simm.s32 @!p2 $0x4  }
0x138: {  	s24 =	sadd.s32 $0x800, s24;
	_ =	swait.ge @!p2 [sflag:s28], $0x800  }
0x139: {  	p1 =	sne.s32 s24, $0x2800;
	s26 =	simm.s32 @p2 $0x800;
	[sflag:s28] =	ssyncset.done @!p2 $0x0  }
0x13a: {  	s30 =	simm.s32 @!p2 $0x2000;
	[sflag:s28] =	ssyncadd.s32 @!p2 $0xFFFFF800;
	s28 =	simm.s32 @!p2 $0x80  }
0x13b: {  	[tilespmem:s30], [sflag:$0x1] =	stream.indirect.gather @!p2 [hbm4b:s1+s28], $0x80, s26, s28, $0xb8;
	[tilespmem:$0x1D8C0] =	vst v63  }
.Ltmp0:
0x13c: {  	_ =	swait.ge [sflag:s22], $0x4000;
	(pc) =	sbr.rel @p1 .LBB2_2-.Ltmp0, $4  }
0x13d: {  	[sflag:s22] =	ssyncset.done $0x0  }
0x13e: {  	s31 =	sor.u32 $0x1000, s31;
	[sflag:s22] =	ssyncadd.s32 $0xFFFFC000  }
0x13f: {  	[spmem:s2] =	stream.indirect.scatter.add.f32 [tilespmem:s20], [sflag:$0x5], $0x80, s31, s18, $0xb8;
	[tilespmem:$0x1D8C0] =	vst v63  }
0x140: {  	_ =	swait.ge [sflag:s15], $0x4000  }
0x141: {  	[sflag:s15] =	ssyncset.done $0x0  }
0x142: {  	[sflag:s15] =	ssyncadd.s32 $0xFFFFC000  }
0x143: {  	[bflag:$0x0] =	sbarrier.arrive $0xFFFF  }
0x144: {  	[hbm:s10], [sflag:s6] =	dma.local [spmem:s14], $0x2700  }
0x145: {  	s23 =	sadd.s32 $0x1, s23;
	_ =	swait.ge [sflag:s15], $0x2700  }
0x146: {  	p1 =	sne.s32 s23, s12;
	[sflag:s15] =	ssyncset.done $0x0  }
.Ltmp1:
0x147: {  	s24 =	simm.s32 @!p0 $0x5;
	[sflag:s15] =	ssyncadd.s32 $0xFFFFD900;
	(pc) =	sbr.rel @p1 .LBB2_1-.Ltmp1, $4  }
0x148: {  	[hbm:s11], [sflag:s6] =	dma.local @!p0 [spmem:s16], $0x100  }
0x149: {  	_ =	swait.ge @!p0 [sflag:s24], $0x100  }
0x14a: {  	[sflag:s24] =	ssyncset.done @!p0 $0x0  }
0x14b: {  	[sflag:s24] =	ssyncadd.s32 @!p0 $0xFFFFFF00  }
0x14c: {  	_ =	sfence.sel $0x180000  }
0x14d: {  	[bflag:$0x0] =	sbarrier.arrive $0xFFFF  }
0x14e: {  	_ =	strace $0x9000004A  }
0x14f: {  	s0 =	sadd.s32 @!p0 $0x100000, s0;
	[bflag:$0x2] =	sbarrier.arrive $0xFFFF  }
0x150: {  	[sflag:s0] =	ssyncadd.tile.s32 @!p0 $0x1;
	_ =	shalt  }
.Lfunc_end2:
_tile_overlayer_lowered:
.L_overlay_start_2:
0x151: {  	(tag) =	ssettag $0x2  }
0x152: {  	s0 =	rddreg [dreg:$0x0];
	s2 =	stileid.u32  }
0x153: {  	s1 =	rddreg [dreg:$0x1];
	p0 =	sne.s32 s2, $0x0  }
0x154: {  	s3 =	rddreg [dreg:$0x2];
	[bflag:$0x3] =	sbarrier.arrive $0xFFFF;
	s2 =	simm.s32 @!p0 $0x1C05  }
0x155: {  	[timem:s3], [sflag:s2] =	dma.local @!p0 [hbm:s0], s1  }
0x156: {  	s0 =	simm.s32 @!p0 $0x5  }
0x157: {  	_ =	swait.ge @!p0 [sflag:s0], s1  }
0x158: {  	s1 =	ssub.s32 @!p0 $0x0, s1;
	[sflag:s0] =	ssyncset.done @!p0 $0x0  }
0x159: {  	[sflag:s0] =	ssyncadd.s32 @!p0 s1  }
0x15a: {  	[bflag:$0x3] =	sbarrier.arrive $0xFFFF  }
0x15b: {  	_ =	shalt  }

// kernel: kernel.21.cloned.1.call-start
scs
__scs_entry_jumppad:
0x0: {  	(pc) =	sbr.rel $0x88, $3  }
0x1: {  	(tag) =	ssettag $0x0;
	lr =	simm.s32 $0x1  }
0x2: {  	[smem:$0x3F91] =	sst lr;
	_ =	strace $0xD0000000  }
0x3: {  	_ = 	snop  }
0x4: {  	_ = 	snop  }
0x5: {  	_ = 	snop  }
0x6: {  	_ = 	snop  }
0x7: {  	_ = 	snop  }
__scs_overlays_trampoline_lowered:
0x8: {  	[smem:$0x3FA0] =	sst s0  }
0x9: {  	[smem:$0x3FA1] =	sst s1  }
0xa: {  	[smem:$0x3FA2] =	sst s2  }
0xb: {  	[smem:$0x3FA3] =	sst s3  }
0xc: {  	[smem:$0x3FA4] =	sst s4  }
0xd: {  	[smem:$0x3FA5] =	sst s5  }
0xe: {  	[smem:$0x3FA6] =	sst s6  }
0xf: {  	[smem:$0x3FA7] =	sst s7  }
0x10: {  	[smem:$0x3FA8] =	sst s8  }
0x11: {  	[smem:$0x3FA9] =	sst s9;
	s0 =	simm.s32 @!p0 $0x0  }
0x12: {  	s1 =	sld [smem:$0x3F8F];
	s0 =	simm.s32 @p0 $0x1  }
0x13: {  	[smem:$0x3FAA] =	sst s0;
	s0 =	simm.s32 @!p1 $0x0  }
0x14: {  	s2 =	sld [smem:$0x3F8E];
	s0 =	simm.s32 @p1 $0x1  }
0x15: {  	[smem:$0x3FAB] =	sst s0;
	s0 =	simm.s32 @!p2 $0x0  }
0x16: {  	s3 =	sld [smem:$0x3FDB];
	s0 =	simm.s32 @p2 $0x1  }
0x17: {  	s4 =	simm.s32 $0x1BF5;
	[smem:$0x3FAD] =	sst s0  }
0x18: {  	s0 =	sld [smem:$0x3F90];
	_ =	swait.ge [sflag:s4], $0x0  }
0x19: {  	s7 =	sld [smem:$0x3F91]  }
0x1a: {  	s8 =	sadd.s32 $0xFFFFE003, lr  }
0x1b: {  	s9 =	sadd.s32 $0xFFFFFEF7, lr;
	s5 =	simm.s32 $0xFFFFFFFF;
	p2 =	slt.u32 s8, $0xFFFFF086  }
0x1c: {  	p1 =	slt.u32 s9, $0xF7A;
	s5 =	simm.s32 @!p2 $0x0  }
0x1d: {  	s5 =	simm.s32 @p1 $0x1;
	p0 =	seq.s32 s7, s2  }
0x1e: {  	s7 =	smul.u32 @!p0 $0xF7A, s2;
	p2 =	seq.s32 @!p0 s5, $0x0  }
0x1f: {  	s9 =	smul.u32 $0xF7A, s1;
	s8 =	simm.s32 @!p0 $0x1BF5;
	p2 =	por !p2, p0  }
0x20: {  	[sflag:s8] =	ssyncset.s32 @!p0 $0xFFFFF086;
	s6 =	sadd.s32 @!p0 s3, s7;
	s7 =	simm.s32 @!p0 $0x108  }
0x21: {  	s3 =	sadd.s32 s3, s9;
	s6 =	sadd.s32 @!p0 $0x88, s6;
	s7 =	simm.s32 @p2 $0x1082  }
0x22: {  	[simem:s7], [sflag:s8] =	dma.local @!p0 [hbm:s6], $0xF7A  }
0x23: {  	s9 =	sor.u32 $0xD0000000, s2;
	s6 =	simm.s32 $0x108;
	_ =	swait.ge @!p0 [sflag:s8], $0x0  }
0x24: {  	s3 =	sadd.s32 $0x88, s3;
	s6 =	simm.s32 @!p1 $0x1082;
	[sflag:s4] =	ssyncset.s32 $0xFFFFF086  }
0x25: {  	[simem:s6], [sflag:s4] =	dma.local [hbm:s3], $0xF7A  }
0x26: {  	[smem:$0x3F91] =	sst s1;
	(tag) =	ssettag s2;
	_ =	strace s9  }
0x27: {  	s1 =	sld [smem:$0x3FA1]  }
0x28: {  	s2 =	sld [smem:$0x3FA2]  }
0x29: {  	s4 =	sld [smem:$0x3FA4]  }
0x2a: {  	p0 =	seq.s32 s5, $0x0;
	s5 =	sld [smem:$0x3FA5]  }
0x2b: {  	s6 =	sld [smem:$0x3FA6]  }
0x2c: {  	s7 =	sld [smem:$0x3FA7]  }
0x2d: {  	s3 =	simm.s32 $0x108;
	s8 =	sld [smem:$0x3FA8]  }
0x2e: {  	s3 =	simm.s32 @!p0 $0x1082;
	s9 =	sld [smem:$0x3FA9]  }
0x2f: {  	lr =	sadd.s32 s0, s3;
	s0 =	sld [smem:$0x3FA0]  }
0x30: {  	s3 =	sld [smem:$0x3FA3]  }
0x31: {  	[smem:$0x3FAC] =	sst s10  }
0x32: {  	s10 =	sld [smem:$0x3FAA];
	_ =	sdelay $0x3  }
0x33: {  	p0 =	seq.s32 s10, $0x1;
	s10 =	sld [smem:$0x3FAC];
	_ =	sdelay $0x3  }
0x34: {  	[smem:$0x3FAC] =	sst s10  }
0x35: {  	s10 =	sld [smem:$0x3FAB];
	_ =	sdelay $0x3  }
0x36: {  	p1 =	seq.s32 s10, $0x1;
	s10 =	sld [smem:$0x3FAC];
	_ =	sdelay $0x3  }
0x37: {  	[smem:$0x3FAC] =	sst s10  }
0x38: {  	s10 =	sld [smem:$0x3FAD]  }
0x39: {  	_ = 	snop;
	(pc) =	sbr.ind lr, $3  }
0x3a: {  	_ = 	snop  }
0x3b: {  	_ = 	snop  }
0x3c: {  	p2 =	seq.s32 s10, $0x1;
	s10 =	sld [smem:$0x3FAC]  }
0x3d: {  	_ =	shalt  }
0x3e: {  	_ =	shalt  }
0x3f: {  	_ =	shalt  }
0x40: {  	_ =	shalt  }
0x41: {  	_ =	shalt  }
0x42: {  	_ =	shalt  }
0x43: {  	_ =	shalt  }
0x44: {  	_ =	shalt  }
0x45: {  	_ =	shalt  }
0x46: {  	_ =	shalt  }
0x47: {  	_ =	shalt  }
0x48: {  	_ =	shalt  }
0x49: {  	_ =	shalt  }
0x4a: {  	_ =	shalt  }
0x4b: {  	_ =	shalt  }
0x4c: {  	_ =	shalt  }
0x4d: {  	_ =	shalt  }
0x4e: {  	_ =	shalt  }
0x4f: {  	_ =	shalt  }
0x50: {  	_ =	shalt  }
0x51: {  	_ =	shalt  }
0x52: {  	_ =	shalt  }
0x53: {  	_ =	shalt  }
0x54: {  	_ =	shalt  }
0x55: {  	_ =	shalt  }
0x56: {  	_ =	shalt  }
0x57: {  	_ =	shalt  }
0x58: {  	_ =	shalt  }
0x59: {  	_ =	shalt  }
0x5a: {  	_ =	shalt  }
0x5b: {  	_ =	shalt  }
0x5c: {  	_ =	shalt  }
0x5d: {  	_ =	shalt  }
0x5e: {  	_ =	shalt  }
0x5f: {  	_ =	shalt  }
0x60: {  	_ =	shalt  }
0x61: {  	_ =	shalt  }
0x62: {  	_ =	shalt  }
0x63: {  	_ =	shalt  }
0x64: {  	_ =	shalt  }
0x65: {  	_ =	shalt  }
0x66: {  	_ =	shalt  }
0x67: {  	_ =	shalt  }
0x68: {  	_ =	shalt  }
0x69: {  	_ =	shalt  }
0x6a: {  	_ =	shalt  }
0x6b: {  	_ =	shalt  }
0x6c: {  	_ =	shalt  }
0x6d: {  	_ =	shalt  }
0x6e: {  	_ =	shalt  }
0x6f: {  	_ =	shalt  }
0x70: {  	_ =	shalt  }
0x71: {  	_ =	shalt  }
0x72: {  	_ =	shalt  }
0x73: {  	_ =	shalt  }
0x74: {  	_ =	shalt  }
0x75: {  	_ =	shalt  }
0x76: {  	_ =	shalt  }
0x77: {  	_ =	shalt  }
0x78: {  	_ =	shalt  }
0x79: {  	_ =	shalt  }
0x7a: {  	_ =	shalt  }
0x7b: {  	_ =	shalt  }
0x7c: {  	_ =	shalt  }
0x7d: {  	_ =	shalt  }
0x7e: {  	_ =	shalt  }
0x7f: {  	_ =	shalt  }
0x80: {  	_ =	shalt  }
0x81: {  	_ =	shalt  }
0x82: {  	_ =	shalt  }
0x83: {  	_ =	shalt  }
0x84: {  	_ =	shalt  }
0x85: {  	_ =	shalt  }
0x86: {  	_ =	shalt  }
0x87: {  	_ =	shalt  }
.Lfunc_end0:
.L_simem_size_0:
called_computation.2_lowered:
.L_overlay_start_0:
0x88: {  	s2 =	sld [smem:$0x3FD9]  }
0x89: {  	s3 =	sld [smem:$0x3FFE];
	_ =	sdelay $0x1  }
0x8a: {  	s1 =	srdreg.scid  }
0x8b: {  	s0 =	sand.u32 $0x1, s1  }
0x8c: {  	s17 =	sshll.u32 s0, $0xA;
	s2 =	sadd.s32 s3, s2  }
0x8d: {  	s2 =	sadd.s32 s2, s17  }
0x8e: {  	[smem:$0x3FB8] =	sst s2  }
0x8f: {  	_ = 	snop  }
0x90: {  	s2 =	sld [smem:$0x3FD0];
	(tm) =	ssettm $0x1  }
0x91: {  	s18 =	sld [smem:$0x3FFB];
	_ =	sdelay $0x3  }
0x92: {  	_ =	strace s18  }
0x93: {  	s3 =	sld [smem:$0x3FFC];
	_ =	sdelay $0x3  }
0x94: {  	_ =	strace s3  }
0x95: {  	s3 =	sld [smem:$0x3FFD];
	_ =	sdelay $0x3  }
0x96: {  	_ =	strace s3  }
0x97: {  	_ =	strace $0x8FFFFFFF  }
0x98: {  	s19 =	sld [smem:$0x3FDB];
	_ =	sdelay $0x1  }
0x99: {  	s4 =	simm.s32 $_scs_section_size  }
0x9a: {  	s5 =	simm.s32 $_size__tile_overlayer_lowered;
	s6 =	simm.s32 $_tile_overlayer_lowered  }
0x9b: {  	s22 =	simm.s32 $0x1BFF;
	s21 =	sshll.u32 s6, $0x1;
	s3 =	sadd.s32 s4, s19  }
0x9c: {  	s7 =	simm.s32 $0x0;
	s20 =	sshll.u32 s5, $0x1;
	s5 =	sadd.s32 s21, s3  }
0x9d: {  	[timem:s7], [sflag:s22] =	dma.local [hbm:s5], s20  }
0x9e: {  	_ =	swait.ge [sflag:s22], s20  }
0x9f: {  	s4 =	ssub.s32 $0x0, s20;
	[sflag:s22] =	ssyncset.done $0x0  }
0xa0: {  	[sflag:s22] =	ssyncadd.s32 s4;
	_ =	sdelay $0x1  }
0xa1: {  	s23 =	simm.s32 $0x1B8B  }
0xa2: {  	_ =	swait.ge [sflag:s23], $0x1  }
0xa3: {  	[sflag:s23] =	ssyncset.done $0x0  }
0xa4: {  	s25 =	simm.s32 $0x1B8E;
	s24 =	sld [smem:$0x3FFE];
	[sflag:s23] =	ssyncadd.s32 $0xFFFFFFFF  }
0xa5: {  	s26 =	simm.s32 $execute0_lowered;
	[smem:$0x3FD2] =	sst s25  }
0xa6: {  	s5 =	sshll.u32 s26, $0x1;
	_ =	strace $0x8000004C;
	[dreg:$0x1] =	wrdreg $0xFFFFFFFF  }
0xa7: {  	s28 =	simm.s32 $_size_execute0_lowered;
	s3 =	sadd.s32 s3, s5;
	[dreg:$0x0] =	wrdreg $0x0  }
0xa8: {  	s5 =	sshll.u32 s28, $0x1;
	[dreg:$0x2] =	wrdreg s3  }
0xa9: {  	[dreg:$0x3] =	wrdreg s5  }
0xaa: {  	[dreg:$0x4] =	wrdreg $0xC0  }
0xab: {  	_ =	task [dreg:s7], $0x5FFFF  }
0xac: {  	[dreg:$0x1] =	wrdreg $0xFFFFFFFF  }
0xad: {  	[dreg:$0x0] =	wrdreg $0x60  }
0xae: {  	[dreg:$0x2] =	wrdreg s2  }
0xaf: {  	[dreg:$0x3] =	wrdreg s24  }
0xb0: {  	[dreg:$0x4] =	wrdreg $0xA0000  }
0xb1: {  	[dreg:$0x5] =	wrdreg $0x9  }
0xb2: {  	_ =	task.clear_ibuf [dreg:s7], $0x6FFFF;
	_ =	strace $0x9000004C  }
0xb3: {  	s29 =	simm.s32 $0x9;
	_ =	strace $0x8000004E  }
0xb4: {  	_ =	swait.ge [sflag:s29], $0x1  }
0xb5: {  	[sflag:s29] =	ssyncadd.s32 $0xFFFFFFFF  }
0xb6: {  	_ =	strace $0x9000004E  }
0xb7: {  	_ =	sfence  }
0xb8: {  	s30 =	sld [smem:$0x0];
	_ =	sdelay $0x2  }
0xb9: {  	s31 =	sshll.u32 s1, $0xD;
	s1 =	sshrl.u32 s1, $0x2  }
0xba: {  	s3 =	sand.u32 $0x4000, s31;
	s1 =	sadd.s32 s1, s30  }
0xbb: {  	s0 =	sor.u32 s3, s0;
	s1 =	sshll.u32 s1, $0x11  }
0xbc: {  	s0 =	sor.u32 s1, s0  }
0xbd: {  	s0 =	sadd.s32 $0x8F2B, s0  }
0xbe: {  	[sflag:s0] =	ssyncadd.remote.s32 $0x1  }
0xbf: {  	_ =	sfence.sel $0xFFFF  }
0xc0: {  	[dreg:$0x0] =	wrdreg $0xFFFFFFFF;
	(pc) =	sbr.abs _section_cstart, $3  }
0xc1: {  	[dreg:$0x1] =	wrdreg $0xFFFFFFFF  }
0xc2: {  	_ =	task.clear_ibuf [dreg:s7], $0x2FFFF;
	_ =	strace $0x9FFFFFFF  }
0xc3: {  	(tm) =	ssettm $0x7FFFFFFF  }
tec
execute0_lowered:
.L_overlay_start_1:
0x0: {  	(tag) =	ssettag $0x1  }
0x1: {  	s1 =	rddreg [dreg:$0x0]  }
0x2: {  	s5 =	rddreg [dreg:$0x1]  }
0x3: {  	s2 =	rddreg [dreg:$0x2]  }
0x4: {  	s0 =	rddreg [dreg:$0x3];
	s3 =	simm.s32 $0x0;
	s14 =	stileid.u32  }
0x5: {  	s6 =	srdreg.scid;
	s20 =	simm.s32 $0x6000;
	s7 =	smul.u32 $0x4E000, s14  }
0x6: {  	s21 =	simm.s32 $0x1;
	[smem:$0x7FF] =	sst s3;
	s10 =	smul.u32 $0x270, s14  }
0x7: {  	s4 =	sadd.s32 $0x8C00, s5;
	s6 =	sand.u32 $0x1, s6;
	s29 =	smul.u32 $0x2800, s14  }
0x8: {  	s12 =	sadd.s32 $0x3C00, s5;
	s11 =	sadd.s32 $0x60E00, s5;
	s19 =	smul.u32 $0x500, s14  }
0x9: {  	s28 =	sshll.u32 s14, $0x6;
	s16 =	sadd.s32 $0x138000, s2;
	s9 =	smul.u32 $0x2710, s6  }
0xa: {  	p0 =	sne.s32 s14, $0x0;
	_ =	strace $0x8000004D;
	s24 =	smul.u32 $0x138800, s6  }
0xb: {  	s8 =	ssub.s32 $0x2, s6;
	s26 =	smul.u32 $0x28000, s6;
	s6 =	sor.u32 $0x1C05, s28  }
0xc: {  	s16 =	sshrl.u32 @!p0 s16, $0x3;
	s22 =	sshrl.u32 s8, $0x1;
	s23 =	sshrl.u32 s7, $0x2  }
0xd: {  	s30 =	sadd.s32 s19, s12;
	s19 =	simm.s32 $0x2000;
	s13 =	ssub.s32 s8, s22  }
0xe: {  	s15 =	sadd.s32 s23, s2;
	s25 =	sadd.s32 s10, s9;
	s7 =	sshrl.u32 s24, $0x3  }
0xf: {  	s18 =	sadd.s32 s29, s26;
	s9 =	sshrl.u32 s29, $0x3;
	s22 =	simm.s32 $0x2  }
0x10: {  	s23 =	simm.s32 $0x0;
	s10 =	sshll.u32 s25, $0x4;
	s17 =	sadd.s32 $0x27000, s7  }
0x11: {  	s8 =	sshrl.u32 s18, $0x3;
	s9 =	sadd.s32 s12, s9;
	s12 =	smax.u32 s13, $0x1  }
0x12: {  	s13 =	sadd.s32 $0x100, s30;
	s31 =	sadd.s32 $0x800, s18;
	s14 =	sshrl.u32 s15, $0x3  }
0x13: {  	s15 =	simm.s32 $0x5;
	s18 =	simm.s32 $0x80;
	s5 =	sadd.s32 s1, s10  }
0x14: {  	s7 =	sadd.s32 s1, s17;
	s8 =	sadd.s32 s4, s8;
	s10 =	sadd.s32 s11, s10  }
0x15: {  	s11 =	sadd.s32 s11, s17;
	[dreg:$0x4] =	wrdreg s31;
	s17 =	simm.s32 $0x1000  }
.LBB2_1:
0x16: {  	[spmem:s14], [sflag:s6] =	dma.local [hbm:s5], $0x2700  }
0x17: {  	_ =	swait.ge [sflag:s15], $0x2700  }
0x18: {  	[sflag:s15] =	ssyncset.done $0x0  }
0x19: {  	s24 =	simm.s32 @!p0 $0x5;
	[sflag:s15] =	ssyncadd.s32 $0xFFFFD900  }
0x1a: {  	[spmem:s16], [sflag:s6] =	dma.local @!p0 [hbm:s7], $0x100  }
0x1b: {  	_ =	swait.ge @!p0 [sflag:s24], $0x100  }
0x1c: {  	[sflag:s24] =	ssyncset.done @!p0 $0x0  }
0x1d: {  	[sflag:s24] =	ssyncadd.s32 @!p0 $0xFFFFFF00  }
0x1e: {  	[tilespmem:s3], [sflag:$0x5] =	stream.linear.gather [hbm4b:s8+s3], $0x800, $0x38;
	[tilespmem:$0x1D8C0] =	vst v63  }
0x1f: {  	_ =	swait.ge [sflag:s15], $0x800  }
0x20: {  	[sflag:s15] =	ssyncset.done $0x0  }
0x21: {  	[sflag:s15] =	ssyncadd.s32 $0xFFFFF800  }
0x22: {  	[tilespmem:s17], [sflag:$0x5] =	stream.linear.gather [hbm4b:s9+s3], $0x800, $0x38;
	[tilespmem:$0x1D8C0] =	vst v63  }
0x23: {  	_ =	swait.ge [sflag:s15], $0x800  }
0x24: {  	[sflag:s15] =	ssyncset.done $0x0  }
0x25: {  	[sflag:s15] =	ssyncadd.s32 $0xFFFFF800  }
0x26: {  	[bflag:$0x0] =	sbarrier.arrive $0xFFFF  }
0x27: {  	p1 =	por $0x0, $0x0;
	s24 =	rddreg [dreg:$0x4]  }
0x28: {  	[tilespmem:s19], [sflag:$0x1] =	stream.indirect.gather [hbm4b:s1+s18], $0x80, s3, s18, $0xb8;
	[tilespmem:$0x1D8C0] =	vst v63  }
0x29: {  	s24 =	sadd.s32 @!p1 $0x0, s24  }
0x2a: {  	s25 =	sand.u32 @!p1 $0x800, s3;
	s26 =	sshrl.u32 @!p1 s24, $0x3  }
0x2b: {  	s28 =	simm.s32 @!p1 $0x0;
	s24 =	sxor.u32 @!p1 $0x800, s25;
	s26 =	sadd.s32 @!p1 s4, s26  }
0x2c: {  	[tilespmem:s24], [sflag:$0x3] =	stream.linear.gather @!p1 [hbm4b:s26+s28], $0x800, $0x38;
	[tilespmem:$0x1D8C0] =	vst v63  }
0x2d: {  	s25 =	simm.s32 @p1 $0x0;
	s26 =	sor.u32 @!p1 $0x1000, s24  }
0x2e: {  	[tilespmem:s26], [sflag:$0x4] =	stream.linear.gather @!p1 [hbm4b:s13+s28], $0x800, $0x38;
	[tilespmem:$0x1D8C0] =	vst v63  }
0x2f: {  	s30 =	sor.u32 $0x80, s25  }
0x30: {  	[tilespmem:s20], [sflag:$0x2] =	stream.indirect.gather [hbm4b:s1+s18], $0x80, s30, s18, $0xb8;
	[tilespmem:$0x1D8C0] =	vst v63  }
0x31: {  	_ =	swait.ge [sflag:s21], $0x4000  }
0x32: {  	[sflag:s21] =	ssyncset.done $0x0  }
0x33: {  	s31 =	sor.u32 $0x1000, s25;
	[sflag:s21] =	ssyncadd.s32 $0xFFFFC000  }
0x34: {  	[spmem:s2] =	stream.indirect.scatter.add.f32 [tilespmem:s19], [sflag:$0x5], $0x80, s31, s18, $0xb8;
	[tilespmem:$0x1D8C0] =	vst v63  }
0x35: {  	_ =	swait.ge [sflag:s15], $0x4000  }
0x36: {  	[sflag:s15] =	ssyncset.done $0x0  }
0x37: {  	s28 =	sadd.s32 $0x100, s25;
	[sflag:s15] =	ssyncadd.s32 $0xFFFFC000  }
0x38: {  	[tilespmem:s19], [sflag:$0x1] =	stream.indirect.gather [hbm4b:s1+s18], $0x80, s28, s18, $0xb8;
	[tilespmem:$0x1D8C0] =	vst v63  }
0x39: {  	_ =	swait.ge [sflag:s22], $0x4000  }
0x3a: {  	[sflag:s22] =	ssyncset.done $0x0  }
0x3b: {  	s29 =	sor.u32 $0x1080, s25;
	[sflag:s22] =	ssyncadd.s32 $0xFFFFC000  }
0x3c: {  	[spmem:s2] =	stream.indirect.scatter.add.f32 [tilespmem:s20], [sflag:$0x5], $0x80, s29, s18, $0xb8;
	[tilespmem:$0x1D8C0] =	vst v63  }
0x3d: {  	_ =	swait.ge [sflag:s15], $0x4000  }
0x3e: {  	[sflag:s15] =	ssyncset.done $0x0  }
0x3f: {  	s30 =	sor.u32 $0x180, s25;
	[sflag:s15] =	ssyncadd.s32 $0xFFFFC000  }
0x40: {  	[tilespmem:s20], [sflag:$0x2] =	stream.indirect.gather [hbm4b:s1+s18], $0x80, s30, s18, $0xb8;
	[tilespmem:$0x1D8C0] =	vst v63  }
0x41: {  	_ =	swait.ge [sflag:s21], $0x4000  }
0x42: {  	[sflag:s21] =	ssyncset.done $0x0  }
0x43: {  	s31 =	sadd.s32 $0x1100, s25;
	[sflag:s21] =	ssyncadd.s32 $0xFFFFC000  }
0x44: {  	[spmem:s2] =	stream.indirect.scatter.add.f32 [tilespmem:s19], [sflag:$0x5], $0x80, s31, s18, $0xb8;
	[tilespmem:$0x1D8C0] =	vst v63  }
0x45: {  	_ =	swait.ge [sflag:s15], $0x4000  }
0x46: {  	[sflag:s15] =	ssyncset.done $0x0  }
0x47: {  	s28 =	sadd.s32 $0x200, s25;
	[sflag:s15] =	ssyncadd.s32 $0xFFFFC000  }
0x48: {  	[tilespmem:s19], [sflag:$0x1] =	stream.indirect.gather [hbm4b:s1+s18], $0x80, s28, s18, $0xb8;
	[tilespmem:$0x1D8C0] =	vst v63  }
0x49: {  	_ =	swait.ge [sflag:s22], $0x4000  }
0x4a: {  	[sflag:s22] =	ssyncset.done $0x0  }
0x4b: {  	s29 =	sor.u32 $0x1180, s25;
	[sflag:s22] =	ssyncadd.s32 $0xFFFFC000  }
0x4c: {  	[spmem:s2] =	stream.indirect.scatter.add.f32 [tilespmem:s20], [sflag:$0x5], $0x80, s29, s18, $0xb8;
	[tilespmem:$0x1D8C0] =	vst v63  }
0x4d: {  	_ =	swait.ge [sflag:s15], $0x4000  }
0x4e: {  	[sflag:s15] =	ssyncset.done $0x0  }
0x4f: {  	s30 =	sor.u32 $0x280, s25;
	[sflag:s15] =	ssyncadd.s32 $0xFFFFC000  }
0x50: {  	[tilespmem:s20], [sflag:$0x2] =	stream.indirect.gather [hbm4b:s1+s18], $0x80, s30, s18, $0xb8;
	[tilespmem:$0x1D8C0] =	vst v63  }
0x51: {  	_ =	swait.ge [sflag:s21], $0x4000  }
0x52: {  	[sflag:s21] =	ssyncset.done $0x0  }
0x53: {  	s31 =	sadd.s32 $0x1200, s25;
	[sflag:s21] =	ssyncadd.s32 $0xFFFFC000  }
0x54: {  	[spmem:s2] =	stream.indirect.scatter.add.f32 [tilespmem:s19], [sflag:$0x5], $0x80, s31, s18, $0xb8;
	[tilespmem:$0x1D8C0] =	vst v63  }
0x55: {  	_ =	swait.ge [sflag:s15], $0x4000  }
0x56: {  	[sflag:s15] =	ssyncset.done $0x0  }
0x57: {  	s28 =	sadd.s32 $0x300, s25;
	[sflag:s15] =	ssyncadd.s32 $0xFFFFC000  }
0x58: {  	[tilespmem:s19], [sflag:$0x1] =	stream.indirect.gather [hbm4b:s1+s18], $0x80, s28, s18, $0xb8;
	[tilespmem:$0x1D8C0] =	vst v63  }
0x59: {  	_ =	swait.ge [sflag:s22], $0x4000  }
0x5a: {  	[sflag:s22] =	ssyncset.done $0x0  }
0x5b: {  	s29 =	sor.u32 $0x1280, s25;
	[sflag:s22] =	ssyncadd.s32 $0xFFFFC000  }
0x5c: {  	[spmem:s2] =	stream.indirect.scatter.add.f32 [tilespmem:s20], [sflag:$0x5], $0x80, s29, s18, $0xb8;
	[tilespmem:$0x1D8C0] =	vst v63  }
0x5d: {  	_ =	swait.ge [sflag:s15], $0x4000  }
0x5e: {  	[sflag:s15] =	ssyncset.done $0x0  }
0x5f: {  	s30 =	sor.u32 $0x380, s25;
	[sflag:s15] =	ssyncadd.s32 $0xFFFFC000  }
0x60: {  	[tilespmem:s20], [sflag:$0x2] =	stream.indirect.gather [hbm4b:s1+s18], $0x80, s30, s18, $0xb8;
	[tilespmem:$0x1D8C0] =	vst v63  }
0x61: {  	_ =	swait.ge [sflag:s21], $0x4000  }
0x62: {  	[sflag:s21] =	ssyncset.done $0x0  }
0x63: {  	s31 =	sadd.s32 $0x1300, s25;
	[sflag:s21] =	ssyncadd.s32 $0xFFFFC000  }
0x64: {  	[spmem:s2] =	stream.indirect.scatter.add.f32 [tilespmem:s19], [sflag:$0x5], $0x80, s31, s18, $0xb8;
	[tilespmem:$0x1D8C0] =	vst v63  }
0x65: {  	_ =	swait.ge [sflag:s15], $0x4000  }
0x66: {  	[sflag:s15] =	ssyncset.done $0x0  }
0x67: {  	s28 =	sadd.s32 $0x400, s25;
	[sflag:s15] =	ssyncadd.s32 $0xFFFFC000  }
0x68: {  	[tilespmem:s19], [sflag:$0x1] =	stream.indirect.gather [hbm4b:s1+s18], $0x80, s28, s18, $0xb8;
	[tilespmem:$0x1D8C0] =	vst v63  }
0x69: {  	_ =	swait.ge [sflag:s22], $0x4000  }
0x6a: {  	[sflag:s22] =	ssyncset.done $0x0  }
0x6b: {  	s29 =	sor.u32 $0x1380, s25;
	[sflag:s22] =	ssyncadd.s32 $0xFFFFC000  }
0x6c: {  	[spmem:s2] =	stream.indirect.scatter.add.f32 [tilespmem:s20], [sflag:$0x5], $0x80, s29, s18, $0xb8;
	[tilespmem:$0x1D8C0] =	vst v63  }
0x6d: {  	_ =	swait.ge [sflag:s15], $0x4000  }
0x6e: {  	[sflag:s15] =	ssyncset.done $0x0  }
0x6f: {  	s30 =	sor.u32 $0x480, s25;
	[sflag:s15] =	ssyncadd.s32 $0xFFFFC000  }
0x70: {  	[tilespmem:s20], [sflag:$0x2] =	stream.indirect.gather [hbm4b:s1+s18], $0x80, s30, s18, $0xb8;
	[tilespmem:$0x1D8C0] =	vst v63  }
0x71: {  	_ =	swait.ge [sflag:s21], $0x4000  }
0x72: {  	[sflag:s21] =	ssyncset.done $0x0  }
0x73: {  	s31 =	sadd.s32 $0x1400, s25;
	[sflag:s21] =	ssyncadd.s32 $0xFFFFC000  }
0x74: {  	[spmem:s2] =	stream.indirect.scatter.add.f32 [tilespmem:s19], [sflag:$0x5], $0x80, s31, s18, $0xb8;
	[tilespmem:$0x1D8C0] =	vst v63  }
0x75: {  	_ =	swait.ge [sflag:s15], $0x4000  }
0x76: {  	[sflag:s15] =	ssyncset.done $0x0  }
0x77: {  	s28 =	sadd.s32 $0x500, s25;
	[sflag:s15] =	ssyncadd.s32 $0xFFFFC000  }
0x78: {  	[tilespmem:s19], [sflag:$0x1] =	stream.indirect.gather [hbm4b:s1+s18], $0x80, s28, s18, $0xb8;
	[tilespmem:$0x1D8C0] =	vst v63  }
0x79: {  	_ =	swait.ge [sflag:s22], $0x4000  }
0x7a: {  	[sflag:s22] =	ssyncset.done $0x0  }
0x7b: {  	s29 =	sor.u32 $0x1480, s25;
	[sflag:s22] =	ssyncadd.s32 $0xFFFFC000  }
0x7c: {  	[spmem:s2] =	stream.indirect.scatter.add.f32 [tilespmem:s20], [sflag:$0x5], $0x80, s29, s18, $0xb8;
	[tilespmem:$0x1D8C0] =	vst v63  }
0x7d: {  	_ =	swait.ge [sflag:s15], $0x4000  }
0x7e: {  	[sflag:s15] =	ssyncset.done $0x0  }
0x7f: {  	s30 =	sor.u32 $0x580, s25;
	[sflag:s15] =	ssyncadd.s32 $0xFFFFC000  }
0x80: {  	[tilespmem:s20], [sflag:$0x2] =	stream.indirect.gather [hbm4b:s1+s18], $0x80, s30, s18, $0xb8;
	[tilespmem:$0x1D8C0] =	vst v63  }
0x81: {  	_ =	swait.ge [sflag:s21], $0x4000  }
0x82: {  	[sflag:s21] =	ssyncset.done $0x0  }
0x83: {  	s31 =	sadd.s32 $0x1500, s25;
	[sflag:s21] =	ssyncadd.s32 $0xFFFFC000  }
0x84: {  	[spmem:s2] =	stream.indirect.scatter.add.f32 [tilespmem:s19], [sflag:$0x5], $0x80, s31, s18, $0xb8;
	[tilespmem:$0x1D8C0] =	vst v63  }
0x85: {  	_ =	swait.ge [sflag:s15], $0x4000  }
0x86: {  	[sflag:s15] =	ssyncset.done $0x0  }
0x87: {  	s28 =	sadd.s32 $0x600, s25;
	[sflag:s15] =	ssyncadd.s32 $0xFFFFC000  }
0x88: {  	[tilespmem:s19], [sflag:$0x1] =	stream.indirect.gather [hbm4b:s1+s18], $0x80, s28, s18, $0xb8;
	[tilespmem:$0x1D8C0] =	vst v63  }
0x89: {  	_ =	swait.ge [sflag:s22], $0x4000  }
0x8a: {  	[sflag:s22] =	ssyncset.done $0x0  }
0x8b: {  	s29 =	sor.u32 $0x1580, s25;
	[sflag:s22] =	ssyncadd.s32 $0xFFFFC000  }
0x8c: {  	[spmem:s2] =	stream.indirect.scatter.add.f32 [tilespmem:s20], [sflag:$0x5], $0x80, s29, s18, $0xb8;
	[tilespmem:$0x1D8C0] =	vst v63  }
0x8d: {  	_ =	swait.ge [sflag:s15], $0x4000  }
0x8e: {  	[sflag:s15] =	ssyncset.done $0x0  }
0x8f: {  	s30 =	sor.u32 $0x680, s25;
	[sflag:s15] =	ssyncadd.s32 $0xFFFFC000  }
0x90: {  	[tilespmem:s20], [sflag:$0x2] =	stream.indirect.gather [hbm4b:s1+s18], $0x80, s30, s18, $0xb8;
	[tilespmem:$0x1D8C0] =	vst v63  }
0x91: {  	_ =	swait.ge [sflag:s21], $0x4000  }
0x92: {  	[sflag:s21] =	ssyncset.done $0x0  }
0x93: {  	s31 =	sadd.s32 $0x1600, s25;
	[sflag:s21] =	ssyncadd.s32 $0xFFFFC000  }
0x94: {  	[spmem:s2] =	stream.indirect.scatter.add.f32 [tilespmem:s19], [sflag:$0x5], $0x80, s31, s18, $0xb8;
	[tilespmem:$0x1D8C0] =	vst v63  }
0x95: {  	_ =	swait.ge [sflag:s15], $0x4000  }
0x96: {  	[sflag:s15] =	ssyncset.done $0x0  }
0x97: {  	s28 =	sadd.s32 $0x700, s25;
	[sflag:s15] =	ssyncadd.s32 $0xFFFFC000  }
0x98: {  	[tilespmem:s19], [sflag:$0x1] =	stream.indirect.gather [hbm4b:s1+s18], $0x80, s28, s18, $0xb8;
	[tilespmem:$0x1D8C0] =	vst v63  }
0x99: {  	_ =	swait.ge [sflag:s22], $0x4000  }
0x9a: {  	[sflag:s22] =	ssyncset.done $0x0  }
0x9b: {  	s29 =	sor.u32 $0x1680, s25;
	[sflag:s22] =	ssyncadd.s32 $0xFFFFC000  }
0x9c: {  	[spmem:s2] =	stream.indirect.scatter.add.f32 [tilespmem:s20], [sflag:$0x5], $0x80, s29, s18, $0xb8;
	[tilespmem:$0x1D8C0] =	vst v63  }
0x9d: {  	_ =	swait.ge [sflag:s15], $0x4000  }
0x9e: {  	[sflag:s15] =	ssyncset.done $0x0  }
0x9f: {  	s30 =	sor.u32 $0x780, s25;
	[sflag:s15] =	ssyncadd.s32 $0xFFFFC000  }
0xa0: {  	[tilespmem:s20], [sflag:$0x2] =	stream.indirect.gather [hbm4b:s1+s18], $0x80, s30, s18, $0xb8;
	[tilespmem:$0x1D8C0] =	vst v63  }
0xa1: {  	_ =	swait.ge [sflag:s21], $0x4000  }
0xa2: {  	[sflag:s21] =	ssyncset.done $0x0  }
0xa3: {  	s25 =	sadd.s32 $0x1700, s25;
	[sflag:s21] =	ssyncadd.s32 $0xFFFFC000  }
0xa4: {  	[spmem:s2] =	stream.indirect.scatter.add.f32 [tilespmem:s19], [sflag:$0x5], $0x80, s25, s18, $0xb8;
	[tilespmem:$0x1D8C0] =	vst v63  }
0xa5: {  	_ =	swait.ge [sflag:s15], $0x4000  }
0xa6: {  	[sflag:s15] =	ssyncset.done $0x0  }
0xa7: {  	s25 =	simm.s32 @!p1 $0x3;
	[sflag:s15] =	ssyncadd.s32 $0xFFFFC000  }
0xa8: {  	_ =	swait.ge @!p1 [sflag:s25], $0x800  }
0xa9: {  	[sflag:s25] =	ssyncset.done @!p1 $0x0  }
0xaa: {  	[sflag:s25] =	ssyncadd.s32 @!p1 $0xFFFFF800;
	s25 =	simm.s32 @!p1 $0x4  }
0xab: {  	_ =	swait.ge @!p1 [sflag:s25], $0x800  }
0xac: {  	s24 =	simm.s32 @p1 $0x800;
	[sflag:s25] =	ssyncset.done @!p1 $0x0  }
0xad: {  	s28 =	simm.s32 @!p1 $0x2000;
	[sflag:s25] =	ssyncadd.s32 @!p1 $0xFFFFF800;
	s25 =	simm.s32 @!p1 $0x80  }
0xae: {  	[tilespmem:s28], [sflag:$0x1] =	stream.indirect.gather @!p1 [hbm4b:s1+s25], $0x80, s24, s25, $0xb8;
	[tilespmem:$0x1D8C0] =	vst v63  }
0xaf: {  	_ =	swait.ge [sflag:s22], $0x4000  }
0xb0: {  	[sflag:s22] =	ssyncset.done $0x0  }
0xb1: {  	s31 =	sor.u32 $0x1000, s30;
	[sflag:s22] =	ssyncadd.s32 $0xFFFFC000  }
0xb2: {  	[spmem:s2] =	stream.indirect.scatter.add.f32 [tilespmem:s20], [sflag:$0x5], $0x80, s31, s18, $0xb8;
	[tilespmem:$0x1D8C0] =	vst v63  }
0xb3: {  	s24 =	simm.s32 $0x800;
	s25 =	smov.u32 s13;
	_ =	swait.ge [sflag:s15], $0x4000  }
.LBB2_2:
0xb4: {  	s28 =	smov.u32 s24  }
0xb5: {  	s26 =	rddreg [dreg:$0x4];
	p2 =	seq.s32 s28, $0x2000  }
0xb6: {  	[sflag:s15] =	ssyncset.done $0x0;
	s29 =	sadd.s32 @!p2 s28, s26  }
0xb7: {  	[sflag:s15] =	ssyncadd.s32 $0xFFFFC000;
	s28 =	sand.u32 @!p2 $0x800, s28;
	s29 =	sshrl.u32 @!p2 s29, $0x3  }
0xb8: {  	s30 =	simm.s32 @!p2 $0x0;
	s26 =	sxor.u32 @!p2 $0x800, s28;
	s29 =	sadd.s32 @!p2 s4, s29  }
0xb9: {  	[tilespmem:s26], [sflag:$0x3] =	stream.linear.gather @!p2 [hbm4b:s29+s30], $0x800, $0x38;
	[tilespmem:$0x1D8C0] =	vst v63  }
0xba: {  	s25 =	sadd.s32 $0x100, s25;
	s28 =	simm.s32 @p2 $0x0;
	s29 =	sor.u32 @!p2 $0x1000, s26  }
0xbb: {  	[tilespmem:s29], [sflag:$0x4] =	stream.linear.gather @!p2 [hbm4b:s25+s30], $0x800, $0x38;
	[tilespmem:$0x1D8C0] =	vst v63  }
0xbc: {  	s31 =	sor.u32 $0x80, s28  }
0xbd: {  	[tilespmem:s20], [sflag:$0x2] =	stream.indirect.gather [hbm4b:s1+s18], $0x80, s31, s18, $0xb8;
	[tilespmem:$0x1D8C0] =	vst v63  }
0xbe: {  	_ =	swait.ge [sflag:s21], $0x4000  }
0xbf: {  	[sflag:s21] =	ssyncset.done $0x0  }
0xc0: {  	s30 =	sor.u32 $0x1000, s28;
	[sflag:s21] =	ssyncadd.s32 $0xFFFFC000  }
0xc1: {  	[spmem:s2] =	stream.indirect.scatter.add.f32 [tilespmem:s19], [sflag:$0x5], $0x80, s30, s18, $0xb8;
	[tilespmem:$0x1D8C0] =	vst v63  }
0xc2: {  	_ =	swait.ge [sflag:s15], $0x4000  }
0xc3: {  	[sflag:s15] =	ssyncset.done $0x0  }
0xc4: {  	s31 =	sadd.s32 $0x100, s28;
	[sflag:s15] =	ssyncadd.s32 $0xFFFFC000  }
0xc5: {  	[tilespmem:s19], [sflag:$0x1] =	stream.indirect.gather [hbm4b:s1+s18], $0x80, s31, s18, $0xb8;
	[tilespmem:$0x1D8C0] =	vst v63  }
0xc6: {  	_ =	swait.ge [sflag:s22], $0x4000  }
0xc7: {  	[sflag:s22] =	ssyncset.done $0x0  }
0xc8: {  	s30 =	sor.u32 $0x1080, s28;
	[sflag:s22] =	ssyncadd.s32 $0xFFFFC000  }
0xc9: {  	[spmem:s2] =	stream.indirect.scatter.add.f32 [tilespmem:s20], [sflag:$0x5], $0x80, s30, s18, $0xb8;
	[tilespmem:$0x1D8C0] =	vst v63  }
0xca: {  	_ =	swait.ge [sflag:s15], $0x4000  }
0xcb: {  	[sflag:s15] =	ssyncset.done $0x0  }
0xcc: {  	s31 =	sor.u32 $0x180, s28;
	[sflag:s15] =	ssyncadd.s32 $0xFFFFC000  }
0xcd: {  	[tilespmem:s20], [sflag:$0x2] =	stream.indirect.gather [hbm4b:s1+s18], $0x80, s31, s18, $0xb8;
	[tilespmem:$0x1D8C0] =	vst v63  }
0xce: {  	_ =	swait.ge [sflag:s21], $0x4000  }
0xcf: {  	[sflag:s21] =	ssyncset.done $0x0  }
0xd0: {  	s30 =	sadd.s32 $0x1100, s28;
	[sflag:s21] =	ssyncadd.s32 $0xFFFFC000  }
0xd1: {  	[spmem:s2] =	stream.indirect.scatter.add.f32 [tilespmem:s19], [sflag:$0x5], $0x80, s30, s18, $0xb8;
	[tilespmem:$0x1D8C0] =	vst v63  }
0xd2: {  	_ =	swait.ge [sflag:s15], $0x4000  }
0xd3: {  	[sflag:s15] =	ssyncset.done $0x0  }
0xd4: {  	s31 =	sadd.s32 $0x200, s28;
	[sflag:s15] =	ssyncadd.s32 $0xFFFFC000  }
0xd5: {  	[tilespmem:s19], [sflag:$0x1] =	stream.indirect.gather [hbm4b:s1+s18], $0x80, s31, s18, $0xb8;
	[tilespmem:$0x1D8C0] =	vst v63  }
0xd6: {  	_ =	swait.ge [sflag:s22], $0x4000  }
0xd7: {  	[sflag:s22] =	ssyncset.done $0x0  }
0xd8: {  	s30 =	sor.u32 $0x1180, s28;
	[sflag:s22] =	ssyncadd.s32 $0xFFFFC000  }
0xd9: {  	[spmem:s2] =	stream.indirect.scatter.add.f32 [tilespmem:s20], [sflag:$0x5], $0x80, s30, s18, $0xb8;
	[tilespmem:$0x1D8C0] =	vst v63  }
0xda: {  	_ =	swait.ge [sflag:s15], $0x4000  }
0xdb: {  	[sflag:s15] =	ssyncset.done $0x0  }
0xdc: {  	s31 =	sor.u32 $0x280, s28;
	[sflag:s15] =	ssyncadd.s32 $0xFFFFC000  }
0xdd: {  	[tilespmem:s20], [sflag:$0x2] =	stream.indirect.gather [hbm4b:s1+s18], $0x80, s31, s18, $0xb8;
	[tilespmem:$0x1D8C0] =	vst v63  }
0xde: {  	_ =	swait.ge [sflag:s21], $0x4000  }
0xdf: {  	[sflag:s21] =	ssyncset.done $0x0  }
0xe0: {  	s30 =	sadd.s32 $0x1200, s28;
	[sflag:s21] =	ssyncadd.s32 $0xFFFFC000  }
0xe1: {  	[spmem:s2] =	stream.indirect.scatter.add.f32 [tilespmem:s19], [sflag:$0x5], $0x80, s30, s18, $0xb8;
	[tilespmem:$0x1D8C0] =	vst v63  }
0xe2: {  	_ =	swait.ge [sflag:s15], $0x4000  }
0xe3: {  	[sflag:s15] =	ssyncset.done $0x0  }
0xe4: {  	s31 =	sadd.s32 $0x300, s28;
	[sflag:s15] =	ssyncadd.s32 $0xFFFFC000  }
0xe5: {  	[tilespmem:s19], [sflag:$0x1] =	stream.indirect.gather [hbm4b:s1+s18], $0x80, s31, s18, $0xb8;
	[tilespmem:$0x1D8C0] =	vst v63  }
0xe6: {  	_ =	swait.ge [sflag:s22], $0x4000  }
0xe7: {  	[sflag:s22] =	ssyncset.done $0x0  }
0xe8: {  	s30 =	sor.u32 $0x1280, s28;
	[sflag:s22] =	ssyncadd.s32 $0xFFFFC000  }
0xe9: {  	[spmem:s2] =	stream.indirect.scatter.add.f32 [tilespmem:s20], [sflag:$0x5], $0x80, s30, s18, $0xb8;
	[tilespmem:$0x1D8C0] =	vst v63  }
0xea: {  	_ =	swait.ge [sflag:s15], $0x4000  }
0xeb: {  	[sflag:s15] =	ssyncset.done $0x0  }
0xec: {  	s31 =	sor.u32 $0x380, s28;
	[sflag:s15] =	ssyncadd.s32 $0xFFFFC000  }
0xed: {  	[tilespmem:s20], [sflag:$0x2] =	stream.indirect.gather [hbm4b:s1+s18], $0x80, s31, s18, $0xb8;
	[tilespmem:$0x1D8C0] =	vst v63  }
0xee: {  	_ =	swait.ge [sflag:s21], $0x4000  }
0xef: {  	[sflag:s21] =	ssyncset.done $0x0  }
0xf0: {  	s30 =	sadd.s32 $0x1300, s28;
	[sflag:s21] =	ssyncadd.s32 $0xFFFFC000  }
0xf1: {  	[spmem:s2] =	stream.indirect.scatter.add.f32 [tilespmem:s19], [sflag:$0x5], $0x80, s30, s18, $0xb8;
	[tilespmem:$0x1D8C0] =	vst v63  }
0xf2: {  	_ =	swait.ge [sflag:s15], $0x4000  }
0xf3: {  	[sflag:s15] =	ssyncset.done $0x0  }
0xf4: {  	s31 =	sadd.s32 $0x400, s28;
	[sflag:s15] =	ssyncadd.s32 $0xFFFFC000  }
0xf5: {  	[tilespmem:s19], [sflag:$0x1] =	stream.indirect.gather [hbm4b:s1+s18], $0x80, s31, s18, $0xb8;
	[tilespmem:$0x1D8C0] =	vst v63  }
0xf6: {  	_ =	swait.ge [sflag:s22], $0x4000  }
0xf7: {  	[sflag:s22] =	ssyncset.done $0x0  }
0xf8: {  	s30 =	sor.u32 $0x1380, s28;
	[sflag:s22] =	ssyncadd.s32 $0xFFFFC000  }
0xf9: {  	[spmem:s2] =	stream.indirect.scatter.add.f32 [tilespmem:s20], [sflag:$0x5], $0x80, s30, s18, $0xb8;
	[tilespmem:$0x1D8C0] =	vst v63  }
0xfa: {  	_ =	swait.ge [sflag:s15], $0x4000  }
0xfb: {  	[sflag:s15] =	ssyncset.done $0x0  }
0xfc: {  	s31 =	sor.u32 $0x480, s28;
	[sflag:s15] =	ssyncadd.s32 $0xFFFFC000  }
0xfd: {  	[tilespmem:s20], [sflag:$0x2] =	stream.indirect.gather [hbm4b:s1+s18], $0x80, s31, s18, $0xb8;
	[tilespmem:$0x1D8C0] =	vst v63  }
0xfe: {  	_ =	swait.ge [sflag:s21], $0x4000  }
0xff: {  	[sflag:s21] =	ssyncset.done $0x0  }
0x100: {  	s30 =	sadd.s32 $0x1400, s28;
	[sflag:s21] =	ssyncadd.s32 $0xFFFFC000  }
0x101: {  	[spmem:s2] =	stream.indirect.scatter.add.f32 [tilespmem:s19], [sflag:$0x5], $0x80, s30, s18, $0xb8;
	[tilespmem:$0x1D8C0] =	vst v63  }
0x102: {  	_ =	swait.ge [sflag:s15], $0x4000  }
0x103: {  	[sflag:s15] =	ssyncset.done $0x0  }
0x104: {  	s31 =	sadd.s32 $0x500, s28;
	[sflag:s15] =	ssyncadd.s32 $0xFFFFC000  }
0x105: {  	[tilespmem:s19], [sflag:$0x1] =	stream.indirect.gather [hbm4b:s1+s18], $0x80, s31, s18, $0xb8;
	[tilespmem:$0x1D8C0] =	vst v63  }
0x106: {  	_ =	swait.ge [sflag:s22], $0x4000  }
0x107: {  	[sflag:s22] =	ssyncset.done $0x0  }
0x108: {  	s30 =	sor.u32 $0x1480, s28;
	[sflag:s22] =	ssyncadd.s32 $0xFFFFC000  }
0x109: {  	[spmem:s2] =	stream.indirect.scatter.add.f32 [tilespmem:s20], [sflag:$0x5], $0x80, s30, s18, $0xb8;
	[tilespmem:$0x1D8C0] =	vst v63  }
0x10a: {  	_ =	swait.ge [sflag:s15], $0x4000  }
0x10b: {  	[sflag:s15] =	ssyncset.done $0x0  }
0x10c: {  	s31 =	sor.u32 $0x580, s28;
	[sflag:s15] =	ssyncadd.s32 $0xFFFFC000  }
0x10d: {  	[tilespmem:s20], [sflag:$0x2] =	stream.indirect.gather [hbm4b:s1+s18], $0x80, s31, s18, $0xb8;
	[tilespmem:$0x1D8C0] =	vst v63  }
0x10e: {  	_ =	swait.ge [sflag:s21], $0x4000  }
0x10f: {  	[sflag:s21] =	ssyncset.done $0x0  }
0x110: {  	s30 =	sadd.s32 $0x1500, s28;
	[sflag:s21] =	ssyncadd.s32 $0xFFFFC000  }
0x111: {  	[spmem:s2] =	stream.indirect.scatter.add.f32 [tilespmem:s19], [sflag:$0x5], $0x80, s30, s18, $0xb8;
	[tilespmem:$0x1D8C0] =	vst v63  }
0x112: {  	_ =	swait.ge [sflag:s15], $0x4000  }
0x113: {  	[sflag:s15] =	ssyncset.done $0x0  }
0x114: {  	s31 =	sadd.s32 $0x600, s28;
	[sflag:s15] =	ssyncadd.s32 $0xFFFFC000  }
0x115: {  	[tilespmem:s19], [sflag:$0x1] =	stream.indirect.gather [hbm4b:s1+s18], $0x80, s31, s18, $0xb8;
	[tilespmem:$0x1D8C0] =	vst v63  }
0x116: {  	_ =	swait.ge [sflag:s22], $0x4000  }
0x117: {  	[sflag:s22] =	ssyncset.done $0x0  }
0x118: {  	s30 =	sor.u32 $0x1580, s28;
	[sflag:s22] =	ssyncadd.s32 $0xFFFFC000  }
0x119: {  	[spmem:s2] =	stream.indirect.scatter.add.f32 [tilespmem:s20], [sflag:$0x5], $0x80, s30, s18, $0xb8;
	[tilespmem:$0x1D8C0] =	vst v63  }
0x11a: {  	_ =	swait.ge [sflag:s15], $0x4000  }
0x11b: {  	[sflag:s15] =	ssyncset.done $0x0  }
0x11c: {  	s31 =	sor.u32 $0x680, s28;
	[sflag:s15] =	ssyncadd.s32 $0xFFFFC000  }
0x11d: {  	[tilespmem:s20], [sflag:$0x2] =	stream.indirect.gather [hbm4b:s1+s18], $0x80, s31, s18, $0xb8;
	[tilespmem:$0x1D8C0] =	vst v63  }
0x11e: {  	_ =	swait.ge [sflag:s21], $0x4000  }
0x11f: {  	[sflag:s21] =	ssyncset.done $0x0  }
0x120: {  	s30 =	sadd.s32 $0x1600, s28;
	[sflag:s21] =	ssyncadd.s32 $0xFFFFC000  }
0x121: {  	[spmem:s2] =	stream.indirect.scatter.add.f32 [tilespmem:s19], [sflag:$0x5], $0x80, s30, s18, $0xb8;
	[tilespmem:$0x1D8C0] =	vst v63  }
0x122: {  	_ =	swait.ge [sflag:s15], $0x4000  }
0x123: {  	[sflag:s15] =	ssyncset.done $0x0  }
0x124: {  	s31 =	sadd.s32 $0x700, s28;
	[sflag:s15] =	ssyncadd.s32 $0xFFFFC000  }
0x125: {  	[tilespmem:s19], [sflag:$0x1] =	stream.indirect.gather [hbm4b:s1+s18], $0x80, s31, s18, $0xb8;
	[tilespmem:$0x1D8C0] =	vst v63  }
0x126: {  	_ =	swait.ge [sflag:s22], $0x4000  }
0x127: {  	[sflag:s22] =	ssyncset.done $0x0  }
0x128: {  	s30 =	sor.u32 $0x1680, s28;
	[sflag:s22] =	ssyncadd.s32 $0xFFFFC000  }
0x129: {  	[spmem:s2] =	stream.indirect.scatter.add.f32 [tilespmem:s20], [sflag:$0x5], $0x80, s30, s18, $0xb8;
	[tilespmem:$0x1D8C0] =	vst v63  }
0x12a: {  	_ =	swait.ge [sflag:s15], $0x4000  }
0x12b: {  	[sflag:s15] =	ssyncset.done $0x0  }
0x12c: {  	s31 =	sor.u32 $0x780, s28;
	[sflag:s15] =	ssyncadd.s32 $0xFFFFC000  }
0x12d: {  	[tilespmem:s20], [sflag:$0x2] =	stream.indirect.gather [hbm4b:s1+s18], $0x80, s31, s18, $0xb8;
	[tilespmem:$0x1D8C0] =	vst v63  }
0x12e: {  	_ =	swait.ge [sflag:s21], $0x4000  }
0x12f: {  	[sflag:s21] =	ssyncset.done $0x0  }
0x130: {  	s28 =	sadd.s32 $0x1700, s28;
	[sflag:s21] =	ssyncadd.s32 $0xFFFFC000  }
0x131: {  	[spmem:s2] =	stream.indirect.scatter.add.f32 [tilespmem:s19], [sflag:$0x5], $0x80, s28, s18, $0xb8;
	[tilespmem:$0x1D8C0] =	vst v63  }
0x132: {  	_ =	swait.ge [sflag:s15], $0x4000  }
0x133: {  	[sflag:s15] =	ssyncset.done $0x0  }
0x134: {  	s28 =	simm.s32 @!p2 $0x3;
	[sflag:s15] =	ssyncadd.s32 $0xFFFFC000  }
0x135: {  	_ =	swait.ge @!p2 [sflag:s28], $0x800  }
0x136: {  	[sflag:s28] =	ssyncset.done @!p2 $0x0  }
0x137: {  	[sflag:s28] =	ssyncadd.s32 @!p2 $0xFFFFF800;
	s28 =	simm.s32 @!p2 $0x4  }
0x138: {  	s24 =	sadd.s32 $0x800, s24;
	_ =	swait.ge @!p2 [sflag:s28], $0x800  }
0x139: {  	p1 =	sne.s32 s24, $0x2800;
	s26 =	simm.s32 @p2 $0x800;
	[sflag:s28] =	ssyncset.done @!p2 $0x0  }
0x13a: {  	s30 =	simm.s32 @!p2 $0x2000;
	[sflag:s28] =	ssyncadd.s32 @!p2 $0xFFFFF800;
	s28 =	simm.s32 @!p2 $0x80  }
0x13b: {  	[tilespmem:s30], [sflag:$0x1] =	stream.indirect.gather @!p2 [hbm4b:s1+s28], $0x80, s26, s28, $0xb8;
	[tilespmem:$0x1D8C0] =	vst v63  }
.Ltmp0:
0x13c: {  	_ =	swait.ge [sflag:s22], $0x4000;
	(pc) =	sbr.rel @p1 .LBB2_2-.Ltmp0, $4  }
0x13d: {  	[sflag:s22] =	ssyncset.done $0x0  }
0x13e: {  	s31 =	sor.u32 $0x1000, s31;
	[sflag:s22] =	ssyncadd.s32 $0xFFFFC000  }
0x13f: {  	[spmem:s2] =	stream.indirect.scatter.add.f32 [tilespmem:s20], [sflag:$0x5], $0x80, s31, s18, $0xb8;
	[tilespmem:$0x1D8C0] =	vst v63  }
0x140: {  	_ =	swait.ge [sflag:s15], $0x4000  }
0x141: {  	[sflag:s15] =	ssyncset.done $0x0  }
0x142: {  	[sflag:s15] =	ssyncadd.s32 $0xFFFFC000  }
0x143: {  	[bflag:$0x0] =	sbarrier.arrive $0xFFFF  }
0x144: {  	[hbm:s10], [sflag:s6] =	dma.local [spmem:s14], $0x2700  }
0x145: {  	s23 =	sadd.s32 $0x1, s23;
	_ =	swait.ge [sflag:s15], $0x2700  }
0x146: {  	p1 =	sne.s32 s23, s12;
	[sflag:s15] =	ssyncset.done $0x0  }
.Ltmp1:
0x147: {  	s24 =	simm.s32 @!p0 $0x5;
	[sflag:s15] =	ssyncadd.s32 $0xFFFFD900;
	(pc) =	sbr.rel @p1 .LBB2_1-.Ltmp1, $4  }
0x148: {  	[hbm:s11], [sflag:s6] =	dma.local @!p0 [spmem:s16], $0x100  }
0x149: {  	_ =	swait.ge @!p0 [sflag:s24], $0x100  }
0x14a: {  	[sflag:s24] =	ssyncset.done @!p0 $0x0  }
0x14b: {  	[sflag:s24] =	ssyncadd.s32 @!p0 $0xFFFFFF00  }
0x14c: {  	_ =	sfence.sel $0x180000  }
0x14d: {  	[bflag:$0x0] =	sbarrier.arrive $0xFFFF  }
0x14e: {  	_ =	strace $0x9000004D  }
0x14f: {  	s0 =	sadd.s32 @!p0 $0x100000, s0;
	[bflag:$0x2] =	sbarrier.arrive $0xFFFF  }
0x150: {  	[sflag:s0] =	ssyncadd.tile.s32 @!p0 $0x1;
	_ =	shalt  }
.Lfunc_end2:
_tile_overlayer_lowered:
.L_overlay_start_2:
0x151: {  	(tag) =	ssettag $0x2  }
0x152: {  	s0 =	rddreg [dreg:$0x0];
	s2 =	stileid.u32  }
0x153: {  	s1 =	rddreg [dreg:$0x1];
	p0 =	sne.s32 s2, $0x0  }
0x154: {  	s3 =	rddreg [dreg:$0x2];
	[bflag:$0x3] =	sbarrier.arrive $0xFFFF;
	s2 =	simm.s32 @!p0 $0x1C05  }
0x155: {  	[timem:s3], [sflag:s2] =	dma.local @!p0 [hbm:s0], s1  }
0x156: {  	s0 =	simm.s32 @!p0 $0x5  }
0x157: {  	_ =	swait.ge @!p0 [sflag:s0], s1  }
0x158: {  	s1 =	ssub.s32 @!p0 $0x0, s1;
	[sflag:s0] =	ssyncset.done @!p0 $0x0  }
0x159: {  	[sflag:s0] =	ssyncadd.s32 @!p0 s1  }
0x15a: {  	[bflag:$0x3] =	sbarrier.arrive $0xFFFF  }
0x15b: {  	_ =	shalt  }

// kernel: kernel.24.cloned.1.call-start
scs
__scs_entry_jumppad:
0x0: {  	(pc) =	sbr.rel $0x88, $3  }
0x1: {  	(tag) =	ssettag $0x0;
	lr =	simm.s32 $0x1  }
0x2: {  	[smem:$0x3F91] =	sst lr;
	_ =	strace $0xD0000000  }
0x3: {  	_ = 	snop  }
0x4: {  	_ = 	snop  }
0x5: {  	_ = 	snop  }
0x6: {  	_ = 	snop  }
0x7: {  	_ = 	snop  }
__scs_overlays_trampoline_lowered:
0x8: {  	[smem:$0x3FA0] =	sst s0  }
0x9: {  	[smem:$0x3FA1] =	sst s1  }
0xa: {  	[smem:$0x3FA2] =	sst s2  }
0xb: {  	[smem:$0x3FA3] =	sst s3  }
0xc: {  	[smem:$0x3FA4] =	sst s4  }
0xd: {  	[smem:$0x3FA5] =	sst s5  }
0xe: {  	[smem:$0x3FA6] =	sst s6  }
0xf: {  	[smem:$0x3FA7] =	sst s7  }
0x10: {  	[smem:$0x3FA8] =	sst s8  }
0x11: {  	[smem:$0x3FA9] =	sst s9;
	s0 =	simm.s32 @!p0 $0x0  }
0x12: {  	s1 =	sld [smem:$0x3F8F];
	s0 =	simm.s32 @p0 $0x1  }
0x13: {  	[smem:$0x3FAA] =	sst s0;
	s0 =	simm.s32 @!p1 $0x0  }
0x14: {  	s2 =	sld [smem:$0x3F8E];
	s0 =	simm.s32 @p1 $0x1  }
0x15: {  	[smem:$0x3FAB] =	sst s0;
	s0 =	simm.s32 @!p2 $0x0  }
0x16: {  	s3 =	sld [smem:$0x3FDB];
	s0 =	simm.s32 @p2 $0x1  }
0x17: {  	s4 =	simm.s32 $0x1BF5;
	[smem:$0x3FAD] =	sst s0  }
0x18: {  	s0 =	sld [smem:$0x3F90];
	_ =	swait.ge [sflag:s4], $0x0  }
0x19: {  	s7 =	sld [smem:$0x3F91]  }
0x1a: {  	s8 =	sadd.s32 $0xFFFFE003, lr  }
0x1b: {  	s9 =	sadd.s32 $0xFFFFFEF7, lr;
	s5 =	simm.s32 $0xFFFFFFFF;
	p2 =	slt.u32 s8, $0xFFFFF086  }
0x1c: {  	p1 =	slt.u32 s9, $0xF7A;
	s5 =	simm.s32 @!p2 $0x0  }
0x1d: {  	s5 =	simm.s32 @p1 $0x1;
	p0 =	seq.s32 s7, s2  }
0x1e: {  	s7 =	smul.u32 @!p0 $0xF7A, s2;
	p2 =	seq.s32 @!p0 s5, $0x0  }
0x1f: {  	s9 =	smul.u32 $0xF7A, s1;
	s8 =	simm.s32 @!p0 $0x1BF5;
	p2 =	por !p2, p0  }
0x20: {  	[sflag:s8] =	ssyncset.s32 @!p0 $0xFFFFF086;
	s6 =	sadd.s32 @!p0 s3, s7;
	s7 =	simm.s32 @!p0 $0x108  }
0x21: {  	s3 =	sadd.s32 s3, s9;
	s6 =	sadd.s32 @!p0 $0x88, s6;
	s7 =	simm.s32 @p2 $0x1082  }
0x22: {  	[simem:s7], [sflag:s8] =	dma.local @!p0 [hbm:s6], $0xF7A  }
0x23: {  	s9 =	sor.u32 $0xD0000000, s2;
	s6 =	simm.s32 $0x108;
	_ =	swait.ge @!p0 [sflag:s8], $0x0  }
0x24: {  	s3 =	sadd.s32 $0x88, s3;
	s6 =	simm.s32 @!p1 $0x1082;
	[sflag:s4] =	ssyncset.s32 $0xFFFFF086  }
0x25: {  	[simem:s6], [sflag:s4] =	dma.local [hbm:s3], $0xF7A  }
0x26: {  	[smem:$0x3F91] =	sst s1;
	(tag) =	ssettag s2;
	_ =	strace s9  }
0x27: {  	s1 =	sld [smem:$0x3FA1]  }
0x28: {  	s2 =	sld [smem:$0x3FA2]  }
0x29: {  	s4 =	sld [smem:$0x3FA4]  }
0x2a: {  	p0 =	seq.s32 s5, $0x0;
	s5 =	sld [smem:$0x3FA5]  }
0x2b: {  	s6 =	sld [smem:$0x3FA6]  }
0x2c: {  	s7 =	sld [smem:$0x3FA7]  }
0x2d: {  	s3 =	simm.s32 $0x108;
	s8 =	sld [smem:$0x3FA8]  }
0x2e: {  	s3 =	simm.s32 @!p0 $0x1082;
	s9 =	sld [smem:$0x3FA9]  }
0x2f: {  	lr =	sadd.s32 s0, s3;
	s0 =	sld [smem:$0x3FA0]  }
0x30: {  	s3 =	sld [smem:$0x3FA3]  }
0x31: {  	[smem:$0x3FAC] =	sst s10  }
0x32: {  	s10 =	sld [smem:$0x3FAA];
	_ =	sdelay $0x3  }
0x33: {  	p0 =	seq.s32 s10, $0x1;
	s10 =	sld [smem:$0x3FAC];
	_ =	sdelay $0x3  }
0x34: {  	[smem:$0x3FAC] =	sst s10  }
0x35: {  	s10 =	sld [smem:$0x3FAB];
	_ =	sdelay $0x3  }
0x36: {  	p1 =	seq.s32 s10, $0x1;
	s10 =	sld [smem:$0x3FAC];
	_ =	sdelay $0x3  }
0x37: {  	[smem:$0x3FAC] =	sst s10  }
0x38: {  	s10 =	sld [smem:$0x3FAD]  }
0x39: {  	_ = 	snop;
	(pc) =	sbr.ind lr, $3  }
0x3a: {  	_ = 	snop  }
0x3b: {  	_ = 	snop  }
0x3c: {  	p2 =	seq.s32 s10, $0x1;
	s10 =	sld [smem:$0x3FAC]  }
0x3d: {  	_ =	shalt  }
0x3e: {  	_ =	shalt  }
0x3f: {  	_ =	shalt  }
0x40: {  	_ =	shalt  }
0x41: {  	_ =	shalt  }
0x42: {  	_ =	shalt  }
0x43: {  	_ =	shalt  }
0x44: {  	_ =	shalt  }
0x45: {  	_ =	shalt  }
0x46: {  	_ =	shalt  }
0x47: {  	_ =	shalt  }
0x48: {  	_ =	shalt  }
0x49: {  	_ =	shalt  }
0x4a: {  	_ =	shalt  }
0x4b: {  	_ =	shalt  }
0x4c: {  	_ =	shalt  }
0x4d: {  	_ =	shalt  }
0x4e: {  	_ =	shalt  }
0x4f: {  	_ =	shalt  }
0x50: {  	_ =	shalt  }
0x51: {  	_ =	shalt  }
0x52: {  	_ =	shalt  }
0x53: {  	_ =	shalt  }
0x54: {  	_ =	shalt  }
0x55: {  	_ =	shalt  }
0x56: {  	_ =	shalt  }
0x57: {  	_ =	shalt  }
0x58: {  	_ =	shalt  }
0x59: {  	_ =	shalt  }
0x5a: {  	_ =	shalt  }
0x5b: {  	_ =	shalt  }
0x5c: {  	_ =	shalt  }
0x5d: {  	_ =	shalt  }
0x5e: {  	_ =	shalt  }
0x5f: {  	_ =	shalt  }
0x60: {  	_ =	shalt  }
0x61: {  	_ =	shalt  }
0x62: {  	_ =	shalt  }
0x63: {  	_ =	shalt  }
0x64: {  	_ =	shalt  }
0x65: {  	_ =	shalt  }
0x66: {  	_ =	shalt  }
0x67: {  	_ =	shalt  }
0x68: {  	_ =	shalt  }
0x69: {  	_ =	shalt  }
0x6a: {  	_ =	shalt  }
0x6b: {  	_ =	shalt  }
0x6c: {  	_ =	shalt  }
0x6d: {  	_ =	shalt  }
0x6e: {  	_ =	shalt  }
0x6f: {  	_ =	shalt  }
0x70: {  	_ =	shalt  }
0x71: {  	_ =	shalt  }
0x72: {  	_ =	shalt  }
0x73: {  	_ =	shalt  }
0x74: {  	_ =	shalt  }
0x75: {  	_ =	shalt  }
0x76: {  	_ =	shalt  }
0x77: {  	_ =	shalt  }
0x78: {  	_ =	shalt  }
0x79: {  	_ =	shalt  }
0x7a: {  	_ =	shalt  }
0x7b: {  	_ =	shalt  }
0x7c: {  	_ =	shalt  }
0x7d: {  	_ =	shalt  }
0x7e: {  	_ =	shalt  }
0x7f: {  	_ =	shalt  }
0x80: {  	_ =	shalt  }
0x81: {  	_ =	shalt  }
0x82: {  	_ =	shalt  }
0x83: {  	_ =	shalt  }
0x84: {  	_ =	shalt  }
0x85: {  	_ =	shalt  }
0x86: {  	_ =	shalt  }
0x87: {  	_ =	shalt  }
.Lfunc_end0:
.L_simem_size_0:
called_computation.3_lowered:
.L_overlay_start_0:
0x88: {  	s2 =	sld [smem:$0x3FD9]  }
0x89: {  	s3 =	sld [smem:$0x3FFE];
	_ =	sdelay $0x1  }
0x8a: {  	s1 =	srdreg.scid  }
0x8b: {  	s0 =	sand.u32 $0x1, s1  }
0x8c: {  	s17 =	sshll.u32 s0, $0xA;
	s2 =	sadd.s32 s3, s2  }
0x8d: {  	s2 =	sadd.s32 s2, s17  }
0x8e: {  	[smem:$0x3FB8] =	sst s2  }
0x8f: {  	_ = 	snop  }
0x90: {  	s2 =	sld [smem:$0x3FD0];
	(tm) =	ssettm $0x1  }
0x91: {  	s18 =	sld [smem:$0x3FFB];
	_ =	sdelay $0x3  }
0x92: {  	_ =	strace s18  }
0x93: {  	s3 =	sld [smem:$0x3FFC];
	_ =	sdelay $0x3  }
0x94: {  	_ =	strace s3  }
0x95: {  	s3 =	sld [smem:$0x3FFD];
	_ =	sdelay $0x3  }
0x96: {  	_ =	strace s3  }
0x97: {  	_ =	strace $0x8FFFFFFF  }
0x98: {  	s19 =	sld [smem:$0x3FDB];
	_ =	sdelay $0x1  }
0x99: {  	s4 =	simm.s32 $_scs_section_size  }
0x9a: {  	s5 =	simm.s32 $_size__tile_overlayer_lowered;
	s6 =	simm.s32 $_tile_overlayer_lowered  }
0x9b: {  	s22 =	simm.s32 $0x1BFF;
	s21 =	sshll.u32 s6, $0x1;
	s3 =	sadd.s32 s4, s19  }
0x9c: {  	s7 =	simm.s32 $0x0;
	s20 =	sshll.u32 s5, $0x1;
	s5 =	sadd.s32 s21, s3  }
0x9d: {  	[timem:s7], [sflag:s22] =	dma.local [hbm:s5], s20  }
0x9e: {  	_ =	swait.ge [sflag:s22], s20  }
0x9f: {  	s4 =	ssub.s32 $0x0, s20;
	[sflag:s22] =	ssyncset.done $0x0  }
0xa0: {  	[sflag:s22] =	ssyncadd.s32 s4;
	_ =	sdelay $0x1  }
0xa1: {  	s23 =	simm.s32 $0x1B8B  }
0xa2: {  	_ =	swait.ge [sflag:s23], $0x1  }
0xa3: {  	[sflag:s23] =	ssyncset.done $0x0  }
0xa4: {  	s25 =	simm.s32 $0x1B8E;
	s24 =	sld [smem:$0x3FFE];
	[sflag:s23] =	ssyncadd.s32 $0xFFFFFFFF  }
0xa5: {  	s26 =	simm.s32 $execute0_lowered;
	[smem:$0x3FD2] =	sst s25  }
0xa6: {  	s5 =	sshll.u32 s26, $0x1;
	_ =	strace $0x8000004F;
	[dreg:$0x1] =	wrdreg $0xFFFFFFFF  }
0xa7: {  	s28 =	simm.s32 $_size_execute0_lowered;
	s3 =	sadd.s32 s3, s5;
	[dreg:$0x0] =	wrdreg $0x0  }
0xa8: {  	s5 =	sshll.u32 s28, $0x1;
	[dreg:$0x2] =	wrdreg s3  }
0xa9: {  	[dreg:$0x3] =	wrdreg s5  }
0xaa: {  	[dreg:$0x4] =	wrdreg $0xC0  }
0xab: {  	_ =	task [dreg:s7], $0x5FFFF  }
0xac: {  	[dreg:$0x1] =	wrdreg $0xFFFFFFFF  }
0xad: {  	[dreg:$0x0] =	wrdreg $0x60  }
0xae: {  	[dreg:$0x2] =	wrdreg s2  }
0xaf: {  	[dreg:$0x3] =	wrdreg s24  }
0xb0: {  	[dreg:$0x4] =	wrdreg $0xA0000  }
0xb1: {  	[dreg:$0x5] =	wrdreg $0x9  }
0xb2: {  	_ =	task.clear_ibuf [dreg:s7], $0x6FFFF;
	_ =	strace $0x9000004F  }
0xb3: {  	s29 =	simm.s32 $0x9;
	_ =	strace $0x80000051  }
0xb4: {  	_ =	swait.ge [sflag:s29], $0x1  }
0xb5: {  	[sflag:s29] =	ssyncadd.s32 $0xFFFFFFFF  }
0xb6: {  	_ =	strace $0x90000051  }
0xb7: {  	_ =	sfence  }
0xb8: {  	s30 =	sld [smem:$0x0];
	_ =	sdelay $0x2  }
0xb9: {  	s31 =	sshll.u32 s1, $0xD;
	s1 =	sshrl.u32 s1, $0x2  }
0xba: {  	s3 =	sand.u32 $0x4000, s31;
	s1 =	sadd.s32 s1, s30  }
0xbb: {  	s0 =	sor.u32 s3, s0;
	s1 =	sshll.u32 s1, $0x11  }
0xbc: {  	s0 =	sor.u32 s1, s0  }
0xbd: {  	s0 =	sadd.s32 $0x8F2B, s0  }
0xbe: {  	[sflag:s0] =	ssyncadd.remote.s32 $0x1  }
0xbf: {  	_ =	sfence.sel $0xFFFF  }
0xc0: {  	[dreg:$0x0] =	wrdreg $0xFFFFFFFF;
	(pc) =	sbr.abs _section_cstart, $3  }
0xc1: {  	[dreg:$0x1] =	wrdreg $0xFFFFFFFF  }
0xc2: {  	_ =	task.clear_ibuf [dreg:s7], $0x2FFFF;
	_ =	strace $0x9FFFFFFF  }
0xc3: {  	(tm) =	ssettm $0x7FFFFFFF  }
tec
execute0_lowered:
.L_overlay_start_1:
0x0: {  	(tag) =	ssettag $0x1  }
0x1: {  	s1 =	rddreg [dreg:$0x0]  }
0x2: {  	s5 =	rddreg [dreg:$0x1]  }
0x3: {  	s2 =	rddreg [dreg:$0x2]  }
0x4: {  	s0 =	rddreg [dreg:$0x3];
	s3 =	simm.s32 $0x0;
	s14 =	stileid.u32  }
0x5: {  	s6 =	srdreg.scid;
	s20 =	simm.s32 $0x6000;
	s7 =	smul.u32 $0x4E000, s14  }
0x6: {  	s21 =	simm.s32 $0x1;
	[smem:$0x7FF] =	sst s3;
	s10 =	smul.u32 $0x270, s14  }
0x7: {  	s4 =	sadd.s32 $0x8C00, s5;
	s6 =	sand.u32 $0x1, s6;
	s29 =	smul.u32 $0x2800, s14  }
0x8: {  	s12 =	sadd.s32 $0x3C00, s5;
	s11 =	sadd.s32 $0x60E00, s5;
	s19 =	smul.u32 $0x500, s14  }
0x9: {  	s28 =	sshll.u32 s14, $0x6;
	s16 =	sadd.s32 $0x138000, s2;
	s9 =	smul.u32 $0x2710, s6  }
0xa: {  	p0 =	sne.s32 s14, $0x0;
	_ =	strace $0x80000050;
	s24 =	smul.u32 $0x138800, s6  }
0xb: {  	s8 =	ssub.s32 $0x2, s6;
	s26 =	smul.u32 $0x28000, s6;
	s6 =	sor.u32 $0x1C05, s28  }
0xc: {  	s16 =	sshrl.u32 @!p0 s16, $0x3;
	s22 =	sshrl.u32 s8, $0x1;
	s23 =	sshrl.u32 s7, $0x2  }
0xd: {  	s30 =	sadd.s32 s19, s12;
	s19 =	simm.s32 $0x2000;
	s13 =	ssub.s32 s8, s22  }
0xe: {  	s15 =	sadd.s32 s23, s2;
	s25 =	sadd.s32 s10, s9;
	s7 =	sshrl.u32 s24, $0x3  }
0xf: {  	s18 =	sadd.s32 s29, s26;
	s9 =	sshrl.u32 s29, $0x3;
	s22 =	simm.s32 $0x2  }
0x10: {  	s23 =	simm.s32 $0x0;
	s10 =	sshll.u32 s25, $0x4;
	s17 =	sadd.s32 $0x27000, s7  }
0x11: {  	s8 =	sshrl.u32 s18, $0x3;
	s9 =	sadd.s32 s12, s9;
	s12 =	smax.u32 s13, $0x1  }
0x12: {  	s13 =	sadd.s32 $0x100, s30;
	s31 =	sadd.s32 $0x800, s18;
	s14 =	sshrl.u32 s15, $0x3  }
0x13: {  	s15 =	simm.s32 $0x5;
	s18 =	simm.s32 $0x80;
	s5 =	sadd.s32 s1, s10  }
0x14: {  	s7 =	sadd.s32 s1, s17;
	s8 =	sadd.s32 s4, s8;
	s10 =	sadd.s32 s11, s10  }
0x15: {  	s11 =	sadd.s32 s11, s17;
	[dreg:$0x4] =	wrdreg s31;
	s17 =	simm.s32 $0x1000  }
.LBB2_1:
0x16: {  	[spmem:s14], [sflag:s6] =	dma.local [hbm:s5], $0x2700  }
0x17: {  	_ =	swait.ge [sflag:s15], $0x2700  }
0x18: {  	[sflag:s15] =	ssyncset.done $0x0  }
0x19: {  	s24 =	simm.s32 @!p0 $0x5;
	[sflag:s15] =	ssyncadd.s32 $0xFFFFD900  }
0x1a: {  	[spmem:s16], [sflag:s6] =	dma.local @!p0 [hbm:s7], $0x100  }
0x1b: {  	_ =	swait.ge @!p0 [sflag:s24], $0x100  }
0x1c: {  	[sflag:s24] =	ssyncset.done @!p0 $0x0  }
0x1d: {  	[sflag:s24] =	ssyncadd.s32 @!p0 $0xFFFFFF00  }
0x1e: {  	[tilespmem:s3], [sflag:$0x5] =	stream.linear.gather [hbm4b:s8+s3], $0x800, $0x38;
	[tilespmem:$0x1D8C0] =	vst v63  }
0x1f: {  	_ =	swait.ge [sflag:s15], $0x800  }
0x20: {  	[sflag:s15] =	ssyncset.done $0x0  }
0x21: {  	[sflag:s15] =	ssyncadd.s32 $0xFFFFF800  }
0x22: {  	[tilespmem:s17], [sflag:$0x5] =	stream.linear.gather [hbm4b:s9+s3], $0x800, $0x38;
	[tilespmem:$0x1D8C0] =	vst v63  }
0x23: {  	_ =	swait.ge [sflag:s15], $0x800  }
0x24: {  	[sflag:s15] =	ssyncset.done $0x0  }
0x25: {  	[sflag:s15] =	ssyncadd.s32 $0xFFFFF800  }
0x26: {  	[bflag:$0x0] =	sbarrier.arrive $0xFFFF  }
0x27: {  	p1 =	por $0x0, $0x0;
	s24 =	rddreg [dreg:$0x4]  }
0x28: {  	[tilespmem:s19], [sflag:$0x1] =	stream.indirect.gather [hbm4b:s1+s18], $0x80, s3, s18, $0xb8;
	[tilespmem:$0x1D8C0] =	vst v63  }
0x29: {  	s24 =	sadd.s32 @!p1 $0x0, s24  }
0x2a: {  	s25 =	sand.u32 @!p1 $0x800, s3;
	s26 =	sshrl.u32 @!p1 s24, $0x3  }
0x2b: {  	s28 =	simm.s32 @!p1 $0x0;
	s24 =	sxor.u32 @!p1 $0x800, s25;
	s26 =	sadd.s32 @!p1 s4, s26  }
0x2c: {  	[tilespmem:s24], [sflag:$0x3] =	stream.linear.gather @!p1 [hbm4b:s26+s28], $0x800, $0x38;
	[tilespmem:$0x1D8C0] =	vst v63  }
0x2d: {  	s25 =	simm.s32 @p1 $0x0;
	s26 =	sor.u32 @!p1 $0x1000, s24  }
0x2e: {  	[tilespmem:s26], [sflag:$0x4] =	stream.linear.gather @!p1 [hbm4b:s13+s28], $0x800, $0x38;
	[tilespmem:$0x1D8C0] =	vst v63  }
0x2f: {  	s30 =	sor.u32 $0x80, s25  }
0x30: {  	[tilespmem:s20], [sflag:$0x2] =	stream.indirect.gather [hbm4b:s1+s18], $0x80, s30, s18, $0xb8;
	[tilespmem:$0x1D8C0] =	vst v63  }
0x31: {  	_ =	swait.ge [sflag:s21], $0x4000  }
0x32: {  	[sflag:s21] =	ssyncset.done $0x0  }
0x33: {  	s31 =	sor.u32 $0x1000, s25;
	[sflag:s21] =	ssyncadd.s32 $0xFFFFC000  }
0x34: {  	[spmem:s2] =	stream.indirect.scatter.add.f32 [tilespmem:s19], [sflag:$0x5], $0x80, s31, s18, $0xb8;
	[tilespmem:$0x1D8C0] =	vst v63  }
0x35: {  	_ =	swait.ge [sflag:s15], $0x4000  }
0x36: {  	[sflag:s15] =	ssyncset.done $0x0  }
0x37: {  	s28 =	sadd.s32 $0x100, s25;
	[sflag:s15] =	ssyncadd.s32 $0xFFFFC000  }
0x38: {  	[tilespmem:s19], [sflag:$0x1] =	stream.indirect.gather [hbm4b:s1+s18], $0x80, s28, s18, $0xb8;
	[tilespmem:$0x1D8C0] =	vst v63  }
0x39: {  	_ =	swait.ge [sflag:s22], $0x4000  }
0x3a: {  	[sflag:s22] =	ssyncset.done $0x0  }
0x3b: {  	s29 =	sor.u32 $0x1080, s25;
	[sflag:s22] =	ssyncadd.s32 $0xFFFFC000  }
0x3c: {  	[spmem:s2] =	stream.indirect.scatter.add.f32 [tilespmem:s20], [sflag:$0x5], $0x80, s29, s18, $0xb8;
	[tilespmem:$0x1D8C0] =	vst v63  }
0x3d: {  	_ =	swait.ge [sflag:s15], $0x4000  }
0x3e: {  	[sflag:s15] =	ssyncset.done $0x0  }
0x3f: {  	s30 =	sor.u32 $0x180, s25;
	[sflag:s15] =	ssyncadd.s32 $0xFFFFC000  }
0x40: {  	[tilespmem:s20], [sflag:$0x2] =	stream.indirect.gather [hbm4b:s1+s18], $0x80, s30, s18, $0xb8;
	[tilespmem:$0x1D8C0] =	vst v63  }
0x41: {  	_ =	swait.ge [sflag:s21], $0x4000  }
0x42: {  	[sflag:s21] =	ssyncset.done $0x0  }
0x43: {  	s31 =	sadd.s32 $0x1100, s25;
	[sflag:s21] =	ssyncadd.s32 $0xFFFFC000  }
0x44: {  	[spmem:s2] =	stream.indirect.scatter.add.f32 [tilespmem:s19], [sflag:$0x5], $0x80, s31, s18, $0xb8;
	[tilespmem:$0x1D8C0] =	vst v63  }
0x45: {  	_ =	swait.ge [sflag:s15], $0x4000  }
0x46: {  	[sflag:s15] =	ssyncset.done $0x0  }
0x47: {  	s28 =	sadd.s32 $0x200, s25;
	[sflag:s15] =	ssyncadd.s32 $0xFFFFC000  }
0x48: {  	[tilespmem:s19], [sflag:$0x1] =	stream.indirect.gather [hbm4b:s1+s18], $0x80, s28, s18, $0xb8;
	[tilespmem:$0x1D8C0] =	vst v63  }
0x49: {  	_ =	swait.ge [sflag:s22], $0x4000  }
0x4a: {  	[sflag:s22] =	ssyncset.done $0x0  }
0x4b: {  	s29 =	sor.u32 $0x1180, s25;
	[sflag:s22] =	ssyncadd.s32 $0xFFFFC000  }
0x4c: {  	[spmem:s2] =	stream.indirect.scatter.add.f32 [tilespmem:s20], [sflag:$0x5], $0x80, s29, s18, $0xb8;
	[tilespmem:$0x1D8C0] =	vst v63  }
0x4d: {  	_ =	swait.ge [sflag:s15], $0x4000  }
0x4e: {  	[sflag:s15] =	ssyncset.done $0x0  }
0x4f: {  	s30 =	sor.u32 $0x280, s25;
	[sflag:s15] =	ssyncadd.s32 $0xFFFFC000  }
0x50: {  	[tilespmem:s20], [sflag:$0x2] =	stream.indirect.gather [hbm4b:s1+s18], $0x80, s30, s18, $0xb8;
	[tilespmem:$0x1D8C0] =	vst v63  }
0x51: {  	_ =	swait.ge [sflag:s21], $0x4000  }
0x52: {  	[sflag:s21] =	ssyncset.done $0x0  }
0x53: {  	s31 =	sadd.s32 $0x1200, s25;
	[sflag:s21] =	ssyncadd.s32 $0xFFFFC000  }
0x54: {  	[spmem:s2] =	stream.indirect.scatter.add.f32 [tilespmem:s19], [sflag:$0x5], $0x80, s31, s18, $0xb8;
	[tilespmem:$0x1D8C0] =	vst v63  }
0x55: {  	_ =	swait.ge [sflag:s15], $0x4000  }
0x56: {  	[sflag:s15] =	ssyncset.done $0x0  }
0x57: {  	s28 =	sadd.s32 $0x300, s25;
	[sflag:s15] =	ssyncadd.s32 $0xFFFFC000  }
0x58: {  	[tilespmem:s19], [sflag:$0x1] =	stream.indirect.gather [hbm4b:s1+s18], $0x80, s28, s18, $0xb8;
	[tilespmem:$0x1D8C0] =	vst v63  }
0x59: {  	_ =	swait.ge [sflag:s22], $0x4000  }
0x5a: {  	[sflag:s22] =	ssyncset.done $0x0  }
0x5b: {  	s29 =	sor.u32 $0x1280, s25;
	[sflag:s22] =	ssyncadd.s32 $0xFFFFC000  }
0x5c: {  	[spmem:s2] =	stream.indirect.scatter.add.f32 [tilespmem:s20], [sflag:$0x5], $0x80, s29, s18, $0xb8;
	[tilespmem:$0x1D8C0] =	vst v63  }
0x5d: {  	_ =	swait.ge [sflag:s15], $0x4000  }
0x5e: {  	[sflag:s15] =	ssyncset.done $0x0  }
0x5f: {  	s30 =	sor.u32 $0x380, s25;
	[sflag:s15] =	ssyncadd.s32 $0xFFFFC000  }
0x60: {  	[tilespmem:s20], [sflag:$0x2] =	stream.indirect.gather [hbm4b:s1+s18], $0x80, s30, s18, $0xb8;
	[tilespmem:$0x1D8C0] =	vst v63  }
0x61: {  	_ =	swait.ge [sflag:s21], $0x4000  }
0x62: {  	[sflag:s21] =	ssyncset.done $0x0  }
0x63: {  	s31 =	sadd.s32 $0x1300, s25;
	[sflag:s21] =	ssyncadd.s32 $0xFFFFC000  }
0x64: {  	[spmem:s2] =	stream.indirect.scatter.add.f32 [tilespmem:s19], [sflag:$0x5], $0x80, s31, s18, $0xb8;
	[tilespmem:$0x1D8C0] =	vst v63  }
0x65: {  	_ =	swait.ge [sflag:s15], $0x4000  }
0x66: {  	[sflag:s15] =	ssyncset.done $0x0  }
0x67: {  	s28 =	sadd.s32 $0x400, s25;
	[sflag:s15] =	ssyncadd.s32 $0xFFFFC000  }
0x68: {  	[tilespmem:s19], [sflag:$0x1] =	stream.indirect.gather [hbm4b:s1+s18], $0x80, s28, s18, $0xb8;
	[tilespmem:$0x1D8C0] =	vst v63  }
0x69: {  	_ =	swait.ge [sflag:s22], $0x4000  }
0x6a: {  	[sflag:s22] =	ssyncset.done $0x0  }
0x6b: {  	s29 =	sor.u32 $0x1380, s25;
	[sflag:s22] =	ssyncadd.s32 $0xFFFFC000  }
0x6c: {  	[spmem:s2] =	stream.indirect.scatter.add.f32 [tilespmem:s20], [sflag:$0x5], $0x80, s29, s18, $0xb8;
	[tilespmem:$0x1D8C0] =	vst v63  }
0x6d: {  	_ =	swait.ge [sflag:s15], $0x4000  }
0x6e: {  	[sflag:s15] =	ssyncset.done $0x0  }
0x6f: {  	s30 =	sor.u32 $0x480, s25;
	[sflag:s15] =	ssyncadd.s32 $0xFFFFC000  }
0x70: {  	[tilespmem:s20], [sflag:$0x2] =	stream.indirect.gather [hbm4b:s1+s18], $0x80, s30, s18, $0xb8;
	[tilespmem:$0x1D8C0] =	vst v63  }
0x71: {  	_ =	swait.ge [sflag:s21], $0x4000  }
0x72: {  	[sflag:s21] =	ssyncset.done $0x0  }
0x73: {  	s31 =	sadd.s32 $0x1400, s25;
	[sflag:s21] =	ssyncadd.s32 $0xFFFFC000  }
0x74: {  	[spmem:s2] =	stream.indirect.scatter.add.f32 [tilespmem:s19], [sflag:$0x5], $0x80, s31, s18, $0xb8;
	[tilespmem:$0x1D8C0] =	vst v63  }
0x75: {  	_ =	swait.ge [sflag:s15], $0x4000  }
0x76: {  	[sflag:s15] =	ssyncset.done $0x0  }
0x77: {  	s28 =	sadd.s32 $0x500, s25;
	[sflag:s15] =	ssyncadd.s32 $0xFFFFC000  }
0x78: {  	[tilespmem:s19], [sflag:$0x1] =	stream.indirect.gather [hbm4b:s1+s18], $0x80, s28, s18, $0xb8;
	[tilespmem:$0x1D8C0] =	vst v63  }
0x79: {  	_ =	swait.ge [sflag:s22], $0x4000  }
0x7a: {  	[sflag:s22] =	ssyncset.done $0x0  }
0x7b: {  	s29 =	sor.u32 $0x1480, s25;
	[sflag:s22] =	ssyncadd.s32 $0xFFFFC000  }
0x7c: {  	[spmem:s2] =	stream.indirect.scatter.add.f32 [tilespmem:s20], [sflag:$0x5], $0x80, s29, s18, $0xb8;
	[tilespmem:$0x1D8C0] =	vst v63  }
0x7d: {  	_ =	swait.ge [sflag:s15], $0x4000  }
0x7e: {  	[sflag:s15] =	ssyncset.done $0x0  }
0x7f: {  	s30 =	sor.u32 $0x580, s25;
	[sflag:s15] =	ssyncadd.s32 $0xFFFFC000  }
0x80: {  	[tilespmem:s20], [sflag:$0x2] =	stream.indirect.gather [hbm4b:s1+s18], $0x80, s30, s18, $0xb8;
	[tilespmem:$0x1D8C0] =	vst v63  }
0x81: {  	_ =	swait.ge [sflag:s21], $0x4000  }
0x82: {  	[sflag:s21] =	ssyncset.done $0x0  }
0x83: {  	s31 =	sadd.s32 $0x1500, s25;
	[sflag:s21] =	ssyncadd.s32 $0xFFFFC000  }
0x84: {  	[spmem:s2] =	stream.indirect.scatter.add.f32 [tilespmem:s19], [sflag:$0x5], $0x80, s31, s18, $0xb8;
	[tilespmem:$0x1D8C0] =	vst v63  }
0x85: {  	_ =	swait.ge [sflag:s15], $0x4000  }
0x86: {  	[sflag:s15] =	ssyncset.done $0x0  }
0x87: {  	s28 =	sadd.s32 $0x600, s25;
	[sflag:s15] =	ssyncadd.s32 $0xFFFFC000  }
0x88: {  	[tilespmem:s19], [sflag:$0x1] =	stream.indirect.gather [hbm4b:s1+s18], $0x80, s28, s18, $0xb8;
	[tilespmem:$0x1D8C0] =	vst v63  }
0x89: {  	_ =	swait.ge [sflag:s22], $0x4000  }
0x8a: {  	[sflag:s22] =	ssyncset.done $0x0  }
0x8b: {  	s29 =	sor.u32 $0x1580, s25;
	[sflag:s22] =	ssyncadd.s32 $0xFFFFC000  }
0x8c: {  	[spmem:s2] =	stream.indirect.scatter.add.f32 [tilespmem:s20], [sflag:$0x5], $0x80, s29, s18, $0xb8;
	[tilespmem:$0x1D8C0] =	vst v63  }
0x8d: {  	_ =	swait.ge [sflag:s15], $0x4000  }
0x8e: {  	[sflag:s15] =	ssyncset.done $0x0  }
0x8f: {  	s30 =	sor.u32 $0x680, s25;
	[sflag:s15] =	ssyncadd.s32 $0xFFFFC000  }
0x90: {  	[tilespmem:s20], [sflag:$0x2] =	stream.indirect.gather [hbm4b:s1+s18], $0x80, s30, s18, $0xb8;
	[tilespmem:$0x1D8C0] =	vst v63  }
0x91: {  	_ =	swait.ge [sflag:s21], $0x4000  }
0x92: {  	[sflag:s21] =	ssyncset.done $0x0  }
0x93: {  	s31 =	sadd.s32 $0x1600, s25;
	[sflag:s21] =	ssyncadd.s32 $0xFFFFC000  }
0x94: {  	[spmem:s2] =	stream.indirect.scatter.add.f32 [tilespmem:s19], [sflag:$0x5], $0x80, s31, s18, $0xb8;
	[tilespmem:$0x1D8C0] =	vst v63  }
0x95: {  	_ =	swait.ge [sflag:s15], $0x4000  }
0x96: {  	[sflag:s15] =	ssyncset.done $0x0  }
0x97: {  	s28 =	sadd.s32 $0x700, s25;
	[sflag:s15] =	ssyncadd.s32 $0xFFFFC000  }
0x98: {  	[tilespmem:s19], [sflag:$0x1] =	stream.indirect.gather [hbm4b:s1+s18], $0x80, s28, s18, $0xb8;
	[tilespmem:$0x1D8C0] =	vst v63  }
0x99: {  	_ =	swait.ge [sflag:s22], $0x4000  }
0x9a: {  	[sflag:s22] =	ssyncset.done $0x0  }
0x9b: {  	s29 =	sor.u32 $0x1680, s25;
	[sflag:s22] =	ssyncadd.s32 $0xFFFFC000  }
0x9c: {  	[spmem:s2] =	stream.indirect.scatter.add.f32 [tilespmem:s20], [sflag:$0x5], $0x80, s29, s18, $0xb8;
	[tilespmem:$0x1D8C0] =	vst v63  }
0x9d: {  	_ =	swait.ge [sflag:s15], $0x4000  }
0x9e: {  	[sflag:s15] =	ssyncset.done $0x0  }
0x9f: {  	s30 =	sor.u32 $0x780, s25;
	[sflag:s15] =	ssyncadd.s32 $0xFFFFC000  }
0xa0: {  	[tilespmem:s20], [sflag:$0x2] =	stream.indirect.gather [hbm4b:s1+s18], $0x80, s30, s18, $0xb8;
	[tilespmem:$0x1D8C0] =	vst v63  }
0xa1: {  	_ =	swait.ge [sflag:s21], $0x4000  }
0xa2: {  	[sflag:s21] =	ssyncset.done $0x0  }
0xa3: {  	s25 =	sadd.s32 $0x1700, s25;
	[sflag:s21] =	ssyncadd.s32 $0xFFFFC000  }
0xa4: {  	[spmem:s2] =	stream.indirect.scatter.add.f32 [tilespmem:s19], [sflag:$0x5], $0x80, s25, s18, $0xb8;
	[tilespmem:$0x1D8C0] =	vst v63  }
0xa5: {  	_ =	swait.ge [sflag:s15], $0x4000  }
0xa6: {  	[sflag:s15] =	ssyncset.done $0x0  }
0xa7: {  	s25 =	simm.s32 @!p1 $0x3;
	[sflag:s15] =	ssyncadd.s32 $0xFFFFC000  }
0xa8: {  	_ =	swait.ge @!p1 [sflag:s25], $0x800  }
0xa9: {  	[sflag:s25] =	ssyncset.done @!p1 $0x0  }
0xaa: {  	[sflag:s25] =	ssyncadd.s32 @!p1 $0xFFFFF800;
	s25 =	simm.s32 @!p1 $0x4  }
0xab: {  	_ =	swait.ge @!p1 [sflag:s25], $0x800  }
0xac: {  	s24 =	simm.s32 @p1 $0x800;
	[sflag:s25] =	ssyncset.done @!p1 $0x0  }
0xad: {  	s28 =	simm.s32 @!p1 $0x2000;
	[sflag:s25] =	ssyncadd.s32 @!p1 $0xFFFFF800;
	s25 =	simm.s32 @!p1 $0x80  }
0xae: {  	[tilespmem:s28], [sflag:$0x1] =	stream.indirect.gather @!p1 [hbm4b:s1+s25], $0x80, s24, s25, $0xb8;
	[tilespmem:$0x1D8C0] =	vst v63  }
0xaf: {  	_ =	swait.ge [sflag:s22], $0x4000  }
0xb0: {  	[sflag:s22] =	ssyncset.done $0x0  }
0xb1: {  	s31 =	sor.u32 $0x1000, s30;
	[sflag:s22] =	ssyncadd.s32 $0xFFFFC000  }
0xb2: {  	[spmem:s2] =	stream.indirect.scatter.add.f32 [tilespmem:s20], [sflag:$0x5], $0x80, s31, s18, $0xb8;
	[tilespmem:$0x1D8C0] =	vst v63  }
0xb3: {  	s24 =	simm.s32 $0x800;
	s25 =	smov.u32 s13;
	_ =	swait.ge [sflag:s15], $0x4000  }
.LBB2_2:
0xb4: {  	s28 =	smov.u32 s24  }
0xb5: {  	s26 =	rddreg [dreg:$0x4];
	p2 =	seq.s32 s28, $0x2000  }
0xb6: {  	[sflag:s15] =	ssyncset.done $0x0;
	s29 =	sadd.s32 @!p2 s28, s26  }
0xb7: {  	[sflag:s15] =	ssyncadd.s32 $0xFFFFC000;
	s28 =	sand.u32 @!p2 $0x800, s28;
	s29 =	sshrl.u32 @!p2 s29, $0x3  }
0xb8: {  	s30 =	simm.s32 @!p2 $0x0;
	s26 =	sxor.u32 @!p2 $0x800, s28;
	s29 =	sadd.s32 @!p2 s4, s29  }
0xb9: {  	[tilespmem:s26], [sflag:$0x3] =	stream.linear.gather @!p2 [hbm4b:s29+s30], $0x800, $0x38;
	[tilespmem:$0x1D8C0] =	vst v63  }
0xba: {  	s25 =	sadd.s32 $0x100, s25;
	s28 =	simm.s32 @p2 $0x0;
	s29 =	sor.u32 @!p2 $0x1000, s26  }
0xbb: {  	[tilespmem:s29], [sflag:$0x4] =	stream.linear.gather @!p2 [hbm4b:s25+s30], $0x800, $0x38;
	[tilespmem:$0x1D8C0] =	vst v63  }
0xbc: {  	s31 =	sor.u32 $0x80, s28  }
0xbd: {  	[tilespmem:s20], [sflag:$0x2] =	stream.indirect.gather [hbm4b:s1+s18], $0x80, s31, s18, $0xb8;
	[tilespmem:$0x1D8C0] =	vst v63  }
0xbe: {  	_ =	swait.ge [sflag:s21], $0x4000  }
0xbf: {  	[sflag:s21] =	ssyncset.done $0x0  }
0xc0: {  	s30 =	sor.u32 $0x1000, s28;
	[sflag:s21] =	ssyncadd.s32 $0xFFFFC000  }
0xc1: {  	[spmem:s2] =	stream.indirect.scatter.add.f32 [tilespmem:s19], [sflag:$0x5], $0x80, s30, s18, $0xb8;
	[tilespmem:$0x1D8C0] =	vst v63  }
0xc2: {  	_ =	swait.ge [sflag:s15], $0x4000  }
0xc3: {  	[sflag:s15] =	ssyncset.done $0x0  }
0xc4: {  	s31 =	sadd.s32 $0x100, s28;
	[sflag:s15] =	ssyncadd.s32 $0xFFFFC000  }
0xc5: {  	[tilespmem:s19], [sflag:$0x1] =	stream.indirect.gather [hbm4b:s1+s18], $0x80, s31, s18, $0xb8;
	[tilespmem:$0x1D8C0] =	vst v63  }
0xc6: {  	_ =	swait.ge [sflag:s22], $0x4000  }
0xc7: {  	[sflag:s22] =	ssyncset.done $0x0  }
0xc8: {  	s30 =	sor.u32 $0x1080, s28;
	[sflag:s22] =	ssyncadd.s32 $0xFFFFC000  }
0xc9: {  	[spmem:s2] =	stream.indirect.scatter.add.f32 [tilespmem:s20], [sflag:$0x5], $0x80, s30, s18, $0xb8;
	[tilespmem:$0x1D8C0] =	vst v63  }
0xca: {  	_ =	swait.ge [sflag:s15], $0x4000  }
0xcb: {  	[sflag:s15] =	ssyncset.done $0x0  }
0xcc: {  	s31 =	sor.u32 $0x180, s28;
	[sflag:s15] =	ssyncadd.s32 $0xFFFFC000  }
0xcd: {  	[tilespmem:s20], [sflag:$0x2] =	stream.indirect.gather [hbm4b:s1+s18], $0x80, s31, s18, $0xb8;
	[tilespmem:$0x1D8C0] =	vst v63  }
0xce: {  	_ =	swait.ge [sflag:s21], $0x4000  }
0xcf: {  	[sflag:s21] =	ssyncset.done $0x0  }
0xd0: {  	s30 =	sadd.s32 $0x1100, s28;
	[sflag:s21] =	ssyncadd.s32 $0xFFFFC000  }
0xd1: {  	[spmem:s2] =	stream.indirect.scatter.add.f32 [tilespmem:s19], [sflag:$0x5], $0x80, s30, s18, $0xb8;
	[tilespmem:$0x1D8C0] =	vst v63  }
0xd2: {  	_ =	swait.ge [sflag:s15], $0x4000  }
0xd3: {  	[sflag:s15] =	ssyncset.done $0x0  }
0xd4: {  	s31 =	sadd.s32 $0x200, s28;
	[sflag:s15] =	ssyncadd.s32 $0xFFFFC000  }
0xd5: {  	[tilespmem:s19], [sflag:$0x1] =	stream.indirect.gather [hbm4b:s1+s18], $0x80, s31, s18, $0xb8;
	[tilespmem:$0x1D8C0] =	vst v63  }
0xd6: {  	_ =	swait.ge [sflag:s22], $0x4000  }
0xd7: {  	[sflag:s22] =	ssyncset.done $0x0  }
0xd8: {  	s30 =	sor.u32 $0x1180, s28;
	[sflag:s22] =	ssyncadd.s32 $0xFFFFC000  }
0xd9: {  	[spmem:s2] =	stream.indirect.scatter.add.f32 [tilespmem:s20], [sflag:$0x5], $0x80, s30, s18, $0xb8;
	[tilespmem:$0x1D8C0] =	vst v63  }
0xda: {  	_ =	swait.ge [sflag:s15], $0x4000  }
0xdb: {  	[sflag:s15] =	ssyncset.done $0x0  }
0xdc: {  	s31 =	sor.u32 $0x280, s28;
	[sflag:s15] =	ssyncadd.s32 $0xFFFFC000  }
0xdd: {  	[tilespmem:s20], [sflag:$0x2] =	stream.indirect.gather [hbm4b:s1+s18], $0x80, s31, s18, $0xb8;
	[tilespmem:$0x1D8C0] =	vst v63  }
0xde: {  	_ =	swait.ge [sflag:s21], $0x4000  }
0xdf: {  	[sflag:s21] =	ssyncset.done $0x0  }
0xe0: {  	s30 =	sadd.s32 $0x1200, s28;
	[sflag:s21] =	ssyncadd.s32 $0xFFFFC000  }
0xe1: {  	[spmem:s2] =	stream.indirect.scatter.add.f32 [tilespmem:s19], [sflag:$0x5], $0x80, s30, s18, $0xb8;
	[tilespmem:$0x1D8C0] =	vst v63  }
0xe2: {  	_ =	swait.ge [sflag:s15], $0x4000  }
0xe3: {  	[sflag:s15] =	ssyncset.done $0x0  }
0xe4: {  	s31 =	sadd.s32 $0x300, s28;
	[sflag:s15] =	ssyncadd.s32 $0xFFFFC000  }
0xe5: {  	[tilespmem:s19], [sflag:$0x1] =	stream.indirect.gather [hbm4b:s1+s18], $0x80, s31, s18, $0xb8;
	[tilespmem:$0x1D8C0] =	vst v63  }
0xe6: {  	_ =	swait.ge [sflag:s22], $0x4000  }
0xe7: {  	[sflag:s22] =	ssyncset.done $0x0  }
0xe8: {  	s30 =	sor.u32 $0x1280, s28;
	[sflag:s22] =	ssyncadd.s32 $0xFFFFC000  }
0xe9: {  	[spmem:s2] =	stream.indirect.scatter.add.f32 [tilespmem:s20], [sflag:$0x5], $0x80, s30, s18, $0xb8;
	[tilespmem:$0x1D8C0] =	vst v63  }
0xea: {  	_ =	swait.ge [sflag:s15], $0x4000  }
0xeb: {  	[sflag:s15] =	ssyncset.done $0x0  }
0xec: {  	s31 =	sor.u32 $0x380, s28;
	[sflag:s15] =	ssyncadd.s32 $0xFFFFC000  }
0xed: {  	[tilespmem:s20], [sflag:$0x2] =	stream.indirect.gather [hbm4b:s1+s18], $0x80, s31, s18, $0xb8;
	[tilespmem:$0x1D8C0] =	vst v63  }
0xee: {  	_ =	swait.ge [sflag:s21], $0x4000  }
0xef: {  	[sflag:s21] =	ssyncset.done $0x0  }
0xf0: {  	s30 =	sadd.s32 $0x1300, s28;
	[sflag:s21] =	ssyncadd.s32 $0xFFFFC000  }
0xf1: {  	[spmem:s2] =	stream.indirect.scatter.add.f32 [tilespmem:s19], [sflag:$0x5], $0x80, s30, s18, $0xb8;
	[tilespmem:$0x1D8C0] =	vst v63  }
0xf2: {  	_ =	swait.ge [sflag:s15], $0x4000  }
0xf3: {  	[sflag:s15] =	ssyncset.done $0x0  }
0xf4: {  	s31 =	sadd.s32 $0x400, s28;
	[sflag:s15] =	ssyncadd.s32 $0xFFFFC000  }
0xf5: {  	[tilespmem:s19], [sflag:$0x1] =	stream.indirect.gather [hbm4b:s1+s18], $0x80, s31, s18, $0xb8;
	[tilespmem:$0x1D8C0] =	vst v63  }
0xf6: {  	_ =	swait.ge [sflag:s22], $0x4000  }
0xf7: {  	[sflag:s22] =	ssyncset.done $0x0  }
0xf8: {  	s30 =	sor.u32 $0x1380, s28;
	[sflag:s22] =	ssyncadd.s32 $0xFFFFC000  }
0xf9: {  	[spmem:s2] =	stream.indirect.scatter.add.f32 [tilespmem:s20], [sflag:$0x5], $0x80, s30, s18, $0xb8;
	[tilespmem:$0x1D8C0] =	vst v63  }
0xfa: {  	_ =	swait.ge [sflag:s15], $0x4000  }
0xfb: {  	[sflag:s15] =	ssyncset.done $0x0  }
0xfc: {  	s31 =	sor.u32 $0x480, s28;
	[sflag:s15] =	ssyncadd.s32 $0xFFFFC000  }
0xfd: {  	[tilespmem:s20], [sflag:$0x2] =	stream.indirect.gather [hbm4b:s1+s18], $0x80, s31, s18, $0xb8;
	[tilespmem:$0x1D8C0] =	vst v63  }
0xfe: {  	_ =	swait.ge [sflag:s21], $0x4000  }
0xff: {  	[sflag:s21] =	ssyncset.done $0x0  }
0x100: {  	s30 =	sadd.s32 $0x1400, s28;
	[sflag:s21] =	ssyncadd.s32 $0xFFFFC000  }
0x101: {  	[spmem:s2] =	stream.indirect.scatter.add.f32 [tilespmem:s19], [sflag:$0x5], $0x80, s30, s18, $0xb8;
	[tilespmem:$0x1D8C0] =	vst v63  }
0x102: {  	_ =	swait.ge [sflag:s15], $0x4000  }
0x103: {  	[sflag:s15] =	ssyncset.done $0x0  }
0x104: {  	s31 =	sadd.s32 $0x500, s28;
	[sflag:s15] =	ssyncadd.s32 $0xFFFFC000  }
0x105: {  	[tilespmem:s19], [sflag:$0x1] =	stream.indirect.gather [hbm4b:s1+s18], $0x80, s31, s18, $0xb8;
	[tilespmem:$0x1D8C0] =	vst v63  }
0x106: {  	_ =	swait.ge [sflag:s22], $0x4000  }
0x107: {  	[sflag:s22] =	ssyncset.done $0x0  }
0x108: {  	s30 =	sor.u32 $0x1480, s28;
	[sflag:s22] =	ssyncadd.s32 $0xFFFFC000  }
0x109: {  	[spmem:s2] =	stream.indirect.scatter.add.f32 [tilespmem:s20], [sflag:$0x5], $0x80, s30, s18, $0xb8;
	[tilespmem:$0x1D8C0] =	vst v63  }
0x10a: {  	_ =	swait.ge [sflag:s15], $0x4000  }
0x10b: {  	[sflag:s15] =	ssyncset.done $0x0  }
0x10c: {  	s31 =	sor.u32 $0x580, s28;
	[sflag:s15] =	ssyncadd.s32 $0xFFFFC000  }
0x10d: {  	[tilespmem:s20], [sflag:$0x2] =	stream.indirect.gather [hbm4b:s1+s18], $0x80, s31, s18, $0xb8;
	[tilespmem:$0x1D8C0] =	vst v63  }
0x10e: {  	_ =	swait.ge [sflag:s21], $0x4000  }
0x10f: {  	[sflag:s21] =	ssyncset.done $0x0  }
0x110: {  	s30 =	sadd.s32 $0x1500, s28;
	[sflag:s21] =	ssyncadd.s32 $0xFFFFC000  }
0x111: {  	[spmem:s2] =	stream.indirect.scatter.add.f32 [tilespmem:s19], [sflag:$0x5], $0x80, s30, s18, $0xb8;
	[tilespmem:$0x1D8C0] =	vst v63  }
0x112: {  	_ =	swait.ge [sflag:s15], $0x4000  }
0x113: {  	[sflag:s15] =	ssyncset.done $0x0  }
0x114: {  	s31 =	sadd.s32 $0x600, s28;
	[sflag:s15] =	ssyncadd.s32 $0xFFFFC000  }
0x115: {  	[tilespmem:s19], [sflag:$0x1] =	stream.indirect.gather [hbm4b:s1+s18], $0x80, s31, s18, $0xb8;
	[tilespmem:$0x1D8C0] =	vst v63  }
0x116: {  	_ =	swait.ge [sflag:s22], $0x4000  }
0x117: {  	[sflag:s22] =	ssyncset.done $0x0  }
0x118: {  	s30 =	sor.u32 $0x1580, s28;
	[sflag:s22] =	ssyncadd.s32 $0xFFFFC000  }
0x119: {  	[spmem:s2] =	stream.indirect.scatter.add.f32 [tilespmem:s20], [sflag:$0x5], $0x80, s30, s18, $0xb8;
	[tilespmem:$0x1D8C0] =	vst v63  }
0x11a: {  	_ =	swait.ge [sflag:s15], $0x4000  }
0x11b: {  	[sflag:s15] =	ssyncset.done $0x0  }
0x11c: {  	s31 =	sor.u32 $0x680, s28;
	[sflag:s15] =	ssyncadd.s32 $0xFFFFC000  }
0x11d: {  	[tilespmem:s20], [sflag:$0x2] =	stream.indirect.gather [hbm4b:s1+s18], $0x80, s31, s18, $0xb8;
	[tilespmem:$0x1D8C0] =	vst v63  }
0x11e: {  	_ =	swait.ge [sflag:s21], $0x4000  }
0x11f: {  	[sflag:s21] =	ssyncset.done $0x0  }
0x120: {  	s30 =	sadd.s32 $0x1600, s28;
	[sflag:s21] =	ssyncadd.s32 $0xFFFFC000  }
0x121: {  	[spmem:s2] =	stream.indirect.scatter.add.f32 [tilespmem:s19], [sflag:$0x5], $0x80, s30, s18, $0xb8;
	[tilespmem:$0x1D8C0] =	vst v63  }
0x122: {  	_ =	swait.ge [sflag:s15], $0x4000  }
0x123: {  	[sflag:s15] =	ssyncset.done $0x0  }
0x124: {  	s31 =	sadd.s32 $0x700, s28;
	[sflag:s15] =	ssyncadd.s32 $0xFFFFC000  }
0x125: {  	[tilespmem:s19], [sflag:$0x1] =	stream.indirect.gather [hbm4b:s1+s18], $0x80, s31, s18, $0xb8;
	[tilespmem:$0x1D8C0] =	vst v63  }
0x126: {  	_ =	swait.ge [sflag:s22], $0x4000  }
0x127: {  	[sflag:s22] =	ssyncset.done $0x0  }
0x128: {  	s30 =	sor.u32 $0x1680, s28;
	[sflag:s22] =	ssyncadd.s32 $0xFFFFC000  }
0x129: {  	[spmem:s2] =	stream.indirect.scatter.add.f32 [tilespmem:s20], [sflag:$0x5], $0x80, s30, s18, $0xb8;
	[tilespmem:$0x1D8C0] =	vst v63  }
0x12a: {  	_ =	swait.ge [sflag:s15], $0x4000  }
0x12b: {  	[sflag:s15] =	ssyncset.done $0x0  }
0x12c: {  	s31 =	sor.u32 $0x780, s28;
	[sflag:s15] =	ssyncadd.s32 $0xFFFFC000  }
0x12d: {  	[tilespmem:s20], [sflag:$0x2] =	stream.indirect.gather [hbm4b:s1+s18], $0x80, s31, s18, $0xb8;
	[tilespmem:$0x1D8C0] =	vst v63  }
0x12e: {  	_ =	swait.ge [sflag:s21], $0x4000  }
0x12f: {  	[sflag:s21] =	ssyncset.done $0x0  }
0x130: {  	s28 =	sadd.s32 $0x1700, s28;
	[sflag:s21] =	ssyncadd.s32 $0xFFFFC000  }
0x131: {  	[spmem:s2] =	stream.indirect.scatter.add.f32 [tilespmem:s19], [sflag:$0x5], $0x80, s28, s18, $0xb8;
	[tilespmem:$0x1D8C0] =	vst v63  }
0x132: {  	_ =	swait.ge [sflag:s15], $0x4000  }
0x133: {  	[sflag:s15] =	ssyncset.done $0x0  }
0x134: {  	s28 =	simm.s32 @!p2 $0x3;
	[sflag:s15] =	ssyncadd.s32 $0xFFFFC000  }
0x135: {  	_ =	swait.ge @!p2 [sflag:s28], $0x800  }
0x136: {  	[sflag:s28] =	ssyncset.done @!p2 $0x0  }
0x137: {  	[sflag:s28] =	ssyncadd.s32 @!p2 $0xFFFFF800;
	s28 =	simm.s32 @!p2 $0x4  }
0x138: {  	s24 =	sadd.s32 $0x800, s24;
	_ =	swait.ge @!p2 [sflag:s28], $0x800  }
0x139: {  	p1 =	sne.s32 s24, $0x2800;
	s26 =	simm.s32 @p2 $0x800;
	[sflag:s28] =	ssyncset.done @!p2 $0x0  }
0x13a: {  	s30 =	simm.s32 @!p2 $0x2000;
	[sflag:s28] =	ssyncadd.s32 @!p2 $0xFFFFF800;
	s28 =	simm.s32 @!p2 $0x80  }
0x13b: {  	[tilespmem:s30], [sflag:$0x1] =	stream.indirect.gather @!p2 [hbm4b:s1+s28], $0x80, s26, s28, $0xb8;
	[tilespmem:$0x1D8C0] =	vst v63  }
.Ltmp0:
0x13c: {  	_ =	swait.ge [sflag:s22], $0x4000;
	(pc) =	sbr.rel @p1 .LBB2_2-.Ltmp0, $4  }
0x13d: {  	[sflag:s22] =	ssyncset.done $0x0  }
0x13e: {  	s31 =	sor.u32 $0x1000, s31;
	[sflag:s22] =	ssyncadd.s32 $0xFFFFC000  }
0x13f: {  	[spmem:s2] =	stream.indirect.scatter.add.f32 [tilespmem:s20], [sflag:$0x5], $0x80, s31, s18, $0xb8;
	[tilespmem:$0x1D8C0] =	vst v63  }
0x140: {  	_ =	swait.ge [sflag:s15], $0x4000  }
0x141: {  	[sflag:s15] =	ssyncset.done $0x0  }
0x142: {  	[sflag:s15] =	ssyncadd.s32 $0xFFFFC000  }
0x143: {  	[bflag:$0x0] =	sbarrier.arrive $0xFFFF  }
0x144: {  	[hbm:s10], [sflag:s6] =	dma.local [spmem:s14], $0x2700  }
0x145: {  	s23 =	sadd.s32 $0x1, s23;
	_ =	swait.ge [sflag:s15], $0x2700  }
0x146: {  	p1 =	sne.s32 s23, s12;
	[sflag:s15] =	ssyncset.done $0x0  }
.Ltmp1:
0x147: {  	s24 =	simm.s32 @!p0 $0x5;
	[sflag:s15] =	ssyncadd.s32 $0xFFFFD900;
	(pc) =	sbr.rel @p1 .LBB2_1-.Ltmp1, $4  }
0x148: {  	[hbm:s11], [sflag:s6] =	dma.local @!p0 [spmem:s16], $0x100  }
0x149: {  	_ =	swait.ge @!p0 [sflag:s24], $0x100  }
0x14a: {  	[sflag:s24] =	ssyncset.done @!p0 $0x0  }
0x14b: {  	[sflag:s24] =	ssyncadd.s32 @!p0 $0xFFFFFF00  }
0x14c: {  	_ =	sfence.sel $0x180000  }
0x14d: {  	[bflag:$0x0] =	sbarrier.arrive $0xFFFF  }
0x14e: {  	_ =	strace $0x90000050  }
0x14f: {  	s0 =	sadd.s32 @!p0 $0x100000, s0;
	[bflag:$0x2] =	sbarrier.arrive $0xFFFF  }
0x150: {  	[sflag:s0] =	ssyncadd.tile.s32 @!p0 $0x1;
	_ =	shalt  }
.Lfunc_end2:
_tile_overlayer_lowered:
.L_overlay_start_2:
0x151: {  	(tag) =	ssettag $0x2  }
0x152: {  	s0 =	rddreg [dreg:$0x0];
	s2 =	stileid.u32  }
0x153: {  	s1 =	rddreg [dreg:$0x1];
	p0 =	sne.s32 s2, $0x0  }
0x154: {  	s3 =	rddreg [dreg:$0x2];
	[bflag:$0x3] =	sbarrier.arrive $0xFFFF;
	s2 =	simm.s32 @!p0 $0x1C05  }
0x155: {  	[timem:s3], [sflag:s2] =	dma.local @!p0 [hbm:s0], s1  }
0x156: {  	s0 =	simm.s32 @!p0 $0x5  }
0x157: {  	_ =	swait.ge @!p0 [sflag:s0], s1  }
0x158: {  	s1 =	ssub.s32 @!p0 $0x0, s1;
	[sflag:s0] =	ssyncset.done @!p0 $0x0  }
0x159: {  	[sflag:s0] =	ssyncadd.s32 @!p0 s1  }
0x15a: {  	[bflag:$0x3] =	sbarrier.arrive $0xFFFF  }
0x15b: {  	_ =	shalt  }

// kernel: kernel.27.cloned.1.call-start
scs
__scs_entry_jumppad:
0x0: {  	(pc) =	sbr.rel $0x88, $3  }
0x1: {  	(tag) =	ssettag $0x0;
	lr =	simm.s32 $0x1  }
0x2: {  	[smem:$0x3F91] =	sst lr;
	_ =	strace $0xD0000000  }
0x3: {  	_ = 	snop  }
0x4: {  	_ = 	snop  }
0x5: {  	_ = 	snop  }
0x6: {  	_ = 	snop  }
0x7: {  	_ = 	snop  }
__scs_overlays_trampoline_lowered:
0x8: {  	[smem:$0x3FA0] =	sst s0  }
0x9: {  	[smem:$0x3FA1] =	sst s1  }
0xa: {  	[smem:$0x3FA2] =	sst s2  }
0xb: {  	[smem:$0x3FA3] =	sst s3  }
0xc: {  	[smem:$0x3FA4] =	sst s4  }
0xd: {  	[smem:$0x3FA5] =	sst s5  }
0xe: {  	[smem:$0x3FA6] =	sst s6  }
0xf: {  	[smem:$0x3FA7] =	sst s7  }
0x10: {  	[smem:$0x3FA8] =	sst s8  }
0x11: {  	[smem:$0x3FA9] =	sst s9;
	s0 =	simm.s32 @!p0 $0x0  }
0x12: {  	s1 =	sld [smem:$0x3F8F];
	s0 =	simm.s32 @p0 $0x1  }
0x13: {  	[smem:$0x3FAA] =	sst s0;
	s0 =	simm.s32 @!p1 $0x0  }
0x14: {  	s2 =	sld [smem:$0x3F8E];
	s0 =	simm.s32 @p1 $0x1  }
0x15: {  	[smem:$0x3FAB] =	sst s0;
	s0 =	simm.s32 @!p2 $0x0  }
0x16: {  	s3 =	sld [smem:$0x3FDB];
	s0 =	simm.s32 @p2 $0x1  }
0x17: {  	s4 =	simm.s32 $0x1BF5;
	[smem:$0x3FAD] =	sst s0  }
0x18: {  	s0 =	sld [smem:$0x3F90];
	_ =	swait.ge [sflag:s4], $0x0  }
0x19: {  	s7 =	sld [smem:$0x3F91]  }
0x1a: {  	s8 =	sadd.s32 $0xFFFFE003, lr  }
0x1b: {  	s9 =	sadd.s32 $0xFFFFFEF7, lr;
	s5 =	simm.s32 $0xFFFFFFFF;
	p2 =	slt.u32 s8, $0xFFFFF086  }
0x1c: {  	p1 =	slt.u32 s9, $0xF7A;
	s5 =	simm.s32 @!p2 $0x0  }
0x1d: {  	s5 =	simm.s32 @p1 $0x1;
	p0 =	seq.s32 s7, s2  }
0x1e: {  	s7 =	smul.u32 @!p0 $0xF7A, s2;
	p2 =	seq.s32 @!p0 s5, $0x0  }
0x1f: {  	s9 =	smul.u32 $0xF7A, s1;
	s8 =	simm.s32 @!p0 $0x1BF5;
	p2 =	por !p2, p0  }
0x20: {  	[sflag:s8] =	ssyncset.s32 @!p0 $0xFFFFF086;
	s6 =	sadd.s32 @!p0 s3, s7;
	s7 =	simm.s32 @!p0 $0x108  }
0x21: {  	s3 =	sadd.s32 s3, s9;
	s6 =	sadd.s32 @!p0 $0x88, s6;
	s7 =	simm.s32 @p2 $0x1082  }
0x22: {  	[simem:s7], [sflag:s8] =	dma.local @!p0 [hbm:s6], $0xF7A  }
0x23: {  	s9 =	sor.u32 $0xD0000000, s2;
	s6 =	simm.s32 $0x108;
	_ =	swait.ge @!p0 [sflag:s8], $0x0  }
0x24: {  	s3 =	sadd.s32 $0x88, s3;
	s6 =	simm.s32 @!p1 $0x1082;
	[sflag:s4] =	ssyncset.s32 $0xFFFFF086  }
0x25: {  	[simem:s6], [sflag:s4] =	dma.local [hbm:s3], $0xF7A  }
0x26: {  	[smem:$0x3F91] =	sst s1;
	(tag) =	ssettag s2;
	_ =	strace s9  }
0x27: {  	s1 =	sld [smem:$0x3FA1]  }
0x28: {  	s2 =	sld [smem:$0x3FA2]  }
0x29: {  	s4 =	sld [smem:$0x3FA4]  }
0x2a: {  	p0 =	seq.s32 s5, $0x0;
	s5 =	sld [smem:$0x3FA5]  }
0x2b: {  	s6 =	sld [smem:$0x3FA6]  }
0x2c: {  	s7 =	sld [smem:$0x3FA7]  }
0x2d: {  	s3 =	simm.s32 $0x108;
	s8 =	sld [smem:$0x3FA8]  }
0x2e: {  	s3 =	simm.s32 @!p0 $0x1082;
	s9 =	sld [smem:$0x3FA9]  }
0x2f: {  	lr =	sadd.s32 s0, s3;
	s0 =	sld [smem:$0x3FA0]  }
0x30: {  	s3 =	sld [smem:$0x3FA3]  }
0x31: {  	[smem:$0x3FAC] =	sst s10  }
0x32: {  	s10 =	sld [smem:$0x3FAA];
	_ =	sdelay $0x3  }
0x33: {  	p0 =	seq.s32 s10, $0x1;
	s10 =	sld [smem:$0x3FAC];
	_ =	sdelay $0x3  }
0x34: {  	[smem:$0x3FAC] =	sst s10  }
0x35: {  	s10 =	sld [smem:$0x3FAB];
	_ =	sdelay $0x3  }
0x36: {  	p1 =	seq.s32 s10, $0x1;
	s10 =	sld [smem:$0x3FAC];
	_ =	sdelay $0x3  }
0x37: {  	[smem:$0x3FAC] =	sst s10  }
0x38: {  	s10 =	sld [smem:$0x3FAD]  }
0x39: {  	_ = 	snop;
	(pc) =	sbr.ind lr, $3  }
0x3a: {  	_ = 	snop  }
0x3b: {  	_ = 	snop  }
0x3c: {  	p2 =	seq.s32 s10, $0x1;
	s10 =	sld [smem:$0x3FAC]  }
0x3d: {  	_ =	shalt  }
0x3e: {  	_ =	shalt  }
0x3f: {  	_ =	shalt  }
0x40: {  	_ =	shalt  }
0x41: {  	_ =	shalt  }
0x42: {  	_ =	shalt  }
0x43: {  	_ =	shalt  }
0x44: {  	_ =	shalt  }
0x45: {  	_ =	shalt  }
0x46: {  	_ =	shalt  }
0x47: {  	_ =	shalt  }
0x48: {  	_ =	shalt  }
0x49: {  	_ =	shalt  }
0x4a: {  	_ =	shalt  }
0x4b: {  	_ =	shalt  }
0x4c: {  	_ =	shalt  }
0x4d: {  	_ =	shalt  }
0x4e: {  	_ =	shalt  }
0x4f: {  	_ =	shalt  }
0x50: {  	_ =	shalt  }
0x51: {  	_ =	shalt  }
0x52: {  	_ =	shalt  }
0x53: {  	_ =	shalt  }
0x54: {  	_ =	shalt  }
0x55: {  	_ =	shalt  }
0x56: {  	_ =	shalt  }
0x57: {  	_ =	shalt  }
0x58: {  	_ =	shalt  }
0x59: {  	_ =	shalt  }
0x5a: {  	_ =	shalt  }
0x5b: {  	_ =	shalt  }
0x5c: {  	_ =	shalt  }
0x5d: {  	_ =	shalt  }
0x5e: {  	_ =	shalt  }
0x5f: {  	_ =	shalt  }
0x60: {  	_ =	shalt  }
0x61: {  	_ =	shalt  }
0x62: {  	_ =	shalt  }
0x63: {  	_ =	shalt  }
0x64: {  	_ =	shalt  }
0x65: {  	_ =	shalt  }
0x66: {  	_ =	shalt  }
0x67: {  	_ =	shalt  }
0x68: {  	_ =	shalt  }
0x69: {  	_ =	shalt  }
0x6a: {  	_ =	shalt  }
0x6b: {  	_ =	shalt  }
0x6c: {  	_ =	shalt  }
0x6d: {  	_ =	shalt  }
0x6e: {  	_ =	shalt  }
0x6f: {  	_ =	shalt  }
0x70: {  	_ =	shalt  }
0x71: {  	_ =	shalt  }
0x72: {  	_ =	shalt  }
0x73: {  	_ =	shalt  }
0x74: {  	_ =	shalt  }
0x75: {  	_ =	shalt  }
0x76: {  	_ =	shalt  }
0x77: {  	_ =	shalt  }
0x78: {  	_ =	shalt  }
0x79: {  	_ =	shalt  }
0x7a: {  	_ =	shalt  }
0x7b: {  	_ =	shalt  }
0x7c: {  	_ =	shalt  }
0x7d: {  	_ =	shalt  }
0x7e: {  	_ =	shalt  }
0x7f: {  	_ =	shalt  }
0x80: {  	_ =	shalt  }
0x81: {  	_ =	shalt  }
0x82: {  	_ =	shalt  }
0x83: {  	_ =	shalt  }
0x84: {  	_ =	shalt  }
0x85: {  	_ =	shalt  }
0x86: {  	_ =	shalt  }
0x87: {  	_ =	shalt  }
.Lfunc_end0:
.L_simem_size_0:
called_computation.4_lowered:
.L_overlay_start_0:
0x88: {  	s2 =	sld [smem:$0x3FD9]  }
0x89: {  	s3 =	sld [smem:$0x3FFE];
	_ =	sdelay $0x1  }
0x8a: {  	s1 =	srdreg.scid  }
0x8b: {  	s0 =	sand.u32 $0x1, s1  }
0x8c: {  	s17 =	sshll.u32 s0, $0xA;
	s2 =	sadd.s32 s3, s2  }
0x8d: {  	s2 =	sadd.s32 s2, s17  }
0x8e: {  	[smem:$0x3FB8] =	sst s2  }
0x8f: {  	_ = 	snop  }
0x90: {  	s2 =	sld [smem:$0x3FD0];
	(tm) =	ssettm $0x1  }
0x91: {  	s18 =	sld [smem:$0x3FFB];
	_ =	sdelay $0x3  }
0x92: {  	_ =	strace s18  }
0x93: {  	s3 =	sld [smem:$0x3FFC];
	_ =	sdelay $0x3  }
0x94: {  	_ =	strace s3  }
0x95: {  	s3 =	sld [smem:$0x3FFD];
	_ =	sdelay $0x3  }
0x96: {  	_ =	strace s3  }
0x97: {  	_ =	strace $0x8FFFFFFF  }
0x98: {  	s19 =	sld [smem:$0x3FDB];
	_ =	sdelay $0x1  }
0x99: {  	s4 =	simm.s32 $_scs_section_size  }
0x9a: {  	s5 =	simm.s32 $_size__tile_overlayer_lowered;
	s6 =	simm.s32 $_tile_overlayer_lowered  }
0x9b: {  	s22 =	simm.s32 $0x1BFF;
	s21 =	sshll.u32 s6, $0x1;
	s3 =	sadd.s32 s4, s19  }
0x9c: {  	s7 =	simm.s32 $0x0;
	s20 =	sshll.u32 s5, $0x1;
	s5 =	sadd.s32 s21, s3  }
0x9d: {  	[timem:s7], [sflag:s22] =	dma.local [hbm:s5], s20  }
0x9e: {  	_ =	swait.ge [sflag:s22], s20  }
0x9f: {  	s4 =	ssub.s32 $0x0, s20;
	[sflag:s22] =	ssyncset.done $0x0  }
0xa0: {  	[sflag:s22] =	ssyncadd.s32 s4;
	_ =	sdelay $0x1  }
0xa1: {  	s23 =	simm.s32 $0x1B8B  }
0xa2: {  	_ =	swait.ge [sflag:s23], $0x1  }
0xa3: {  	[sflag:s23] =	ssyncset.done $0x0  }
0xa4: {  	s25 =	simm.s32 $0x1B8E;
	s24 =	sld [smem:$0x3FFE];
	[sflag:s23] =	ssyncadd.s32 $0xFFFFFFFF  }
0xa5: {  	s26 =	simm.s32 $execute0_lowered;
	[smem:$0x3FD2] =	sst s25  }
0xa6: {  	s5 =	sshll.u32 s26, $0x1;
	_ =	strace $0x80000052;
	[dreg:$0x1] =	wrdreg $0xFFFFFFFF  }
0xa7: {  	s28 =	simm.s32 $_size_execute0_lowered;
	s3 =	sadd.s32 s3, s5;
	[dreg:$0x0] =	wrdreg $0x0  }
0xa8: {  	s5 =	sshll.u32 s28, $0x1;
	[dreg:$0x2] =	wrdreg s3  }
0xa9: {  	[dreg:$0x3] =	wrdreg s5  }
0xaa: {  	[dreg:$0x4] =	wrdreg $0xC0  }
0xab: {  	_ =	task [dreg:s7], $0x5FFFF  }
0xac: {  	[dreg:$0x1] =	wrdreg $0xFFFFFFFF  }
0xad: {  	[dreg:$0x0] =	wrdreg $0x60  }
0xae: {  	[dreg:$0x2] =	wrdreg s24  }
0xaf: {  	[dreg:$0x3] =	wrdreg s2  }
0xb0: {  	[dreg:$0x4] =	wrdreg $0xA0000  }
0xb1: {  	[dreg:$0x5] =	wrdreg $0x9  }
0xb2: {  	_ =	task.clear_ibuf [dreg:s7], $0x6FFFF;
	_ =	strace $0x90000052  }
0xb3: {  	s29 =	simm.s32 $0x9;
	_ =	strace $0x80000054  }
0xb4: {  	_ =	swait.ge [sflag:s29], $0x1  }
0xb5: {  	[sflag:s29] =	ssyncadd.s32 $0xFFFFFFFF  }
0xb6: {  	_ =	strace $0x90000054  }
0xb7: {  	_ =	sfence  }
0xb8: {  	s30 =	sld [smem:$0x0];
	_ =	sdelay $0x2  }
0xb9: {  	s31 =	sshll.u32 s1, $0xD;
	s1 =	sshrl.u32 s1, $0x2  }
0xba: {  	s3 =	sand.u32 $0x4000, s31;
	s1 =	sadd.s32 s1, s30  }
0xbb: {  	s0 =	sor.u32 s3, s0;
	s1 =	sshll.u32 s1, $0x11  }
0xbc: {  	s0 =	sor.u32 s1, s0  }
0xbd: {  	s0 =	sadd.s32 $0x8F2B, s0  }
0xbe: {  	[sflag:s0] =	ssyncadd.remote.s32 $0x1  }
0xbf: {  	_ =	sfence.sel $0xFFFF  }
0xc0: {  	[dreg:$0x0] =	wrdreg $0xFFFFFFFF;
	(pc) =	sbr.abs _section_cstart, $3  }
0xc1: {  	[dreg:$0x1] =	wrdreg $0xFFFFFFFF  }
0xc2: {  	_ =	task.clear_ibuf [dreg:s7], $0x2FFFF;
	_ =	strace $0x9FFFFFFF  }
0xc3: {  	(tm) =	ssettm $0x7FFFFFFF  }
tec
execute0_lowered:
.L_overlay_start_1:
0x0: {  	(tag) =	ssettag $0x1  }
0x1: {  	s5 =	rddreg [dreg:$0x0]  }
0x2: {  	s11 =	rddreg [dreg:$0x1]  }
0x3: {  	s1 =	rddreg [dreg:$0x2]  }
0x4: {  	s0 =	rddreg [dreg:$0x3];
	s2 =	simm.s32 $0x0;
	s14 =	stileid.u32  }
0x5: {  	s4 =	srdreg.scid;
	s20 =	simm.s32 $0x6000;
	s7 =	smul.u32 $0x4E000, s14  }
0x6: {  	s21 =	simm.s32 $0x1;
	[smem:$0x7FF] =	sst s2;
	s10 =	smul.u32 $0x270, s14  }
0x7: {  	s3 =	sadd.s32 $0xAF000, s5;
	s6 =	sand.u32 $0x1, s4;
	s29 =	smul.u32 $0x2800, s14  }
0x8: {  	s4 =	sadd.s32 $0x8C00, s5;
	s12 =	sadd.s32 $0x3C00, s5;
	s19 =	smul.u32 $0x500, s14  }
0x9: {  	s28 =	sshll.u32 s14, $0x6;
	s16 =	sadd.s32 $0x138000, s1;
	s9 =	smul.u32 $0x2710, s6  }
0xa: {  	p0 =	sne.s32 s14, $0x0;
	_ =	strace $0x80000053;
	s24 =	smul.u32 $0x138800, s6  }
0xb: {  	s8 =	ssub.s32 $0x2, s6;
	s26 =	smul.u32 $0x28000, s6;
	s6 =	sor.u32 $0x1C05, s28  }
0xc: {  	s16 =	sshrl.u32 @!p0 s16, $0x3;
	s22 =	sshrl.u32 s8, $0x1;
	s23 =	sshrl.u32 s7, $0x2  }
0xd: {  	s30 =	sadd.s32 s19, s12;
	s19 =	simm.s32 $0x2000;
	s13 =	ssub.s32 s8, s22  }
0xe: {  	s15 =	sadd.s32 s23, s1;
	s25 =	sadd.s32 s10, s9;
	s7 =	sshrl.u32 s24, $0x3  }
0xf: {  	s18 =	sadd.s32 s29, s26;
	s9 =	sshrl.u32 s29, $0x3;
	s22 =	simm.s32 $0x2  }
0x10: {  	s23 =	simm.s32 $0x0;
	s10 =	sshll.u32 s25, $0x4;
	s17 =	sadd.s32 $0x27000, s7  }
0x11: {  	s8 =	sshrl.u32 s18, $0x3;
	s9 =	sadd.s32 s12, s9;
	s12 =	smax.u32 s13, $0x1  }
0x12: {  	s13 =	sadd.s32 $0x100, s30;
	s31 =	sadd.s32 $0x800, s18;
	s14 =	sshrl.u32 s15, $0x3  }
0x13: {  	s15 =	simm.s32 $0x5;
	s18 =	simm.s32 $0x80;
	s5 =	sadd.s32 s3, s10  }
0x14: {  	s7 =	sadd.s32 s3, s17;
	s8 =	sadd.s32 s4, s8;
	s10 =	sadd.s32 s11, s10  }
0x15: {  	s11 =	sadd.s32 s11, s17;
	[dreg:$0x4] =	wrdreg s31;
	s17 =	simm.s32 $0x1000  }
.LBB2_1:
0x16: {  	[spmem:s14], [sflag:s6] =	dma.local [hbm:s5], $0x2700  }
0x17: {  	_ =	swait.ge [sflag:s15], $0x2700  }
0x18: {  	[sflag:s15] =	ssyncset.done $0x0  }
0x19: {  	s24 =	simm.s32 @!p0 $0x5;
	[sflag:s15] =	ssyncadd.s32 $0xFFFFD900  }
0x1a: {  	[spmem:s16], [sflag:s6] =	dma.local @!p0 [hbm:s7], $0x100  }
0x1b: {  	_ =	swait.ge @!p0 [sflag:s24], $0x100  }
0x1c: {  	[sflag:s24] =	ssyncset.done @!p0 $0x0  }
0x1d: {  	[sflag:s24] =	ssyncadd.s32 @!p0 $0xFFFFFF00  }
0x1e: {  	[tilespmem:s2], [sflag:$0x5] =	stream.linear.gather [hbm4b:s8+s2], $0x800, $0x38;
	[tilespmem:$0x1D8C0] =	vst v63  }
0x1f: {  	_ =	swait.ge [sflag:s15], $0x800  }
0x20: {  	[sflag:s15] =	ssyncset.done $0x0  }
0x21: {  	[sflag:s15] =	ssyncadd.s32 $0xFFFFF800  }
0x22: {  	[tilespmem:s17], [sflag:$0x5] =	stream.linear.gather [hbm4b:s9+s2], $0x800, $0x38;
	[tilespmem:$0x1D8C0] =	vst v63  }
0x23: {  	_ =	swait.ge [sflag:s15], $0x800  }
0x24: {  	[sflag:s15] =	ssyncset.done $0x0  }
0x25: {  	[sflag:s15] =	ssyncadd.s32 $0xFFFFF800  }
0x26: {  	[bflag:$0x0] =	sbarrier.arrive $0xFFFF  }
0x27: {  	p1 =	por $0x0, $0x0;
	s24 =	rddreg [dreg:$0x4]  }
0x28: {  	[tilespmem:s19], [sflag:$0x1] =	stream.indirect.gather [hbm4b:s3+s18], $0x80, s2, s18, $0xb8;
	[tilespmem:$0x1D8C0] =	vst v63  }
0x29: {  	s24 =	sadd.s32 @!p1 $0x0, s24  }
0x2a: {  	s25 =	sand.u32 @!p1 $0x800, s2;
	s26 =	sshrl.u32 @!p1 s24, $0x3  }
0x2b: {  	s28 =	simm.s32 @!p1 $0x0;
	s24 =	sxor.u32 @!p1 $0x800, s25;
	s26 =	sadd.s32 @!p1 s4, s26  }
0x2c: {  	[tilespmem:s24], [sflag:$0x3] =	stream.linear.gather @!p1 [hbm4b:s26+s28], $0x800, $0x38;
	[tilespmem:$0x1D8C0] =	vst v63  }
0x2d: {  	s25 =	simm.s32 @p1 $0x0;
	s26 =	sor.u32 @!p1 $0x1000, s24  }
0x2e: {  	[tilespmem:s26], [sflag:$0x4] =	stream.linear.gather @!p1 [hbm4b:s13+s28], $0x800, $0x38;
	[tilespmem:$0x1D8C0] =	vst v63  }
0x2f: {  	s30 =	sor.u32 $0x80, s25  }
0x30: {  	[tilespmem:s20], [sflag:$0x2] =	stream.indirect.gather [hbm4b:s3+s18], $0x80, s30, s18, $0xb8;
	[tilespmem:$0x1D8C0] =	vst v63  }
0x31: {  	_ =	swait.ge [sflag:s21], $0x4000  }
0x32: {  	[sflag:s21] =	ssyncset.done $0x0  }
0x33: {  	s31 =	sor.u32 $0x1000, s25;
	[sflag:s21] =	ssyncadd.s32 $0xFFFFC000  }
0x34: {  	[spmem:s1] =	stream.indirect.scatter.add.f32 [tilespmem:s19], [sflag:$0x5], $0x80, s31, s18, $0xb8;
	[tilespmem:$0x1D8C0] =	vst v63  }
0x35: {  	_ =	swait.ge [sflag:s15], $0x4000  }
0x36: {  	[sflag:s15] =	ssyncset.done $0x0  }
0x37: {  	s28 =	sadd.s32 $0x100, s25;
	[sflag:s15] =	ssyncadd.s32 $0xFFFFC000  }
0x38: {  	[tilespmem:s19], [sflag:$0x1] =	stream.indirect.gather [hbm4b:s3+s18], $0x80, s28, s18, $0xb8;
	[tilespmem:$0x1D8C0] =	vst v63  }
0x39: {  	_ =	swait.ge [sflag:s22], $0x4000  }
0x3a: {  	[sflag:s22] =	ssyncset.done $0x0  }
0x3b: {  	s29 =	sor.u32 $0x1080, s25;
	[sflag:s22] =	ssyncadd.s32 $0xFFFFC000  }
0x3c: {  	[spmem:s1] =	stream.indirect.scatter.add.f32 [tilespmem:s20], [sflag:$0x5], $0x80, s29, s18, $0xb8;
	[tilespmem:$0x1D8C0] =	vst v63  }
0x3d: {  	_ =	swait.ge [sflag:s15], $0x4000  }
0x3e: {  	[sflag:s15] =	ssyncset.done $0x0  }
0x3f: {  	s30 =	sor.u32 $0x180, s25;
	[sflag:s15] =	ssyncadd.s32 $0xFFFFC000  }
0x40: {  	[tilespmem:s20], [sflag:$0x2] =	stream.indirect.gather [hbm4b:s3+s18], $0x80, s30, s18, $0xb8;
	[tilespmem:$0x1D8C0] =	vst v63  }
0x41: {  	_ =	swait.ge [sflag:s21], $0x4000  }
0x42: {  	[sflag:s21] =	ssyncset.done $0x0  }
0x43: {  	s31 =	sadd.s32 $0x1100, s25;
	[sflag:s21] =	ssyncadd.s32 $0xFFFFC000  }
0x44: {  	[spmem:s1] =	stream.indirect.scatter.add.f32 [tilespmem:s19], [sflag:$0x5], $0x80, s31, s18, $0xb8;
	[tilespmem:$0x1D8C0] =	vst v63  }
0x45: {  	_ =	swait.ge [sflag:s15], $0x4000  }
0x46: {  	[sflag:s15] =	ssyncset.done $0x0  }
0x47: {  	s28 =	sadd.s32 $0x200, s25;
	[sflag:s15] =	ssyncadd.s32 $0xFFFFC000  }
0x48: {  	[tilespmem:s19], [sflag:$0x1] =	stream.indirect.gather [hbm4b:s3+s18], $0x80, s28, s18, $0xb8;
	[tilespmem:$0x1D8C0] =	vst v63  }
0x49: {  	_ =	swait.ge [sflag:s22], $0x4000  }
0x4a: {  	[sflag:s22] =	ssyncset.done $0x0  }
0x4b: {  	s29 =	sor.u32 $0x1180, s25;
	[sflag:s22] =	ssyncadd.s32 $0xFFFFC000  }
0x4c: {  	[spmem:s1] =	stream.indirect.scatter.add.f32 [tilespmem:s20], [sflag:$0x5], $0x80, s29, s18, $0xb8;
	[tilespmem:$0x1D8C0] =	vst v63  }
0x4d: {  	_ =	swait.ge [sflag:s15], $0x4000  }
0x4e: {  	[sflag:s15] =	ssyncset.done $0x0  }
0x4f: {  	s30 =	sor.u32 $0x280, s25;
	[sflag:s15] =	ssyncadd.s32 $0xFFFFC000  }
0x50: {  	[tilespmem:s20], [sflag:$0x2] =	stream.indirect.gather [hbm4b:s3+s18], $0x80, s30, s18, $0xb8;
	[tilespmem:$0x1D8C0] =	vst v63  }
0x51: {  	_ =	swait.ge [sflag:s21], $0x4000  }
0x52: {  	[sflag:s21] =	ssyncset.done $0x0  }
0x53: {  	s31 =	sadd.s32 $0x1200, s25;
	[sflag:s21] =	ssyncadd.s32 $0xFFFFC000  }
0x54: {  	[spmem:s1] =	stream.indirect.scatter.add.f32 [tilespmem:s19], [sflag:$0x5], $0x80, s31, s18, $0xb8;
	[tilespmem:$0x1D8C0] =	vst v63  }
0x55: {  	_ =	swait.ge [sflag:s15], $0x4000  }
0x56: {  	[sflag:s15] =	ssyncset.done $0x0  }
0x57: {  	s28 =	sadd.s32 $0x300, s25;
	[sflag:s15] =	ssyncadd.s32 $0xFFFFC000  }
0x58: {  	[tilespmem:s19], [sflag:$0x1] =	stream.indirect.gather [hbm4b:s3+s18], $0x80, s28, s18, $0xb8;
	[tilespmem:$0x1D8C0] =	vst v63  }
0x59: {  	_ =	swait.ge [sflag:s22], $0x4000  }
0x5a: {  	[sflag:s22] =	ssyncset.done $0x0  }
0x5b: {  	s29 =	sor.u32 $0x1280, s25;
	[sflag:s22] =	ssyncadd.s32 $0xFFFFC000  }
0x5c: {  	[spmem:s1] =	stream.indirect.scatter.add.f32 [tilespmem:s20], [sflag:$0x5], $0x80, s29, s18, $0xb8;
	[tilespmem:$0x1D8C0] =	vst v63  }
0x5d: {  	_ =	swait.ge [sflag:s15], $0x4000  }
0x5e: {  	[sflag:s15] =	ssyncset.done $0x0  }
0x5f: {  	s30 =	sor.u32 $0x380, s25;
	[sflag:s15] =	ssyncadd.s32 $0xFFFFC000  }
0x60: {  	[tilespmem:s20], [sflag:$0x2] =	stream.indirect.gather [hbm4b:s3+s18], $0x80, s30, s18, $0xb8;
	[tilespmem:$0x1D8C0] =	vst v63  }
0x61: {  	_ =	swait.ge [sflag:s21], $0x4000  }
0x62: {  	[sflag:s21] =	ssyncset.done $0x0  }
0x63: {  	s31 =	sadd.s32 $0x1300, s25;
	[sflag:s21] =	ssyncadd.s32 $0xFFFFC000  }
0x64: {  	[spmem:s1] =	stream.indirect.scatter.add.f32 [tilespmem:s19], [sflag:$0x5], $0x80, s31, s18, $0xb8;
	[tilespmem:$0x1D8C0] =	vst v63  }
0x65: {  	_ =	swait.ge [sflag:s15], $0x4000  }
0x66: {  	[sflag:s15] =	ssyncset.done $0x0  }
0x67: {  	s28 =	sadd.s32 $0x400, s25;
	[sflag:s15] =	ssyncadd.s32 $0xFFFFC000  }
0x68: {  	[tilespmem:s19], [sflag:$0x1] =	stream.indirect.gather [hbm4b:s3+s18], $0x80, s28, s18, $0xb8;
	[tilespmem:$0x1D8C0] =	vst v63  }
0x69: {  	_ =	swait.ge [sflag:s22], $0x4000  }
0x6a: {  	[sflag:s22] =	ssyncset.done $0x0  }
0x6b: {  	s29 =	sor.u32 $0x1380, s25;
	[sflag:s22] =	ssyncadd.s32 $0xFFFFC000  }
0x6c: {  	[spmem:s1] =	stream.indirect.scatter.add.f32 [tilespmem:s20], [sflag:$0x5], $0x80, s29, s18, $0xb8;
	[tilespmem:$0x1D8C0] =	vst v63  }
0x6d: {  	_ =	swait.ge [sflag:s15], $0x4000  }
0x6e: {  	[sflag:s15] =	ssyncset.done $0x0  }
0x6f: {  	s30 =	sor.u32 $0x480, s25;
	[sflag:s15] =	ssyncadd.s32 $0xFFFFC000  }
0x70: {  	[tilespmem:s20], [sflag:$0x2] =	stream.indirect.gather [hbm4b:s3+s18], $0x80, s30, s18, $0xb8;
	[tilespmem:$0x1D8C0] =	vst v63  }
0x71: {  	_ =	swait.ge [sflag:s21], $0x4000  }
0x72: {  	[sflag:s21] =	ssyncset.done $0x0  }
0x73: {  	s31 =	sadd.s32 $0x1400, s25;
	[sflag:s21] =	ssyncadd.s32 $0xFFFFC000  }
0x74: {  	[spmem:s1] =	stream.indirect.scatter.add.f32 [tilespmem:s19], [sflag:$0x5], $0x80, s31, s18, $0xb8;
	[tilespmem:$0x1D8C0] =	vst v63  }
0x75: {  	_ =	swait.ge [sflag:s15], $0x4000  }
0x76: {  	[sflag:s15] =	ssyncset.done $0x0  }
0x77: {  	s28 =	sadd.s32 $0x500, s25;
	[sflag:s15] =	ssyncadd.s32 $0xFFFFC000  }
0x78: {  	[tilespmem:s19], [sflag:$0x1] =	stream.indirect.gather [hbm4b:s3+s18], $0x80, s28, s18, $0xb8;
	[tilespmem:$0x1D8C0] =	vst v63  }
0x79: {  	_ =	swait.ge [sflag:s22], $0x4000  }
0x7a: {  	[sflag:s22] =	ssyncset.done $0x0  }
0x7b: {  	s29 =	sor.u32 $0x1480, s25;
	[sflag:s22] =	ssyncadd.s32 $0xFFFFC000  }
0x7c: {  	[spmem:s1] =	stream.indirect.scatter.add.f32 [tilespmem:s20], [sflag:$0x5], $0x80, s29, s18, $0xb8;
	[tilespmem:$0x1D8C0] =	vst v63  }
0x7d: {  	_ =	swait.ge [sflag:s15], $0x4000  }
0x7e: {  	[sflag:s15] =	ssyncset.done $0x0  }
0x7f: {  	s30 =	sor.u32 $0x580, s25;
	[sflag:s15] =	ssyncadd.s32 $0xFFFFC000  }
0x80: {  	[tilespmem:s20], [sflag:$0x2] =	stream.indirect.gather [hbm4b:s3+s18], $0x80, s30, s18, $0xb8;
	[tilespmem:$0x1D8C0] =	vst v63  }
0x81: {  	_ =	swait.ge [sflag:s21], $0x4000  }
0x82: {  	[sflag:s21] =	ssyncset.done $0x0  }
0x83: {  	s31 =	sadd.s32 $0x1500, s25;
	[sflag:s21] =	ssyncadd.s32 $0xFFFFC000  }
0x84: {  	[spmem:s1] =	stream.indirect.scatter.add.f32 [tilespmem:s19], [sflag:$0x5], $0x80, s31, s18, $0xb8;
	[tilespmem:$0x1D8C0] =	vst v63  }
0x85: {  	_ =	swait.ge [sflag:s15], $0x4000  }
0x86: {  	[sflag:s15] =	ssyncset.done $0x0  }
0x87: {  	s28 =	sadd.s32 $0x600, s25;
	[sflag:s15] =	ssyncadd.s32 $0xFFFFC000  }
0x88: {  	[tilespmem:s19], [sflag:$0x1] =	stream.indirect.gather [hbm4b:s3+s18], $0x80, s28, s18, $0xb8;
	[tilespmem:$0x1D8C0] =	vst v63  }
0x89: {  	_ =	swait.ge [sflag:s22], $0x4000  }
0x8a: {  	[sflag:s22] =	ssyncset.done $0x0  }
0x8b: {  	s29 =	sor.u32 $0x1580, s25;
	[sflag:s22] =	ssyncadd.s32 $0xFFFFC000  }
0x8c: {  	[spmem:s1] =	stream.indirect.scatter.add.f32 [tilespmem:s20], [sflag:$0x5], $0x80, s29, s18, $0xb8;
	[tilespmem:$0x1D8C0] =	vst v63  }
0x8d: {  	_ =	swait.ge [sflag:s15], $0x4000  }
0x8e: {  	[sflag:s15] =	ssyncset.done $0x0  }
0x8f: {  	s30 =	sor.u32 $0x680, s25;
	[sflag:s15] =	ssyncadd.s32 $0xFFFFC000  }
0x90: {  	[tilespmem:s20], [sflag:$0x2] =	stream.indirect.gather [hbm4b:s3+s18], $0x80, s30, s18, $0xb8;
	[tilespmem:$0x1D8C0] =	vst v63  }
0x91: {  	_ =	swait.ge [sflag:s21], $0x4000  }
0x92: {  	[sflag:s21] =	ssyncset.done $0x0  }
0x93: {  	s31 =	sadd.s32 $0x1600, s25;
	[sflag:s21] =	ssyncadd.s32 $0xFFFFC000  }
0x94: {  	[spmem:s1] =	stream.indirect.scatter.add.f32 [tilespmem:s19], [sflag:$0x5], $0x80, s31, s18, $0xb8;
	[tilespmem:$0x1D8C0] =	vst v63  }
0x95: {  	_ =	swait.ge [sflag:s15], $0x4000  }
0x96: {  	[sflag:s15] =	ssyncset.done $0x0  }
0x97: {  	s28 =	sadd.s32 $0x700, s25;
	[sflag:s15] =	ssyncadd.s32 $0xFFFFC000  }
0x98: {  	[tilespmem:s19], [sflag:$0x1] =	stream.indirect.gather [hbm4b:s3+s18], $0x80, s28, s18, $0xb8;
	[tilespmem:$0x1D8C0] =	vst v63  }
0x99: {  	_ =	swait.ge [sflag:s22], $0x4000  }
0x9a: {  	[sflag:s22] =	ssyncset.done $0x0  }
0x9b: {  	s29 =	sor.u32 $0x1680, s25;
	[sflag:s22] =	ssyncadd.s32 $0xFFFFC000  }
0x9c: {  	[spmem:s1] =	stream.indirect.scatter.add.f32 [tilespmem:s20], [sflag:$0x5], $0x80, s29, s18, $0xb8;
	[tilespmem:$0x1D8C0] =	vst v63  }
0x9d: {  	_ =	swait.ge [sflag:s15], $0x4000  }
0x9e: {  	[sflag:s15] =	ssyncset.done $0x0  }
0x9f: {  	s30 =	sor.u32 $0x780, s25;
	[sflag:s15] =	ssyncadd.s32 $0xFFFFC000  }
0xa0: {  	[tilespmem:s20], [sflag:$0x2] =	stream.indirect.gather [hbm4b:s3+s18], $0x80, s30, s18, $0xb8;
	[tilespmem:$0x1D8C0] =	vst v63  }
0xa1: {  	_ =	swait.ge [sflag:s21], $0x4000  }
0xa2: {  	[sflag:s21] =	ssyncset.done $0x0  }
0xa3: {  	s25 =	sadd.s32 $0x1700, s25;
	[sflag:s21] =	ssyncadd.s32 $0xFFFFC000  }
0xa4: {  	[spmem:s1] =	stream.indirect.scatter.add.f32 [tilespmem:s19], [sflag:$0x5], $0x80, s25, s18, $0xb8;
	[tilespmem:$0x1D8C0] =	vst v63  }
0xa5: {  	_ =	swait.ge [sflag:s15], $0x4000  }
0xa6: {  	[sflag:s15] =	ssyncset.done $0x0  }
0xa7: {  	s25 =	simm.s32 @!p1 $0x3;
	[sflag:s15] =	ssyncadd.s32 $0xFFFFC000  }
0xa8: {  	_ =	swait.ge @!p1 [sflag:s25], $0x800  }
0xa9: {  	[sflag:s25] =	ssyncset.done @!p1 $0x0  }
0xaa: {  	[sflag:s25] =	ssyncadd.s32 @!p1 $0xFFFFF800;
	s25 =	simm.s32 @!p1 $0x4  }
0xab: {  	_ =	swait.ge @!p1 [sflag:s25], $0x800  }
0xac: {  	s24 =	simm.s32 @p1 $0x800;
	[sflag:s25] =	ssyncset.done @!p1 $0x0  }
0xad: {  	s28 =	simm.s32 @!p1 $0x2000;
	[sflag:s25] =	ssyncadd.s32 @!p1 $0xFFFFF800;
	s25 =	simm.s32 @!p1 $0x80  }
0xae: {  	[tilespmem:s28], [sflag:$0x1] =	stream.indirect.gather @!p1 [hbm4b:s3+s25], $0x80, s24, s25, $0xb8;
	[tilespmem:$0x1D8C0] =	vst v63  }
0xaf: {  	_ =	swait.ge [sflag:s22], $0x4000  }
0xb0: {  	[sflag:s22] =	ssyncset.done $0x0  }
0xb1: {  	s31 =	sor.u32 $0x1000, s30;
	[sflag:s22] =	ssyncadd.s32 $0xFFFFC000  }
0xb2: {  	[spmem:s1] =	stream.indirect.scatter.add.f32 [tilespmem:s20], [sflag:$0x5], $0x80, s31, s18, $0xb8;
	[tilespmem:$0x1D8C0] =	vst v63  }
0xb3: {  	s24 =	simm.s32 $0x800;
	s25 =	smov.u32 s13;
	_ =	swait.ge [sflag:s15], $0x4000  }
.LBB2_2:
0xb4: {  	s28 =	smov.u32 s24  }
0xb5: {  	s26 =	rddreg [dreg:$0x4];
	p2 =	seq.s32 s28, $0x2000  }
0xb6: {  	[sflag:s15] =	ssyncset.done $0x0;
	s29 =	sadd.s32 @!p2 s28, s26  }
0xb7: {  	[sflag:s15] =	ssyncadd.s32 $0xFFFFC000;
	s28 =	sand.u32 @!p2 $0x800, s28;
	s29 =	sshrl.u32 @!p2 s29, $0x3  }
0xb8: {  	s30 =	simm.s32 @!p2 $0x0;
	s26 =	sxor.u32 @!p2 $0x800, s28;
	s29 =	sadd.s32 @!p2 s4, s29  }
0xb9: {  	[tilespmem:s26], [sflag:$0x3] =	stream.linear.gather @!p2 [hbm4b:s29+s30], $0x800, $0x38;
	[tilespmem:$0x1D8C0] =	vst v63  }
0xba: {  	s25 =	sadd.s32 $0x100, s25;
	s28 =	simm.s32 @p2 $0x0;
	s29 =	sor.u32 @!p2 $0x1000, s26  }
0xbb: {  	[tilespmem:s29], [sflag:$0x4] =	stream.linear.gather @!p2 [hbm4b:s25+s30], $0x800, $0x38;
	[tilespmem:$0x1D8C0] =	vst v63  }
0xbc: {  	s31 =	sor.u32 $0x80, s28  }
0xbd: {  	[tilespmem:s20], [sflag:$0x2] =	stream.indirect.gather [hbm4b:s3+s18], $0x80, s31, s18, $0xb8;
	[tilespmem:$0x1D8C0] =	vst v63  }
0xbe: {  	_ =	swait.ge [sflag:s21], $0x4000  }
0xbf: {  	[sflag:s21] =	ssyncset.done $0x0  }
0xc0: {  	s30 =	sor.u32 $0x1000, s28;
	[sflag:s21] =	ssyncadd.s32 $0xFFFFC000  }
0xc1: {  	[spmem:s1] =	stream.indirect.scatter.add.f32 [tilespmem:s19], [sflag:$0x5], $0x80, s30, s18, $0xb8;
	[tilespmem:$0x1D8C0] =	vst v63  }
0xc2: {  	_ =	swait.ge [sflag:s15], $0x4000  }
0xc3: {  	[sflag:s15] =	ssyncset.done $0x0  }
0xc4: {  	s31 =	sadd.s32 $0x100, s28;
	[sflag:s15] =	ssyncadd.s32 $0xFFFFC000  }
0xc5: {  	[tilespmem:s19], [sflag:$0x1] =	stream.indirect.gather [hbm4b:s3+s18], $0x80, s31, s18, $0xb8;
	[tilespmem:$0x1D8C0] =	vst v63  }
0xc6: {  	_ =	swait.ge [sflag:s22], $0x4000  }
0xc7: {  	[sflag:s22] =	ssyncset.done $0x0  }
0xc8: {  	s30 =	sor.u32 $0x1080, s28;
	[sflag:s22] =	ssyncadd.s32 $0xFFFFC000  }
0xc9: {  	[spmem:s1] =	stream.indirect.scatter.add.f32 [tilespmem:s20], [sflag:$0x5], $0x80, s30, s18, $0xb8;
	[tilespmem:$0x1D8C0] =	vst v63  }
0xca: {  	_ =	swait.ge [sflag:s15], $0x4000  }
0xcb: {  	[sflag:s15] =	ssyncset.done $0x0  }
0xcc: {  	s31 =	sor.u32 $0x180, s28;
	[sflag:s15] =	ssyncadd.s32 $0xFFFFC000  }
0xcd: {  	[tilespmem:s20], [sflag:$0x2] =	stream.indirect.gather [hbm4b:s3+s18], $0x80, s31, s18, $0xb8;
	[tilespmem:$0x1D8C0] =	vst v63  }
0xce: {  	_ =	swait.ge [sflag:s21], $0x4000  }
0xcf: {  	[sflag:s21] =	ssyncset.done $0x0  }
0xd0: {  	s30 =	sadd.s32 $0x1100, s28;
	[sflag:s21] =	ssyncadd.s32 $0xFFFFC000  }
0xd1: {  	[spmem:s1] =	stream.indirect.scatter.add.f32 [tilespmem:s19], [sflag:$0x5], $0x80, s30, s18, $0xb8;
	[tilespmem:$0x1D8C0] =	vst v63  }
0xd2: {  	_ =	swait.ge [sflag:s15], $0x4000  }
0xd3: {  	[sflag:s15] =	ssyncset.done $0x0  }
0xd4: {  	s31 =	sadd.s32 $0x200, s28;
	[sflag:s15] =	ssyncadd.s32 $0xFFFFC000  }
0xd5: {  	[tilespmem:s19], [sflag:$0x1] =	stream.indirect.gather [hbm4b:s3+s18], $0x80, s31, s18, $0xb8;
	[tilespmem:$0x1D8C0] =	vst v63  }
0xd6: {  	_ =	swait.ge [sflag:s22], $0x4000  }
0xd7: {  	[sflag:s22] =	ssyncset.done $0x0  }
0xd8: {  	s30 =	sor.u32 $0x1180, s28;
	[sflag:s22] =	ssyncadd.s32 $0xFFFFC000  }
0xd9: {  	[spmem:s1] =	stream.indirect.scatter.add.f32 [tilespmem:s20], [sflag:$0x5], $0x80, s30, s18, $0xb8;
	[tilespmem:$0x1D8C0] =	vst v63  }
0xda: {  	_ =	swait.ge [sflag:s15], $0x4000  }
0xdb: {  	[sflag:s15] =	ssyncset.done $0x0  }
0xdc: {  	s31 =	sor.u32 $0x280, s28;
	[sflag:s15] =	ssyncadd.s32 $0xFFFFC000  }
0xdd: {  	[tilespmem:s20], [sflag:$0x2] =	stream.indirect.gather [hbm4b:s3+s18], $0x80, s31, s18, $0xb8;
	[tilespmem:$0x1D8C0] =	vst v63  }
0xde: {  	_ =	swait.ge [sflag:s21], $0x4000  }
0xdf: {  	[sflag:s21] =	ssyncset.done $0x0  }
0xe0: {  	s30 =	sadd.s32 $0x1200, s28;
	[sflag:s21] =	ssyncadd.s32 $0xFFFFC000  }
0xe1: {  	[spmem:s1] =	stream.indirect.scatter.add.f32 [tilespmem:s19], [sflag:$0x5], $0x80, s30, s18, $0xb8;
	[tilespmem:$0x1D8C0] =	vst v63  }
0xe2: {  	_ =	swait.ge [sflag:s15], $0x4000  }
0xe3: {  	[sflag:s15] =	ssyncset.done $0x0  }
0xe4: {  	s31 =	sadd.s32 $0x300, s28;
	[sflag:s15] =	ssyncadd.s32 $0xFFFFC000  }
0xe5: {  	[tilespmem:s19], [sflag:$0x1] =	stream.indirect.gather [hbm4b:s3+s18], $0x80, s31, s18, $0xb8;
	[tilespmem:$0x1D8C0] =	vst v63  }
0xe6: {  	_ =	swait.ge [sflag:s22], $0x4000  }
0xe7: {  	[sflag:s22] =	ssyncset.done $0x0  }
0xe8: {  	s30 =	sor.u32 $0x1280, s28;
	[sflag:s22] =	ssyncadd.s32 $0xFFFFC000  }
0xe9: {  	[spmem:s1] =	stream.indirect.scatter.add.f32 [tilespmem:s20], [sflag:$0x5], $0x80, s30, s18, $0xb8;
	[tilespmem:$0x1D8C0] =	vst v63  }
0xea: {  	_ =	swait.ge [sflag:s15], $0x4000  }
0xeb: {  	[sflag:s15] =	ssyncset.done $0x0  }
0xec: {  	s31 =	sor.u32 $0x380, s28;
	[sflag:s15] =	ssyncadd.s32 $0xFFFFC000  }
0xed: {  	[tilespmem:s20], [sflag:$0x2] =	stream.indirect.gather [hbm4b:s3+s18], $0x80, s31, s18, $0xb8;
	[tilespmem:$0x1D8C0] =	vst v63  }
0xee: {  	_ =	swait.ge [sflag:s21], $0x4000  }
0xef: {  	[sflag:s21] =	ssyncset.done $0x0  }
0xf0: {  	s30 =	sadd.s32 $0x1300, s28;
	[sflag:s21] =	ssyncadd.s32 $0xFFFFC000  }
0xf1: {  	[spmem:s1] =	stream.indirect.scatter.add.f32 [tilespmem:s19], [sflag:$0x5], $0x80, s30, s18, $0xb8;
	[tilespmem:$0x1D8C0] =	vst v63  }
0xf2: {  	_ =	swait.ge [sflag:s15], $0x4000  }
0xf3: {  	[sflag:s15] =	ssyncset.done $0x0  }
0xf4: {  	s31 =	sadd.s32 $0x400, s28;
	[sflag:s15] =	ssyncadd.s32 $0xFFFFC000  }
0xf5: {  	[tilespmem:s19], [sflag:$0x1] =	stream.indirect.gather [hbm4b:s3+s18], $0x80, s31, s18, $0xb8;
	[tilespmem:$0x1D8C0] =	vst v63  }
0xf6: {  	_ =	swait.ge [sflag:s22], $0x4000  }
0xf7: {  	[sflag:s22] =	ssyncset.done $0x0  }
0xf8: {  	s30 =	sor.u32 $0x1380, s28;
	[sflag:s22] =	ssyncadd.s32 $0xFFFFC000  }
0xf9: {  	[spmem:s1] =	stream.indirect.scatter.add.f32 [tilespmem:s20], [sflag:$0x5], $0x80, s30, s18, $0xb8;
	[tilespmem:$0x1D8C0] =	vst v63  }
0xfa: {  	_ =	swait.ge [sflag:s15], $0x4000  }
0xfb: {  	[sflag:s15] =	ssyncset.done $0x0  }
0xfc: {  	s31 =	sor.u32 $0x480, s28;
	[sflag:s15] =	ssyncadd.s32 $0xFFFFC000  }
0xfd: {  	[tilespmem:s20], [sflag:$0x2] =	stream.indirect.gather [hbm4b:s3+s18], $0x80, s31, s18, $0xb8;
	[tilespmem:$0x1D8C0] =	vst v63  }
0xfe: {  	_ =	swait.ge [sflag:s21], $0x4000  }
0xff: {  	[sflag:s21] =	ssyncset.done $0x0  }
0x100: {  	s30 =	sadd.s32 $0x1400, s28;
	[sflag:s21] =	ssyncadd.s32 $0xFFFFC000  }
0x101: {  	[spmem:s1] =	stream.indirect.scatter.add.f32 [tilespmem:s19], [sflag:$0x5], $0x80, s30, s18, $0xb8;
	[tilespmem:$0x1D8C0] =	vst v63  }
0x102: {  	_ =	swait.ge [sflag:s15], $0x4000  }
0x103: {  	[sflag:s15] =	ssyncset.done $0x0  }
0x104: {  	s31 =	sadd.s32 $0x500, s28;
	[sflag:s15] =	ssyncadd.s32 $0xFFFFC000  }
0x105: {  	[tilespmem:s19], [sflag:$0x1] =	stream.indirect.gather [hbm4b:s3+s18], $0x80, s31, s18, $0xb8;
	[tilespmem:$0x1D8C0] =	vst v63  }
0x106: {  	_ =	swait.ge [sflag:s22], $0x4000  }
0x107: {  	[sflag:s22] =	ssyncset.done $0x0  }
0x108: {  	s30 =	sor.u32 $0x1480, s28;
	[sflag:s22] =	ssyncadd.s32 $0xFFFFC000  }
0x109: {  	[spmem:s1] =	stream.indirect.scatter.add.f32 [tilespmem:s20], [sflag:$0x5], $0x80, s30, s18, $0xb8;
	[tilespmem:$0x1D8C0] =	vst v63  }
0x10a: {  	_ =	swait.ge [sflag:s15], $0x4000  }
0x10b: {  	[sflag:s15] =	ssyncset.done $0x0  }
0x10c: {  	s31 =	sor.u32 $0x580, s28;
	[sflag:s15] =	ssyncadd.s32 $0xFFFFC000  }
0x10d: {  	[tilespmem:s20], [sflag:$0x2] =	stream.indirect.gather [hbm4b:s3+s18], $0x80, s31, s18, $0xb8;
	[tilespmem:$0x1D8C0] =	vst v63  }
0x10e: {  	_ =	swait.ge [sflag:s21], $0x4000  }
0x10f: {  	[sflag:s21] =	ssyncset.done $0x0  }
0x110: {  	s30 =	sadd.s32 $0x1500, s28;
	[sflag:s21] =	ssyncadd.s32 $0xFFFFC000  }
0x111: {  	[spmem:s1] =	stream.indirect.scatter.add.f32 [tilespmem:s19], [sflag:$0x5], $0x80, s30, s18, $0xb8;
	[tilespmem:$0x1D8C0] =	vst v63  }
0x112: {  	_ =	swait.ge [sflag:s15], $0x4000  }
0x113: {  	[sflag:s15] =	ssyncset.done $0x0  }
0x114: {  	s31 =	sadd.s32 $0x600, s28;
	[sflag:s15] =	ssyncadd.s32 $0xFFFFC000  }
0x115: {  	[tilespmem:s19], [sflag:$0x1] =	stream.indirect.gather [hbm4b:s3+s18], $0x80, s31, s18, $0xb8;
	[tilespmem:$0x1D8C0] =	vst v63  }
0x116: {  	_ =	swait.ge [sflag:s22], $0x4000  }
0x117: {  	[sflag:s22] =	ssyncset.done $0x0  }
0x118: {  	s30 =	sor.u32 $0x1580, s28;
	[sflag:s22] =	ssyncadd.s32 $0xFFFFC000  }
0x119: {  	[spmem:s1] =	stream.indirect.scatter.add.f32 [tilespmem:s20], [sflag:$0x5], $0x80, s30, s18, $0xb8;
	[tilespmem:$0x1D8C0] =	vst v63  }
0x11a: {  	_ =	swait.ge [sflag:s15], $0x4000  }
0x11b: {  	[sflag:s15] =	ssyncset.done $0x0  }
0x11c: {  	s31 =	sor.u32 $0x680, s28;
	[sflag:s15] =	ssyncadd.s32 $0xFFFFC000  }
0x11d: {  	[tilespmem:s20], [sflag:$0x2] =	stream.indirect.gather [hbm4b:s3+s18], $0x80, s31, s18, $0xb8;
	[tilespmem:$0x1D8C0] =	vst v63  }
0x11e: {  	_ =	swait.ge [sflag:s21], $0x4000  }
0x11f: {  	[sflag:s21] =	ssyncset.done $0x0  }
0x120: {  	s30 =	sadd.s32 $0x1600, s28;
	[sflag:s21] =	ssyncadd.s32 $0xFFFFC000  }
0x121: {  	[spmem:s1] =	stream.indirect.scatter.add.f32 [tilespmem:s19], [sflag:$0x5], $0x80, s30, s18, $0xb8;
	[tilespmem:$0x1D8C0] =	vst v63  }
0x122: {  	_ =	swait.ge [sflag:s15], $0x4000  }
0x123: {  	[sflag:s15] =	ssyncset.done $0x0  }
0x124: {  	s31 =	sadd.s32 $0x700, s28;
	[sflag:s15] =	ssyncadd.s32 $0xFFFFC000  }
0x125: {  	[tilespmem:s19], [sflag:$0x1] =	stream.indirect.gather [hbm4b:s3+s18], $0x80, s31, s18, $0xb8;
	[tilespmem:$0x1D8C0] =	vst v63  }
0x126: {  	_ =	swait.ge [sflag:s22], $0x4000  }
0x127: {  	[sflag:s22] =	ssyncset.done $0x0  }
0x128: {  	s30 =	sor.u32 $0x1680, s28;
	[sflag:s22] =	ssyncadd.s32 $0xFFFFC000  }
0x129: {  	[spmem:s1] =	stream.indirect.scatter.add.f32 [tilespmem:s20], [sflag:$0x5], $0x80, s30, s18, $0xb8;
	[tilespmem:$0x1D8C0] =	vst v63  }
0x12a: {  	_ =	swait.ge [sflag:s15], $0x4000  }
0x12b: {  	[sflag:s15] =	ssyncset.done $0x0  }
0x12c: {  	s31 =	sor.u32 $0x780, s28;
	[sflag:s15] =	ssyncadd.s32 $0xFFFFC000  }
0x12d: {  	[tilespmem:s20], [sflag:$0x2] =	stream.indirect.gather [hbm4b:s3+s18], $0x80, s31, s18, $0xb8;
	[tilespmem:$0x1D8C0] =	vst v63  }
0x12e: {  	_ =	swait.ge [sflag:s21], $0x4000  }
0x12f: {  	[sflag:s21] =	ssyncset.done $0x0  }
0x130: {  	s28 =	sadd.s32 $0x1700, s28;
	[sflag:s21] =	ssyncadd.s32 $0xFFFFC000  }
0x131: {  	[spmem:s1] =	stream.indirect.scatter.add.f32 [tilespmem:s19], [sflag:$0x5], $0x80, s28, s18, $0xb8;
	[tilespmem:$0x1D8C0] =	vst v63  }
0x132: {  	_ =	swait.ge [sflag:s15], $0x4000  }
0x133: {  	[sflag:s15] =	ssyncset.done $0x0  }
0x134: {  	s28 =	simm.s32 @!p2 $0x3;
	[sflag:s15] =	ssyncadd.s32 $0xFFFFC000  }
0x135: {  	_ =	swait.ge @!p2 [sflag:s28], $0x800  }
0x136: {  	[sflag:s28] =	ssyncset.done @!p2 $0x0  }
0x137: {  	[sflag:s28] =	ssyncadd.s32 @!p2 $0xFFFFF800;
	s28 =	simm.s32 @!p2 $0x4  }
0x138: {  	s24 =	sadd.s32 $0x800, s24;
	_ =	swait.ge @!p2 [sflag:s28], $0x800  }
0x139: {  	p1 =	sne.s32 s24, $0x2800;
	s26 =	simm.s32 @p2 $0x800;
	[sflag:s28] =	ssyncset.done @!p2 $0x0  }
0x13a: {  	s30 =	simm.s32 @!p2 $0x2000;
	[sflag:s28] =	ssyncadd.s32 @!p2 $0xFFFFF800;
	s28 =	simm.s32 @!p2 $0x80  }
0x13b: {  	[tilespmem:s30], [sflag:$0x1] =	stream.indirect.gather @!p2 [hbm4b:s3+s28], $0x80, s26, s28, $0xb8;
	[tilespmem:$0x1D8C0] =	vst v63  }
.Ltmp0:
0x13c: {  	_ =	swait.ge [sflag:s22], $0x4000;
	(pc) =	sbr.rel @p1 .LBB2_2-.Ltmp0, $4  }
0x13d: {  	[sflag:s22] =	ssyncset.done $0x0  }
0x13e: {  	s31 =	sor.u32 $0x1000, s31;
	[sflag:s22] =	ssyncadd.s32 $0xFFFFC000  }
0x13f: {  	[spmem:s1] =	stream.indirect.scatter.add.f32 [tilespmem:s20], [sflag:$0x5], $0x80, s31, s18, $0xb8;
	[tilespmem:$0x1D8C0] =	vst v63  }
0x140: {  	_ =	swait.ge [sflag:s15], $0x4000  }
0x141: {  	[sflag:s15] =	ssyncset.done $0x0  }
0x142: {  	[sflag:s15] =	ssyncadd.s32 $0xFFFFC000  }
0x143: {  	[bflag:$0x0] =	sbarrier.arrive $0xFFFF  }
0x144: {  	[hbm:s10], [sflag:s6] =	dma.local [spmem:s14], $0x2700  }
0x145: {  	s23 =	sadd.s32 $0x1, s23;
	_ =	swait.ge [sflag:s15], $0x2700  }
0x146: {  	p1 =	sne.s32 s23, s12;
	[sflag:s15] =	ssyncset.done $0x0  }
.Ltmp1:
0x147: {  	s24 =	simm.s32 @!p0 $0x5;
	[sflag:s15] =	ssyncadd.s32 $0xFFFFD900;
	(pc) =	sbr.rel @p1 .LBB2_1-.Ltmp1, $4  }
0x148: {  	[hbm:s11], [sflag:s6] =	dma.local @!p0 [spmem:s16], $0x100  }
0x149: {  	_ =	swait.ge @!p0 [sflag:s24], $0x100  }
0x14a: {  	[sflag:s24] =	ssyncset.done @!p0 $0x0  }
0x14b: {  	[sflag:s24] =	ssyncadd.s32 @!p0 $0xFFFFFF00  }
0x14c: {  	_ =	sfence.sel $0x180000  }
0x14d: {  	[bflag:$0x0] =	sbarrier.arrive $0xFFFF  }
0x14e: {  	_ =	strace $0x90000053  }
0x14f: {  	s0 =	sadd.s32 @!p0 $0x100000, s0;
	[bflag:$0x2] =	sbarrier.arrive $0xFFFF  }
0x150: {  	[sflag:s0] =	ssyncadd.tile.s32 @!p0 $0x1;
	_ =	shalt  }
.Lfunc_end2:
_tile_overlayer_lowered:
.L_overlay_start_2:
0x151: {  	(tag) =	ssettag $0x2  }
0x152: {  	s0 =	rddreg [dreg:$0x0];
	s2 =	stileid.u32  }
0x153: {  	s1 =	rddreg [dreg:$0x1];
	p0 =	sne.s32 s2, $0x0  }
0x154: {  	s3 =	rddreg [dreg:$0x2];
	[bflag:$0x3] =	sbarrier.arrive $0xFFFF;
	s2 =	simm.s32 @!p0 $0x1C05  }
0x155: {  	[timem:s3], [sflag:s2] =	dma.local @!p0 [hbm:s0], s1  }
0x156: {  	s0 =	simm.s32 @!p0 $0x5  }
0x157: {  	_ =	swait.ge @!p0 [sflag:s0], s1  }
0x158: {  	s1 =	ssub.s32 @!p0 $0x0, s1;
	[sflag:s0] =	ssyncset.done @!p0 $0x0  }
0x159: {  	[sflag:s0] =	ssyncadd.s32 @!p0 s1  }
0x15a: {  	[bflag:$0x3] =	sbarrier.arrive $0xFFFF  }
0x15b: {  	_ =	shalt  }

</sc_bundles>
